<compile_context>
chip_gen: v7x
topology: tpu7x:2x2x1
jax: 0.10.2.dev20260603
libtpu: 0.0.44.dev20260713+nightly
codegen_flags: <defaults>
</compile_context>

<pallas_src>
import functools

import jax
import jax.numpy as jnp
from jax import lax
from jax.experimental import pallas as pl
from jax.experimental.pallas import tpu as pltpu
from jax.experimental.pallas import tpu_sc as plsc

B = 4096
S = 200
D = 64
C = 2
V = 1000000
HALF = S // 2
HPAD = 104
GBUF = 2 * HPAD
NC = 2
NS = 16
NW = NC * NS
BPW = B // NW
INV_S = 1.0 / S
NB = 32768
NDEEP = 16
PSLICE = 62504
VPAD = 16 * PSLICE



def _proj_body(w_ref, t_ref, p_ref):
    m = lax.dot_general(w_ref[...], t_ref[...], (((1,), (0,)), ((), ())),
                        preferred_element_type=jnp.float32)
    r0 = m[0].astype(jnp.bfloat16).astype(jnp.float32)
    r1 = m[1].astype(jnp.bfloat16).astype(jnp.float32)
    b0 = lax.shift_right_logical(lax.bitcast_convert_type(r0, jnp.int32), 16)
    b1 = jnp.bitwise_and(lax.bitcast_convert_type(r1, jnp.int32),
                         jnp.int32(-65536))
    p_ref[...] = jnp.bitwise_or(b0, b1)


def _project(head_W, table_t):
    return pl.pallas_call(
        _proj_body,
        grid=(pl.cdiv(V, NB),),
        in_specs=[
            pl.BlockSpec((C, D), lambda k: (0, 0)),
            pl.BlockSpec((D, NB), lambda k: (0, k)),
        ],
        out_specs=[
            pl.BlockSpec((NB,), lambda k: (k,)),
        ],
        out_shape=[
            jax.ShapeDtypeStruct((V,), jnp.int32),
        ],
    )(head_W, table_t)



def _sc_body(ids_hbm, p_hbm, b_hbm, out_hbm,
             ids_v, dbuf, p_sh, b_v, out_v, *sems):
    wid = lax.axis_index("s") * NC + lax.axis_index("c")
    sid = lax.axis_index("s")
    base = wid * BPW

    pltpu.sync_copy(p_hbm.at[pl.ds(sid * PSLICE, PSLICE)],
                    p_sh.at[pl.ds(sid * PSLICE, PSLICE)])
    pltpu.sync_copy(ids_hbm.at[pl.ds(base * 2, BPW * 2)], ids_v)
    pltpu.sync_copy(b_hbm, b_v)
    plsc.subcore_barrier()

    def issue(e, k):
        pltpu.async_copy(p_sh.at[ids_v.at[2 * e]],
                         dbuf.at[k, pl.ds(0, HPAD)], sems[k])
        pltpu.async_copy(p_sh.at[ids_v.at[2 * e + 1]],
                         dbuf.at[k, pl.ds(HPAD, HPAD)], sems[k])

    def drain(e, k):
        pltpu.make_async_copy(p_sh.at[ids_v.at[2 * e]],
                              dbuf.at[k, pl.ds(0, HPAD)], sems[k]).wait()
        pltpu.make_async_copy(p_sh.at[ids_v.at[2 * e + 1]],
                              dbuf.at[k, pl.ds(HPAD, HPAD)], sems[k]).wait()

    for k in range(NDEEP):
        issue(k, k)

    lane = lax.iota(jnp.int32, 16)
    himask = jnp.full((16,), -65536, jnp.int32)

    @pl.loop(0, BPW, step=NDEEP)
    def _elements(e0):
        for k in range(NDEEP):
            e = e0 + k
            drain(e, k)

            acc0 = jnp.zeros((16,), jnp.float32)
            acc1 = jnp.zeros((16,), jnp.float32)
            for i in range(GBUF // 16):
                w = dbuf[k, pl.ds(16 * i, 16)]
                acc0 = acc0 + lax.bitcast_convert_type(
                    lax.shift_left(w, 16), jnp.float32)
                acc1 = acc1 + lax.bitcast_convert_type(
                    jnp.bitwise_and(w, himask), jnp.float32)
            tot0 = jnp.sum(acc0) * INV_S
            tot1 = jnp.sum(acc1) * INV_S

            @pl.when(e + NDEEP < BPW)
            def _():
                issue(e + NDEEP, k)

            res = jnp.where(lane == 0, tot0,
                            jnp.where(lane == 1, tot1, 0.0))
            res = res + b_v[...]
            out_v[pl.ds(C * e, 16)] = res

    pltpu.sync_copy(out_v.at[pl.ds(0, BPW * C)],
                    out_hbm.at[pl.ds(base * C, BPW * C)])


@functools.cache
def _build_sc():
    mesh = plsc.VectorSubcoreMesh(core_axis_name="c", subcore_axis_name="s",
                                  num_cores=NC, num_subcores=NS)

    @functools.partial(
        pl.kernel,
        out_type=jax.ShapeDtypeStruct((B * C,), jnp.float32),
        mesh=mesh,
        compiler_params=pltpu.CompilerParams(needs_layout_passes=False,
                                             use_tc_tiling_on_sc=False),
        scratch_types=[
            pltpu.VMEM((BPW * 2, HPAD), jnp.int32),
            pltpu.VMEM((NDEEP, GBUF), jnp.int32),
            pltpu.VMEM_SHARED((VPAD,), jnp.int32),
            pltpu.VMEM((16,), jnp.float32),
            pltpu.VMEM((BPW * C + 16,), jnp.float32),
        ] + [pltpu.SemaphoreType.DMA] * NDEEP,
    )
    def _gather_pool(ids_hbm, p_hbm, b_hbm, out_hbm, *scratch):
        _sc_body(ids_hbm, p_hbm, b_hbm, out_hbm, *scratch)

    return _gather_pool


def kernel(input_ids, emb_table, head_W, head_b):
    (p,) = _project(head_W, emb_table.T)
    p = jnp.pad(p, (0, VPAD - V))
    ids = input_ids.astype(jnp.int32).reshape(B * 2, HALF)
    ids = jnp.pad(ids, ((0, 0), (0, HPAD - HALF)), constant_values=V)
    b16 = jnp.zeros((16,), jnp.float32).at[:C].set(head_b)
    out = _build_sc()(ids, p, b16)
    return out.reshape(B, C)

# --- scband reference (transcript-rebuilt; emitter-appended) ---
"""Pipeline reference for scband-safety-classifier-head-65687229825591 (READ-ONLY COPY).

The authoritative reference and input builder live on the scoring server;
editing this copy changes nothing except your own understanding.
"""

import jax, jax.numpy as jnp
import numpy as np

VOCAB = 1000000
EMBED = 64
N_CLASSES = 2
B = 4096
S = 200


def setup_inputs(seed: int = 0) -> dict:
    key = jax.random.key(seed)
    k1, k2, k3, k4 = jax.random.split(key, 4)
    input_ids = jax.random.randint(k1, (B, S), 0, VOCAB, dtype=jnp.int64 if jax.config.jax_enable_x64 else jnp.int32)
    emb_table = jax.random.normal(k2, (VOCAB, EMBED), dtype=jnp.float32) * 0.02
    # torch nn.Linear(64, 2): weight [out, in], bias [out]
    head_W = jax.random.normal(k3, (N_CLASSES, EMBED), dtype=jnp.float32) * (1.0 / np.sqrt(EMBED))
    head_b = jax.random.normal(k4, (N_CLASSES,), dtype=jnp.float32) * 0.01
    return {"input_ids": input_ids, "emb_table": emb_table, "head_W": head_W, "head_b": head_b}


def reference(input_ids, emb_table, head_W, head_b):
    # EmbeddingBag(mode='mean') over 2D input: gather rows then mean over seq dim
    gathered = jnp.take(emb_table, input_ids, axis=0)  # (B, S, 64)
    h = gathered.mean(axis=1)  # (B, 64)
    logits = h @ head_W.T + head_b  # (B, n_classes)
    return logits

if __name__ == "__main__":
    import jax
    _d = setup_inputs()
    print(jax.jit(kernel)(*tuple(_d.values())))

</pallas_src>

<mosaic_0001>
#map = affine_map<(d0, d1) -> (0, 0)>
#map1 = affine_map<(d0, d1) -> (0)>
module attributes {stable_mosaic.version = 14 : i64} {
  func.func @_gather_pool(%arg0: i32, %arg1: i32, %arg2: memref<8192x104xi32, #tpu.memory_space<hbm>>, %arg3: memref<1000064xi32, #tpu.memory_space<hbm>>, %arg4: memref<16xf32, #tpu.memory_space<hbm>>, %arg5: memref<8192xf32, #tpu.memory_space<hbm>>, %arg6: memref<256x104xi32, #tpu.memory_space<vmem>>, %arg7: memref<16x208xi32, #tpu.memory_space<vmem>>, %arg8: memref<1000064xi32, #tpu.memory_space<vmem_shared>>, %arg9: memref<16xf32, #tpu.memory_space<vmem>>, %arg10: memref<272xf32, #tpu.memory_space<vmem>>, %arg11: memref<!tpu.dma_semaphore, #tpu.memory_space<semaphore_mem>>, %arg12: memref<!tpu.dma_semaphore, #tpu.memory_space<semaphore_mem>>, %arg13: memref<!tpu.dma_semaphore, #tpu.memory_space<semaphore_mem>>, %arg14: memref<!tpu.dma_semaphore, #tpu.memory_space<semaphore_mem>>, %arg15: memref<!tpu.dma_semaphore, #tpu.memory_space<semaphore_mem>>, %arg16: memref<!tpu.dma_semaphore, #tpu.memory_space<semaphore_mem>>, %arg17: memref<!tpu.dma_semaphore, #tpu.memory_space<semaphore_mem>>, %arg18: memref<!tpu.dma_semaphore, #tpu.memory_space<semaphore_mem>>, %arg19: memref<!tpu.dma_semaphore, #tpu.memory_space<semaphore_mem>>, %arg20: memref<!tpu.dma_semaphore, #tpu.memory_space<semaphore_mem>>, %arg21: memref<!tpu.dma_semaphore, #tpu.memory_space<semaphore_mem>>, %arg22: memref<!tpu.dma_semaphore, #tpu.memory_space<semaphore_mem>>, %arg23: memref<!tpu.dma_semaphore, #tpu.memory_space<semaphore_mem>>, %arg24: memref<!tpu.dma_semaphore, #tpu.memory_space<semaphore_mem>>, %arg25: memref<!tpu.dma_semaphore, #tpu.memory_space<semaphore_mem>>, %arg26: memref<!tpu.dma_semaphore, #tpu.memory_space<semaphore_mem>>) attributes {dimension_semantics = [#tpu.dimension_semantics<core_parallel>, #tpu.dimension_semantics<subcore_parallel>], iteration_bounds = array<i64: 2, 16>, scalar_prefetch = 0 : i64, scratch_operands = 21 : i64, tpu.core_type = #tpu.core_type<sc_vector_subcore>, window_params = [{transform_indices = #map}, {transform_indices = #map1}, {transform_indices = #map1}, {transform_indices = #map1}]} {
    %mul3A = arith.constant 2 : i32
    %mul3A_0 = arith.muli %arg1, %mul3A : i32
    %add3A = arith.addi %mul3A_0, %arg0 : i32
    %mul3A_1 = arith.constant 128 : i32
    %mul3A_2 = arith.muli %add3A, %mul3A_1 : i32
    %mul3A_3 = arith.constant 62504 : i32
    %mul3A_4 = arith.muli %arg1, %mul3A_3 : i32
    %mul3A_5 = arith.constant 62504 : i32
    %mul3A_6 = arith.muli %arg1, %mul3A_5 : i32
    "tpu.region"() ({
      %run_scoped3A = tpu.sem_alloc : memref<!tpu.dma_semaphore, #tpu.memory_space<semaphore_mem>>
      %dma_start3A_335 = tpu.memref_slice %arg8[%mul3A_6] : memref<1000064xi32, #tpu.memory_space<vmem_shared>> -> memref<62504xi32, #tpu.memory_space<vmem_shared>>
      %dma_start3A_336 = tpu.memref_slice %arg3[%mul3A_4] : memref<1000064xi32, #tpu.memory_space<hbm>> -> memref<62504xi32, #tpu.memory_space<hbm>>
      tpu.enqueue_dma source(%dma_start3A_336 : memref<62504xi32, #tpu.memory_space<hbm>>) target(%dma_start3A_335 : memref<62504xi32, #tpu.memory_space<vmem_shared>>) target_semaphore(%run_scoped3A : memref<!tpu.dma_semaphore, #tpu.memory_space<semaphore_mem>>)
      %dma_wait3A = tpu.memref_slice %arg8[%mul3A_6] : memref<1000064xi32, #tpu.memory_space<vmem_shared>> -> memref<62504xi32, #tpu.memory_space<vmem_shared>>
      %dma_wait3A_337 = tpu.memref_slice %arg3[%mul3A_4] : memref<1000064xi32, #tpu.memory_space<hbm>> -> memref<62504xi32, #tpu.memory_space<hbm>>
      tpu.wait_dma2 semaphore(%run_scoped3A : memref<!tpu.dma_semaphore, #tpu.memory_space<semaphore_mem>>) src(%dma_wait3A_337 : memref<62504xi32, #tpu.memory_space<hbm>>) dst(%dma_wait3A : memref<62504xi32, #tpu.memory_space<vmem_shared>>)
      tpu.yield
    }) : () -> ()
    %mul3A_7 = arith.constant 2 : i32
    %mul3A_8 = arith.muli %mul3A_2, %mul3A_7 : i32
    "tpu.region"() ({
      %run_scoped3A = tpu.sem_alloc : memref<!tpu.dma_semaphore, #tpu.memory_space<semaphore_mem>>
      %dma_start3A_335 = arith.constant 0 : i32
      %dma_start3A_336 = tpu.memref_slice %arg2[%mul3A_8, %dma_start3A_335] : memref<8192x104xi32, #tpu.memory_space<hbm>> -> memref<256x104xi32, #tpu.memory_space<hbm>>
      %dma_start3A_337 = arith.constant 0 : i32
      %dma_start3A_338 = tpu.memref_slice %arg2[%mul3A_8, %dma_start3A_337] : memref<8192x104xi32, #tpu.memory_space<hbm>> -> memref<256x104xi32, #tpu.memory_space<hbm>>
      tpu.enqueue_dma source(%dma_start3A_338 : memref<256x104xi32, #tpu.memory_space<hbm>>) target(%arg6 : memref<256x104xi32, #tpu.memory_space<vmem>>) target_semaphore(%run_scoped3A : memref<!tpu.dma_semaphore, #tpu.memory_space<semaphore_mem>>)
      %dma_wait3A = arith.constant 0 : i32
      %dma_wait3A_339 = tpu.memref_slice %arg2[%mul3A_8, %dma_wait3A] : memref<8192x104xi32, #tpu.memory_space<hbm>> -> memref<256x104xi32, #tpu.memory_space<hbm>>
      %dma_wait3A_340 = arith.constant 0 : i32
      %dma_wait3A_341 = tpu.memref_slice %arg2[%mul3A_8, %dma_wait3A_340] : memref<8192x104xi32, #tpu.memory_space<hbm>> -> memref<256x104xi32, #tpu.memory_space<hbm>>
      tpu.wait_dma2 semaphore(%run_scoped3A : memref<!tpu.dma_semaphore, #tpu.memory_space<semaphore_mem>>) src(%dma_wait3A_341 : memref<256x104xi32, #tpu.memory_space<hbm>>) dst(%arg6 : memref<256x104xi32, #tpu.memory_space<vmem>>)
      tpu.yield
    }) : () -> ()
    "tpu.region"() ({
      %run_scoped3A = tpu.sem_alloc : memref<!tpu.dma_semaphore, #tpu.memory_space<semaphore_mem>>
      tpu.enqueue_dma source(%arg4 : memref<16xf32, #tpu.memory_space<hbm>>) target(%arg9 : memref<16xf32, #tpu.memory_space<vmem>>) target_semaphore(%run_scoped3A : memref<!tpu.dma_semaphore, #tpu.memory_space<semaphore_mem>>)
      tpu.wait_dma2 semaphore(%run_scoped3A : memref<!tpu.dma_semaphore, #tpu.memory_space<semaphore_mem>>) src(%arg4 : memref<16xf32, #tpu.memory_space<hbm>>) dst(%arg9 : memref<16xf32, #tpu.memory_space<vmem>>)
      tpu.yield
    }) : () -> ()
    %barrier3A = arith.constant 0 : index
    tpu.barrier barrier_id(%barrier3A)
    %dma_start3A = arith.constant 0 : i32
    %dma_start3A_9 = arith.constant 0 : i32
    %dma_start3A_10 = arith.constant 0 : i32
    %dma_start3A_11 = tpu.memref_slice %arg7[%dma_start3A_9, %dma_start3A_10] : memref<16x208xi32, #tpu.memory_space<vmem>> -> memref<1x104xi32, #tpu.memory_space<vmem>>
    %dma_start3A_12 = tpu.memref_squeeze %dma_start3A_11 : memref<1x104xi32, #tpu.memory_space<vmem>> -> memref<104xi32, #tpu.memory_space<vmem>>
    %dma_start3A_13 = arith.constant 0 : i32
    %dma_start3A_14 = tpu.memref_slice %arg6[%dma_start3A, %dma_start3A_13] : memref<256x104xi32, #tpu.memory_space<vmem>> -> memref<1x104xi32, #tpu.memory_space<vmem>>
    %dma_start3A_15 = tpu.memref_squeeze %dma_start3A_14 : memref<1x104xi32, #tpu.memory_space<vmem>> -> memref<104xi32, #tpu.memory_space<vmem>>
    %dma_start3A_16 = arith.constant 0 : i32
    %dma_start3A_17 = tpu.memref_slice %arg8[%dma_start3A_16] : memref<1000064xi32, #tpu.memory_space<vmem_shared>> -> memref<1000064xi32, #tpu.memory_space<vmem_shared>>
    tpu.enqueue_indirect_dma source(%dma_start3A_17 : memref<1000064xi32, #tpu.memory_space<vmem_shared>>) target(%dma_start3A_12 : memref<104xi32, #tpu.memory_space<vmem>>) offsets(%dma_start3A_15 : memref<104xi32, #tpu.memory_space<vmem>>) semaphore(%arg11 : memref<!tpu.dma_semaphore, #tpu.memory_space<semaphore_mem>>)
    %dma_start3A_18 = arith.constant 1 : i32
    %dma_start3A_19 = arith.constant 0 : i32
    %dma_start3A_20 = arith.constant 104 : i32
    %dma_start3A_21 = tpu.memref_slice %arg7[%dma_start3A_19, %dma_start3A_20] : memref<16x208xi32, #tpu.memory_space<vmem>> -> memref<1x104xi32, #tpu.memory_space<vmem>>
    %dma_start3A_22 = tpu.memref_squeeze %dma_start3A_21 : memref<1x104xi32, #tpu.memory_space<vmem>> -> memref<104xi32, #tpu.memory_space<vmem>>
    %dma_start3A_23 = arith.constant 0 : i32
    %dma_start3A_24 = tpu.memref_slice %arg6[%dma_start3A_18, %dma_start3A_23] : memref<256x104xi32, #tpu.memory_space<vmem>> -> memref<1x104xi32, #tpu.memory_space<vmem>>
    %dma_start3A_25 = tpu.memref_squeeze %dma_start3A_24 : memref<1x104xi32, #tpu.memory_space<vmem>> -> memref<104xi32, #tpu.memory_space<vmem>>
    %dma_start3A_26 = arith.constant 0 : i32
    %dma_start3A_27 = tpu.memref_slice %arg8[%dma_start3A_26] : memref<1000064xi32, #tpu.memory_space<vmem_shared>> -> memref<1000064xi32, #tpu.memory_space<vmem_shared>>
    tpu.enqueue_indirect_dma source(%dma_start3A_27 : memref<1000064xi32, #tpu.memory_space<vmem_shared>>) target(%dma_start3A_22 : memref<104xi32, #tpu.memory_space<vmem>>) offsets(%dma_start3A_25 : memref<104xi32, #tpu.memory_space<vmem>>) semaphore(%arg11 : memref<!tpu.dma_semaphore, #tpu.memory_space<semaphore_mem>>)
    %dma_start3A_28 = arith.constant 2 : i32
    %dma_start3A_29 = arith.constant 1 : i32
    %dma_start3A_30 = arith.constant 0 : i32
    %dma_start3A_31 = tpu.memref_slice %arg7[%dma_start3A_29, %dma_start3A_30] : memref<16x208xi32, #tpu.memory_space<vmem>> -> memref<1x104xi32, #tpu.memory_space<vmem>>
    %dma_start3A_32 = tpu.memref_squeeze %dma_start3A_31 : memref<1x104xi32, #tpu.memory_space<vmem>> -> memref<104xi32, #tpu.memory_space<vmem>>
    %dma_start3A_33 = arith.constant 0 : i32
    %dma_start3A_34 = tpu.memref_slice %arg6[%dma_start3A_28, %dma_start3A_33] : memref<256x104xi32, #tpu.memory_space<vmem>> -> memref<1x104xi32, #tpu.memory_space<vmem>>
    %dma_start3A_35 = tpu.memref_squeeze %dma_start3A_34 : memref<1x104xi32, #tpu.memory_space<vmem>> -> memref<104xi32, #tpu.memory_space<vmem>>
    %dma_start3A_36 = arith.constant 0 : i32
    %dma_start3A_37 = tpu.memref_slice %arg8[%dma_start3A_36] : memref<1000064xi32, #tpu.memory_space<vmem_shared>> -> memref<1000064xi32, #tpu.memory_space<vmem_shared>>
    tpu.enqueue_indirect_dma source(%dma_start3A_37 : memref<1000064xi32, #tpu.memory_space<vmem_shared>>) target(%dma_start3A_32 : memref<104xi32, #tpu.memory_space<vmem>>) offsets(%dma_start3A_35 : memref<104xi32, #tpu.memory_space<vmem>>) semaphore(%arg12 : memref<!tpu.dma_semaphore, #tpu.memory_space<semaphore_mem>>)
    %dma_start3A_38 = arith.constant 3 : i32
    %dma_start3A_39 = arith.constant 1 : i32
    %dma_start3A_40 = arith.constant 104 : i32
    %dma_start3A_41 = tpu.memref_slice %arg7[%dma_start3A_39, %dma_start3A_40] : memref<16x208xi32, #tpu.memory_space<vmem>> -> memref<1x104xi32, #tpu.memory_space<vmem>>
    %dma_start3A_42 = tpu.memref_squeeze %dma_start3A_41 : memref<1x104xi32, #tpu.memory_space<vmem>> -> memref<104xi32, #tpu.memory_space<vmem>>
    %dma_start3A_43 = arith.constant 0 : i32
    %dma_start3A_44 = tpu.memref_slice %arg6[%dma_start3A_38, %dma_start3A_43] : memref<256x104xi32, #tpu.memory_space<vmem>> -> memref<1x104xi32, #tpu.memory_space<vmem>>
    %dma_start3A_45 = tpu.memref_squeeze %dma_start3A_44 : memref<1x104xi32, #tpu.memory_space<vmem>> -> memref<104xi32, #tpu.memory_space<vmem>>
    %dma_start3A_46 = arith.constant 0 : i32
    %dma_start3A_47 = tpu.memref_slice %arg8[%dma_start3A_46] : memref<1000064xi32, #tpu.memory_space<vmem_shared>> -> memref<1000064xi32, #tpu.memory_space<vmem_shared>>
    tpu.enqueue_indirect_dma source(%dma_start3A_47 : memref<1000064xi32, #tpu.memory_space<vmem_shared>>) target(%dma_start3A_42 : memref<104xi32, #tpu.memory_space<vmem>>) offsets(%dma_start3A_45 : memref<104xi32, #tpu.memory_space<vmem>>) semaphore(%arg12 : memref<!tpu.dma_semaphore, #tpu.memory_space<semaphore_mem>>)
    %dma_start3A_48 = arith.constant 4 : i32
    %dma_start3A_49 = arith.constant 2 : i32
    %dma_start3A_50 = arith.constant 0 : i32
    %dma_start3A_51 = tpu.memref_slice %arg7[%dma_start3A_49, %dma_start3A_50] : memref<16x208xi32, #tpu.memory_space<vmem>> -> memref<1x104xi32, #tpu.memory_space<vmem>>
    %dma_start3A_52 = tpu.memref_squeeze %dma_start3A_51 : memref<1x104xi32, #tpu.memory_space<vmem>> -> memref<104xi32, #tpu.memory_space<vmem>>
    %dma_start3A_53 = arith.constant 0 : i32
    %dma_start3A_54 = tpu.memref_slice %arg6[%dma_start3A_48, %dma_start3A_53] : memref<256x104xi32, #tpu.memory_space<vmem>> -> memref<1x104xi32, #tpu.memory_space<vmem>>
    %dma_start3A_55 = tpu.memref_squeeze %dma_start3A_54 : memref<1x104xi32, #tpu.memory_space<vmem>> -> memref<104xi32, #tpu.memory_space<vmem>>
    %dma_start3A_56 = arith.constant 0 : i32
    %dma_start3A_57 = tpu.memref_slice %arg8[%dma_start3A_56] : memref<1000064xi32, #tpu.memory_space<vmem_shared>> -> memref<1000064xi32, #tpu.memory_space<vmem_shared>>
    tpu.enqueue_indirect_dma source(%dma_start3A_57 : memref<1000064xi32, #tpu.memory_space<vmem_shared>>) target(%dma_start3A_52 : memref<104xi32, #tpu.memory_space<vmem>>) offsets(%dma_start3A_55 : memref<104xi32, #tpu.memory_space<vmem>>) semaphore(%arg13 : memref<!tpu.dma_semaphore, #tpu.memory_space<semaphore_mem>>)
    %dma_start3A_58 = arith.constant 5 : i32
    %dma_start3A_59 = arith.constant 2 : i32
    %dma_start3A_60 = arith.constant 104 : i32
    %dma_start3A_61 = tpu.memref_slice %arg7[%dma_start3A_59, %dma_start3A_60] : memref<16x208xi32, #tpu.memory_space<vmem>> -> memref<1x104xi32, #tpu.memory_space<vmem>>
    %dma_start3A_62 = tpu.memref_squeeze %dma_start3A_61 : memref<1x104xi32, #tpu.memory_space<vmem>> -> memref<104xi32, #tpu.memory_space<vmem>>
    %dma_start3A_63 = arith.constant 0 : i32
    %dma_start3A_64 = tpu.memref_slice %arg6[%dma_start3A_58, %dma_start3A_63] : memref<256x104xi32, #tpu.memory_space<vmem>> -> memref<1x104xi32, #tpu.memory_space<vmem>>
    %dma_start3A_65 = tpu.memref_squeeze %dma_start3A_64 : memref<1x104xi32, #tpu.memory_space<vmem>> -> memref<104xi32, #tpu.memory_space<vmem>>
    %dma_start3A_66 = arith.constant 0 : i32
    %dma_start3A_67 = tpu.memref_slice %arg8[%dma_start3A_66] : memref<1000064xi32, #tpu.memory_space<vmem_shared>> -> memref<1000064xi32, #tpu.memory_space<vmem_shared>>
    tpu.enqueue_indirect_dma source(%dma_start3A_67 : memref<1000064xi32, #tpu.memory_space<vmem_shared>>) target(%dma_start3A_62 : memref<104xi32, #tpu.memory_space<vmem>>) offsets(%dma_start3A_65 : memref<104xi32, #tpu.memory_space<vmem>>) semaphore(%arg13 : memref<!tpu.dma_semaphore, #tpu.memory_space<semaphore_mem>>)
    %dma_start3A_68 = arith.constant 6 : i32
    %dma_start3A_69 = arith.constant 3 : i32
    %dma_start3A_70 = arith.constant 0 : i32
    %dma_start3A_71 = tpu.memref_slice %arg7[%dma_start3A_69, %dma_start3A_70] : memref<16x208xi32, #tpu.memory_space<vmem>> -> memref<1x104xi32, #tpu.memory_space<vmem>>
    %dma_start3A_72 = tpu.memref_squeeze %dma_start3A_71 : memref<1x104xi32, #tpu.memory_space<vmem>> -> memref<104xi32, #tpu.memory_space<vmem>>
    %dma_start3A_73 = arith.constant 0 : i32
    %dma_start3A_74 = tpu.memref_slice %arg6[%dma_start3A_68, %dma_start3A_73] : memref<256x104xi32, #tpu.memory_space<vmem>> -> memref<1x104xi32, #tpu.memory_space<vmem>>
    %dma_start3A_75 = tpu.memref_squeeze %dma_start3A_74 : memref<1x104xi32, #tpu.memory_space<vmem>> -> memref<104xi32, #tpu.memory_space<vmem>>
    %dma_start3A_76 = arith.constant 0 : i32
    %dma_start3A_77 = tpu.memref_slice %arg8[%dma_start3A_76] : memref<1000064xi32, #tpu.memory_space<vmem_shared>> -> memref<1000064xi32, #tpu.memory_space<vmem_shared>>
    tpu.enqueue_indirect_dma source(%dma_start3A_77 : memref<1000064xi32, #tpu.memory_space<vmem_shared>>) target(%dma_start3A_72 : memref<104xi32, #tpu.memory_space<vmem>>) offsets(%dma_start3A_75 : memref<104xi32, #tpu.memory_space<vmem>>) semaphore(%arg14 : memref<!tpu.dma_semaphore, #tpu.memory_space<semaphore_mem>>)
    %dma_start3A_78 = arith.constant 7 : i32
    %dma_start3A_79 = arith.constant 3 : i32
    %dma_start3A_80 = arith.constant 104 : i32
    %dma_start3A_81 = tpu.memref_slice %arg7[%dma_start3A_79, %dma_start3A_80] : memref<16x208xi32, #tpu.memory_space<vmem>> -> memref<1x104xi32, #tpu.memory_space<vmem>>
    %dma_start3A_82 = tpu.memref_squeeze %dma_start3A_81 : memref<1x104xi32, #tpu.memory_space<vmem>> -> memref<104xi32, #tpu.memory_space<vmem>>
    %dma_start3A_83 = arith.constant 0 : i32
    %dma_start3A_84 = tpu.memref_slice %arg6[%dma_start3A_78, %dma_start3A_83] : memref<256x104xi32, #tpu.memory_space<vmem>> -> memref<1x104xi32, #tpu.memory_space<vmem>>
    %dma_start3A_85 = tpu.memref_squeeze %dma_start3A_84 : memref<1x104xi32, #tpu.memory_space<vmem>> -> memref<104xi32, #tpu.memory_space<vmem>>
    %dma_start3A_86 = arith.constant 0 : i32
    %dma_start3A_87 = tpu.memref_slice %arg8[%dma_start3A_86] : memref<1000064xi32, #tpu.memory_space<vmem_shared>> -> memref<1000064xi32, #tpu.memory_space<vmem_shared>>
    tpu.enqueue_indirect_dma source(%dma_start3A_87 : memref<1000064xi32, #tpu.memory_space<vmem_shared>>) target(%dma_start3A_82 : memref<104xi32, #tpu.memory_space<vmem>>) offsets(%dma_start3A_85 : memref<104xi32, #tpu.memory_space<vmem>>) semaphore(%arg14 : memref<!tpu.dma_semaphore, #tpu.memory_space<semaphore_mem>>)
    %dma_start3A_88 = arith.constant 8 : i32
    %dma_start3A_89 = arith.constant 4 : i32
    %dma_start3A_90 = arith.constant 0 : i32
    %dma_start3A_91 = tpu.memref_slice %arg7[%dma_start3A_89, %dma_start3A_90] : memref<16x208xi32, #tpu.memory_space<vmem>> -> memref<1x104xi32, #tpu.memory_space<vmem>>
    %dma_start3A_92 = tpu.memref_squeeze %dma_start3A_91 : memref<1x104xi32, #tpu.memory_space<vmem>> -> memref<104xi32, #tpu.memory_space<vmem>>
    %dma_start3A_93 = arith.constant 0 : i32
    %dma_start3A_94 = tpu.memref_slice %arg6[%dma_start3A_88, %dma_start3A_93] : memref<256x104xi32, #tpu.memory_space<vmem>> -> memref<1x104xi32, #tpu.memory_space<vmem>>
    %dma_start3A_95 = tpu.memref_squeeze %dma_start3A_94 : memref<1x104xi32, #tpu.memory_space<vmem>> -> memref<104xi32, #tpu.memory_space<vmem>>
    %dma_start3A_96 = arith.constant 0 : i32
    %dma_start3A_97 = tpu.memref_slice %arg8[%dma_start3A_96] : memref<1000064xi32, #tpu.memory_space<vmem_shared>> -> memref<1000064xi32, #tpu.memory_space<vmem_shared>>
    tpu.enqueue_indirect_dma source(%dma_start3A_97 : memref<1000064xi32, #tpu.memory_space<vmem_shared>>) target(%dma_start3A_92 : memref<104xi32, #tpu.memory_space<vmem>>) offsets(%dma_start3A_95 : memref<104xi32, #tpu.memory_space<vmem>>) semaphore(%arg15 : memref<!tpu.dma_semaphore, #tpu.memory_space<semaphore_mem>>)
    %dma_start3A_98 = arith.constant 9 : i32
    %dma_start3A_99 = arith.constant 4 : i32
    %dma_start3A_100 = arith.constant 104 : i32
    %dma_start3A_101 = tpu.memref_slice %arg7[%dma_start3A_99, %dma_start3A_100] : memref<16x208xi32, #tpu.memory_space<vmem>> -> memref<1x104xi32, #tpu.memory_space<vmem>>
    %dma_start3A_102 = tpu.memref_squeeze %dma_start3A_101 : memref<1x104xi32, #tpu.memory_space<vmem>> -> memref<104xi32, #tpu.memory_space<vmem>>
    %dma_start3A_103 = arith.constant 0 : i32
    %dma_start3A_104 = tpu.memref_slice %arg6[%dma_start3A_98, %dma_start3A_103] : memref<256x104xi32, #tpu.memory_space<vmem>> -> memref<1x104xi32, #tpu.memory_space<vmem>>
    %dma_start3A_105 = tpu.memref_squeeze %dma_start3A_104 : memref<1x104xi32, #tpu.memory_space<vmem>> -> memref<104xi32, #tpu.memory_space<vmem>>
    %dma_start3A_106 = arith.constant 0 : i32
    %dma_start3A_107 = tpu.memref_slice %arg8[%dma_start3A_106] : memref<1000064xi32, #tpu.memory_space<vmem_shared>> -> memref<1000064xi32, #tpu.memory_space<vmem_shared>>
    tpu.enqueue_indirect_dma source(%dma_start3A_107 : memref<1000064xi32, #tpu.memory_space<vmem_shared>>) target(%dma_start3A_102 : memref<104xi32, #tpu.memory_space<vmem>>) offsets(%dma_start3A_105 : memref<104xi32, #tpu.memory_space<vmem>>) semaphore(%arg15 : memref<!tpu.dma_semaphore, #tpu.memory_space<semaphore_mem>>)
    %dma_start3A_108 = arith.constant 10 : i32
    %dma_start3A_109 = arith.constant 5 : i32
    %dma_start3A_110 = arith.constant 0 : i32
    %dma_start3A_111 = tpu.memref_slice %arg7[%dma_start3A_109, %dma_start3A_110] : memref<16x208xi32, #tpu.memory_space<vmem>> -> memref<1x104xi32, #tpu.memory_space<vmem>>
    %dma_start3A_112 = tpu.memref_squeeze %dma_start3A_111 : memref<1x104xi32, #tpu.memory_space<vmem>> -> memref<104xi32, #tpu.memory_space<vmem>>
    %dma_start3A_113 = arith.constant 0 : i32
    %dma_start3A_114 = tpu.memref_slice %arg6[%dma_start3A_108, %dma_start3A_113] : memref<256x104xi32, #tpu.memory_space<vmem>> -> memref<1x104xi32, #tpu.memory_space<vmem>>
    %dma_start3A_115 = tpu.memref_squeeze %dma_start3A_114 : memref<1x104xi32, #tpu.memory_space<vmem>> -> memref<104xi32, #tpu.memory_space<vmem>>
    %dma_start3A_116 = arith.constant 0 : i32
    %dma_start3A_117 = tpu.memref_slice %arg8[%dma_start3A_116] : memref<1000064xi32, #tpu.memory_space<vmem_shared>> -> memref<1000064xi32, #tpu.memory_space<vmem_shared>>
    tpu.enqueue_indirect_dma source(%dma_start3A_117 : memref<1000064xi32, #tpu.memory_space<vmem_shared>>) target(%dma_start3A_112 : memref<104xi32, #tpu.memory_space<vmem>>) offsets(%dma_start3A_115 : memref<104xi32, #tpu.memory_space<vmem>>) semaphore(%arg16 : memref<!tpu.dma_semaphore, #tpu.memory_space<semaphore_mem>>)
    %dma_start3A_118 = arith.constant 11 : i32
    %dma_start3A_119 = arith.constant 5 : i32
    %dma_start3A_120 = arith.constant 104 : i32
    %dma_start3A_121 = tpu.memref_slice %arg7[%dma_start3A_119, %dma_start3A_120] : memref<16x208xi32, #tpu.memory_space<vmem>> -> memref<1x104xi32, #tpu.memory_space<vmem>>
    %dma_start3A_122 = tpu.memref_squeeze %dma_start3A_121 : memref<1x104xi32, #tpu.memory_space<vmem>> -> memref<104xi32, #tpu.memory_space<vmem>>
    %dma_start3A_123 = arith.constant 0 : i32
    %dma_start3A_124 = tpu.memref_slice %arg6[%dma_start3A_118, %dma_start3A_123] : memref<256x104xi32, #tpu.memory_space<vmem>> -> memref<1x104xi32, #tpu.memory_space<vmem>>
    %dma_start3A_125 = tpu.memref_squeeze %dma_start3A_124 : memref<1x104xi32, #tpu.memory_space<vmem>> -> memref<104xi32, #tpu.memory_space<vmem>>
    %dma_start3A_126 = arith.constant 0 : i32
    %dma_start3A_127 = tpu.memref_slice %arg8[%dma_start3A_126] : memref<1000064xi32, #tpu.memory_space<vmem_shared>> -> memref<1000064xi32, #tpu.memory_space<vmem_shared>>
    tpu.enqueue_indirect_dma source(%dma_start3A_127 : memref<1000064xi32, #tpu.memory_space<vmem_shared>>) target(%dma_start3A_122 : memref<104xi32, #tpu.memory_space<vmem>>) offsets(%dma_start3A_125 : memref<104xi32, #tpu.memory_space<vmem>>) semaphore(%arg16 : memref<!tpu.dma_semaphore, #tpu.memory_space<semaphore_mem>>)
    %dma_start3A_128 = arith.constant 12 : i32
    %dma_start3A_129 = arith.constant 6 : i32
    %dma_start3A_130 = arith.constant 0 : i32
    %dma_start3A_131 = tpu.memref_slice %arg7[%dma_start3A_129, %dma_start3A_130] : memref<16x208xi32, #tpu.memory_space<vmem>> -> memref<1x104xi32, #tpu.memory_space<vmem>>
    %dma_start3A_132 = tpu.memref_squeeze %dma_start3A_131 : memref<1x104xi32, #tpu.memory_space<vmem>> -> memref<104xi32, #tpu.memory_space<vmem>>
    %dma_start3A_133 = arith.constant 0 : i32
    %dma_start3A_134 = tpu.memref_slice %arg6[%dma_start3A_128, %dma_start3A_133] : memref<256x104xi32, #tpu.memory_space<vmem>> -> memref<1x104xi32, #tpu.memory_space<vmem>>
    %dma_start3A_135 = tpu.memref_squeeze %dma_start3A_134 : memref<1x104xi32, #tpu.memory_space<vmem>> -> memref<104xi32, #tpu.memory_space<vmem>>
    %dma_start3A_136 = arith.constant 0 : i32
    %dma_start3A_137 = tpu.memref_slice %arg8[%dma_start3A_136] : memref<1000064xi32, #tpu.memory_space<vmem_shared>> -> memref<1000064xi32, #tpu.memory_space<vmem_shared>>
    tpu.enqueue_indirect_dma source(%dma_start3A_137 : memref<1000064xi32, #tpu.memory_space<vmem_shared>>) target(%dma_start3A_132 : memref<104xi32, #tpu.memory_space<vmem>>) offsets(%dma_start3A_135 : memref<104xi32, #tpu.memory_space<vmem>>) semaphore(%arg17 : memref<!tpu.dma_semaphore, #tpu.memory_space<semaphore_mem>>)
    %dma_start3A_138 = arith.constant 13 : i32
    %dma_start3A_139 = arith.constant 6 : i32
    %dma_start3A_140 = arith.constant 104 : i32
    %dma_start3A_141 = tpu.memref_slice %arg7[%dma_start3A_139, %dma_start3A_140] : memref<16x208xi32, #tpu.memory_space<vmem>> -> memref<1x104xi32, #tpu.memory_space<vmem>>
    %dma_start3A_142 = tpu.memref_squeeze %dma_start3A_141 : memref<1x104xi32, #tpu.memory_space<vmem>> -> memref<104xi32, #tpu.memory_space<vmem>>
    %dma_start3A_143 = arith.constant 0 : i32
    %dma_start3A_144 = tpu.memref_slice %arg6[%dma_start3A_138, %dma_start3A_143] : memref<256x104xi32, #tpu.memory_space<vmem>> -> memref<1x104xi32, #tpu.memory_space<vmem>>
    %dma_start3A_145 = tpu.memref_squeeze %dma_start3A_144 : memref<1x104xi32, #tpu.memory_space<vmem>> -> memref<104xi32, #tpu.memory_space<vmem>>
    %dma_start3A_146 = arith.constant 0 : i32
    %dma_start3A_147 = tpu.memref_slice %arg8[%dma_start3A_146] : memref<1000064xi32, #tpu.memory_space<vmem_shared>> -> memref<1000064xi32, #tpu.memory_space<vmem_shared>>
    tpu.enqueue_indirect_dma source(%dma_start3A_147 : memref<1000064xi32, #tpu.memory_space<vmem_shared>>) target(%dma_start3A_142 : memref<104xi32, #tpu.memory_space<vmem>>) offsets(%dma_start3A_145 : memref<104xi32, #tpu.memory_space<vmem>>) semaphore(%arg17 : memref<!tpu.dma_semaphore, #tpu.memory_space<semaphore_mem>>)
    %dma_start3A_148 = arith.constant 14 : i32
    %dma_start3A_149 = arith.constant 7 : i32
    %dma_start3A_150 = arith.constant 0 : i32
    %dma_start3A_151 = tpu.memref_slice %arg7[%dma_start3A_149, %dma_start3A_150] : memref<16x208xi32, #tpu.memory_space<vmem>> -> memref<1x104xi32, #tpu.memory_space<vmem>>
    %dma_start3A_152 = tpu.memref_squeeze %dma_start3A_151 : memref<1x104xi32, #tpu.memory_space<vmem>> -> memref<104xi32, #tpu.memory_space<vmem>>
    %dma_start3A_153 = arith.constant 0 : i32
    %dma_start3A_154 = tpu.memref_slice %arg6[%dma_start3A_148, %dma_start3A_153] : memref<256x104xi32, #tpu.memory_space<vmem>> -> memref<1x104xi32, #tpu.memory_space<vmem>>
    %dma_start3A_155 = tpu.memref_squeeze %dma_start3A_154 : memref<1x104xi32, #tpu.memory_space<vmem>> -> memref<104xi32, #tpu.memory_space<vmem>>
    %dma_start3A_156 = arith.constant 0 : i32
    %dma_start3A_157 = tpu.memref_slice %arg8[%dma_start3A_156] : memref<1000064xi32, #tpu.memory_space<vmem_shared>> -> memref<1000064xi32, #tpu.memory_space<vmem_shared>>
    tpu.enqueue_indirect_dma source(%dma_start3A_157 : memref<1000064xi32, #tpu.memory_space<vmem_shared>>) target(%dma_start3A_152 : memref<104xi32, #tpu.memory_space<vmem>>) offsets(%dma_start3A_155 : memref<104xi32, #tpu.memory_space<vmem>>) semaphore(%arg18 : memref<!tpu.dma_semaphore, #tpu.memory_space<semaphore_mem>>)
    %dma_start3A_158 = arith.constant 15 : i32
    %dma_start3A_159 = arith.constant 7 : i32
    %dma_start3A_160 = arith.constant 104 : i32
    %dma_start3A_161 = tpu.memref_slice %arg7[%dma_start3A_159, %dma_start3A_160] : memref<16x208xi32, #tpu.memory_space<vmem>> -> memref<1x104xi32, #tpu.memory_space<vmem>>
    %dma_start3A_162 = tpu.memref_squeeze %dma_start3A_161 : memref<1x104xi32, #tpu.memory_space<vmem>> -> memref<104xi32, #tpu.memory_space<vmem>>
    %dma_start3A_163 = arith.constant 0 : i32
    %dma_start3A_164 = tpu.memref_slice %arg6[%dma_start3A_158, %dma_start3A_163] : memref<256x104xi32, #tpu.memory_space<vmem>> -> memref<1x104xi32, #tpu.memory_space<vmem>>
    %dma_start3A_165 = tpu.memref_squeeze %dma_start3A_164 : memref<1x104xi32, #tpu.memory_space<vmem>> -> memref<104xi32, #tpu.memory_space<vmem>>
    %dma_start3A_166 = arith.constant 0 : i32
    %dma_start3A_167 = tpu.memref_slice %arg8[%dma_start3A_166] : memref<1000064xi32, #tpu.memory_space<vmem_shared>> -> memref<1000064xi32, #tpu.memory_space<vmem_shared>>
    tpu.enqueue_indirect_dma source(%dma_start3A_167 : memref<1000064xi32, #tpu.memory_space<vmem_shared>>) target(%dma_start3A_162 : memref<104xi32, #tpu.memory_space<vmem>>) offsets(%dma_start3A_165 : memref<104xi32, #tpu.memory_space<vmem>>) semaphore(%arg18 : memref<!tpu.dma_semaphore, #tpu.memory_space<semaphore_mem>>)
    %dma_start3A_168 = arith.constant 16 : i32
    %dma_start3A_169 = arith.constant 8 : i32
    %dma_start3A_170 = arith.constant 0 : i32
    %dma_start3A_171 = tpu.memref_slice %arg7[%dma_start3A_169, %dma_start3A_170] : memref<16x208xi32, #tpu.memory_space<vmem>> -> memref<1x104xi32, #tpu.memory_space<vmem>>
    %dma_start3A_172 = tpu.memref_squeeze %dma_start3A_171 : memref<1x104xi32, #tpu.memory_space<vmem>> -> memref<104xi32, #tpu.memory_space<vmem>>
    %dma_start3A_173 = arith.constant 0 : i32
    %dma_start3A_174 = tpu.memref_slice %arg6[%dma_start3A_168, %dma_start3A_173] : memref<256x104xi32, #tpu.memory_space<vmem>> -> memref<1x104xi32, #tpu.memory_space<vmem>>
    %dma_start3A_175 = tpu.memref_squeeze %dma_start3A_174 : memref<1x104xi32, #tpu.memory_space<vmem>> -> memref<104xi32, #tpu.memory_space<vmem>>
    %dma_start3A_176 = arith.constant 0 : i32
    %dma_start3A_177 = tpu.memref_slice %arg8[%dma_start3A_176] : memref<1000064xi32, #tpu.memory_space<vmem_shared>> -> memref<1000064xi32, #tpu.memory_space<vmem_shared>>
    tpu.enqueue_indirect_dma source(%dma_start3A_177 : memref<1000064xi32, #tpu.memory_space<vmem_shared>>) target(%dma_start3A_172 : memref<104xi32, #tpu.memory_space<vmem>>) offsets(%dma_start3A_175 : memref<104xi32, #tpu.memory_space<vmem>>) semaphore(%arg19 : memref<!tpu.dma_semaphore, #tpu.memory_space<semaphore_mem>>)
    %dma_start3A_178 = arith.constant 17 : i32
    %dma_start3A_179 = arith.constant 8 : i32
    %dma_start3A_180 = arith.constant 104 : i32
    %dma_start3A_181 = tpu.memref_slice %arg7[%dma_start3A_179, %dma_start3A_180] : memref<16x208xi32, #tpu.memory_space<vmem>> -> memref<1x104xi32, #tpu.memory_space<vmem>>
    %dma_start3A_182 = tpu.memref_squeeze %dma_start3A_181 : memref<1x104xi32, #tpu.memory_space<vmem>> -> memref<104xi32, #tpu.memory_space<vmem>>
    %dma_start3A_183 = arith.constant 0 : i32
    %dma_start3A_184 = tpu.memref_slice %arg6[%dma_start3A_178, %dma_start3A_183] : memref<256x104xi32, #tpu.memory_space<vmem>> -> memref<1x104xi32, #tpu.memory_space<vmem>>
    %dma_start3A_185 = tpu.memref_squeeze %dma_start3A_184 : memref<1x104xi32, #tpu.memory_space<vmem>> -> memref<104xi32, #tpu.memory_space<vmem>>
    %dma_start3A_186 = arith.constant 0 : i32
    %dma_start3A_187 = tpu.memref_slice %arg8[%dma_start3A_186] : memref<1000064xi32, #tpu.memory_space<vmem_shared>> -> memref<1000064xi32, #tpu.memory_space<vmem_shared>>
    tpu.enqueue_indirect_dma source(%dma_start3A_187 : memref<1000064xi32, #tpu.memory_space<vmem_shared>>) target(%dma_start3A_182 : memref<104xi32, #tpu.memory_space<vmem>>) offsets(%dma_start3A_185 : memref<104xi32, #tpu.memory_space<vmem>>) semaphore(%arg19 : memref<!tpu.dma_semaphore, #tpu.memory_space<semaphore_mem>>)
    %dma_start3A_188 = arith.constant 18 : i32
    %dma_start3A_189 = arith.constant 9 : i32
    %dma_start3A_190 = arith.constant 0 : i32
    %dma_start3A_191 = tpu.memref_slice %arg7[%dma_start3A_189, %dma_start3A_190] : memref<16x208xi32, #tpu.memory_space<vmem>> -> memref<1x104xi32, #tpu.memory_space<vmem>>
    %dma_start3A_192 = tpu.memref_squeeze %dma_start3A_191 : memref<1x104xi32, #tpu.memory_space<vmem>> -> memref<104xi32, #tpu.memory_space<vmem>>
    %dma_start3A_193 = arith.constant 0 : i32
    %dma_start3A_194 = tpu.memref_slice %arg6[%dma_start3A_188, %dma_start3A_193] : memref<256x104xi32, #tpu.memory_space<vmem>> -> memref<1x104xi32, #tpu.memory_space<vmem>>
    %dma_start3A_195 = tpu.memref_squeeze %dma_start3A_194 : memref<1x104xi32, #tpu.memory_space<vmem>> -> memref<104xi32, #tpu.memory_space<vmem>>
    %dma_start3A_196 = arith.constant 0 : i32
    %dma_start3A_197 = tpu.memref_slice %arg8[%dma_start3A_196] : memref<1000064xi32, #tpu.memory_space<vmem_shared>> -> memref<1000064xi32, #tpu.memory_space<vmem_shared>>
    tpu.enqueue_indirect_dma source(%dma_start3A_197 : memref<1000064xi32, #tpu.memory_space<vmem_shared>>) target(%dma_start3A_192 : memref<104xi32, #tpu.memory_space<vmem>>) offsets(%dma_start3A_195 : memref<104xi32, #tpu.memory_space<vmem>>) semaphore(%arg20 : memref<!tpu.dma_semaphore, #tpu.memory_space<semaphore_mem>>)
    %dma_start3A_198 = arith.constant 19 : i32
    %dma_start3A_199 = arith.constant 9 : i32
    %dma_start3A_200 = arith.constant 104 : i32
    %dma_start3A_201 = tpu.memref_slice %arg7[%dma_start3A_199, %dma_start3A_200] : memref<16x208xi32, #tpu.memory_space<vmem>> -> memref<1x104xi32, #tpu.memory_space<vmem>>
    %dma_start3A_202 = tpu.memref_squeeze %dma_start3A_201 : memref<1x104xi32, #tpu.memory_space<vmem>> -> memref<104xi32, #tpu.memory_space<vmem>>
    %dma_start3A_203 = arith.constant 0 : i32
    %dma_start3A_204 = tpu.memref_slice %arg6[%dma_start3A_198, %dma_start3A_203] : memref<256x104xi32, #tpu.memory_space<vmem>> -> memref<1x104xi32, #tpu.memory_space<vmem>>
    %dma_start3A_205 = tpu.memref_squeeze %dma_start3A_204 : memref<1x104xi32, #tpu.memory_space<vmem>> -> memref<104xi32, #tpu.memory_space<vmem>>
    %dma_start3A_206 = arith.constant 0 : i32
    %dma_start3A_207 = tpu.memref_slice %arg8[%dma_start3A_206] : memref<1000064xi32, #tpu.memory_space<vmem_shared>> -> memref<1000064xi32, #tpu.memory_space<vmem_shared>>
    tpu.enqueue_indirect_dma source(%dma_start3A_207 : memref<1000064xi32, #tpu.memory_space<vmem_shared>>) target(%dma_start3A_202 : memref<104xi32, #tpu.memory_space<vmem>>) offsets(%dma_start3A_205 : memref<104xi32, #tpu.memory_space<vmem>>) semaphore(%arg20 : memref<!tpu.dma_semaphore, #tpu.memory_space<semaphore_mem>>)
    %dma_start3A_208 = arith.constant 20 : i32
    %dma_start3A_209 = arith.constant 10 : i32
    %dma_start3A_210 = arith.constant 0 : i32
    %dma_start3A_211 = tpu.memref_slice %arg7[%dma_start3A_209, %dma_start3A_210] : memref<16x208xi32, #tpu.memory_space<vmem>> -> memref<1x104xi32, #tpu.memory_space<vmem>>
    %dma_start3A_212 = tpu.memref_squeeze %dma_start3A_211 : memref<1x104xi32, #tpu.memory_space<vmem>> -> memref<104xi32, #tpu.memory_space<vmem>>
    %dma_start3A_213 = arith.constant 0 : i32
    %dma_start3A_214 = tpu.memref_slice %arg6[%dma_start3A_208, %dma_start3A_213] : memref<256x104xi32, #tpu.memory_space<vmem>> -> memref<1x104xi32, #tpu.memory_space<vmem>>
    %dma_start3A_215 = tpu.memref_squeeze %dma_start3A_214 : memref<1x104xi32, #tpu.memory_space<vmem>> -> memref<104xi32, #tpu.memory_space<vmem>>
    %dma_start3A_216 = arith.constant 0 : i32
    %dma_start3A_217 = tpu.memref_slice %arg8[%dma_start3A_216] : memref<1000064xi32, #tpu.memory_space<vmem_shared>> -> memref<1000064xi32, #tpu.memory_space<vmem_shared>>
    tpu.enqueue_indirect_dma source(%dma_start3A_217 : memref<1000064xi32, #tpu.memory_space<vmem_shared>>) target(%dma_start3A_212 : memref<104xi32, #tpu.memory_space<vmem>>) offsets(%dma_start3A_215 : memref<104xi32, #tpu.memory_space<vmem>>) semaphore(%arg21 : memref<!tpu.dma_semaphore, #tpu.memory_space<semaphore_mem>>)
    %dma_start3A_218 = arith.constant 21 : i32
    %dma_start3A_219 = arith.constant 10 : i32
    %dma_start3A_220 = arith.constant 104 : i32
    %dma_start3A_221 = tpu.memref_slice %arg7[%dma_start3A_219, %dma_start3A_220] : memref<16x208xi32, #tpu.memory_space<vmem>> -> memref<1x104xi32, #tpu.memory_space<vmem>>
    %dma_start3A_222 = tpu.memref_squeeze %dma_start3A_221 : memref<1x104xi32, #tpu.memory_space<vmem>> -> memref<104xi32, #tpu.memory_space<vmem>>
    %dma_start3A_223 = arith.constant 0 : i32
    %dma_start3A_224 = tpu.memref_slice %arg6[%dma_start3A_218, %dma_start3A_223] : memref<256x104xi32, #tpu.memory_space<vmem>> -> memref<1x104xi32, #tpu.memory_space<vmem>>
    %dma_start3A_225 = tpu.memref_squeeze %dma_start3A_224 : memref<1x104xi32, #tpu.memory_space<vmem>> -> memref<104xi32, #tpu.memory_space<vmem>>
    %dma_start3A_226 = arith.constant 0 : i32
    %dma_start3A_227 = tpu.memref_slice %arg8[%dma_start3A_226] : memref<1000064xi32, #tpu.memory_space<vmem_shared>> -> memref<1000064xi32, #tpu.memory_space<vmem_shared>>
    tpu.enqueue_indirect_dma source(%dma_start3A_227 : memref<1000064xi32, #tpu.memory_space<vmem_shared>>) target(%dma_start3A_222 : memref<104xi32, #tpu.memory_space<vmem>>) offsets(%dma_start3A_225 : memref<104xi32, #tpu.memory_space<vmem>>) semaphore(%arg21 : memref<!tpu.dma_semaphore, #tpu.memory_space<semaphore_mem>>)
    %dma_start3A_228 = arith.constant 22 : i32
    %dma_start3A_229 = arith.constant 11 : i32
    %dma_start3A_230 = arith.constant 0 : i32
    %dma_start3A_231 = tpu.memref_slice %arg7[%dma_start3A_229, %dma_start3A_230] : memref<16x208xi32, #tpu.memory_space<vmem>> -> memref<1x104xi32, #tpu.memory_space<vmem>>
    %dma_start3A_232 = tpu.memref_squeeze %dma_start3A_231 : memref<1x104xi32, #tpu.memory_space<vmem>> -> memref<104xi32, #tpu.memory_space<vmem>>
    %dma_start3A_233 = arith.constant 0 : i32
    %dma_start3A_234 = tpu.memref_slice %arg6[%dma_start3A_228, %dma_start3A_233] : memref<256x104xi32, #tpu.memory_space<vmem>> -> memref<1x104xi32, #tpu.memory_space<vmem>>
    %dma_start3A_235 = tpu.memref_squeeze %dma_start3A_234 : memref<1x104xi32, #tpu.memory_space<vmem>> -> memref<104xi32, #tpu.memory_space<vmem>>
    %dma_start3A_236 = arith.constant 0 : i32
    %dma_start3A_237 = tpu.memref_slice %arg8[%dma_start3A_236] : memref<1000064xi32, #tpu.memory_space<vmem_shared>> -> memref<1000064xi32, #tpu.memory_space<vmem_shared>>
    tpu.enqueue_indirect_dma source(%dma_start3A_237 : memref<1000064xi32, #tpu.memory_space<vmem_shared>>) target(%dma_start3A_232 : memref<104xi32, #tpu.memory_space<vmem>>) offsets(%dma_start3A_235 : memref<104xi32, #tpu.memory_space<vmem>>) semaphore(%arg22 : memref<!tpu.dma_semaphore, #tpu.memory_space<semaphore_mem>>)
    %dma_start3A_238 = arith.constant 23 : i32
    %dma_start3A_239 = arith.constant 11 : i32
    %dma_start3A_240 = arith.constant 104 : i32
    %dma_start3A_241 = tpu.memref_slice %arg7[%dma_start3A_239, %dma_start3A_240] : memref<16x208xi32, #tpu.memory_space<vmem>> -> memref<1x104xi32, #tpu.memory_space<vmem>>
    %dma_start3A_242 = tpu.memref_squeeze %dma_start3A_241 : memref<1x104xi32, #tpu.memory_space<vmem>> -> memref<104xi32, #tpu.memory_space<vmem>>
    %dma_start3A_243 = arith.constant 0 : i32
    %dma_start3A_244 = tpu.memref_slice %arg6[%dma_start3A_238, %dma_start3A_243] : memref<256x104xi32, #tpu.memory_space<vmem>> -> memref<1x104xi32, #tpu.memory_space<vmem>>
    %dma_start3A_245 = tpu.memref_squeeze %dma_start3A_244 : memref<1x104xi32, #tpu.memory_space<vmem>> -> memref<104xi32, #tpu.memory_space<vmem>>
    %dma_start3A_246 = arith.constant 0 : i32
    %dma_start3A_247 = tpu.memref_slice %arg8[%dma_start3A_246] : memref<1000064xi32, #tpu.memory_space<vmem_shared>> -> memref<1000064xi32, #tpu.memory_space<vmem_shared>>
    tpu.enqueue_indirect_dma source(%dma_start3A_247 : memref<1000064xi32, #tpu.memory_space<vmem_shared>>) target(%dma_start3A_242 : memref<104xi32, #tpu.memory_space<vmem>>) offsets(%dma_start3A_245 : memref<104xi32, #tpu.memory_space<vmem>>) semaphore(%arg22 : memref<!tpu.dma_semaphore, #tpu.memory_space<semaphore_mem>>)
    %dma_start3A_248 = arith.constant 24 : i32
    %dma_start3A_249 = arith.constant 12 : i32
    %dma_start3A_250 = arith.constant 0 : i32
    %dma_start3A_251 = tpu.memref_slice %arg7[%dma_start3A_249, %dma_start3A_250] : memref<16x208xi32, #tpu.memory_space<vmem>> -> memref<1x104xi32, #tpu.memory_space<vmem>>
    %dma_start3A_252 = tpu.memref_squeeze %dma_start3A_251 : memref<1x104xi32, #tpu.memory_space<vmem>> -> memref<104xi32, #tpu.memory_space<vmem>>
    %dma_start3A_253 = arith.constant 0 : i32
    %dma_start3A_254 = tpu.memref_slice %arg6[%dma_start3A_248, %dma_start3A_253] : memref<256x104xi32, #tpu.memory_space<vmem>> -> memref<1x104xi32, #tpu.memory_space<vmem>>
    %dma_start3A_255 = tpu.memref_squeeze %dma_start3A_254 : memref<1x104xi32, #tpu.memory_space<vmem>> -> memref<104xi32, #tpu.memory_space<vmem>>
    %dma_start3A_256 = arith.constant 0 : i32
    %dma_start3A_257 = tpu.memref_slice %arg8[%dma_start3A_256] : memref<1000064xi32, #tpu.memory_space<vmem_shared>> -> memref<1000064xi32, #tpu.memory_space<vmem_shared>>
    tpu.enqueue_indirect_dma source(%dma_start3A_257 : memref<1000064xi32, #tpu.memory_space<vmem_shared>>) target(%dma_start3A_252 : memref<104xi32, #tpu.memory_space<vmem>>) offsets(%dma_start3A_255 : memref<104xi32, #tpu.memory_space<vmem>>) semaphore(%arg23 : memref<!tpu.dma_semaphore, #tpu.memory_space<semaphore_mem>>)
    %dma_start3A_258 = arith.constant 25 : i32
    %dma_start3A_259 = arith.constant 12 : i32
    %dma_start3A_260 = arith.constant 104 : i32
    %dma_start3A_261 = tpu.memref_slice %arg7[%dma_start3A_259, %dma_start3A_260] : memref<16x208xi32, #tpu.memory_space<vmem>> -> memref<1x104xi32, #tpu.memory_space<vmem>>
    %dma_start3A_262 = tpu.memref_squeeze %dma_start3A_261 : memref<1x104xi32, #tpu.memory_space<vmem>> -> memref<104xi32, #tpu.memory_space<vmem>>
    %dma_start3A_263 = arith.constant 0 : i32
    %dma_start3A_264 = tpu.memref_slice %arg6[%dma_start3A_258, %dma_start3A_263] : memref<256x104xi32, #tpu.memory_space<vmem>> -> memref<1x104xi32, #tpu.memory_space<vmem>>
    %dma_start3A_265 = tpu.memref_squeeze %dma_start3A_264 : memref<1x104xi32, #tpu.memory_space<vmem>> -> memref<104xi32, #tpu.memory_space<vmem>>
    %dma_start3A_266 = arith.constant 0 : i32
    %dma_start3A_267 = tpu.memref_slice %arg8[%dma_start3A_266] : memref<1000064xi32, #tpu.memory_space<vmem_shared>> -> memref<1000064xi32, #tpu.memory_space<vmem_shared>>
    tpu.enqueue_indirect_dma source(%dma_start3A_267 : memref<1000064xi32, #tpu.memory_space<vmem_shared>>) target(%dma_start3A_262 : memref<104xi32, #tpu.memory_space<vmem>>) offsets(%dma_start3A_265 : memref<104xi32, #tpu.memory_space<vmem>>) semaphore(%arg23 : memref<!tpu.dma_semaphore, #tpu.memory_space<semaphore_mem>>)
    %dma_start3A_268 = arith.constant 26 : i32
    %dma_start3A_269 = arith.constant 13 : i32
    %dma_start3A_270 = arith.constant 0 : i32
    %dma_start3A_271 = tpu.memref_slice %arg7[%dma_start3A_269, %dma_start3A_270] : memref<16x208xi32, #tpu.memory_space<vmem>> -> memref<1x104xi32, #tpu.memory_space<vmem>>
    %dma_start3A_272 = tpu.memref_squeeze %dma_start3A_271 : memref<1x104xi32, #tpu.memory_space<vmem>> -> memref<104xi32, #tpu.memory_space<vmem>>
    %dma_start3A_273 = arith.constant 0 : i32
    %dma_start3A_274 = tpu.memref_slice %arg6[%dma_start3A_268, %dma_start3A_273] : memref<256x104xi32, #tpu.memory_space<vmem>> -> memref<1x104xi32, #tpu.memory_space<vmem>>
    %dma_start3A_275 = tpu.memref_squeeze %dma_start3A_274 : memref<1x104xi32, #tpu.memory_space<vmem>> -> memref<104xi32, #tpu.memory_space<vmem>>
    %dma_start3A_276 = arith.constant 0 : i32
    %dma_start3A_277 = tpu.memref_slice %arg8[%dma_start3A_276] : memref<1000064xi32, #tpu.memory_space<vmem_shared>> -> memref<1000064xi32, #tpu.memory_space<vmem_shared>>
    tpu.enqueue_indirect_dma source(%dma_start3A_277 : memref<1000064xi32, #tpu.memory_space<vmem_shared>>) target(%dma_start3A_272 : memref<104xi32, #tpu.memory_space<vmem>>) offsets(%dma_start3A_275 : memref<104xi32, #tpu.memory_space<vmem>>) semaphore(%arg24 : memref<!tpu.dma_semaphore, #tpu.memory_space<semaphore_mem>>)
    %dma_start3A_278 = arith.constant 27 : i32
    %dma_start3A_279 = arith.constant 13 : i32
    %dma_start3A_280 = arith.constant 104 : i32
    %dma_start3A_281 = tpu.memref_slice %arg7[%dma_start3A_279, %dma_start3A_280] : memref<16x208xi32, #tpu.memory_space<vmem>> -> memref<1x104xi32, #tpu.memory_space<vmem>>
    %dma_start3A_282 = tpu.memref_squeeze %dma_start3A_281 : memref<1x104xi32, #tpu.memory_space<vmem>> -> memref<104xi32, #tpu.memory_space<vmem>>
    %dma_start3A_283 = arith.constant 0 : i32
    %dma_start3A_284 = tpu.memref_slice %arg6[%dma_start3A_278, %dma_start3A_283] : memref<256x104xi32, #tpu.memory_space<vmem>> -> memref<1x104xi32, #tpu.memory_space<vmem>>
    %dma_start3A_285 = tpu.memref_squeeze %dma_start3A_284 : memref<1x104xi32, #tpu.memory_space<vmem>> -> memref<104xi32, #tpu.memory_space<vmem>>
    %dma_start3A_286 = arith.constant 0 : i32
    %dma_start3A_287 = tpu.memref_slice %arg8[%dma_start3A_286] : memref<1000064xi32, #tpu.memory_space<vmem_shared>> -> memref<1000064xi32, #tpu.memory_space<vmem_shared>>
    tpu.enqueue_indirect_dma source(%dma_start3A_287 : memref<1000064xi32, #tpu.memory_space<vmem_shared>>) target(%dma_start3A_282 : memref<104xi32, #tpu.memory_space<vmem>>) offsets(%dma_start3A_285 : memref<104xi32, #tpu.memory_space<vmem>>) semaphore(%arg24 : memref<!tpu.dma_semaphore, #tpu.memory_space<semaphore_mem>>)
    %dma_start3A_288 = arith.constant 28 : i32
    %dma_start3A_289 = arith.constant 14 : i32
    %dma_start3A_290 = arith.constant 0 : i32
    %dma_start3A_291 = tpu.memref_slice %arg7[%dma_start3A_289, %dma_start3A_290] : memref<16x208xi32, #tpu.memory_space<vmem>> -> memref<1x104xi32, #tpu.memory_space<vmem>>
    %dma_start3A_292 = tpu.memref_squeeze %dma_start3A_291 : memref<1x104xi32, #tpu.memory_space<vmem>> -> memref<104xi32, #tpu.memory_space<vmem>>
    %dma_start3A_293 = arith.constant 0 : i32
    %dma_start3A_294 = tpu.memref_slice %arg6[%dma_start3A_288, %dma_start3A_293] : memref<256x104xi32, #tpu.memory_space<vmem>> -> memref<1x104xi32, #tpu.memory_space<vmem>>
    %dma_start3A_295 = tpu.memref_squeeze %dma_start3A_294 : memref<1x104xi32, #tpu.memory_space<vmem>> -> memref<104xi32, #tpu.memory_space<vmem>>
    %dma_start3A_296 = arith.constant 0 : i32
    %dma_start3A_297 = tpu.memref_slice %arg8[%dma_start3A_296] : memref<1000064xi32, #tpu.memory_space<vmem_shared>> -> memref<1000064xi32, #tpu.memory_space<vmem_shared>>
    tpu.enqueue_indirect_dma source(%dma_start3A_297 : memref<1000064xi32, #tpu.memory_space<vmem_shared>>) target(%dma_start3A_292 : memref<104xi32, #tpu.memory_space<vmem>>) offsets(%dma_start3A_295 : memref<104xi32, #tpu.memory_space<vmem>>) semaphore(%arg25 : memref<!tpu.dma_semaphore, #tpu.memory_space<semaphore_mem>>)
    %dma_start3A_298 = arith.constant 29 : i32
    %dma_start3A_299 = arith.constant 14 : i32
    %dma_start3A_300 = arith.constant 104 : i32
    %dma_start3A_301 = tpu.memref_slice %arg7[%dma_start3A_299, %dma_start3A_300] : memref<16x208xi32, #tpu.memory_space<vmem>> -> memref<1x104xi32, #tpu.memory_space<vmem>>
    %dma_start3A_302 = tpu.memref_squeeze %dma_start3A_301 : memref<1x104xi32, #tpu.memory_space<vmem>> -> memref<104xi32, #tpu.memory_space<vmem>>
    %dma_start3A_303 = arith.constant 0 : i32
    %dma_start3A_304 = tpu.memref_slice %arg6[%dma_start3A_298, %dma_start3A_303] : memref<256x104xi32, #tpu.memory_space<vmem>> -> memref<1x104xi32, #tpu.memory_space<vmem>>
    %dma_start3A_305 = tpu.memref_squeeze %dma_start3A_304 : memref<1x104xi32, #tpu.memory_space<vmem>> -> memref<104xi32, #tpu.memory_space<vmem>>
    %dma_start3A_306 = arith.constant 0 : i32
    %dma_start3A_307 = tpu.memref_slice %arg8[%dma_start3A_306] : memref<1000064xi32, #tpu.memory_space<vmem_shared>> -> memref<1000064xi32, #tpu.memory_space<vmem_shared>>
    tpu.enqueue_indirect_dma source(%dma_start3A_307 : memref<1000064xi32, #tpu.memory_space<vmem_shared>>) target(%dma_start3A_302 : memref<104xi32, #tpu.memory_space<vmem>>) offsets(%dma_start3A_305 : memref<104xi32, #tpu.memory_space<vmem>>) semaphore(%arg25 : memref<!tpu.dma_semaphore, #tpu.memory_space<semaphore_mem>>)
    %dma_start3A_308 = arith.constant 30 : i32
    %dma_start3A_309 = arith.constant 15 : i32
    %dma_start3A_310 = arith.constant 0 : i32
    %dma_start3A_311 = tpu.memref_slice %arg7[%dma_start3A_309, %dma_start3A_310] : memref<16x208xi32, #tpu.memory_space<vmem>> -> memref<1x104xi32, #tpu.memory_space<vmem>>
    %dma_start3A_312 = tpu.memref_squeeze %dma_start3A_311 : memref<1x104xi32, #tpu.memory_space<vmem>> -> memref<104xi32, #tpu.memory_space<vmem>>
    %dma_start3A_313 = arith.constant 0 : i32
    %dma_start3A_314 = tpu.memref_slice %arg6[%dma_start3A_308, %dma_start3A_313] : memref<256x104xi32, #tpu.memory_space<vmem>> -> memref<1x104xi32, #tpu.memory_space<vmem>>
    %dma_start3A_315 = tpu.memref_squeeze %dma_start3A_314 : memref<1x104xi32, #tpu.memory_space<vmem>> -> memref<104xi32, #tpu.memory_space<vmem>>
    %dma_start3A_316 = arith.constant 0 : i32
    %dma_start3A_317 = tpu.memref_slice %arg8[%dma_start3A_316] : memref<1000064xi32, #tpu.memory_space<vmem_shared>> -> memref<1000064xi32, #tpu.memory_space<vmem_shared>>
    tpu.enqueue_indirect_dma source(%dma_start3A_317 : memref<1000064xi32, #tpu.memory_space<vmem_shared>>) target(%dma_start3A_312 : memref<104xi32, #tpu.memory_space<vmem>>) offsets(%dma_start3A_315 : memref<104xi32, #tpu.memory_space<vmem>>) semaphore(%arg26 : memref<!tpu.dma_semaphore, #tpu.memory_space<semaphore_mem>>)
    %dma_start3A_318 = arith.constant 31 : i32
    %dma_start3A_319 = arith.constant 15 : i32
    %dma_start3A_320 = arith.constant 104 : i32
    %dma_start3A_321 = tpu.memref_slice %arg7[%dma_start3A_319, %dma_start3A_320] : memref<16x208xi32, #tpu.memory_space<vmem>> -> memref<1x104xi32, #tpu.memory_space<vmem>>
    %dma_start3A_322 = tpu.memref_squeeze %dma_start3A_321 : memref<1x104xi32, #tpu.memory_space<vmem>> -> memref<104xi32, #tpu.memory_space<vmem>>
    %dma_start3A_323 = arith.constant 0 : i32
    %dma_start3A_324 = tpu.memref_slice %arg6[%dma_start3A_318, %dma_start3A_323] : memref<256x104xi32, #tpu.memory_space<vmem>> -> memref<1x104xi32, #tpu.memory_space<vmem>>
    %dma_start3A_325 = tpu.memref_squeeze %dma_start3A_324 : memref<1x104xi32, #tpu.memory_space<vmem>> -> memref<104xi32, #tpu.memory_space<vmem>>
    %dma_start3A_326 = arith.constant 0 : i32
    %dma_start3A_327 = tpu.memref_slice %arg8[%dma_start3A_326] : memref<1000064xi32, #tpu.memory_space<vmem_shared>> -> memref<1000064xi32, #tpu.memory_space<vmem_shared>>
    tpu.enqueue_indirect_dma source(%dma_start3A_327 : memref<1000064xi32, #tpu.memory_space<vmem_shared>>) target(%dma_start3A_322 : memref<104xi32, #tpu.memory_space<vmem>>) offsets(%dma_start3A_325 : memref<104xi32, #tpu.memory_space<vmem>>) semaphore(%arg26 : memref<!tpu.dma_semaphore, #tpu.memory_space<semaphore_mem>>)
    %iota3A = tpu.iota {dimensions = array<i32: 0>} : vector<16xi32>
    %broadcast_in_dim3A = arith.constant -65536 : i32
    %broadcast_in_dim3A_328 = vector.broadcast %broadcast_in_dim3A : i32 to vector<16xi32>
    %scan3A = arith.constant 0 : i32
    %scan3A_329 = arith.constant 8 : i32
    %scan3A_330 = arith.addi %scan3A, %scan3A_329 : i32
    %scan3A_331 = arith.constant 1 : i32
    scf.for %scan3A_335 = %scan3A to %scan3A_330 step %scan3A_331  : i32 {
      %mul3A_336 = arith.constant 16 : i32
      %mul3A_337 = arith.muli %scan3A_335, %mul3A_336 : i32
      %add3A_338 = arith.constant 0 : i32
      %add3A_339 = arith.addi %add3A_338, %mul3A_337 : i32
      %add3A_340 = arith.constant 0 : i32
      %add3A_341 = arith.addi %add3A_339, %add3A_340 : i32
      %mul3A_342 = arith.constant 2 : i32
      %mul3A_343 = arith.muli %mul3A_342, %add3A_341 : i32
      %dma_wait3A = arith.constant 0 : i32
      %dma_wait3A_344 = arith.constant 0 : i32
      %dma_wait3A_345 = tpu.memref_slice %arg7[%dma_wait3A, %dma_wait3A_344] : memref<16x208xi32, #tpu.memory_space<vmem>> -> memref<1x104xi32, #tpu.memory_space<vmem>>
      %dma_wait3A_346 = tpu.memref_squeeze %dma_wait3A_345 : memref<1x104xi32, #tpu.memory_space<vmem>> -> memref<104xi32, #tpu.memory_space<vmem>>
      %dma_wait3A_347 = arith.constant 0 : i32
      %dma_wait3A_348 = tpu.memref_slice %arg6[%mul3A_343, %dma_wait3A_347] : memref<256x104xi32, #tpu.memory_space<vmem>> -> memref<1x104xi32, #tpu.memory_space<vmem>>
      %dma_wait3A_349 = tpu.memref_squeeze %dma_wait3A_348 : memref<1x104xi32, #tpu.memory_space<vmem>> -> memref<104xi32, #tpu.memory_space<vmem>>
      %dma_wait3A_350 = arith.constant 0 : i32
      %dma_wait3A_351 = tpu.memref_slice %arg8[%dma_wait3A_350] : memref<1000064xi32, #tpu.memory_space<vmem_shared>> -> memref<1000064xi32, #tpu.memory_space<vmem_shared>>
      tpu.wait_indirect_dma semaphore(%arg11 : memref<!tpu.dma_semaphore, #tpu.memory_space<semaphore_mem>>) src(%dma_wait3A_351 : memref<1000064xi32, #tpu.memory_space<vmem_shared>>) dst(%dma_wait3A_346 : memref<104xi32, #tpu.memory_space<vmem>>)
      %mul3A_352 = arith.constant 2 : i32
      %mul3A_353 = arith.muli %mul3A_352, %add3A_341 : i32
      %add3A_354 = arith.constant 1 : i32
      %add3A_355 = arith.addi %mul3A_353, %add3A_354 : i32
      %dma_wait3A_356 = arith.constant 0 : i32
      %dma_wait3A_357 = arith.constant 104 : i32
      %dma_wait3A_358 = tpu.memref_slice %arg7[%dma_wait3A_356, %dma_wait3A_357] : memref<16x208xi32, #tpu.memory_space<vmem>> -> memref<1x104xi32, #tpu.memory_space<vmem>>
      %dma_wait3A_359 = tpu.memref_squeeze %dma_wait3A_358 : memref<1x104xi32, #tpu.memory_space<vmem>> -> memref<104xi32, #tpu.memory_space<vmem>>
      %dma_wait3A_360 = arith.constant 0 : i32
      %dma_wait3A_361 = tpu.memref_slice %arg6[%add3A_355, %dma_wait3A_360] : memref<256x104xi32, #tpu.memory_space<vmem>> -> memref<1x104xi32, #tpu.memory_space<vmem>>
      %dma_wait3A_362 = tpu.memref_squeeze %dma_wait3A_361 : memref<1x104xi32, #tpu.memory_space<vmem>> -> memref<104xi32, #tpu.memory_space<vmem>>
      %dma_wait3A_363 = arith.constant 0 : i32
      %dma_wait3A_364 = tpu.memref_slice %arg8[%dma_wait3A_363] : memref<1000064xi32, #tpu.memory_space<vmem_shared>> -> memref<1000064xi32, #tpu.memory_space<vmem_shared>>
      tpu.wait_indirect_dma semaphore(%arg11 : memref<!tpu.dma_semaphore, #tpu.memory_space<semaphore_mem>>) src(%dma_wait3A_364 : memref<1000064xi32, #tpu.memory_space<vmem_shared>>) dst(%dma_wait3A_359 : memref<104xi32, #tpu.memory_space<vmem>>)
      %broadcast_in_dim3A_365 = arith.constant 0.000000e+00 : f32
      %broadcast_in_dim3A_366 = vector.broadcast %broadcast_in_dim3A_365 : f32 to vector<16xf32>
      %broadcast_in_dim3A_367 = arith.constant 0.000000e+00 : f32
      %broadcast_in_dim3A_368 = vector.broadcast %broadcast_in_dim3A_367 : f32 to vector<16xf32>
      %get3A = arith.constant 0 : i32
      %get3A_369 = arith.index_cast %get3A : i32 to index
      %get3A_370 = arith.constant 0 : index
      %get3A_371 = tpu.vector_load %arg7[%get3A_369, %get3A_370] {strides = array<i32>} : memref<16x208xi32, #tpu.memory_space<vmem>>, vector<16xi32>,
      %shift_left3A = arith.constant 16 : i32
      %shift_left3A_372 = vector.broadcast %shift_left3A : i32 to vector<16xi32>
      %shift_left3A_373 = arith.shli %get3A_371, %shift_left3A_372 : vector<16xi32>
      %bitcast_convert_type3A = tpu.bitcast %shift_left3A_373 : vector<16xi32> -> vector<16xf32>
      %add3A_374 = arith.addf %broadcast_in_dim3A_366, %bitcast_convert_type3A : vector<16xf32>
      %and3A = arith.andi %get3A_371, %broadcast_in_dim3A_328 : vector<16xi32>
      %bitcast_convert_type3A_375 = tpu.bitcast %and3A : vector<16xi32> -> vector<16xf32>
      %add3A_376 = arith.addf %broadcast_in_dim3A_368, %bitcast_convert_type3A_375 : vector<16xf32>
      %get3A_377 = arith.constant 0 : i32
      %get3A_378 = arith.index_cast %get3A_377 : i32 to index
      %get3A_379 = arith.constant 16 : index
      %get3A_380 = tpu.vector_load %arg7[%get3A_378, %get3A_379] {strides = array<i32>} : memref<16x208xi32, #tpu.memory_space<vmem>>, vector<16xi32>,
      %shift_left3A_381 = arith.constant 16 : i32
      %shift_left3A_382 = vector.broadcast %shift_left3A_381 : i32 to vector<16xi32>
      %shift_left3A_383 = arith.shli %get3A_380, %shift_left3A_382 : vector<16xi32>
      %bitcast_convert_type3A_384 = tpu.bitcast %shift_left3A_383 : vector<16xi32> -> vector<16xf32>
      %add3A_385 = arith.addf %add3A_374, %bitcast_convert_type3A_384 : vector<16xf32>
      %and3A_386 = arith.andi %get3A_380, %broadcast_in_dim3A_328 : vector<16xi32>
      %bitcast_convert_type3A_387 = tpu.bitcast %and3A_386 : vector<16xi32> -> vector<16xf32>
      %add3A_388 = arith.addf %add3A_376, %bitcast_convert_type3A_387 : vector<16xf32>
      %get3A_389 = arith.constant 0 : i32
      %get3A_390 = arith.index_cast %get3A_389 : i32 to index
      %get3A_391 = arith.constant 32 : index
      %get3A_392 = tpu.vector_load %arg7[%get3A_390, %get3A_391] {strides = array<i32>} : memref<16x208xi32, #tpu.memory_space<vmem>>, vector<16xi32>,
      %shift_left3A_393 = arith.constant 16 : i32
      %shift_left3A_394 = vector.broadcast %shift_left3A_393 : i32 to vector<16xi32>
      %shift_left3A_395 = arith.shli %get3A_392, %shift_left3A_394 : vector<16xi32>
      %bitcast_convert_type3A_396 = tpu.bitcast %shift_left3A_395 : vector<16xi32> -> vector<16xf32>
      %add3A_397 = arith.addf %add3A_385, %bitcast_convert_type3A_396 : vector<16xf32>
      %and3A_398 = arith.andi %get3A_392, %broadcast_in_dim3A_328 : vector<16xi32>
      %bitcast_convert_type3A_399 = tpu.bitcast %and3A_398 : vector<16xi32> -> vector<16xf32>
      %add3A_400 = arith.addf %add3A_388, %bitcast_convert_type3A_399 : vector<16xf32>
      %get3A_401 = arith.constant 0 : i32
      %get3A_402 = arith.index_cast %get3A_401 : i32 to index
      %get3A_403 = arith.constant 48 : index
      %get3A_404 = tpu.vector_load %arg7[%get3A_402, %get3A_403] {strides = array<i32>} : memref<16x208xi32, #tpu.memory_space<vmem>>, vector<16xi32>,
      %shift_left3A_405 = arith.constant 16 : i32
      %shift_left3A_406 = vector.broadcast %shift_left3A_405 : i32 to vector<16xi32>
      %shift_left3A_407 = arith.shli %get3A_404, %shift_left3A_406 : vector<16xi32>
      %bitcast_convert_type3A_408 = tpu.bitcast %shift_left3A_407 : vector<16xi32> -> vector<16xf32>
      %add3A_409 = arith.addf %add3A_397, %bitcast_convert_type3A_408 : vector<16xf32>
      %and3A_410 = arith.andi %get3A_404, %broadcast_in_dim3A_328 : vector<16xi32>
      %bitcast_convert_type3A_411 = tpu.bitcast %and3A_410 : vector<16xi32> -> vector<16xf32>
      %add3A_412 = arith.addf %add3A_400, %bitcast_convert_type3A_411 : vector<16xf32>
      %get3A_413 = arith.constant 0 : i32
      %get3A_414 = arith.index_cast %get3A_413 : i32 to index
      %get3A_415 = arith.constant 64 : index
      %get3A_416 = tpu.vector_load %arg7[%get3A_414, %get3A_415] {strides = array<i32>} : memref<16x208xi32, #tpu.memory_space<vmem>>, vector<16xi32>,
      %shift_left3A_417 = arith.constant 16 : i32
      %shift_left3A_418 = vector.broadcast %shift_left3A_417 : i32 to vector<16xi32>
      %shift_left3A_419 = arith.shli %get3A_416, %shift_left3A_418 : vector<16xi32>
      %bitcast_convert_type3A_420 = tpu.bitcast %shift_left3A_419 : vector<16xi32> -> vector<16xf32>
      %add3A_421 = arith.addf %add3A_409, %bitcast_convert_type3A_420 : vector<16xf32>
      %and3A_422 = arith.andi %get3A_416, %broadcast_in_dim3A_328 : vector<16xi32>
      %bitcast_convert_type3A_423 = tpu.bitcast %and3A_422 : vector<16xi32> -> vector<16xf32>
      %add3A_424 = arith.addf %add3A_412, %bitcast_convert_type3A_423 : vector<16xf32>
      %get3A_425 = arith.constant 0 : i32
      %get3A_426 = arith.index_cast %get3A_425 : i32 to index
      %get3A_427 = arith.constant 80 : index
      %get3A_428 = tpu.vector_load %arg7[%get3A_426, %get3A_427] {strides = array<i32>} : memref<16x208xi32, #tpu.memory_space<vmem>>, vector<16xi32>,
      %shift_left3A_429 = arith.constant 16 : i32
      %shift_left3A_430 = vector.broadcast %shift_left3A_429 : i32 to vector<16xi32>
      %shift_left3A_431 = arith.shli %get3A_428, %shift_left3A_430 : vector<16xi32>
      %bitcast_convert_type3A_432 = tpu.bitcast %shift_left3A_431 : vector<16xi32> -> vector<16xf32>
      %add3A_433 = arith.addf %add3A_421, %bitcast_convert_type3A_432 : vector<16xf32>
      %and3A_434 = arith.andi %get3A_428, %broadcast_in_dim3A_328 : vector<16xi32>
      %bitcast_convert_type3A_435 = tpu.bitcast %and3A_434 : vector<16xi32> -> vector<16xf32>
      %add3A_436 = arith.addf %add3A_424, %bitcast_convert_type3A_435 : vector<16xf32>
      %get3A_437 = arith.constant 0 : i32
      %get3A_438 = arith.index_cast %get3A_437 : i32 to index
      %get3A_439 = arith.constant 96 : index
      %get3A_440 = tpu.vector_load %arg7[%get3A_438, %get3A_439] {strides = array<i32>} : memref<16x208xi32, #tpu.memory_space<vmem>>, vector<16xi32>,
      %shift_left3A_441 = arith.constant 16 : i32
      %shift_left3A_442 = vector.broadcast %shift_left3A_441 : i32 to vector<16xi32>
      %shift_left3A_443 = arith.shli %get3A_440, %shift_left3A_442 : vector<16xi32>
      %bitcast_convert_type3A_444 = tpu.bitcast %shift_left3A_443 : vector<16xi32> -> vector<16xf32>
      %add3A_445 = arith.addf %add3A_433, %bitcast_convert_type3A_444 : vector<16xf32>
      %and3A_446 = arith.andi %get3A_440, %broadcast_in_dim3A_328 : vector<16xi32>
      %bitcast_convert_type3A_447 = tpu.bitcast %and3A_446 : vector<16xi32> -> vector<16xf32>
      %add3A_448 = arith.addf %add3A_436, %bitcast_convert_type3A_447 : vector<16xf32>
      %get3A_449 = arith.constant 0 : i32
      %get3A_450 = arith.index_cast %get3A_449 : i32 to index
      %get3A_451 = arith.constant 112 : index
      %get3A_452 = tpu.vector_load %arg7[%get3A_450, %get3A_451] {strides = array<i32>} : memref<16x208xi32, #tpu.memory_space<vmem>>, vector<16xi32>,
      %shift_left3A_453 = arith.constant 16 : i32
      %shift_left3A_454 = vector.broadcast %shift_left3A_453 : i32 to vector<16xi32>
      %shift_left3A_455 = arith.shli %get3A_452, %shift_left3A_454 : vector<16xi32>
      %bitcast_convert_type3A_456 = tpu.bitcast %shift_left3A_455 : vector<16xi32> -> vector<16xf32>
      %add3A_457 = arith.addf %add3A_445, %bitcast_convert_type3A_456 : vector<16xf32>
      %and3A_458 = arith.andi %get3A_452, %broadcast_in_dim3A_328 : vector<16xi32>
      %bitcast_convert_type3A_459 = tpu.bitcast %and3A_458 : vector<16xi32> -> vector<16xf32>
      %add3A_460 = arith.addf %add3A_448, %bitcast_convert_type3A_459 : vector<16xf32>
      %get3A_461 = arith.constant 0 : i32
      %get3A_462 = arith.index_cast %get3A_461 : i32 to index
      %get3A_463 = arith.constant 128 : index
      %get3A_464 = tpu.vector_load %arg7[%get3A_462, %get3A_463] {strides = array<i32>} : memref<16x208xi32, #tpu.memory_space<vmem>>, vector<16xi32>,
      %shift_left3A_465 = arith.constant 16 : i32
      %shift_left3A_466 = vector.broadcast %shift_left3A_465 : i32 to vector<16xi32>
      %shift_left3A_467 = arith.shli %get3A_464, %shift_left3A_466 : vector<16xi32>
      %bitcast_convert_type3A_468 = tpu.bitcast %shift_left3A_467 : vector<16xi32> -> vector<16xf32>
      %add3A_469 = arith.addf %add3A_457, %bitcast_convert_type3A_468 : vector<16xf32>
      %and3A_470 = arith.andi %get3A_464, %broadcast_in_dim3A_328 : vector<16xi32>
      %bitcast_convert_type3A_471 = tpu.bitcast %and3A_470 : vector<16xi32> -> vector<16xf32>
      %add3A_472 = arith.addf %add3A_460, %bitcast_convert_type3A_471 : vector<16xf32>
      %get3A_473 = arith.constant 0 : i32
      %get3A_474 = arith.index_cast %get3A_473 : i32 to index
      %get3A_475 = arith.constant 144 : index
      %get3A_476 = tpu.vector_load %arg7[%get3A_474, %get3A_475] {strides = array<i32>} : memref<16x208xi32, #tpu.memory_space<vmem>>, vector<16xi32>,
      %shift_left3A_477 = arith.constant 16 : i32
      %shift_left3A_478 = vector.broadcast %shift_left3A_477 : i32 to vector<16xi32>
      %shift_left3A_479 = arith.shli %get3A_476, %shift_left3A_478 : vector<16xi32>
      %bitcast_convert_type3A_480 = tpu.bitcast %shift_left3A_479 : vector<16xi32> -> vector<16xf32>
      %add3A_481 = arith.addf %add3A_469, %bitcast_convert_type3A_480 : vector<16xf32>
      %and3A_482 = arith.andi %get3A_476, %broadcast_in_dim3A_328 : vector<16xi32>
      %bitcast_convert_type3A_483 = tpu.bitcast %and3A_482 : vector<16xi32> -> vector<16xf32>
      %add3A_484 = arith.addf %add3A_472, %bitcast_convert_type3A_483 : vector<16xf32>
      %get3A_485 = arith.constant 0 : i32
      %get3A_486 = arith.index_cast %get3A_485 : i32 to index
      %get3A_487 = arith.constant 160 : index
      %get3A_488 = tpu.vector_load %arg7[%get3A_486, %get3A_487] {strides = array<i32>} : memref<16x208xi32, #tpu.memory_space<vmem>>, vector<16xi32>,
      %shift_left3A_489 = arith.constant 16 : i32
      %shift_left3A_490 = vector.broadcast %shift_left3A_489 : i32 to vector<16xi32>
      %shift_left3A_491 = arith.shli %get3A_488, %shift_left3A_490 : vector<16xi32>
      %bitcast_convert_type3A_492 = tpu.bitcast %shift_left3A_491 : vector<16xi32> -> vector<16xf32>
      %add3A_493 = arith.addf %add3A_481, %bitcast_convert_type3A_492 : vector<16xf32>
      %and3A_494 = arith.andi %get3A_488, %broadcast_in_dim3A_328 : vector<16xi32>
      %bitcast_convert_type3A_495 = tpu.bitcast %and3A_494 : vector<16xi32> -> vector<16xf32>
      %add3A_496 = arith.addf %add3A_484, %bitcast_convert_type3A_495 : vector<16xf32>
      %get3A_497 = arith.constant 0 : i32
      %get3A_498 = arith.index_cast %get3A_497 : i32 to index
      %get3A_499 = arith.constant 176 : index
      %get3A_500 = tpu.vector_load %arg7[%get3A_498, %get3A_499] {strides = array<i32>} : memref<16x208xi32, #tpu.memory_space<vmem>>, vector<16xi32>,
      %shift_left3A_501 = arith.constant 16 : i32
      %shift_left3A_502 = vector.broadcast %shift_left3A_501 : i32 to vector<16xi32>
      %shift_left3A_503 = arith.shli %get3A_500, %shift_left3A_502 : vector<16xi32>
      %bitcast_convert_type3A_504 = tpu.bitcast %shift_left3A_503 : vector<16xi32> -> vector<16xf32>
      %add3A_505 = arith.addf %add3A_493, %bitcast_convert_type3A_504 : vector<16xf32>
      %and3A_506 = arith.andi %get3A_500, %broadcast_in_dim3A_328 : vector<16xi32>
      %bitcast_convert_type3A_507 = tpu.bitcast %and3A_506 : vector<16xi32> -> vector<16xf32>
      %add3A_508 = arith.addf %add3A_496, %bitcast_convert_type3A_507 : vector<16xf32>
      %get3A_509 = arith.constant 0 : i32
      %get3A_510 = arith.index_cast %get3A_509 : i32 to index
      %get3A_511 = arith.constant 192 : index
      %get3A_512 = tpu.vector_load %arg7[%get3A_510, %get3A_511] {strides = array<i32>} : memref<16x208xi32, #tpu.memory_space<vmem>>, vector<16xi32>,
      %shift_left3A_513 = arith.constant 16 : i32
      %shift_left3A_514 = vector.broadcast %shift_left3A_513 : i32 to vector<16xi32>
      %shift_left3A_515 = arith.shli %get3A_512, %shift_left3A_514 : vector<16xi32>
      %bitcast_convert_type3A_516 = tpu.bitcast %shift_left3A_515 : vector<16xi32> -> vector<16xf32>
      %add3A_517 = arith.addf %add3A_505, %bitcast_convert_type3A_516 : vector<16xf32>
      %and3A_518 = arith.andi %get3A_512, %broadcast_in_dim3A_328 : vector<16xi32>
      %bitcast_convert_type3A_519 = tpu.bitcast %and3A_518 : vector<16xi32> -> vector<16xf32>
      %add3A_520 = arith.addf %add3A_508, %bitcast_convert_type3A_519 : vector<16xf32>
      %reduce_sum3A = arith.constant true
      %reduce_sum3A_521 = vector.broadcast %reduce_sum3A : i1 to vector<16xi1>
      %reduce_sum3A_522 = tpu.scan <sum>, %add3A_517 masked %reduce_sum3A_521 : vector<16xf32>, vector<16xi1> -> vector<16xf32>
      %reduce_sum3A_523 = vector.extract %reduce_sum3A_522[15] : f32 from vector<16xf32>
      %mul3A_524 = arith.constant 5.000000e-03 : f32
      %mul3A_525 = arith.mulf %reduce_sum3A_523, %mul3A_524 : f32
      %reduce_sum3A_526 = arith.constant true
      %reduce_sum3A_527 = vector.broadcast %reduce_sum3A_526 : i1 to vector<16xi1>
      %reduce_sum3A_528 = tpu.scan <sum>, %add3A_520 masked %reduce_sum3A_527 : vector<16xf32>, vector<16xi1> -> vector<16xf32>
      %reduce_sum3A_529 = vector.extract %reduce_sum3A_528[15] : f32 from vector<16xf32>
      %mul3A_530 = arith.constant 5.000000e-03 : f32
      %mul3A_531 = arith.mulf %reduce_sum3A_529, %mul3A_530 : f32
      %add3A_532 = arith.constant 16 : i32
      %add3A_533 = arith.addi %add3A_341, %add3A_532 : i32
      %lt3A = arith.constant 128 : i32
      %lt3A_534 = arith.cmpi slt, %add3A_533, %lt3A : i32
      %convert_element_type3A = arith.extui %lt3A_534 : i1 to i32
      %cond3A = arith.constant 0 : i32
      %cond3A_535 = arith.cmpi ne, %convert_element_type3A, %cond3A : i32
      scf.if %cond3A_535 {
        %add3A_3911 = arith.constant 16 : i32
        %add3A_3912 = arith.addi %add3A_341, %add3A_3911 : i32
        %mul3A_3913 = arith.constant 2 : i32
        %mul3A_3914 = arith.muli %mul3A_3913, %add3A_3912 : i32
        %dma_start3A_3915 = arith.constant 0 : i32
        %dma_start3A_3916 = arith.constant 0 : i32
        %dma_start3A_3917 = tpu.memref_slice %arg7[%dma_start3A_3915, %dma_start3A_3916] : memref<16x208xi32, #tpu.memory_space<vmem>> -> memref<1x104xi32, #tpu.memory_space<vmem>>
        %dma_start3A_3918 = tpu.memref_squeeze %dma_start3A_3917 : memref<1x104xi32, #tpu.memory_space<vmem>> -> memref<104xi32, #tpu.memory_space<vmem>>
        %dma_start3A_3919 = arith.constant 0 : i32
        %dma_start3A_3920 = tpu.memref_slice %arg6[%mul3A_3914, %dma_start3A_3919] : memref<256x104xi32, #tpu.memory_space<vmem>> -> memref<1x104xi32, #tpu.memory_space<vmem>>
        %dma_start3A_3921 = tpu.memref_squeeze %dma_start3A_3920 : memref<1x104xi32, #tpu.memory_space<vmem>> -> memref<104xi32, #tpu.memory_space<vmem>>
        %dma_start3A_3922 = arith.constant 0 : i32
        %dma_start3A_3923 = tpu.memref_slice %arg8[%dma_start3A_3922] : memref<1000064xi32, #tpu.memory_space<vmem_shared>> -> memref<1000064xi32, #tpu.memory_space<vmem_shared>>
        tpu.enqueue_indirect_dma source(%dma_start3A_3923 : memref<1000064xi32, #tpu.memory_space<vmem_shared>>) target(%dma_start3A_3918 : memref<104xi32, #tpu.memory_space<vmem>>) offsets(%dma_start3A_3921 : memref<104xi32, #tpu.memory_space<vmem>>) semaphore(%arg11 : memref<!tpu.dma_semaphore, #tpu.memory_space<semaphore_mem>>)
        %mul3A_3924 = arith.constant 2 : i32
        %mul3A_3925 = arith.muli %mul3A_3924, %add3A_3912 : i32
        %add3A_3926 = arith.constant 1 : i32
        %add3A_3927 = arith.addi %mul3A_3925, %add3A_3926 : i32
        %dma_start3A_3928 = arith.constant 0 : i32
        %dma_start3A_3929 = arith.constant 104 : i32
        %dma_start3A_3930 = tpu.memref_slice %arg7[%dma_start3A_3928, %dma_start3A_3929] : memref<16x208xi32, #tpu.memory_space<vmem>> -> memref<1x104xi32, #tpu.memory_space<vmem>>
        %dma_start3A_3931 = tpu.memref_squeeze %dma_start3A_3930 : memref<1x104xi32, #tpu.memory_space<vmem>> -> memref<104xi32, #tpu.memory_space<vmem>>
        %dma_start3A_3932 = arith.constant 0 : i32
        %dma_start3A_3933 = tpu.memref_slice %arg6[%add3A_3927, %dma_start3A_3932] : memref<256x104xi32, #tpu.memory_space<vmem>> -> memref<1x104xi32, #tpu.memory_space<vmem>>
        %dma_start3A_3934 = tpu.memref_squeeze %dma_start3A_3933 : memref<1x104xi32, #tpu.memory_space<vmem>> -> memref<104xi32, #tpu.memory_space<vmem>>
        %dma_start3A_3935 = arith.constant 0 : i32
        %dma_start3A_3936 = tpu.memref_slice %arg8[%dma_start3A_3935] : memref<1000064xi32, #tpu.memory_space<vmem_shared>> -> memref<1000064xi32, #tpu.memory_space<vmem_shared>>
        tpu.enqueue_indirect_dma source(%dma_start3A_3936 : memref<1000064xi32, #tpu.memory_space<vmem_shared>>) target(%dma_start3A_3931 : memref<104xi32, #tpu.memory_space<vmem>>) offsets(%dma_start3A_3934 : memref<104xi32, #tpu.memory_space<vmem>>) semaphore(%arg11 : memref<!tpu.dma_semaphore, #tpu.memory_space<semaphore_mem>>)
      } else {
      }
      %eq3A = arith.constant 0 : i32
      %eq3A_536 = vector.broadcast %eq3A : i32 to vector<16xi32>
      %eq3A_537 = arith.cmpi eq, %iota3A, %eq3A_536 : vector<16xi32>
      %eq3A_538 = arith.constant 1 : i32
      %eq3A_539 = vector.broadcast %eq3A_538 : i32 to vector<16xi32>
      %eq3A_540 = arith.cmpi eq, %iota3A, %eq3A_539 : vector<16xi32>
      %jit3A = arith.constant 0.000000e+00 : f32
      %broadcast_in_dim3A_541 = vector.broadcast %mul3A_531 : f32 to vector<16xf32>
      %broadcast_in_dim3A_542 = vector.broadcast %jit3A : f32 to vector<16xf32>
      %select_n3A = arith.select %eq3A_540, %broadcast_in_dim3A_541, %broadcast_in_dim3A_542 : vector<16xi1>, vector<16xf32>
      %broadcast_in_dim3A_543 = vector.broadcast %mul3A_525 : f32 to vector<16xf32>
      %select_n3A_544 = arith.select %eq3A_537, %broadcast_in_dim3A_543, %select_n3A : vector<16xi1>, vector<16xf32>
      %get3A_545 = arith.constant 0 : index
      %get3A_546 = tpu.vector_load %arg9[%get3A_545] {strides = array<i32>} : memref<16xf32, #tpu.memory_space<vmem>>, vector<16xf32>,
      %add3A_547 = arith.addf %select_n3A_544, %get3A_546 : vector<16xf32>
      %mul3A_548 = arith.constant 2 : i32
      %mul3A_549 = arith.muli %mul3A_548, %add3A_341 : i32
      %swap3A = arith.index_cast %mul3A_549 : i32 to index
      %swap3A_550 = tpu.vector_load %arg10[%swap3A] {strides = array<i32>} : memref<272xf32, #tpu.memory_space<vmem>>, vector<16xf32>,
      tpu.vector_store %arg10[%swap3A], %add3A_547 {strides = array<i32>} : memref<272xf32, #tpu.memory_space<vmem>>, vector<16xf32>,
      %add3A_551 = arith.constant 1 : i32
      %add3A_552 = arith.addi %add3A_339, %add3A_551 : i32
      %mul3A_553 = arith.constant 2 : i32
      %mul3A_554 = arith.muli %mul3A_553, %add3A_552 : i32
      %dma_wait3A_555 = arith.constant 1 : i32
      %dma_wait3A_556 = arith.constant 0 : i32
      %dma_wait3A_557 = tpu.memref_slice %arg7[%dma_wait3A_555, %dma_wait3A_556] : memref<16x208xi32, #tpu.memory_space<vmem>> -> memref<1x104xi32, #tpu.memory_space<vmem>>
      %dma_wait3A_558 = tpu.memref_squeeze %dma_wait3A_557 : memref<1x104xi32, #tpu.memory_space<vmem>> -> memref<104xi32, #tpu.memory_space<vmem>>
      %dma_wait3A_559 = arith.constant 0 : i32
      %dma_wait3A_560 = tpu.memref_slice %arg6[%mul3A_554, %dma_wait3A_559] : memref<256x104xi32, #tpu.memory_space<vmem>> -> memref<1x104xi32, #tpu.memory_space<vmem>>
      %dma_wait3A_561 = tpu.memref_squeeze %dma_wait3A_560 : memref<1x104xi32, #tpu.memory_space<vmem>> -> memref<104xi32, #tpu.memory_space<vmem>>
      %dma_wait3A_562 = arith.constant 0 : i32
      %dma_wait3A_563 = tpu.memref_slice %arg8[%dma_wait3A_562] : memref<1000064xi32, #tpu.memory_space<vmem_shared>> -> memref<1000064xi32, #tpu.memory_space<vmem_shared>>
      tpu.wait_indirect_dma semaphore(%arg12 : memref<!tpu.dma_semaphore, #tpu.memory_space<semaphore_mem>>) src(%dma_wait3A_563 : memref<1000064xi32, #tpu.memory_space<vmem_shared>>) dst(%dma_wait3A_558 : memref<104xi32, #tpu.memory_space<vmem>>)
      %mul3A_564 = arith.constant 2 : i32
      %mul3A_565 = arith.muli %mul3A_564, %add3A_552 : i32
      %add3A_566 = arith.constant 1 : i32
      %add3A_567 = arith.addi %mul3A_565, %add3A_566 : i32
      %dma_wait3A_568 = arith.constant 1 : i32
      %dma_wait3A_569 = arith.constant 104 : i32
      %dma_wait3A_570 = tpu.memref_slice %arg7[%dma_wait3A_568, %dma_wait3A_569] : memref<16x208xi32, #tpu.memory_space<vmem>> -> memref<1x104xi32, #tpu.memory_space<vmem>>
      %dma_wait3A_571 = tpu.memref_squeeze %dma_wait3A_570 : memref<1x104xi32, #tpu.memory_space<vmem>> -> memref<104xi32, #tpu.memory_space<vmem>>
      %dma_wait3A_572 = arith.constant 0 : i32
      %dma_wait3A_573 = tpu.memref_slice %arg6[%add3A_567, %dma_wait3A_572] : memref<256x104xi32, #tpu.memory_space<vmem>> -> memref<1x104xi32, #tpu.memory_space<vmem>>
      %dma_wait3A_574 = tpu.memref_squeeze %dma_wait3A_573 : memref<1x104xi32, #tpu.memory_space<vmem>> -> memref<104xi32, #tpu.memory_space<vmem>>
      %dma_wait3A_575 = arith.constant 0 : i32
      %dma_wait3A_576 = tpu.memref_slice %arg8[%dma_wait3A_575] : memref<1000064xi32, #tpu.memory_space<vmem_shared>> -> memref<1000064xi32, #tpu.memory_space<vmem_shared>>
      tpu.wait_indirect_dma semaphore(%arg12 : memref<!tpu.dma_semaphore, #tpu.memory_space<semaphore_mem>>) src(%dma_wait3A_576 : memref<1000064xi32, #tpu.memory_space<vmem_shared>>) dst(%dma_wait3A_571 : memref<104xi32, #tpu.memory_space<vmem>>)
      %broadcast_in_dim3A_577 = arith.constant 0.000000e+00 : f32
      %broadcast_in_dim3A_578 = vector.broadcast %broadcast_in_dim3A_577 : f32 to vector<16xf32>
      %broadcast_in_dim3A_579 = arith.constant 0.000000e+00 : f32
      %broadcast_in_dim3A_580 = vector.broadcast %broadcast_in_dim3A_579 : f32 to vector<16xf32>
      %get3A_581 = arith.constant 1 : i32
      %get3A_582 = arith.index_cast %get3A_581 : i32 to index
      %get3A_583 = arith.constant 0 : index
      %get3A_584 = tpu.vector_load %arg7[%get3A_582, %get3A_583] {strides = array<i32>} : memref<16x208xi32, #tpu.memory_space<vmem>>, vector<16xi32>,
      %shift_left3A_585 = arith.constant 16 : i32
      %shift_left3A_586 = vector.broadcast %shift_left3A_585 : i32 to vector<16xi32>
      %shift_left3A_587 = arith.shli %get3A_584, %shift_left3A_586 : vector<16xi32>
      %bitcast_convert_type3A_588 = tpu.bitcast %shift_left3A_587 : vector<16xi32> -> vector<16xf32>
      %add3A_589 = arith.addf %broadcast_in_dim3A_578, %bitcast_convert_type3A_588 : vector<16xf32>
      %and3A_590 = arith.andi %get3A_584, %broadcast_in_dim3A_328 : vector<16xi32>
      %bitcast_convert_type3A_591 = tpu.bitcast %and3A_590 : vector<16xi32> -> vector<16xf32>
      %add3A_592 = arith.addf %broadcast_in_dim3A_580, %bitcast_convert_type3A_591 : vector<16xf32>
      %get3A_593 = arith.constant 1 : i32
      %get3A_594 = arith.index_cast %get3A_593 : i32 to index
      %get3A_595 = arith.constant 16 : index
      %get3A_596 = tpu.vector_load %arg7[%get3A_594, %get3A_595] {strides = array<i32>} : memref<16x208xi32, #tpu.memory_space<vmem>>, vector<16xi32>,
      %shift_left3A_597 = arith.constant 16 : i32
      %shift_left3A_598 = vector.broadcast %shift_left3A_597 : i32 to vector<16xi32>
      %shift_left3A_599 = arith.shli %get3A_596, %shift_left3A_598 : vector<16xi32>
      %bitcast_convert_type3A_600 = tpu.bitcast %shift_left3A_599 : vector<16xi32> -> vector<16xf32>
      %add3A_601 = arith.addf %add3A_589, %bitcast_convert_type3A_600 : vector<16xf32>
      %and3A_602 = arith.andi %get3A_596, %broadcast_in_dim3A_328 : vector<16xi32>
      %bitcast_convert_type3A_603 = tpu.bitcast %and3A_602 : vector<16xi32> -> vector<16xf32>
      %add3A_604 = arith.addf %add3A_592, %bitcast_convert_type3A_603 : vector<16xf32>
      %get3A_605 = arith.constant 1 : i32
      %get3A_606 = arith.index_cast %get3A_605 : i32 to index
      %get3A_607 = arith.constant 32 : index
      %get3A_608 = tpu.vector_load %arg7[%get3A_606, %get3A_607] {strides = array<i32>} : memref<16x208xi32, #tpu.memory_space<vmem>>, vector<16xi32>,
      %shift_left3A_609 = arith.constant 16 : i32
      %shift_left3A_610 = vector.broadcast %shift_left3A_609 : i32 to vector<16xi32>
      %shift_left3A_611 = arith.shli %get3A_608, %shift_left3A_610 : vector<16xi32>
      %bitcast_convert_type3A_612 = tpu.bitcast %shift_left3A_611 : vector<16xi32> -> vector<16xf32>
      %add3A_613 = arith.addf %add3A_601, %bitcast_convert_type3A_612 : vector<16xf32>
      %and3A_614 = arith.andi %get3A_608, %broadcast_in_dim3A_328 : vector<16xi32>
      %bitcast_convert_type3A_615 = tpu.bitcast %and3A_614 : vector<16xi32> -> vector<16xf32>
      %add3A_616 = arith.addf %add3A_604, %bitcast_convert_type3A_615 : vector<16xf32>
      %get3A_617 = arith.constant 1 : i32
      %get3A_618 = arith.index_cast %get3A_617 : i32 to index
      %get3A_619 = arith.constant 48 : index
      %get3A_620 = tpu.vector_load %arg7[%get3A_618, %get3A_619] {strides = array<i32>} : memref<16x208xi32, #tpu.memory_space<vmem>>, vector<16xi32>,
      %shift_left3A_621 = arith.constant 16 : i32
      %shift_left3A_622 = vector.broadcast %shift_left3A_621 : i32 to vector<16xi32>
      %shift_left3A_623 = arith.shli %get3A_620, %shift_left3A_622 : vector<16xi32>
      %bitcast_convert_type3A_624 = tpu.bitcast %shift_left3A_623 : vector<16xi32> -> vector<16xf32>
      %add3A_625 = arith.addf %add3A_613, %bitcast_convert_type3A_624 : vector<16xf32>
      %and3A_626 = arith.andi %get3A_620, %broadcast_in_dim3A_328 : vector<16xi32>
      %bitcast_convert_type3A_627 = tpu.bitcast %and3A_626 : vector<16xi32> -> vector<16xf32>
      %add3A_628 = arith.addf %add3A_616, %bitcast_convert_type3A_627 : vector<16xf32>
      %get3A_629 = arith.constant 1 : i32
      %get3A_630 = arith.index_cast %get3A_629 : i32 to index
      %get3A_631 = arith.constant 64 : index
      %get3A_632 = tpu.vector_load %arg7[%get3A_630, %get3A_631] {strides = array<i32>} : memref<16x208xi32, #tpu.memory_space<vmem>>, vector<16xi32>,
      %shift_left3A_633 = arith.constant 16 : i32
      %shift_left3A_634 = vector.broadcast %shift_left3A_633 : i32 to vector<16xi32>
      %shift_left3A_635 = arith.shli %get3A_632, %shift_left3A_634 : vector<16xi32>
      %bitcast_convert_type3A_636 = tpu.bitcast %shift_left3A_635 : vector<16xi32> -> vector<16xf32>
      %add3A_637 = arith.addf %add3A_625, %bitcast_convert_type3A_636 : vector<16xf32>
      %and3A_638 = arith.andi %get3A_632, %broadcast_in_dim3A_328 : vector<16xi32>
      %bitcast_convert_type3A_639 = tpu.bitcast %and3A_638 : vector<16xi32> -> vector<16xf32>
      %add3A_640 = arith.addf %add3A_628, %bitcast_convert_type3A_639 : vector<16xf32>
      %get3A_641 = arith.constant 1 : i32
      %get3A_642 = arith.index_cast %get3A_641 : i32 to index
      %get3A_643 = arith.constant 80 : index
      %get3A_644 = tpu.vector_load %arg7[%get3A_642, %get3A_643] {strides = array<i32>} : memref<16x208xi32, #tpu.memory_space<vmem>>, vector<16xi32>,
      %shift_left3A_645 = arith.constant 16 : i32
      %shift_left3A_646 = vector.broadcast %shift_left3A_645 : i32 to vector<16xi32>
      %shift_left3A_647 = arith.shli %get3A_644, %shift_left3A_646 : vector<16xi32>
      %bitcast_convert_type3A_648 = tpu.bitcast %shift_left3A_647 : vector<16xi32> -> vector<16xf32>
      %add3A_649 = arith.addf %add3A_637, %bitcast_convert_type3A_648 : vector<16xf32>
      %and3A_650 = arith.andi %get3A_644, %broadcast_in_dim3A_328 : vector<16xi32>
      %bitcast_convert_type3A_651 = tpu.bitcast %and3A_650 : vector<16xi32> -> vector<16xf32>
      %add3A_652 = arith.addf %add3A_640, %bitcast_convert_type3A_651 : vector<16xf32>
      %get3A_653 = arith.constant 1 : i32
      %get3A_654 = arith.index_cast %get3A_653 : i32 to index
      %get3A_655 = arith.constant 96 : index
      %get3A_656 = tpu.vector_load %arg7[%get3A_654, %get3A_655] {strides = array<i32>} : memref<16x208xi32, #tpu.memory_space<vmem>>, vector<16xi32>,
      %shift_left3A_657 = arith.constant 16 : i32
      %shift_left3A_658 = vector.broadcast %shift_left3A_657 : i32 to vector<16xi32>
      %shift_left3A_659 = arith.shli %get3A_656, %shift_left3A_658 : vector<16xi32>
      %bitcast_convert_type3A_660 = tpu.bitcast %shift_left3A_659 : vector<16xi32> -> vector<16xf32>
      %add3A_661 = arith.addf %add3A_649, %bitcast_convert_type3A_660 : vector<16xf32>
      %and3A_662 = arith.andi %get3A_656, %broadcast_in_dim3A_328 : vector<16xi32>
      %bitcast_convert_type3A_663 = tpu.bitcast %and3A_662 : vector<16xi32> -> vector<16xf32>
      %add3A_664 = arith.addf %add3A_652, %bitcast_convert_type3A_663 : vector<16xf32>
      %get3A_665 = arith.constant 1 : i32
      %get3A_666 = arith.index_cast %get3A_665 : i32 to index
      %get3A_667 = arith.constant 112 : index
      %get3A_668 = tpu.vector_load %arg7[%get3A_666, %get3A_667] {strides = array<i32>} : memref<16x208xi32, #tpu.memory_space<vmem>>, vector<16xi32>,
      %shift_left3A_669 = arith.constant 16 : i32
      %shift_left3A_670 = vector.broadcast %shift_left3A_669 : i32 to vector<16xi32>
      %shift_left3A_671 = arith.shli %get3A_668, %shift_left3A_670 : vector<16xi32>
      %bitcast_convert_type3A_672 = tpu.bitcast %shift_left3A_671 : vector<16xi32> -> vector<16xf32>
      %add3A_673 = arith.addf %add3A_661, %bitcast_convert_type3A_672 : vector<16xf32>
      %and3A_674 = arith.andi %get3A_668, %broadcast_in_dim3A_328 : vector<16xi32>
      %bitcast_convert_type3A_675 = tpu.bitcast %and3A_674 : vector<16xi32> -> vector<16xf32>
      %add3A_676 = arith.addf %add3A_664, %bitcast_convert_type3A_675 : vector<16xf32>
      %get3A_677 = arith.constant 1 : i32
      %get3A_678 = arith.index_cast %get3A_677 : i32 to index
      %get3A_679 = arith.constant 128 : index
      %get3A_680 = tpu.vector_load %arg7[%get3A_678, %get3A_679] {strides = array<i32>} : memref<16x208xi32, #tpu.memory_space<vmem>>, vector<16xi32>,
      %shift_left3A_681 = arith.constant 16 : i32
      %shift_left3A_682 = vector.broadcast %shift_left3A_681 : i32 to vector<16xi32>
      %shift_left3A_683 = arith.shli %get3A_680, %shift_left3A_682 : vector<16xi32>
      %bitcast_convert_type3A_684 = tpu.bitcast %shift_left3A_683 : vector<16xi32> -> vector<16xf32>
      %add3A_685 = arith.addf %add3A_673, %bitcast_convert_type3A_684 : vector<16xf32>
      %and3A_686 = arith.andi %get3A_680, %broadcast_in_dim3A_328 : vector<16xi32>
      %bitcast_convert_type3A_687 = tpu.bitcast %and3A_686 : vector<16xi32> -> vector<16xf32>
      %add3A_688 = arith.addf %add3A_676, %bitcast_convert_type3A_687 : vector<16xf32>
      %get3A_689 = arith.constant 1 : i32
      %get3A_690 = arith.index_cast %get3A_689 : i32 to index
      %get3A_691 = arith.constant 144 : index
      %get3A_692 = tpu.vector_load %arg7[%get3A_690, %get3A_691] {strides = array<i32>} : memref<16x208xi32, #tpu.memory_space<vmem>>, vector<16xi32>,
      %shift_left3A_693 = arith.constant 16 : i32
      %shift_left3A_694 = vector.broadcast %shift_left3A_693 : i32 to vector<16xi32>
      %shift_left3A_695 = arith.shli %get3A_692, %shift_left3A_694 : vector<16xi32>
      %bitcast_convert_type3A_696 = tpu.bitcast %shift_left3A_695 : vector<16xi32> -> vector<16xf32>
      %add3A_697 = arith.addf %add3A_685, %bitcast_convert_type3A_696 : vector<16xf32>
      %and3A_698 = arith.andi %get3A_692, %broadcast_in_dim3A_328 : vector<16xi32>
      %bitcast_convert_type3A_699 = tpu.bitcast %and3A_698 : vector<16xi32> -> vector<16xf32>
      %add3A_700 = arith.addf %add3A_688, %bitcast_convert_type3A_699 : vector<16xf32>
      %get3A_701 = arith.constant 1 : i32
      %get3A_702 = arith.index_cast %get3A_701 : i32 to index
      %get3A_703 = arith.constant 160 : index
      %get3A_704 = tpu.vector_load %arg7[%get3A_702, %get3A_703] {strides = array<i32>} : memref<16x208xi32, #tpu.memory_space<vmem>>, vector<16xi32>,
      %shift_left3A_705 = arith.constant 16 : i32
      %shift_left3A_706 = vector.broadcast %shift_left3A_705 : i32 to vector<16xi32>
      %shift_left3A_707 = arith.shli %get3A_704, %shift_left3A_706 : vector<16xi32>
      %bitcast_convert_type3A_708 = tpu.bitcast %shift_left3A_707 : vector<16xi32> -> vector<16xf32>
      %add3A_709 = arith.addf %add3A_697, %bitcast_convert_type3A_708 : vector<16xf32>
      %and3A_710 = arith.andi %get3A_704, %broadcast_in_dim3A_328 : vector<16xi32>
      %bitcast_convert_type3A_711 = tpu.bitcast %and3A_710 : vector<16xi32> -> vector<16xf32>
      %add3A_712 = arith.addf %add3A_700, %bitcast_convert_type3A_711 : vector<16xf32>
      %get3A_713 = arith.constant 1 : i32
      %get3A_714 = arith.index_cast %get3A_713 : i32 to index
      %get3A_715 = arith.constant 176 : index
      %get3A_716 = tpu.vector_load %arg7[%get3A_714, %get3A_715] {strides = array<i32>} : memref<16x208xi32, #tpu.memory_space<vmem>>, vector<16xi32>,
      %shift_left3A_717 = arith.constant 16 : i32
      %shift_left3A_718 = vector.broadcast %shift_left3A_717 : i32 to vector<16xi32>
      %shift_left3A_719 = arith.shli %get3A_716, %shift_left3A_718 : vector<16xi32>
      %bitcast_convert_type3A_720 = tpu.bitcast %shift_left3A_719 : vector<16xi32> -> vector<16xf32>
      %add3A_721 = arith.addf %add3A_709, %bitcast_convert_type3A_720 : vector<16xf32>
      %and3A_722 = arith.andi %get3A_716, %broadcast_in_dim3A_328 : vector<16xi32>
      %bitcast_convert_type3A_723 = tpu.bitcast %and3A_722 : vector<16xi32> -> vector<16xf32>
      %add3A_724 = arith.addf %add3A_712, %bitcast_convert_type3A_723 : vector<16xf32>
      %get3A_725 = arith.constant 1 : i32
      %get3A_726 = arith.index_cast %get3A_725 : i32 to index
      %get3A_727 = arith.constant 192 : index
      %get3A_728 = tpu.vector_load %arg7[%get3A_726, %get3A_727] {strides = array<i32>} : memref<16x208xi32, #tpu.memory_space<vmem>>, vector<16xi32>,
      %shift_left3A_729 = arith.constant 16 : i32
      %shift_left3A_730 = vector.broadcast %shift_left3A_729 : i32 to vector<16xi32>
      %shift_left3A_731 = arith.shli %get3A_728, %shift_left3A_730 : vector<16xi32>
      %bitcast_convert_type3A_732 = tpu.bitcast %shift_left3A_731 : vector<16xi32> -> vector<16xf32>
      %add3A_733 = arith.addf %add3A_721, %bitcast_convert_type3A_732 : vector<16xf32>
      %and3A_734 = arith.andi %get3A_728, %broadcast_in_dim3A_328 : vector<16xi32>
      %bitcast_convert_type3A_735 = tpu.bitcast %and3A_734 : vector<16xi32> -> vector<16xf32>
      %add3A_736 = arith.addf %add3A_724, %bitcast_convert_type3A_735 : vector<16xf32>
      %reduce_sum3A_737 = arith.constant true
      %reduce_sum3A_738 = vector.broadcast %reduce_sum3A_737 : i1 to vector<16xi1>
      %reduce_sum3A_739 = tpu.scan <sum>, %add3A_733 masked %reduce_sum3A_738 : vector<16xf32>, vector<16xi1> -> vector<16xf32>
      %reduce_sum3A_740 = vector.extract %reduce_sum3A_739[15] : f32 from vector<16xf32>
      %mul3A_741 = arith.constant 5.000000e-03 : f32
      %mul3A_742 = arith.mulf %reduce_sum3A_740, %mul3A_741 : f32
      %reduce_sum3A_743 = arith.constant true
      %reduce_sum3A_744 = vector.broadcast %reduce_sum3A_743 : i1 to vector<16xi1>
      %reduce_sum3A_745 = tpu.scan <sum>, %add3A_736 masked %reduce_sum3A_744 : vector<16xf32>, vector<16xi1> -> vector<16xf32>
      %reduce_sum3A_746 = vector.extract %reduce_sum3A_745[15] : f32 from vector<16xf32>
      %mul3A_747 = arith.constant 5.000000e-03 : f32
      %mul3A_748 = arith.mulf %reduce_sum3A_746, %mul3A_747 : f32
      %add3A_749 = arith.constant 16 : i32
      %add3A_750 = arith.addi %add3A_552, %add3A_749 : i32
      %lt3A_751 = arith.constant 128 : i32
      %lt3A_752 = arith.cmpi slt, %add3A_750, %lt3A_751 : i32
      %convert_element_type3A_753 = arith.extui %lt3A_752 : i1 to i32
      %cond3A_754 = arith.constant 0 : i32
      %cond3A_755 = arith.cmpi ne, %convert_element_type3A_753, %cond3A_754 : i32
      scf.if %cond3A_755 {
        %add3A_3911 = arith.constant 16 : i32
        %add3A_3912 = arith.addi %add3A_552, %add3A_3911 : i32
        %mul3A_3913 = arith.constant 2 : i32
        %mul3A_3914 = arith.muli %mul3A_3913, %add3A_3912 : i32
        %dma_start3A_3915 = arith.constant 1 : i32
        %dma_start3A_3916 = arith.constant 0 : i32
        %dma_start3A_3917 = tpu.memref_slice %arg7[%dma_start3A_3915, %dma_start3A_3916] : memref<16x208xi32, #tpu.memory_space<vmem>> -> memref<1x104xi32, #tpu.memory_space<vmem>>
        %dma_start3A_3918 = tpu.memref_squeeze %dma_start3A_3917 : memref<1x104xi32, #tpu.memory_space<vmem>> -> memref<104xi32, #tpu.memory_space<vmem>>
        %dma_start3A_3919 = arith.constant 0 : i32
        %dma_start3A_3920 = tpu.memref_slice %arg6[%mul3A_3914, %dma_start3A_3919] : memref<256x104xi32, #tpu.memory_space<vmem>> -> memref<1x104xi32, #tpu.memory_space<vmem>>
        %dma_start3A_3921 = tpu.memref_squeeze %dma_start3A_3920 : memref<1x104xi32, #tpu.memory_space<vmem>> -> memref<104xi32, #tpu.memory_space<vmem>>
        %dma_start3A_3922 = arith.constant 0 : i32
        %dma_start3A_3923 = tpu.memref_slice %arg8[%dma_start3A_3922] : memref<1000064xi32, #tpu.memory_space<vmem_shared>> -> memref<1000064xi32, #tpu.memory_space<vmem_shared>>
        tpu.enqueue_indirect_dma source(%dma_start3A_3923 : memref<1000064xi32, #tpu.memory_space<vmem_shared>>) target(%dma_start3A_3918 : memref<104xi32, #tpu.memory_space<vmem>>) offsets(%dma_start3A_3921 : memref<104xi32, #tpu.memory_space<vmem>>) semaphore(%arg12 : memref<!tpu.dma_semaphore, #tpu.memory_space<semaphore_mem>>)
        %mul3A_3924 = arith.constant 2 : i32
        %mul3A_3925 = arith.muli %mul3A_3924, %add3A_3912 : i32
        %add3A_3926 = arith.constant 1 : i32
        %add3A_3927 = arith.addi %mul3A_3925, %add3A_3926 : i32
        %dma_start3A_3928 = arith.constant 1 : i32
        %dma_start3A_3929 = arith.constant 104 : i32
        %dma_start3A_3930 = tpu.memref_slice %arg7[%dma_start3A_3928, %dma_start3A_3929] : memref<16x208xi32, #tpu.memory_space<vmem>> -> memref<1x104xi32, #tpu.memory_space<vmem>>
        %dma_start3A_3931 = tpu.memref_squeeze %dma_start3A_3930 : memref<1x104xi32, #tpu.memory_space<vmem>> -> memref<104xi32, #tpu.memory_space<vmem>>
        %dma_start3A_3932 = arith.constant 0 : i32
        %dma_start3A_3933 = tpu.memref_slice %arg6[%add3A_3927, %dma_start3A_3932] : memref<256x104xi32, #tpu.memory_space<vmem>> -> memref<1x104xi32, #tpu.memory_space<vmem>>
        %dma_start3A_3934 = tpu.memref_squeeze %dma_start3A_3933 : memref<1x104xi32, #tpu.memory_space<vmem>> -> memref<104xi32, #tpu.memory_space<vmem>>
        %dma_start3A_3935 = arith.constant 0 : i32
        %dma_start3A_3936 = tpu.memref_slice %arg8[%dma_start3A_3935] : memref<1000064xi32, #tpu.memory_space<vmem_shared>> -> memref<1000064xi32, #tpu.memory_space<vmem_shared>>
        tpu.enqueue_indirect_dma source(%dma_start3A_3936 : memref<1000064xi32, #tpu.memory_space<vmem_shared>>) target(%dma_start3A_3931 : memref<104xi32, #tpu.memory_space<vmem>>) offsets(%dma_start3A_3934 : memref<104xi32, #tpu.memory_space<vmem>>) semaphore(%arg12 : memref<!tpu.dma_semaphore, #tpu.memory_space<semaphore_mem>>)
      } else {
      }
      %eq3A_756 = arith.constant 0 : i32
      %eq3A_757 = vector.broadcast %eq3A_756 : i32 to vector<16xi32>
      %eq3A_758 = arith.cmpi eq, %iota3A, %eq3A_757 : vector<16xi32>
      %eq3A_759 = arith.constant 1 : i32
      %eq3A_760 = vector.broadcast %eq3A_759 : i32 to vector<16xi32>
      %eq3A_761 = arith.cmpi eq, %iota3A, %eq3A_760 : vector<16xi32>
      %jit3A_762 = arith.constant 0.000000e+00 : f32
      %broadcast_in_dim3A_763 = vector.broadcast %mul3A_748 : f32 to vector<16xf32>
      %broadcast_in_dim3A_764 = vector.broadcast %jit3A_762 : f32 to vector<16xf32>
      %select_n3A_765 = arith.select %eq3A_761, %broadcast_in_dim3A_763, %broadcast_in_dim3A_764 : vector<16xi1>, vector<16xf32>
      %broadcast_in_dim3A_766 = vector.broadcast %mul3A_742 : f32 to vector<16xf32>
      %select_n3A_767 = arith.select %eq3A_758, %broadcast_in_dim3A_766, %select_n3A_765 : vector<16xi1>, vector<16xf32>
      %get3A_768 = arith.constant 0 : index
      %get3A_769 = tpu.vector_load %arg9[%get3A_768] {strides = array<i32>} : memref<16xf32, #tpu.memory_space<vmem>>, vector<16xf32>,
      %add3A_770 = arith.addf %select_n3A_767, %get3A_769 : vector<16xf32>
      %mul3A_771 = arith.constant 2 : i32
      %mul3A_772 = arith.muli %mul3A_771, %add3A_552 : i32
      %swap3A_773 = arith.index_cast %mul3A_772 : i32 to index
      %swap3A_774 = tpu.vector_load %arg10[%swap3A_773] {strides = array<i32>} : memref<272xf32, #tpu.memory_space<vmem>>, vector<16xf32>,
      tpu.vector_store %arg10[%swap3A_773], %add3A_770 {strides = array<i32>} : memref<272xf32, #tpu.memory_space<vmem>>, vector<16xf32>,
      %add3A_775 = arith.constant 2 : i32
      %add3A_776 = arith.addi %add3A_339, %add3A_775 : i32
      %mul3A_777 = arith.constant 2 : i32
      %mul3A_778 = arith.muli %mul3A_777, %add3A_776 : i32
      %dma_wait3A_779 = arith.constant 2 : i32
      %dma_wait3A_780 = arith.constant 0 : i32
      %dma_wait3A_781 = tpu.memref_slice %arg7[%dma_wait3A_779, %dma_wait3A_780] : memref<16x208xi32, #tpu.memory_space<vmem>> -> memref<1x104xi32, #tpu.memory_space<vmem>>
      %dma_wait3A_782 = tpu.memref_squeeze %dma_wait3A_781 : memref<1x104xi32, #tpu.memory_space<vmem>> -> memref<104xi32, #tpu.memory_space<vmem>>
      %dma_wait3A_783 = arith.constant 0 : i32
      %dma_wait3A_784 = tpu.memref_slice %arg6[%mul3A_778, %dma_wait3A_783] : memref<256x104xi32, #tpu.memory_space<vmem>> -> memref<1x104xi32, #tpu.memory_space<vmem>>
      %dma_wait3A_785 = tpu.memref_squeeze %dma_wait3A_784 : memref<1x104xi32, #tpu.memory_space<vmem>> -> memref<104xi32, #tpu.memory_space<vmem>>
      %dma_wait3A_786 = arith.constant 0 : i32
      %dma_wait3A_787 = tpu.memref_slice %arg8[%dma_wait3A_786] : memref<1000064xi32, #tpu.memory_space<vmem_shared>> -> memref<1000064xi32, #tpu.memory_space<vmem_shared>>
      tpu.wait_indirect_dma semaphore(%arg13 : memref<!tpu.dma_semaphore, #tpu.memory_space<semaphore_mem>>) src(%dma_wait3A_787 : memref<1000064xi32, #tpu.memory_space<vmem_shared>>) dst(%dma_wait3A_782 : memref<104xi32, #tpu.memory_space<vmem>>)
      %mul3A_788 = arith.constant 2 : i32
      %mul3A_789 = arith.muli %mul3A_788, %add3A_776 : i32
      %add3A_790 = arith.constant 1 : i32
      %add3A_791 = arith.addi %mul3A_789, %add3A_790 : i32
      %dma_wait3A_792 = arith.constant 2 : i32
      %dma_wait3A_793 = arith.constant 104 : i32
      %dma_wait3A_794 = tpu.memref_slice %arg7[%dma_wait3A_792, %dma_wait3A_793] : memref<16x208xi32, #tpu.memory_space<vmem>> -> memref<1x104xi32, #tpu.memory_space<vmem>>
      %dma_wait3A_795 = tpu.memref_squeeze %dma_wait3A_794 : memref<1x104xi32, #tpu.memory_space<vmem>> -> memref<104xi32, #tpu.memory_space<vmem>>
      %dma_wait3A_796 = arith.constant 0 : i32
      %dma_wait3A_797 = tpu.memref_slice %arg6[%add3A_791, %dma_wait3A_796] : memref<256x104xi32, #tpu.memory_space<vmem>> -> memref<1x104xi32, #tpu.memory_space<vmem>>
      %dma_wait3A_798 = tpu.memref_squeeze %dma_wait3A_797 : memref<1x104xi32, #tpu.memory_space<vmem>> -> memref<104xi32, #tpu.memory_space<vmem>>
      %dma_wait3A_799 = arith.constant 0 : i32
      %dma_wait3A_800 = tpu.memref_slice %arg8[%dma_wait3A_799] : memref<1000064xi32, #tpu.memory_space<vmem_shared>> -> memref<1000064xi32, #tpu.memory_space<vmem_shared>>
      tpu.wait_indirect_dma semaphore(%arg13 : memref<!tpu.dma_semaphore, #tpu.memory_space<semaphore_mem>>) src(%dma_wait3A_800 : memref<1000064xi32, #tpu.memory_space<vmem_shared>>) dst(%dma_wait3A_795 : memref<104xi32, #tpu.memory_space<vmem>>)
      %broadcast_in_dim3A_801 = arith.constant 0.000000e+00 : f32
      %broadcast_in_dim3A_802 = vector.broadcast %broadcast_in_dim3A_801 : f32 to vector<16xf32>
      %broadcast_in_dim3A_803 = arith.constant 0.000000e+00 : f32
      %broadcast_in_dim3A_804 = vector.broadcast %broadcast_in_dim3A_803 : f32 to vector<16xf32>
      %get3A_805 = arith.constant 2 : i32
      %get3A_806 = arith.index_cast %get3A_805 : i32 to index
      %get3A_807 = arith.constant 0 : index
      %get3A_808 = tpu.vector_load %arg7[%get3A_806, %get3A_807] {strides = array<i32>} : memref<16x208xi32, #tpu.memory_space<vmem>>, vector<16xi32>,
      %shift_left3A_809 = arith.constant 16 : i32
      %shift_left3A_810 = vector.broadcast %shift_left3A_809 : i32 to vector<16xi32>
      %shift_left3A_811 = arith.shli %get3A_808, %shift_left3A_810 : vector<16xi32>
      %bitcast_convert_type3A_812 = tpu.bitcast %shift_left3A_811 : vector<16xi32> -> vector<16xf32>
      %add3A_813 = arith.addf %broadcast_in_dim3A_802, %bitcast_convert_type3A_812 : vector<16xf32>
      %and3A_814 = arith.andi %get3A_808, %broadcast_in_dim3A_328 : vector<16xi32>
      %bitcast_convert_type3A_815 = tpu.bitcast %and3A_814 : vector<16xi32> -> vector<16xf32>
      %add3A_816 = arith.addf %broadcast_in_dim3A_804, %bitcast_convert_type3A_815 : vector<16xf32>
      %get3A_817 = arith.constant 2 : i32
      %get3A_818 = arith.index_cast %get3A_817 : i32 to index
      %get3A_819 = arith.constant 16 : index
      %get3A_820 = tpu.vector_load %arg7[%get3A_818, %get3A_819] {strides = array<i32>} : memref<16x208xi32, #tpu.memory_space<vmem>>, vector<16xi32>,
      %shift_left3A_821 = arith.constant 16 : i32
      %shift_left3A_822 = vector.broadcast %shift_left3A_821 : i32 to vector<16xi32>
      %shift_left3A_823 = arith.shli %get3A_820, %shift_left3A_822 : vector<16xi32>
      %bitcast_convert_type3A_824 = tpu.bitcast %shift_left3A_823 : vector<16xi32> -> vector<16xf32>
      %add3A_825 = arith.addf %add3A_813, %bitcast_convert_type3A_824 : vector<16xf32>
      %and3A_826 = arith.andi %get3A_820, %broadcast_in_dim3A_328 : vector<16xi32>
      %bitcast_convert_type3A_827 = tpu.bitcast %and3A_826 : vector<16xi32> -> vector<16xf32>
      %add3A_828 = arith.addf %add3A_816, %bitcast_convert_type3A_827 : vector<16xf32>
      %get3A_829 = arith.constant 2 : i32
      %get3A_830 = arith.index_cast %get3A_829 : i32 to index
      %get3A_831 = arith.constant 32 : index
      %get3A_832 = tpu.vector_load %arg7[%get3A_830, %get3A_831] {strides = array<i32>} : memref<16x208xi32, #tpu.memory_space<vmem>>, vector<16xi32>,
      %shift_left3A_833 = arith.constant 16 : i32
      %shift_left3A_834 = vector.broadcast %shift_left3A_833 : i32 to vector<16xi32>
      %shift_left3A_835 = arith.shli %get3A_832, %shift_left3A_834 : vector<16xi32>
      %bitcast_convert_type3A_836 = tpu.bitcast %shift_left3A_835 : vector<16xi32> -> vector<16xf32>
      %add3A_837 = arith.addf %add3A_825, %bitcast_convert_type3A_836 : vector<16xf32>
      %and3A_838 = arith.andi %get3A_832, %broadcast_in_dim3A_328 : vector<16xi32>
      %bitcast_convert_type3A_839 = tpu.bitcast %and3A_838 : vector<16xi32> -> vector<16xf32>
      %add3A_840 = arith.addf %add3A_828, %bitcast_convert_type3A_839 : vector<16xf32>
      %get3A_841 = arith.constant 2 : i32
      %get3A_842 = arith.index_cast %get3A_841 : i32 to index
      %get3A_843 = arith.constant 48 : index
      %get3A_844 = tpu.vector_load %arg7[%get3A_842, %get3A_843] {strides = array<i32>} : memref<16x208xi32, #tpu.memory_space<vmem>>, vector<16xi32>,
      %shift_left3A_845 = arith.constant 16 : i32
      %shift_left3A_846 = vector.broadcast %shift_left3A_845 : i32 to vector<16xi32>
      %shift_left3A_847 = arith.shli %get3A_844, %shift_left3A_846 : vector<16xi32>
      %bitcast_convert_type3A_848 = tpu.bitcast %shift_left3A_847 : vector<16xi32> -> vector<16xf32>
      %add3A_849 = arith.addf %add3A_837, %bitcast_convert_type3A_848 : vector<16xf32>
      %and3A_850 = arith.andi %get3A_844, %broadcast_in_dim3A_328 : vector<16xi32>
      %bitcast_convert_type3A_851 = tpu.bitcast %and3A_850 : vector<16xi32> -> vector<16xf32>
      %add3A_852 = arith.addf %add3A_840, %bitcast_convert_type3A_851 : vector<16xf32>
      %get3A_853 = arith.constant 2 : i32
      %get3A_854 = arith.index_cast %get3A_853 : i32 to index
      %get3A_855 = arith.constant 64 : index
      %get3A_856 = tpu.vector_load %arg7[%get3A_854, %get3A_855] {strides = array<i32>} : memref<16x208xi32, #tpu.memory_space<vmem>>, vector<16xi32>,
      %shift_left3A_857 = arith.constant 16 : i32
      %shift_left3A_858 = vector.broadcast %shift_left3A_857 : i32 to vector<16xi32>
      %shift_left3A_859 = arith.shli %get3A_856, %shift_left3A_858 : vector<16xi32>
      %bitcast_convert_type3A_860 = tpu.bitcast %shift_left3A_859 : vector<16xi32> -> vector<16xf32>
      %add3A_861 = arith.addf %add3A_849, %bitcast_convert_type3A_860 : vector<16xf32>
      %and3A_862 = arith.andi %get3A_856, %broadcast_in_dim3A_328 : vector<16xi32>
      %bitcast_convert_type3A_863 = tpu.bitcast %and3A_862 : vector<16xi32> -> vector<16xf32>
      %add3A_864 = arith.addf %add3A_852, %bitcast_convert_type3A_863 : vector<16xf32>
      %get3A_865 = arith.constant 2 : i32
      %get3A_866 = arith.index_cast %get3A_865 : i32 to index
      %get3A_867 = arith.constant 80 : index
      %get3A_868 = tpu.vector_load %arg7[%get3A_866, %get3A_867] {strides = array<i32>} : memref<16x208xi32, #tpu.memory_space<vmem>>, vector<16xi32>,
      %shift_left3A_869 = arith.constant 16 : i32
      %shift_left3A_870 = vector.broadcast %shift_left3A_869 : i32 to vector<16xi32>
      %shift_left3A_871 = arith.shli %get3A_868, %shift_left3A_870 : vector<16xi32>
      %bitcast_convert_type3A_872 = tpu.bitcast %shift_left3A_871 : vector<16xi32> -> vector<16xf32>
      %add3A_873 = arith.addf %add3A_861, %bitcast_convert_type3A_872 : vector<16xf32>
      %and3A_874 = arith.andi %get3A_868, %broadcast_in_dim3A_328 : vector<16xi32>
      %bitcast_convert_type3A_875 = tpu.bitcast %and3A_874 : vector<16xi32> -> vector<16xf32>
      %add3A_876 = arith.addf %add3A_864, %bitcast_convert_type3A_875 : vector<16xf32>
      %get3A_877 = arith.constant 2 : i32
      %get3A_878 = arith.index_cast %get3A_877 : i32 to index
      %get3A_879 = arith.constant 96 : index
      %get3A_880 = tpu.vector_load %arg7[%get3A_878, %get3A_879] {strides = array<i32>} : memref<16x208xi32, #tpu.memory_space<vmem>>, vector<16xi32>,
      %shift_left3A_881 = arith.constant 16 : i32
      %shift_left3A_882 = vector.broadcast %shift_left3A_881 : i32 to vector<16xi32>
      %shift_left3A_883 = arith.shli %get3A_880, %shift_left3A_882 : vector<16xi32>
      %bitcast_convert_type3A_884 = tpu.bitcast %shift_left3A_883 : vector<16xi32> -> vector<16xf32>
      %add3A_885 = arith.addf %add3A_873, %bitcast_convert_type3A_884 : vector<16xf32>
      %and3A_886 = arith.andi %get3A_880, %broadcast_in_dim3A_328 : vector<16xi32>
      %bitcast_convert_type3A_887 = tpu.bitcast %and3A_886 : vector<16xi32> -> vector<16xf32>
      %add3A_888 = arith.addf %add3A_876, %bitcast_convert_type3A_887 : vector<16xf32>
      %get3A_889 = arith.constant 2 : i32
      %get3A_890 = arith.index_cast %get3A_889 : i32 to index
      %get3A_891 = arith.constant 112 : index
      %get3A_892 = tpu.vector_load %arg7[%get3A_890, %get3A_891] {strides = array<i32>} : memref<16x208xi32, #tpu.memory_space<vmem>>, vector<16xi32>,
      %shift_left3A_893 = arith.constant 16 : i32
      %shift_left3A_894 = vector.broadcast %shift_left3A_893 : i32 to vector<16xi32>
      %shift_left3A_895 = arith.shli %get3A_892, %shift_left3A_894 : vector<16xi32>
      %bitcast_convert_type3A_896 = tpu.bitcast %shift_left3A_895 : vector<16xi32> -> vector<16xf32>
      %add3A_897 = arith.addf %add3A_885, %bitcast_convert_type3A_896 : vector<16xf32>
      %and3A_898 = arith.andi %get3A_892, %broadcast_in_dim3A_328 : vector<16xi32>
      %bitcast_convert_type3A_899 = tpu.bitcast %and3A_898 : vector<16xi32> -> vector<16xf32>
      %add3A_900 = arith.addf %add3A_888, %bitcast_convert_type3A_899 : vector<16xf32>
      %get3A_901 = arith.constant 2 : i32
      %get3A_902 = arith.index_cast %get3A_901 : i32 to index
      %get3A_903 = arith.constant 128 : index
      %get3A_904 = tpu.vector_load %arg7[%get3A_902, %get3A_903] {strides = array<i32>} : memref<16x208xi32, #tpu.memory_space<vmem>>, vector<16xi32>,
      %shift_left3A_905 = arith.constant 16 : i32
      %shift_left3A_906 = vector.broadcast %shift_left3A_905 : i32 to vector<16xi32>
      %shift_left3A_907 = arith.shli %get3A_904, %shift_left3A_906 : vector<16xi32>
      %bitcast_convert_type3A_908 = tpu.bitcast %shift_left3A_907 : vector<16xi32> -> vector<16xf32>
      %add3A_909 = arith.addf %add3A_897, %bitcast_convert_type3A_908 : vector<16xf32>
      %and3A_910 = arith.andi %get3A_904, %broadcast_in_dim3A_328 : vector<16xi32>
      %bitcast_convert_type3A_911 = tpu.bitcast %and3A_910 : vector<16xi32> -> vector<16xf32>
      %add3A_912 = arith.addf %add3A_900, %bitcast_convert_type3A_911 : vector<16xf32>
      %get3A_913 = arith.constant 2 : i32
      %get3A_914 = arith.index_cast %get3A_913 : i32 to index
      %get3A_915 = arith.constant 144 : index
      %get3A_916 = tpu.vector_load %arg7[%get3A_914, %get3A_915] {strides = array<i32>} : memref<16x208xi32, #tpu.memory_space<vmem>>, vector<16xi32>,
      %shift_left3A_917 = arith.constant 16 : i32
      %shift_left3A_918 = vector.broadcast %shift_left3A_917 : i32 to vector<16xi32>
      %shift_left3A_919 = arith.shli %get3A_916, %shift_left3A_918 : vector<16xi32>
      %bitcast_convert_type3A_920 = tpu.bitcast %shift_left3A_919 : vector<16xi32> -> vector<16xf32>
      %add3A_921 = arith.addf %add3A_909, %bitcast_convert_type3A_920 : vector<16xf32>
      %and3A_922 = arith.andi %get3A_916, %broadcast_in_dim3A_328 : vector<16xi32>
      %bitcast_convert_type3A_923 = tpu.bitcast %and3A_922 : vector<16xi32> -> vector<16xf32>
      %add3A_924 = arith.addf %add3A_912, %bitcast_convert_type3A_923 : vector<16xf32>
      %get3A_925 = arith.constant 2 : i32
      %get3A_926 = arith.index_cast %get3A_925 : i32 to index
      %get3A_927 = arith.constant 160 : index
      %get3A_928 = tpu.vector_load %arg7[%get3A_926, %get3A_927] {strides = array<i32>} : memref<16x208xi32, #tpu.memory_space<vmem>>, vector<16xi32>,
      %shift_left3A_929 = arith.constant 16 : i32
      %shift_left3A_930 = vector.broadcast %shift_left3A_929 : i32 to vector<16xi32>
      %shift_left3A_931 = arith.shli %get3A_928, %shift_left3A_930 : vector<16xi32>
      %bitcast_convert_type3A_932 = tpu.bitcast %shift_left3A_931 : vector<16xi32> -> vector<16xf32>
      %add3A_933 = arith.addf %add3A_921, %bitcast_convert_type3A_932 : vector<16xf32>
      %and3A_934 = arith.andi %get3A_928, %broadcast_in_dim3A_328 : vector<16xi32>
      %bitcast_convert_type3A_935 = tpu.bitcast %and3A_934 : vector<16xi32> -> vector<16xf32>
      %add3A_936 = arith.addf %add3A_924, %bitcast_convert_type3A_935 : vector<16xf32>
      %get3A_937 = arith.constant 2 : i32
      %get3A_938 = arith.index_cast %get3A_937 : i32 to index
      %get3A_939 = arith.constant 176 : index
      %get3A_940 = tpu.vector_load %arg7[%get3A_938, %get3A_939] {strides = array<i32>} : memref<16x208xi32, #tpu.memory_space<vmem>>, vector<16xi32>,
      %shift_left3A_941 = arith.constant 16 : i32
      %shift_left3A_942 = vector.broadcast %shift_left3A_941 : i32 to vector<16xi32>
      %shift_left3A_943 = arith.shli %get3A_940, %shift_left3A_942 : vector<16xi32>
      %bitcast_convert_type3A_944 = tpu.bitcast %shift_left3A_943 : vector<16xi32> -> vector<16xf32>
      %add3A_945 = arith.addf %add3A_933, %bitcast_convert_type3A_944 : vector<16xf32>
      %and3A_946 = arith.andi %get3A_940, %broadcast_in_dim3A_328 : vector<16xi32>
      %bitcast_convert_type3A_947 = tpu.bitcast %and3A_946 : vector<16xi32> -> vector<16xf32>
      %add3A_948 = arith.addf %add3A_936, %bitcast_convert_type3A_947 : vector<16xf32>
      %get3A_949 = arith.constant 2 : i32
      %get3A_950 = arith.index_cast %get3A_949 : i32 to index
      %get3A_951 = arith.constant 192 : index
      %get3A_952 = tpu.vector_load %arg7[%get3A_950, %get3A_951] {strides = array<i32>} : memref<16x208xi32, #tpu.memory_space<vmem>>, vector<16xi32>,
      %shift_left3A_953 = arith.constant 16 : i32
      %shift_left3A_954 = vector.broadcast %shift_left3A_953 : i32 to vector<16xi32>
      %shift_left3A_955 = arith.shli %get3A_952, %shift_left3A_954 : vector<16xi32>
      %bitcast_convert_type3A_956 = tpu.bitcast %shift_left3A_955 : vector<16xi32> -> vector<16xf32>
      %add3A_957 = arith.addf %add3A_945, %bitcast_convert_type3A_956 : vector<16xf32>
      %and3A_958 = arith.andi %get3A_952, %broadcast_in_dim3A_328 : vector<16xi32>
      %bitcast_convert_type3A_959 = tpu.bitcast %and3A_958 : vector<16xi32> -> vector<16xf32>
      %add3A_960 = arith.addf %add3A_948, %bitcast_convert_type3A_959 : vector<16xf32>
      %reduce_sum3A_961 = arith.constant true
      %reduce_sum3A_962 = vector.broadcast %reduce_sum3A_961 : i1 to vector<16xi1>
      %reduce_sum3A_963 = tpu.scan <sum>, %add3A_957 masked %reduce_sum3A_962 : vector<16xf32>, vector<16xi1> -> vector<16xf32>
      %reduce_sum3A_964 = vector.extract %reduce_sum3A_963[15] : f32 from vector<16xf32>
      %mul3A_965 = arith.constant 5.000000e-03 : f32
      %mul3A_966 = arith.mulf %reduce_sum3A_964, %mul3A_965 : f32
      %reduce_sum3A_967 = arith.constant true
      %reduce_sum3A_968 = vector.broadcast %reduce_sum3A_967 : i1 to vector<16xi1>
      %reduce_sum3A_969 = tpu.scan <sum>, %add3A_960 masked %reduce_sum3A_968 : vector<16xf32>, vector<16xi1> -> vector<16xf32>
      %reduce_sum3A_970 = vector.extract %reduce_sum3A_969[15] : f32 from vector<16xf32>
      %mul3A_971 = arith.constant 5.000000e-03 : f32
      %mul3A_972 = arith.mulf %reduce_sum3A_970, %mul3A_971 : f32
      %add3A_973 = arith.constant 16 : i32
      %add3A_974 = arith.addi %add3A_776, %add3A_973 : i32
      %lt3A_975 = arith.constant 128 : i32
      %lt3A_976 = arith.cmpi slt, %add3A_974, %lt3A_975 : i32
      %convert_element_type3A_977 = arith.extui %lt3A_976 : i1 to i32
      %cond3A_978 = arith.constant 0 : i32
      %cond3A_979 = arith.cmpi ne, %convert_element_type3A_977, %cond3A_978 : i32
      scf.if %cond3A_979 {
        %add3A_3911 = arith.constant 16 : i32
        %add3A_3912 = arith.addi %add3A_776, %add3A_3911 : i32
        %mul3A_3913 = arith.constant 2 : i32
        %mul3A_3914 = arith.muli %mul3A_3913, %add3A_3912 : i32
        %dma_start3A_3915 = arith.constant 2 : i32
        %dma_start3A_3916 = arith.constant 0 : i32
        %dma_start3A_3917 = tpu.memref_slice %arg7[%dma_start3A_3915, %dma_start3A_3916] : memref<16x208xi32, #tpu.memory_space<vmem>> -> memref<1x104xi32, #tpu.memory_space<vmem>>
        %dma_start3A_3918 = tpu.memref_squeeze %dma_start3A_3917 : memref<1x104xi32, #tpu.memory_space<vmem>> -> memref<104xi32, #tpu.memory_space<vmem>>
        %dma_start3A_3919 = arith.constant 0 : i32
        %dma_start3A_3920 = tpu.memref_slice %arg6[%mul3A_3914, %dma_start3A_3919] : memref<256x104xi32, #tpu.memory_space<vmem>> -> memref<1x104xi32, #tpu.memory_space<vmem>>
        %dma_start3A_3921 = tpu.memref_squeeze %dma_start3A_3920 : memref<1x104xi32, #tpu.memory_space<vmem>> -> memref<104xi32, #tpu.memory_space<vmem>>
        %dma_start3A_3922 = arith.constant 0 : i32
        %dma_start3A_3923 = tpu.memref_slice %arg8[%dma_start3A_3922] : memref<1000064xi32, #tpu.memory_space<vmem_shared>> -> memref<1000064xi32, #tpu.memory_space<vmem_shared>>
        tpu.enqueue_indirect_dma source(%dma_start3A_3923 : memref<1000064xi32, #tpu.memory_space<vmem_shared>>) target(%dma_start3A_3918 : memref<104xi32, #tpu.memory_space<vmem>>) offsets(%dma_start3A_3921 : memref<104xi32, #tpu.memory_space<vmem>>) semaphore(%arg13 : memref<!tpu.dma_semaphore, #tpu.memory_space<semaphore_mem>>)
        %mul3A_3924 = arith.constant 2 : i32
        %mul3A_3925 = arith.muli %mul3A_3924, %add3A_3912 : i32
        %add3A_3926 = arith.constant 1 : i32
        %add3A_3927 = arith.addi %mul3A_3925, %add3A_3926 : i32
        %dma_start3A_3928 = arith.constant 2 : i32
        %dma_start3A_3929 = arith.constant 104 : i32
        %dma_start3A_3930 = tpu.memref_slice %arg7[%dma_start3A_3928, %dma_start3A_3929] : memref<16x208xi32, #tpu.memory_space<vmem>> -> memref<1x104xi32, #tpu.memory_space<vmem>>
        %dma_start3A_3931 = tpu.memref_squeeze %dma_start3A_3930 : memref<1x104xi32, #tpu.memory_space<vmem>> -> memref<104xi32, #tpu.memory_space<vmem>>
        %dma_start3A_3932 = arith.constant 0 : i32
        %dma_start3A_3933 = tpu.memref_slice %arg6[%add3A_3927, %dma_start3A_3932] : memref<256x104xi32, #tpu.memory_space<vmem>> -> memref<1x104xi32, #tpu.memory_space<vmem>>
        %dma_start3A_3934 = tpu.memref_squeeze %dma_start3A_3933 : memref<1x104xi32, #tpu.memory_space<vmem>> -> memref<104xi32, #tpu.memory_space<vmem>>
        %dma_start3A_3935 = arith.constant 0 : i32
        %dma_start3A_3936 = tpu.memref_slice %arg8[%dma_start3A_3935] : memref<1000064xi32, #tpu.memory_space<vmem_shared>> -> memref<1000064xi32, #tpu.memory_space<vmem_shared>>
        tpu.enqueue_indirect_dma source(%dma_start3A_3936 : memref<1000064xi32, #tpu.memory_space<vmem_shared>>) target(%dma_start3A_3931 : memref<104xi32, #tpu.memory_space<vmem>>) offsets(%dma_start3A_3934 : memref<104xi32, #tpu.memory_space<vmem>>) semaphore(%arg13 : memref<!tpu.dma_semaphore, #tpu.memory_space<semaphore_mem>>)
      } else {
      }
      %eq3A_980 = arith.constant 0 : i32
      %eq3A_981 = vector.broadcast %eq3A_980 : i32 to vector<16xi32>
      %eq3A_982 = arith.cmpi eq, %iota3A, %eq3A_981 : vector<16xi32>
      %eq3A_983 = arith.constant 1 : i32
      %eq3A_984 = vector.broadcast %eq3A_983 : i32 to vector<16xi32>
      %eq3A_985 = arith.cmpi eq, %iota3A, %eq3A_984 : vector<16xi32>
      %jit3A_986 = arith.constant 0.000000e+00 : f32
      %broadcast_in_dim3A_987 = vector.broadcast %mul3A_972 : f32 to vector<16xf32>
      %broadcast_in_dim3A_988 = vector.broadcast %jit3A_986 : f32 to vector<16xf32>
      %select_n3A_989 = arith.select %eq3A_985, %broadcast_in_dim3A_987, %broadcast_in_dim3A_988 : vector<16xi1>, vector<16xf32>
      %broadcast_in_dim3A_990 = vector.broadcast %mul3A_966 : f32 to vector<16xf32>
      %select_n3A_991 = arith.select %eq3A_982, %broadcast_in_dim3A_990, %select_n3A_989 : vector<16xi1>, vector<16xf32>
      %get3A_992 = arith.constant 0 : index
      %get3A_993 = tpu.vector_load %arg9[%get3A_992] {strides = array<i32>} : memref<16xf32, #tpu.memory_space<vmem>>, vector<16xf32>,
      %add3A_994 = arith.addf %select_n3A_991, %get3A_993 : vector<16xf32>
      %mul3A_995 = arith.constant 2 : i32
      %mul3A_996 = arith.muli %mul3A_995, %add3A_776 : i32
      %swap3A_997 = arith.index_cast %mul3A_996 : i32 to index
      %swap3A_998 = tpu.vector_load %arg10[%swap3A_997] {strides = array<i32>} : memref<272xf32, #tpu.memory_space<vmem>>, vector<16xf32>,
      tpu.vector_store %arg10[%swap3A_997], %add3A_994 {strides = array<i32>} : memref<272xf32, #tpu.memory_space<vmem>>, vector<16xf32>,
      %add3A_999 = arith.constant 3 : i32
      %add3A_1000 = arith.addi %add3A_339, %add3A_999 : i32
      %mul3A_1001 = arith.constant 2 : i32
      %mul3A_1002 = arith.muli %mul3A_1001, %add3A_1000 : i32
      %dma_wait3A_1003 = arith.constant 3 : i32
      %dma_wait3A_1004 = arith.constant 0 : i32
      %dma_wait3A_1005 = tpu.memref_slice %arg7[%dma_wait3A_1003, %dma_wait3A_1004] : memref<16x208xi32, #tpu.memory_space<vmem>> -> memref<1x104xi32, #tpu.memory_space<vmem>>
      %dma_wait3A_1006 = tpu.memref_squeeze %dma_wait3A_1005 : memref<1x104xi32, #tpu.memory_space<vmem>> -> memref<104xi32, #tpu.memory_space<vmem>>
      %dma_wait3A_1007 = arith.constant 0 : i32
      %dma_wait3A_1008 = tpu.memref_slice %arg6[%mul3A_1002, %dma_wait3A_1007] : memref<256x104xi32, #tpu.memory_space<vmem>> -> memref<1x104xi32, #tpu.memory_space<vmem>>
      %dma_wait3A_1009 = tpu.memref_squeeze %dma_wait3A_1008 : memref<1x104xi32, #tpu.memory_space<vmem>> -> memref<104xi32, #tpu.memory_space<vmem>>
      %dma_wait3A_1010 = arith.constant 0 : i32
      %dma_wait3A_1011 = tpu.memref_slice %arg8[%dma_wait3A_1010] : memref<1000064xi32, #tpu.memory_space<vmem_shared>> -> memref<1000064xi32, #tpu.memory_space<vmem_shared>>
      tpu.wait_indirect_dma semaphore(%arg14 : memref<!tpu.dma_semaphore, #tpu.memory_space<semaphore_mem>>) src(%dma_wait3A_1011 : memref<1000064xi32, #tpu.memory_space<vmem_shared>>) dst(%dma_wait3A_1006 : memref<104xi32, #tpu.memory_space<vmem>>)
      %mul3A_1012 = arith.constant 2 : i32
      %mul3A_1013 = arith.muli %mul3A_1012, %add3A_1000 : i32
      %add3A_1014 = arith.constant 1 : i32
      %add3A_1015 = arith.addi %mul3A_1013, %add3A_1014 : i32
      %dma_wait3A_1016 = arith.constant 3 : i32
      %dma_wait3A_1017 = arith.constant 104 : i32
      %dma_wait3A_1018 = tpu.memref_slice %arg7[%dma_wait3A_1016, %dma_wait3A_1017] : memref<16x208xi32, #tpu.memory_space<vmem>> -> memref<1x104xi32, #tpu.memory_space<vmem>>
      %dma_wait3A_1019 = tpu.memref_squeeze %dma_wait3A_1018 : memref<1x104xi32, #tpu.memory_space<vmem>> -> memref<104xi32, #tpu.memory_space<vmem>>
      %dma_wait3A_1020 = arith.constant 0 : i32
      %dma_wait3A_1021 = tpu.memref_slice %arg6[%add3A_1015, %dma_wait3A_1020] : memref<256x104xi32, #tpu.memory_space<vmem>> -> memref<1x104xi32, #tpu.memory_space<vmem>>
      %dma_wait3A_1022 = tpu.memref_squeeze %dma_wait3A_1021 : memref<1x104xi32, #tpu.memory_space<vmem>> -> memref<104xi32, #tpu.memory_space<vmem>>
      %dma_wait3A_1023 = arith.constant 0 : i32
      %dma_wait3A_1024 = tpu.memref_slice %arg8[%dma_wait3A_1023] : memref<1000064xi32, #tpu.memory_space<vmem_shared>> -> memref<1000064xi32, #tpu.memory_space<vmem_shared>>
      tpu.wait_indirect_dma semaphore(%arg14 : memref<!tpu.dma_semaphore, #tpu.memory_space<semaphore_mem>>) src(%dma_wait3A_1024 : memref<1000064xi32, #tpu.memory_space<vmem_shared>>) dst(%dma_wait3A_1019 : memref<104xi32, #tpu.memory_space<vmem>>)
      %broadcast_in_dim3A_1025 = arith.constant 0.000000e+00 : f32
      %broadcast_in_dim3A_1026 = vector.broadcast %broadcast_in_dim3A_1025 : f32 to vector<16xf32>
      %broadcast_in_dim3A_1027 = arith.constant 0.000000e+00 : f32
      %broadcast_in_dim3A_1028 = vector.broadcast %broadcast_in_dim3A_1027 : f32 to vector<16xf32>
      %get3A_1029 = arith.constant 3 : i32
      %get3A_1030 = arith.index_cast %get3A_1029 : i32 to index
      %get3A_1031 = arith.constant 0 : index
      %get3A_1032 = tpu.vector_load %arg7[%get3A_1030, %get3A_1031] {strides = array<i32>} : memref<16x208xi32, #tpu.memory_space<vmem>>, vector<16xi32>,
      %shift_left3A_1033 = arith.constant 16 : i32
      %shift_left3A_1034 = vector.broadcast %shift_left3A_1033 : i32 to vector<16xi32>
      %shift_left3A_1035 = arith.shli %get3A_1032, %shift_left3A_1034 : vector<16xi32>
      %bitcast_convert_type3A_1036 = tpu.bitcast %shift_left3A_1035 : vector<16xi32> -> vector<16xf32>
      %add3A_1037 = arith.addf %broadcast_in_dim3A_1026, %bitcast_convert_type3A_1036 : vector<16xf32>
      %and3A_1038 = arith.andi %get3A_1032, %broadcast_in_dim3A_328 : vector<16xi32>
      %bitcast_convert_type3A_1039 = tpu.bitcast %and3A_1038 : vector<16xi32> -> vector<16xf32>
      %add3A_1040 = arith.addf %broadcast_in_dim3A_1028, %bitcast_convert_type3A_1039 : vector<16xf32>
      %get3A_1041 = arith.constant 3 : i32
      %get3A_1042 = arith.index_cast %get3A_1041 : i32 to index
      %get3A_1043 = arith.constant 16 : index
      %get3A_1044 = tpu.vector_load %arg7[%get3A_1042, %get3A_1043] {strides = array<i32>} : memref<16x208xi32, #tpu.memory_space<vmem>>, vector<16xi32>,
      %shift_left3A_1045 = arith.constant 16 : i32
      %shift_left3A_1046 = vector.broadcast %shift_left3A_1045 : i32 to vector<16xi32>
      %shift_left3A_1047 = arith.shli %get3A_1044, %shift_left3A_1046 : vector<16xi32>
      %bitcast_convert_type3A_1048 = tpu.bitcast %shift_left3A_1047 : vector<16xi32> -> vector<16xf32>
      %add3A_1049 = arith.addf %add3A_1037, %bitcast_convert_type3A_1048 : vector<16xf32>
      %and3A_1050 = arith.andi %get3A_1044, %broadcast_in_dim3A_328 : vector<16xi32>
      %bitcast_convert_type3A_1051 = tpu.bitcast %and3A_1050 : vector<16xi32> -> vector<16xf32>
      %add3A_1052 = arith.addf %add3A_1040, %bitcast_convert_type3A_1051 : vector<16xf32>
      %get3A_1053 = arith.constant 3 : i32
      %get3A_1054 = arith.index_cast %get3A_1053 : i32 to index
      %get3A_1055 = arith.constant 32 : index
      %get3A_1056 = tpu.vector_load %arg7[%get3A_1054, %get3A_1055] {strides = array<i32>} : memref<16x208xi32, #tpu.memory_space<vmem>>, vector<16xi32>,
      %shift_left3A_1057 = arith.constant 16 : i32
      %shift_left3A_1058 = vector.broadcast %shift_left3A_1057 : i32 to vector<16xi32>
      %shift_left3A_1059 = arith.shli %get3A_1056, %shift_left3A_1058 : vector<16xi32>
      %bitcast_convert_type3A_1060 = tpu.bitcast %shift_left3A_1059 : vector<16xi32> -> vector<16xf32>
      %add3A_1061 = arith.addf %add3A_1049, %bitcast_convert_type3A_1060 : vector<16xf32>
      %and3A_1062 = arith.andi %get3A_1056, %broadcast_in_dim3A_328 : vector<16xi32>
      %bitcast_convert_type3A_1063 = tpu.bitcast %and3A_1062 : vector<16xi32> -> vector<16xf32>
      %add3A_1064 = arith.addf %add3A_1052, %bitcast_convert_type3A_1063 : vector<16xf32>
      %get3A_1065 = arith.constant 3 : i32
      %get3A_1066 = arith.index_cast %get3A_1065 : i32 to index
      %get3A_1067 = arith.constant 48 : index
      %get3A_1068 = tpu.vector_load %arg7[%get3A_1066, %get3A_1067] {strides = array<i32>} : memref<16x208xi32, #tpu.memory_space<vmem>>, vector<16xi32>,
      %shift_left3A_1069 = arith.constant 16 : i32
      %shift_left3A_1070 = vector.broadcast %shift_left3A_1069 : i32 to vector<16xi32>
      %shift_left3A_1071 = arith.shli %get3A_1068, %shift_left3A_1070 : vector<16xi32>
      %bitcast_convert_type3A_1072 = tpu.bitcast %shift_left3A_1071 : vector<16xi32> -> vector<16xf32>
      %add3A_1073 = arith.addf %add3A_1061, %bitcast_convert_type3A_1072 : vector<16xf32>
      %and3A_1074 = arith.andi %get3A_1068, %broadcast_in_dim3A_328 : vector<16xi32>
      %bitcast_convert_type3A_1075 = tpu.bitcast %and3A_1074 : vector<16xi32> -> vector<16xf32>
      %add3A_1076 = arith.addf %add3A_1064, %bitcast_convert_type3A_1075 : vector<16xf32>
      %get3A_1077 = arith.constant 3 : i32
      %get3A_1078 = arith.index_cast %get3A_1077 : i32 to index
      %get3A_1079 = arith.constant 64 : index
      %get3A_1080 = tpu.vector_load %arg7[%get3A_1078, %get3A_1079] {strides = array<i32>} : memref<16x208xi32, #tpu.memory_space<vmem>>, vector<16xi32>,
      %shift_left3A_1081 = arith.constant 16 : i32
      %shift_left3A_1082 = vector.broadcast %shift_left3A_1081 : i32 to vector<16xi32>
      %shift_left3A_1083 = arith.shli %get3A_1080, %shift_left3A_1082 : vector<16xi32>
      %bitcast_convert_type3A_1084 = tpu.bitcast %shift_left3A_1083 : vector<16xi32> -> vector<16xf32>
      %add3A_1085 = arith.addf %add3A_1073, %bitcast_convert_type3A_1084 : vector<16xf32>
      %and3A_1086 = arith.andi %get3A_1080, %broadcast_in_dim3A_328 : vector<16xi32>
      %bitcast_convert_type3A_1087 = tpu.bitcast %and3A_1086 : vector<16xi32> -> vector<16xf32>
      %add3A_1088 = arith.addf %add3A_1076, %bitcast_convert_type3A_1087 : vector<16xf32>
      %get3A_1089 = arith.constant 3 : i32
      %get3A_1090 = arith.index_cast %get3A_1089 : i32 to index
      %get3A_1091 = arith.constant 80 : index
      %get3A_1092 = tpu.vector_load %arg7[%get3A_1090, %get3A_1091] {strides = array<i32>} : memref<16x208xi32, #tpu.memory_space<vmem>>, vector<16xi32>,
      %shift_left3A_1093 = arith.constant 16 : i32
      %shift_left3A_1094 = vector.broadcast %shift_left3A_1093 : i32 to vector<16xi32>
      %shift_left3A_1095 = arith.shli %get3A_1092, %shift_left3A_1094 : vector<16xi32>
      %bitcast_convert_type3A_1096 = tpu.bitcast %shift_left3A_1095 : vector<16xi32> -> vector<16xf32>
      %add3A_1097 = arith.addf %add3A_1085, %bitcast_convert_type3A_1096 : vector<16xf32>
      %and3A_1098 = arith.andi %get3A_1092, %broadcast_in_dim3A_328 : vector<16xi32>
      %bitcast_convert_type3A_1099 = tpu.bitcast %and3A_1098 : vector<16xi32> -> vector<16xf32>
      %add3A_1100 = arith.addf %add3A_1088, %bitcast_convert_type3A_1099 : vector<16xf32>
      %get3A_1101 = arith.constant 3 : i32
      %get3A_1102 = arith.index_cast %get3A_1101 : i32 to index
      %get3A_1103 = arith.constant 96 : index
      %get3A_1104 = tpu.vector_load %arg7[%get3A_1102, %get3A_1103] {strides = array<i32>} : memref<16x208xi32, #tpu.memory_space<vmem>>, vector<16xi32>,
      %shift_left3A_1105 = arith.constant 16 : i32
      %shift_left3A_1106 = vector.broadcast %shift_left3A_1105 : i32 to vector<16xi32>
      %shift_left3A_1107 = arith.shli %get3A_1104, %shift_left3A_1106 : vector<16xi32>
      %bitcast_convert_type3A_1108 = tpu.bitcast %shift_left3A_1107 : vector<16xi32> -> vector<16xf32>
      %add3A_1109 = arith.addf %add3A_1097, %bitcast_convert_type3A_1108 : vector<16xf32>
      %and3A_1110 = arith.andi %get3A_1104, %broadcast_in_dim3A_328 : vector<16xi32>
      %bitcast_convert_type3A_1111 = tpu.bitcast %and3A_1110 : vector<16xi32> -> vector<16xf32>
      %add3A_1112 = arith.addf %add3A_1100, %bitcast_convert_type3A_1111 : vector<16xf32>
      %get3A_1113 = arith.constant 3 : i32
      %get3A_1114 = arith.index_cast %get3A_1113 : i32 to index
      %get3A_1115 = arith.constant 112 : index
      %get3A_1116 = tpu.vector_load %arg7[%get3A_1114, %get3A_1115] {strides = array<i32>} : memref<16x208xi32, #tpu.memory_space<vmem>>, vector<16xi32>,
      %shift_left3A_1117 = arith.constant 16 : i32
      %shift_left3A_1118 = vector.broadcast %shift_left3A_1117 : i32 to vector<16xi32>
      %shift_left3A_1119 = arith.shli %get3A_1116, %shift_left3A_1118 : vector<16xi32>
      %bitcast_convert_type3A_1120 = tpu.bitcast %shift_left3A_1119 : vector<16xi32> -> vector<16xf32>
      %add3A_1121 = arith.addf %add3A_1109, %bitcast_convert_type3A_1120 : vector<16xf32>
      %and3A_1122 = arith.andi %get3A_1116, %broadcast_in_dim3A_328 : vector<16xi32>
      %bitcast_convert_type3A_1123 = tpu.bitcast %and3A_1122 : vector<16xi32> -> vector<16xf32>
      %add3A_1124 = arith.addf %add3A_1112, %bitcast_convert_type3A_1123 : vector<16xf32>
      %get3A_1125 = arith.constant 3 : i32
      %get3A_1126 = arith.index_cast %get3A_1125 : i32 to index
      %get3A_1127 = arith.constant 128 : index
      %get3A_1128 = tpu.vector_load %arg7[%get3A_1126, %get3A_1127] {strides = array<i32>} : memref<16x208xi32, #tpu.memory_space<vmem>>, vector<16xi32>,
      %shift_left3A_1129 = arith.constant 16 : i32
      %shift_left3A_1130 = vector.broadcast %shift_left3A_1129 : i32 to vector<16xi32>
      %shift_left3A_1131 = arith.shli %get3A_1128, %shift_left3A_1130 : vector<16xi32>
      %bitcast_convert_type3A_1132 = tpu.bitcast %shift_left3A_1131 : vector<16xi32> -> vector<16xf32>
      %add3A_1133 = arith.addf %add3A_1121, %bitcast_convert_type3A_1132 : vector<16xf32>
      %and3A_1134 = arith.andi %get3A_1128, %broadcast_in_dim3A_328 : vector<16xi32>
      %bitcast_convert_type3A_1135 = tpu.bitcast %and3A_1134 : vector<16xi32> -> vector<16xf32>
      %add3A_1136 = arith.addf %add3A_1124, %bitcast_convert_type3A_1135 : vector<16xf32>
      %get3A_1137 = arith.constant 3 : i32
      %get3A_1138 = arith.index_cast %get3A_1137 : i32 to index
      %get3A_1139 = arith.constant 144 : index
      %get3A_1140 = tpu.vector_load %arg7[%get3A_1138, %get3A_1139] {strides = array<i32>} : memref<16x208xi32, #tpu.memory_space<vmem>>, vector<16xi32>,
      %shift_left3A_1141 = arith.constant 16 : i32
      %shift_left3A_1142 = vector.broadcast %shift_left3A_1141 : i32 to vector<16xi32>
      %shift_left3A_1143 = arith.shli %get3A_1140, %shift_left3A_1142 : vector<16xi32>
      %bitcast_convert_type3A_1144 = tpu.bitcast %shift_left3A_1143 : vector<16xi32> -> vector<16xf32>
      %add3A_1145 = arith.addf %add3A_1133, %bitcast_convert_type3A_1144 : vector<16xf32>
      %and3A_1146 = arith.andi %get3A_1140, %broadcast_in_dim3A_328 : vector<16xi32>
      %bitcast_convert_type3A_1147 = tpu.bitcast %and3A_1146 : vector<16xi32> -> vector<16xf32>
      %add3A_1148 = arith.addf %add3A_1136, %bitcast_convert_type3A_1147 : vector<16xf32>
      %get3A_1149 = arith.constant 3 : i32
      %get3A_1150 = arith.index_cast %get3A_1149 : i32 to index
      %get3A_1151 = arith.constant 160 : index
      %get3A_1152 = tpu.vector_load %arg7[%get3A_1150, %get3A_1151] {strides = array<i32>} : memref<16x208xi32, #tpu.memory_space<vmem>>, vector<16xi32>,
      %shift_left3A_1153 = arith.constant 16 : i32
      %shift_left3A_1154 = vector.broadcast %shift_left3A_1153 : i32 to vector<16xi32>
      %shift_left3A_1155 = arith.shli %get3A_1152, %shift_left3A_1154 : vector<16xi32>
      %bitcast_convert_type3A_1156 = tpu.bitcast %shift_left3A_1155 : vector<16xi32> -> vector<16xf32>
      %add3A_1157 = arith.addf %add3A_1145, %bitcast_convert_type3A_1156 : vector<16xf32>
      %and3A_1158 = arith.andi %get3A_1152, %broadcast_in_dim3A_328 : vector<16xi32>
      %bitcast_convert_type3A_1159 = tpu.bitcast %and3A_1158 : vector<16xi32> -> vector<16xf32>
      %add3A_1160 = arith.addf %add3A_1148, %bitcast_convert_type3A_1159 : vector<16xf32>
      %get3A_1161 = arith.constant 3 : i32
      %get3A_1162 = arith.index_cast %get3A_1161 : i32 to index
      %get3A_1163 = arith.constant 176 : index
      %get3A_1164 = tpu.vector_load %arg7[%get3A_1162, %get3A_1163] {strides = array<i32>} : memref<16x208xi32, #tpu.memory_space<vmem>>, vector<16xi32>,
      %shift_left3A_1165 = arith.constant 16 : i32
      %shift_left3A_1166 = vector.broadcast %shift_left3A_1165 : i32 to vector<16xi32>
      %shift_left3A_1167 = arith.shli %get3A_1164, %shift_left3A_1166 : vector<16xi32>
      %bitcast_convert_type3A_1168 = tpu.bitcast %shift_left3A_1167 : vector<16xi32> -> vector<16xf32>
      %add3A_1169 = arith.addf %add3A_1157, %bitcast_convert_type3A_1168 : vector<16xf32>
      %and3A_1170 = arith.andi %get3A_1164, %broadcast_in_dim3A_328 : vector<16xi32>
      %bitcast_convert_type3A_1171 = tpu.bitcast %and3A_1170 : vector<16xi32> -> vector<16xf32>
      %add3A_1172 = arith.addf %add3A_1160, %bitcast_convert_type3A_1171 : vector<16xf32>
      %get3A_1173 = arith.constant 3 : i32
      %get3A_1174 = arith.index_cast %get3A_1173 : i32 to index
      %get3A_1175 = arith.constant 192 : index
      %get3A_1176 = tpu.vector_load %arg7[%get3A_1174, %get3A_1175] {strides = array<i32>} : memref<16x208xi32, #tpu.memory_space<vmem>>, vector<16xi32>,
      %shift_left3A_1177 = arith.constant 16 : i32
      %shift_left3A_1178 = vector.broadcast %shift_left3A_1177 : i32 to vector<16xi32>
      %shift_left3A_1179 = arith.shli %get3A_1176, %shift_left3A_1178 : vector<16xi32>
      %bitcast_convert_type3A_1180 = tpu.bitcast %shift_left3A_1179 : vector<16xi32> -> vector<16xf32>
      %add3A_1181 = arith.addf %add3A_1169, %bitcast_convert_type3A_1180 : vector<16xf32>
      %and3A_1182 = arith.andi %get3A_1176, %broadcast_in_dim3A_328 : vector<16xi32>
      %bitcast_convert_type3A_1183 = tpu.bitcast %and3A_1182 : vector<16xi32> -> vector<16xf32>
      %add3A_1184 = arith.addf %add3A_1172, %bitcast_convert_type3A_1183 : vector<16xf32>
      %reduce_sum3A_1185 = arith.constant true
      %reduce_sum3A_1186 = vector.broadcast %reduce_sum3A_1185 : i1 to vector<16xi1>
      %reduce_sum3A_1187 = tpu.scan <sum>, %add3A_1181 masked %reduce_sum3A_1186 : vector<16xf32>, vector<16xi1> -> vector<16xf32>
      %reduce_sum3A_1188 = vector.extract %reduce_sum3A_1187[15] : f32 from vector<16xf32>
      %mul3A_1189 = arith.constant 5.000000e-03 : f32
      %mul3A_1190 = arith.mulf %reduce_sum3A_1188, %mul3A_1189 : f32
      %reduce_sum3A_1191 = arith.constant true
      %reduce_sum3A_1192 = vector.broadcast %reduce_sum3A_1191 : i1 to vector<16xi1>
      %reduce_sum3A_1193 = tpu.scan <sum>, %add3A_1184 masked %reduce_sum3A_1192 : vector<16xf32>, vector<16xi1> -> vector<16xf32>
      %reduce_sum3A_1194 = vector.extract %reduce_sum3A_1193[15] : f32 from vector<16xf32>
      %mul3A_1195 = arith.constant 5.000000e-03 : f32
      %mul3A_1196 = arith.mulf %reduce_sum3A_1194, %mul3A_1195 : f32
      %add3A_1197 = arith.constant 16 : i32
      %add3A_1198 = arith.addi %add3A_1000, %add3A_1197 : i32
      %lt3A_1199 = arith.constant 128 : i32
      %lt3A_1200 = arith.cmpi slt, %add3A_1198, %lt3A_1199 : i32
      %convert_element_type3A_1201 = arith.extui %lt3A_1200 : i1 to i32
      %cond3A_1202 = arith.constant 0 : i32
      %cond3A_1203 = arith.cmpi ne, %convert_element_type3A_1201, %cond3A_1202 : i32
      scf.if %cond3A_1203 {
        %add3A_3911 = arith.constant 16 : i32
        %add3A_3912 = arith.addi %add3A_1000, %add3A_3911 : i32
        %mul3A_3913 = arith.constant 2 : i32
        %mul3A_3914 = arith.muli %mul3A_3913, %add3A_3912 : i32
        %dma_start3A_3915 = arith.constant 3 : i32
        %dma_start3A_3916 = arith.constant 0 : i32
        %dma_start3A_3917 = tpu.memref_slice %arg7[%dma_start3A_3915, %dma_start3A_3916] : memref<16x208xi32, #tpu.memory_space<vmem>> -> memref<1x104xi32, #tpu.memory_space<vmem>>
        %dma_start3A_3918 = tpu.memref_squeeze %dma_start3A_3917 : memref<1x104xi32, #tpu.memory_space<vmem>> -> memref<104xi32, #tpu.memory_space<vmem>>
        %dma_start3A_3919 = arith.constant 0 : i32
        %dma_start3A_3920 = tpu.memref_slice %arg6[%mul3A_3914, %dma_start3A_3919] : memref<256x104xi32, #tpu.memory_space<vmem>> -> memref<1x104xi32, #tpu.memory_space<vmem>>
        %dma_start3A_3921 = tpu.memref_squeeze %dma_start3A_3920 : memref<1x104xi32, #tpu.memory_space<vmem>> -> memref<104xi32, #tpu.memory_space<vmem>>
        %dma_start3A_3922 = arith.constant 0 : i32
        %dma_start3A_3923 = tpu.memref_slice %arg8[%dma_start3A_3922] : memref<1000064xi32, #tpu.memory_space<vmem_shared>> -> memref<1000064xi32, #tpu.memory_space<vmem_shared>>
        tpu.enqueue_indirect_dma source(%dma_start3A_3923 : memref<1000064xi32, #tpu.memory_space<vmem_shared>>) target(%dma_start3A_3918 : memref<104xi32, #tpu.memory_space<vmem>>) offsets(%dma_start3A_3921 : memref<104xi32, #tpu.memory_space<vmem>>) semaphore(%arg14 : memref<!tpu.dma_semaphore, #tpu.memory_space<semaphore_mem>>)
        %mul3A_3924 = arith.constant 2 : i32
        %mul3A_3925 = arith.muli %mul3A_3924, %add3A_3912 : i32
        %add3A_3926 = arith.constant 1 : i32
        %add3A_3927 = arith.addi %mul3A_3925, %add3A_3926 : i32
        %dma_start3A_3928 = arith.constant 3 : i32
        %dma_start3A_3929 = arith.constant 104 : i32
        %dma_start3A_3930 = tpu.memref_slice %arg7[%dma_start3A_3928, %dma_start3A_3929] : memref<16x208xi32, #tpu.memory_space<vmem>> -> memref<1x104xi32, #tpu.memory_space<vmem>>
        %dma_start3A_3931 = tpu.memref_squeeze %dma_start3A_3930 : memref<1x104xi32, #tpu.memory_space<vmem>> -> memref<104xi32, #tpu.memory_space<vmem>>
        %dma_start3A_3932 = arith.constant 0 : i32
        %dma_start3A_3933 = tpu.memref_slice %arg6[%add3A_3927, %dma_start3A_3932] : memref<256x104xi32, #tpu.memory_space<vmem>> -> memref<1x104xi32, #tpu.memory_space<vmem>>
        %dma_start3A_3934 = tpu.memref_squeeze %dma_start3A_3933 : memref<1x104xi32, #tpu.memory_space<vmem>> -> memref<104xi32, #tpu.memory_space<vmem>>
        %dma_start3A_3935 = arith.constant 0 : i32
        %dma_start3A_3936 = tpu.memref_slice %arg8[%dma_start3A_3935] : memref<1000064xi32, #tpu.memory_space<vmem_shared>> -> memref<1000064xi32, #tpu.memory_space<vmem_shared>>
        tpu.enqueue_indirect_dma source(%dma_start3A_3936 : memref<1000064xi32, #tpu.memory_space<vmem_shared>>) target(%dma_start3A_3931 : memref<104xi32, #tpu.memory_space<vmem>>) offsets(%dma_start3A_3934 : memref<104xi32, #tpu.memory_space<vmem>>) semaphore(%arg14 : memref<!tpu.dma_semaphore, #tpu.memory_space<semaphore_mem>>)
      } else {
      }
      %eq3A_1204 = arith.constant 0 : i32
      %eq3A_1205 = vector.broadcast %eq3A_1204 : i32 to vector<16xi32>
      %eq3A_1206 = arith.cmpi eq, %iota3A, %eq3A_1205 : vector<16xi32>
      %eq3A_1207 = arith.constant 1 : i32
      %eq3A_1208 = vector.broadcast %eq3A_1207 : i32 to vector<16xi32>
      %eq3A_1209 = arith.cmpi eq, %iota3A, %eq3A_1208 : vector<16xi32>
      %jit3A_1210 = arith.constant 0.000000e+00 : f32
      %broadcast_in_dim3A_1211 = vector.broadcast %mul3A_1196 : f32 to vector<16xf32>
      %broadcast_in_dim3A_1212 = vector.broadcast %jit3A_1210 : f32 to vector<16xf32>
      %select_n3A_1213 = arith.select %eq3A_1209, %broadcast_in_dim3A_1211, %broadcast_in_dim3A_1212 : vector<16xi1>, vector<16xf32>
      %broadcast_in_dim3A_1214 = vector.broadcast %mul3A_1190 : f32 to vector<16xf32>
      %select_n3A_1215 = arith.select %eq3A_1206, %broadcast_in_dim3A_1214, %select_n3A_1213 : vector<16xi1>, vector<16xf32>
      %get3A_1216 = arith.constant 0 : index
      %get3A_1217 = tpu.vector_load %arg9[%get3A_1216] {strides = array<i32>} : memref<16xf32, #tpu.memory_space<vmem>>, vector<16xf32>,
      %add3A_1218 = arith.addf %select_n3A_1215, %get3A_1217 : vector<16xf32>
      %mul3A_1219 = arith.constant 2 : i32
      %mul3A_1220 = arith.muli %mul3A_1219, %add3A_1000 : i32
      %swap3A_1221 = arith.index_cast %mul3A_1220 : i32 to index
      %swap3A_1222 = tpu.vector_load %arg10[%swap3A_1221] {strides = array<i32>} : memref<272xf32, #tpu.memory_space<vmem>>, vector<16xf32>,
      tpu.vector_store %arg10[%swap3A_1221], %add3A_1218 {strides = array<i32>} : memref<272xf32, #tpu.memory_space<vmem>>, vector<16xf32>,
      %add3A_1223 = arith.constant 4 : i32
      %add3A_1224 = arith.addi %add3A_339, %add3A_1223 : i32
      %mul3A_1225 = arith.constant 2 : i32
      %mul3A_1226 = arith.muli %mul3A_1225, %add3A_1224 : i32
      %dma_wait3A_1227 = arith.constant 4 : i32
      %dma_wait3A_1228 = arith.constant 0 : i32
      %dma_wait3A_1229 = tpu.memref_slice %arg7[%dma_wait3A_1227, %dma_wait3A_1228] : memref<16x208xi32, #tpu.memory_space<vmem>> -> memref<1x104xi32, #tpu.memory_space<vmem>>
      %dma_wait3A_1230 = tpu.memref_squeeze %dma_wait3A_1229 : memref<1x104xi32, #tpu.memory_space<vmem>> -> memref<104xi32, #tpu.memory_space<vmem>>
      %dma_wait3A_1231 = arith.constant 0 : i32
      %dma_wait3A_1232 = tpu.memref_slice %arg6[%mul3A_1226, %dma_wait3A_1231] : memref<256x104xi32, #tpu.memory_space<vmem>> -> memref<1x104xi32, #tpu.memory_space<vmem>>
      %dma_wait3A_1233 = tpu.memref_squeeze %dma_wait3A_1232 : memref<1x104xi32, #tpu.memory_space<vmem>> -> memref<104xi32, #tpu.memory_space<vmem>>
      %dma_wait3A_1234 = arith.constant 0 : i32
      %dma_wait3A_1235 = tpu.memref_slice %arg8[%dma_wait3A_1234] : memref<1000064xi32, #tpu.memory_space<vmem_shared>> -> memref<1000064xi32, #tpu.memory_space<vmem_shared>>
      tpu.wait_indirect_dma semaphore(%arg15 : memref<!tpu.dma_semaphore, #tpu.memory_space<semaphore_mem>>) src(%dma_wait3A_1235 : memref<1000064xi32, #tpu.memory_space<vmem_shared>>) dst(%dma_wait3A_1230 : memref<104xi32, #tpu.memory_space<vmem>>)
      %mul3A_1236 = arith.constant 2 : i32
      %mul3A_1237 = arith.muli %mul3A_1236, %add3A_1224 : i32
      %add3A_1238 = arith.constant 1 : i32
      %add3A_1239 = arith.addi %mul3A_1237, %add3A_1238 : i32
      %dma_wait3A_1240 = arith.constant 4 : i32
      %dma_wait3A_1241 = arith.constant 104 : i32
      %dma_wait3A_1242 = tpu.memref_slice %arg7[%dma_wait3A_1240, %dma_wait3A_1241] : memref<16x208xi32, #tpu.memory_space<vmem>> -> memref<1x104xi32, #tpu.memory_space<vmem>>
      %dma_wait3A_1243 = tpu.memref_squeeze %dma_wait3A_1242 : memref<1x104xi32, #tpu.memory_space<vmem>> -> memref<104xi32, #tpu.memory_space<vmem>>
      %dma_wait3A_1244 = arith.constant 0 : i32
      %dma_wait3A_1245 = tpu.memref_slice %arg6[%add3A_1239, %dma_wait3A_1244] : memref<256x104xi32, #tpu.memory_space<vmem>> -> memref<1x104xi32, #tpu.memory_space<vmem>>
      %dma_wait3A_1246 = tpu.memref_squeeze %dma_wait3A_1245 : memref<1x104xi32, #tpu.memory_space<vmem>> -> memref<104xi32, #tpu.memory_space<vmem>>
      %dma_wait3A_1247 = arith.constant 0 : i32
      %dma_wait3A_1248 = tpu.memref_slice %arg8[%dma_wait3A_1247] : memref<1000064xi32, #tpu.memory_space<vmem_shared>> -> memref<1000064xi32, #tpu.memory_space<vmem_shared>>
      tpu.wait_indirect_dma semaphore(%arg15 : memref<!tpu.dma_semaphore, #tpu.memory_space<semaphore_mem>>) src(%dma_wait3A_1248 : memref<1000064xi32, #tpu.memory_space<vmem_shared>>) dst(%dma_wait3A_1243 : memref<104xi32, #tpu.memory_space<vmem>>)
      %broadcast_in_dim3A_1249 = arith.constant 0.000000e+00 : f32
      %broadcast_in_dim3A_1250 = vector.broadcast %broadcast_in_dim3A_1249 : f32 to vector<16xf32>
      %broadcast_in_dim3A_1251 = arith.constant 0.000000e+00 : f32
      %broadcast_in_dim3A_1252 = vector.broadcast %broadcast_in_dim3A_1251 : f32 to vector<16xf32>
      %get3A_1253 = arith.constant 4 : i32
      %get3A_1254 = arith.index_cast %get3A_1253 : i32 to index
      %get3A_1255 = arith.constant 0 : index
      %get3A_1256 = tpu.vector_load %arg7[%get3A_1254, %get3A_1255] {strides = array<i32>} : memref<16x208xi32, #tpu.memory_space<vmem>>, vector<16xi32>,
      %shift_left3A_1257 = arith.constant 16 : i32
      %shift_left3A_1258 = vector.broadcast %shift_left3A_1257 : i32 to vector<16xi32>
      %shift_left3A_1259 = arith.shli %get3A_1256, %shift_left3A_1258 : vector<16xi32>
      %bitcast_convert_type3A_1260 = tpu.bitcast %shift_left3A_1259 : vector<16xi32> -> vector<16xf32>
      %add3A_1261 = arith.addf %broadcast_in_dim3A_1250, %bitcast_convert_type3A_1260 : vector<16xf32>
      %and3A_1262 = arith.andi %get3A_1256, %broadcast_in_dim3A_328 : vector<16xi32>
      %bitcast_convert_type3A_1263 = tpu.bitcast %and3A_1262 : vector<16xi32> -> vector<16xf32>
      %add3A_1264 = arith.addf %broadcast_in_dim3A_1252, %bitcast_convert_type3A_1263 : vector<16xf32>
      %get3A_1265 = arith.constant 4 : i32
      %get3A_1266 = arith.index_cast %get3A_1265 : i32 to index
      %get3A_1267 = arith.constant 16 : index
      %get3A_1268 = tpu.vector_load %arg7[%get3A_1266, %get3A_1267] {strides = array<i32>} : memref<16x208xi32, #tpu.memory_space<vmem>>, vector<16xi32>,
      %shift_left3A_1269 = arith.constant 16 : i32
      %shift_left3A_1270 = vector.broadcast %shift_left3A_1269 : i32 to vector<16xi32>
      %shift_left3A_1271 = arith.shli %get3A_1268, %shift_left3A_1270 : vector<16xi32>
      %bitcast_convert_type3A_1272 = tpu.bitcast %shift_left3A_1271 : vector<16xi32> -> vector<16xf32>
      %add3A_1273 = arith.addf %add3A_1261, %bitcast_convert_type3A_1272 : vector<16xf32>
      %and3A_1274 = arith.andi %get3A_1268, %broadcast_in_dim3A_328 : vector<16xi32>
      %bitcast_convert_type3A_1275 = tpu.bitcast %and3A_1274 : vector<16xi32> -> vector<16xf32>
      %add3A_1276 = arith.addf %add3A_1264, %bitcast_convert_type3A_1275 : vector<16xf32>
      %get3A_1277 = arith.constant 4 : i32
      %get3A_1278 = arith.index_cast %get3A_1277 : i32 to index
      %get3A_1279 = arith.constant 32 : index
      %get3A_1280 = tpu.vector_load %arg7[%get3A_1278, %get3A_1279] {strides = array<i32>} : memref<16x208xi32, #tpu.memory_space<vmem>>, vector<16xi32>,
      %shift_left3A_1281 = arith.constant 16 : i32
      %shift_left3A_1282 = vector.broadcast %shift_left3A_1281 : i32 to vector<16xi32>
      %shift_left3A_1283 = arith.shli %get3A_1280, %shift_left3A_1282 : vector<16xi32>
      %bitcast_convert_type3A_1284 = tpu.bitcast %shift_left3A_1283 : vector<16xi32> -> vector<16xf32>
      %add3A_1285 = arith.addf %add3A_1273, %bitcast_convert_type3A_1284 : vector<16xf32>
      %and3A_1286 = arith.andi %get3A_1280, %broadcast_in_dim3A_328 : vector<16xi32>
      %bitcast_convert_type3A_1287 = tpu.bitcast %and3A_1286 : vector<16xi32> -> vector<16xf32>
      %add3A_1288 = arith.addf %add3A_1276, %bitcast_convert_type3A_1287 : vector<16xf32>
      %get3A_1289 = arith.constant 4 : i32
      %get3A_1290 = arith.index_cast %get3A_1289 : i32 to index
      %get3A_1291 = arith.constant 48 : index
      %get3A_1292 = tpu.vector_load %arg7[%get3A_1290, %get3A_1291] {strides = array<i32>} : memref<16x208xi32, #tpu.memory_space<vmem>>, vector<16xi32>,
      %shift_left3A_1293 = arith.constant 16 : i32
      %shift_left3A_1294 = vector.broadcast %shift_left3A_1293 : i32 to vector<16xi32>
      %shift_left3A_1295 = arith.shli %get3A_1292, %shift_left3A_1294 : vector<16xi32>
      %bitcast_convert_type3A_1296 = tpu.bitcast %shift_left3A_1295 : vector<16xi32> -> vector<16xf32>
      %add3A_1297 = arith.addf %add3A_1285, %bitcast_convert_type3A_1296 : vector<16xf32>
      %and3A_1298 = arith.andi %get3A_1292, %broadcast_in_dim3A_328 : vector<16xi32>
      %bitcast_convert_type3A_1299 = tpu.bitcast %and3A_1298 : vector<16xi32> -> vector<16xf32>
      %add3A_1300 = arith.addf %add3A_1288, %bitcast_convert_type3A_1299 : vector<16xf32>
      %get3A_1301 = arith.constant 4 : i32
      %get3A_1302 = arith.index_cast %get3A_1301 : i32 to index
      %get3A_1303 = arith.constant 64 : index
      %get3A_1304 = tpu.vector_load %arg7[%get3A_1302, %get3A_1303] {strides = array<i32>} : memref<16x208xi32, #tpu.memory_space<vmem>>, vector<16xi32>,
      %shift_left3A_1305 = arith.constant 16 : i32
      %shift_left3A_1306 = vector.broadcast %shift_left3A_1305 : i32 to vector<16xi32>
      %shift_left3A_1307 = arith.shli %get3A_1304, %shift_left3A_1306 : vector<16xi32>
      %bitcast_convert_type3A_1308 = tpu.bitcast %shift_left3A_1307 : vector<16xi32> -> vector<16xf32>
      %add3A_1309 = arith.addf %add3A_1297, %bitcast_convert_type3A_1308 : vector<16xf32>
      %and3A_1310 = arith.andi %get3A_1304, %broadcast_in_dim3A_328 : vector<16xi32>
      %bitcast_convert_type3A_1311 = tpu.bitcast %and3A_1310 : vector<16xi32> -> vector<16xf32>
      %add3A_1312 = arith.addf %add3A_1300, %bitcast_convert_type3A_1311 : vector<16xf32>
      %get3A_1313 = arith.constant 4 : i32
      %get3A_1314 = arith.index_cast %get3A_1313 : i32 to index
      %get3A_1315 = arith.constant 80 : index
      %get3A_1316 = tpu.vector_load %arg7[%get3A_1314, %get3A_1315] {strides = array<i32>} : memref<16x208xi32, #tpu.memory_space<vmem>>, vector<16xi32>,
      %shift_left3A_1317 = arith.constant 16 : i32
      %shift_left3A_1318 = vector.broadcast %shift_left3A_1317 : i32 to vector<16xi32>
      %shift_left3A_1319 = arith.shli %get3A_1316, %shift_left3A_1318 : vector<16xi32>
      %bitcast_convert_type3A_1320 = tpu.bitcast %shift_left3A_1319 : vector<16xi32> -> vector<16xf32>
      %add3A_1321 = arith.addf %add3A_1309, %bitcast_convert_type3A_1320 : vector<16xf32>
      %and3A_1322 = arith.andi %get3A_1316, %broadcast_in_dim3A_328 : vector<16xi32>
      %bitcast_convert_type3A_1323 = tpu.bitcast %and3A_1322 : vector<16xi32> -> vector<16xf32>
      %add3A_1324 = arith.addf %add3A_1312, %bitcast_convert_type3A_1323 : vector<16xf32>
      %get3A_1325 = arith.constant 4 : i32
      %get3A_1326 = arith.index_cast %get3A_1325 : i32 to index
      %get3A_1327 = arith.constant 96 : index
      %get3A_1328 = tpu.vector_load %arg7[%get3A_1326, %get3A_1327] {strides = array<i32>} : memref<16x208xi32, #tpu.memory_space<vmem>>, vector<16xi32>,
      %shift_left3A_1329 = arith.constant 16 : i32
      %shift_left3A_1330 = vector.broadcast %shift_left3A_1329 : i32 to vector<16xi32>
      %shift_left3A_1331 = arith.shli %get3A_1328, %shift_left3A_1330 : vector<16xi32>
      %bitcast_convert_type3A_1332 = tpu.bitcast %shift_left3A_1331 : vector<16xi32> -> vector<16xf32>
      %add3A_1333 = arith.addf %add3A_1321, %bitcast_convert_type3A_1332 : vector<16xf32>
      %and3A_1334 = arith.andi %get3A_1328, %broadcast_in_dim3A_328 : vector<16xi32>
      %bitcast_convert_type3A_1335 = tpu.bitcast %and3A_1334 : vector<16xi32> -> vector<16xf32>
      %add3A_1336 = arith.addf %add3A_1324, %bitcast_convert_type3A_1335 : vector<16xf32>
      %get3A_1337 = arith.constant 4 : i32
      %get3A_1338 = arith.index_cast %get3A_1337 : i32 to index
      %get3A_1339 = arith.constant 112 : index
      %get3A_1340 = tpu.vector_load %arg7[%get3A_1338, %get3A_1339] {strides = array<i32>} : memref<16x208xi32, #tpu.memory_space<vmem>>, vector<16xi32>,
      %shift_left3A_1341 = arith.constant 16 : i32
      %shift_left3A_1342 = vector.broadcast %shift_left3A_1341 : i32 to vector<16xi32>
      %shift_left3A_1343 = arith.shli %get3A_1340, %shift_left3A_1342 : vector<16xi32>
      %bitcast_convert_type3A_1344 = tpu.bitcast %shift_left3A_1343 : vector<16xi32> -> vector<16xf32>
      %add3A_1345 = arith.addf %add3A_1333, %bitcast_convert_type3A_1344 : vector<16xf32>
      %and3A_1346 = arith.andi %get3A_1340, %broadcast_in_dim3A_328 : vector<16xi32>
      %bitcast_convert_type3A_1347 = tpu.bitcast %and3A_1346 : vector<16xi32> -> vector<16xf32>
      %add3A_1348 = arith.addf %add3A_1336, %bitcast_convert_type3A_1347 : vector<16xf32>
      %get3A_1349 = arith.constant 4 : i32
      %get3A_1350 = arith.index_cast %get3A_1349 : i32 to index
      %get3A_1351 = arith.constant 128 : index
      %get3A_1352 = tpu.vector_load %arg7[%get3A_1350, %get3A_1351] {strides = array<i32>} : memref<16x208xi32, #tpu.memory_space<vmem>>, vector<16xi32>,
      %shift_left3A_1353 = arith.constant 16 : i32
      %shift_left3A_1354 = vector.broadcast %shift_left3A_1353 : i32 to vector<16xi32>
      %shift_left3A_1355 = arith.shli %get3A_1352, %shift_left3A_1354 : vector<16xi32>
      %bitcast_convert_type3A_1356 = tpu.bitcast %shift_left3A_1355 : vector<16xi32> -> vector<16xf32>
      %add3A_1357 = arith.addf %add3A_1345, %bitcast_convert_type3A_1356 : vector<16xf32>
      %and3A_1358 = arith.andi %get3A_1352, %broadcast_in_dim3A_328 : vector<16xi32>
      %bitcast_convert_type3A_1359 = tpu.bitcast %and3A_1358 : vector<16xi32> -> vector<16xf32>
      %add3A_1360 = arith.addf %add3A_1348, %bitcast_convert_type3A_1359 : vector<16xf32>
      %get3A_1361 = arith.constant 4 : i32
      %get3A_1362 = arith.index_cast %get3A_1361 : i32 to index
      %get3A_1363 = arith.constant 144 : index
      %get3A_1364 = tpu.vector_load %arg7[%get3A_1362, %get3A_1363] {strides = array<i32>} : memref<16x208xi32, #tpu.memory_space<vmem>>, vector<16xi32>,
      %shift_left3A_1365 = arith.constant 16 : i32
      %shift_left3A_1366 = vector.broadcast %shift_left3A_1365 : i32 to vector<16xi32>
      %shift_left3A_1367 = arith.shli %get3A_1364, %shift_left3A_1366 : vector<16xi32>
      %bitcast_convert_type3A_1368 = tpu.bitcast %shift_left3A_1367 : vector<16xi32> -> vector<16xf32>
      %add3A_1369 = arith.addf %add3A_1357, %bitcast_convert_type3A_1368 : vector<16xf32>
      %and3A_1370 = arith.andi %get3A_1364, %broadcast_in_dim3A_328 : vector<16xi32>
      %bitcast_convert_type3A_1371 = tpu.bitcast %and3A_1370 : vector<16xi32> -> vector<16xf32>
      %add3A_1372 = arith.addf %add3A_1360, %bitcast_convert_type3A_1371 : vector<16xf32>
      %get3A_1373 = arith.constant 4 : i32
      %get3A_1374 = arith.index_cast %get3A_1373 : i32 to index
      %get3A_1375 = arith.constant 160 : index
      %get3A_1376 = tpu.vector_load %arg7[%get3A_1374, %get3A_1375] {strides = array<i32>} : memref<16x208xi32, #tpu.memory_space<vmem>>, vector<16xi32>,
      %shift_left3A_1377 = arith.constant 16 : i32
      %shift_left3A_1378 = vector.broadcast %shift_left3A_1377 : i32 to vector<16xi32>
      %shift_left3A_1379 = arith.shli %get3A_1376, %shift_left3A_1378 : vector<16xi32>
      %bitcast_convert_type3A_1380 = tpu.bitcast %shift_left3A_1379 : vector<16xi32> -> vector<16xf32>
      %add3A_1381 = arith.addf %add3A_1369, %bitcast_convert_type3A_1380 : vector<16xf32>
      %and3A_1382 = arith.andi %get3A_1376, %broadcast_in_dim3A_328 : vector<16xi32>
      %bitcast_convert_type3A_1383 = tpu.bitcast %and3A_1382 : vector<16xi32> -> vector<16xf32>
      %add3A_1384 = arith.addf %add3A_1372, %bitcast_convert_type3A_1383 : vector<16xf32>
      %get3A_1385 = arith.constant 4 : i32
      %get3A_1386 = arith.index_cast %get3A_1385 : i32 to index
      %get3A_1387 = arith.constant 176 : index
      %get3A_1388 = tpu.vector_load %arg7[%get3A_1386, %get3A_1387] {strides = array<i32>} : memref<16x208xi32, #tpu.memory_space<vmem>>, vector<16xi32>,
      %shift_left3A_1389 = arith.constant 16 : i32
      %shift_left3A_1390 = vector.broadcast %shift_left3A_1389 : i32 to vector<16xi32>
      %shift_left3A_1391 = arith.shli %get3A_1388, %shift_left3A_1390 : vector<16xi32>
      %bitcast_convert_type3A_1392 = tpu.bitcast %shift_left3A_1391 : vector<16xi32> -> vector<16xf32>
      %add3A_1393 = arith.addf %add3A_1381, %bitcast_convert_type3A_1392 : vector<16xf32>
      %and3A_1394 = arith.andi %get3A_1388, %broadcast_in_dim3A_328 : vector<16xi32>
      %bitcast_convert_type3A_1395 = tpu.bitcast %and3A_1394 : vector<16xi32> -> vector<16xf32>
      %add3A_1396 = arith.addf %add3A_1384, %bitcast_convert_type3A_1395 : vector<16xf32>
      %get3A_1397 = arith.constant 4 : i32
      %get3A_1398 = arith.index_cast %get3A_1397 : i32 to index
      %get3A_1399 = arith.constant 192 : index
      %get3A_1400 = tpu.vector_load %arg7[%get3A_1398, %get3A_1399] {strides = array<i32>} : memref<16x208xi32, #tpu.memory_space<vmem>>, vector<16xi32>,
      %shift_left3A_1401 = arith.constant 16 : i32
      %shift_left3A_1402 = vector.broadcast %shift_left3A_1401 : i32 to vector<16xi32>
      %shift_left3A_1403 = arith.shli %get3A_1400, %shift_left3A_1402 : vector<16xi32>
      %bitcast_convert_type3A_1404 = tpu.bitcast %shift_left3A_1403 : vector<16xi32> -> vector<16xf32>
      %add3A_1405 = arith.addf %add3A_1393, %bitcast_convert_type3A_1404 : vector<16xf32>
      %and3A_1406 = arith.andi %get3A_1400, %broadcast_in_dim3A_328 : vector<16xi32>
      %bitcast_convert_type3A_1407 = tpu.bitcast %and3A_1406 : vector<16xi32> -> vector<16xf32>
      %add3A_1408 = arith.addf %add3A_1396, %bitcast_convert_type3A_1407 : vector<16xf32>
      %reduce_sum3A_1409 = arith.constant true
      %reduce_sum3A_1410 = vector.broadcast %reduce_sum3A_1409 : i1 to vector<16xi1>
      %reduce_sum3A_1411 = tpu.scan <sum>, %add3A_1405 masked %reduce_sum3A_1410 : vector<16xf32>, vector<16xi1> -> vector<16xf32>
      %reduce_sum3A_1412 = vector.extract %reduce_sum3A_1411[15] : f32 from vector<16xf32>
      %mul3A_1413 = arith.constant 5.000000e-03 : f32
      %mul3A_1414 = arith.mulf %reduce_sum3A_1412, %mul3A_1413 : f32
      %reduce_sum3A_1415 = arith.constant true
      %reduce_sum3A_1416 = vector.broadcast %reduce_sum3A_1415 : i1 to vector<16xi1>
      %reduce_sum3A_1417 = tpu.scan <sum>, %add3A_1408 masked %reduce_sum3A_1416 : vector<16xf32>, vector<16xi1> -> vector<16xf32>
      %reduce_sum3A_1418 = vector.extract %reduce_sum3A_1417[15] : f32 from vector<16xf32>
      %mul3A_1419 = arith.constant 5.000000e-03 : f32
      %mul3A_1420 = arith.mulf %reduce_sum3A_1418, %mul3A_1419 : f32
      %add3A_1421 = arith.constant 16 : i32
      %add3A_1422 = arith.addi %add3A_1224, %add3A_1421 : i32
      %lt3A_1423 = arith.constant 128 : i32
      %lt3A_1424 = arith.cmpi slt, %add3A_1422, %lt3A_1423 : i32
      %convert_element_type3A_1425 = arith.extui %lt3A_1424 : i1 to i32
      %cond3A_1426 = arith.constant 0 : i32
      %cond3A_1427 = arith.cmpi ne, %convert_element_type3A_1425, %cond3A_1426 : i32
      scf.if %cond3A_1427 {
        %add3A_3911 = arith.constant 16 : i32
        %add3A_3912 = arith.addi %add3A_1224, %add3A_3911 : i32
        %mul3A_3913 = arith.constant 2 : i32
        %mul3A_3914 = arith.muli %mul3A_3913, %add3A_3912 : i32
        %dma_start3A_3915 = arith.constant 4 : i32
        %dma_start3A_3916 = arith.constant 0 : i32
        %dma_start3A_3917 = tpu.memref_slice %arg7[%dma_start3A_3915, %dma_start3A_3916] : memref<16x208xi32, #tpu.memory_space<vmem>> -> memref<1x104xi32, #tpu.memory_space<vmem>>
        %dma_start3A_3918 = tpu.memref_squeeze %dma_start3A_3917 : memref<1x104xi32, #tpu.memory_space<vmem>> -> memref<104xi32, #tpu.memory_space<vmem>>
        %dma_start3A_3919 = arith.constant 0 : i32
        %dma_start3A_3920 = tpu.memref_slice %arg6[%mul3A_3914, %dma_start3A_3919] : memref<256x104xi32, #tpu.memory_space<vmem>> -> memref<1x104xi32, #tpu.memory_space<vmem>>
        %dma_start3A_3921 = tpu.memref_squeeze %dma_start3A_3920 : memref<1x104xi32, #tpu.memory_space<vmem>> -> memref<104xi32, #tpu.memory_space<vmem>>
        %dma_start3A_3922 = arith.constant 0 : i32
        %dma_start3A_3923 = tpu.memref_slice %arg8[%dma_start3A_3922] : memref<1000064xi32, #tpu.memory_space<vmem_shared>> -> memref<1000064xi32, #tpu.memory_space<vmem_shared>>
        tpu.enqueue_indirect_dma source(%dma_start3A_3923 : memref<1000064xi32, #tpu.memory_space<vmem_shared>>) target(%dma_start3A_3918 : memref<104xi32, #tpu.memory_space<vmem>>) offsets(%dma_start3A_3921 : memref<104xi32, #tpu.memory_space<vmem>>) semaphore(%arg15 : memref<!tpu.dma_semaphore, #tpu.memory_space<semaphore_mem>>)
        %mul3A_3924 = arith.constant 2 : i32
        %mul3A_3925 = arith.muli %mul3A_3924, %add3A_3912 : i32
        %add3A_3926 = arith.constant 1 : i32
        %add3A_3927 = arith.addi %mul3A_3925, %add3A_3926 : i32
        %dma_start3A_3928 = arith.constant 4 : i32
        %dma_start3A_3929 = arith.constant 104 : i32
        %dma_start3A_3930 = tpu.memref_slice %arg7[%dma_start3A_3928, %dma_start3A_3929] : memref<16x208xi32, #tpu.memory_space<vmem>> -> memref<1x104xi32, #tpu.memory_space<vmem>>
        %dma_start3A_3931 = tpu.memref_squeeze %dma_start3A_3930 : memref<1x104xi32, #tpu.memory_space<vmem>> -> memref<104xi32, #tpu.memory_space<vmem>>
        %dma_start3A_3932 = arith.constant 0 : i32
        %dma_start3A_3933 = tpu.memref_slice %arg6[%add3A_3927, %dma_start3A_3932] : memref<256x104xi32, #tpu.memory_space<vmem>> -> memref<1x104xi32, #tpu.memory_space<vmem>>
        %dma_start3A_3934 = tpu.memref_squeeze %dma_start3A_3933 : memref<1x104xi32, #tpu.memory_space<vmem>> -> memref<104xi32, #tpu.memory_space<vmem>>
        %dma_start3A_3935 = arith.constant 0 : i32
        %dma_start3A_3936 = tpu.memref_slice %arg8[%dma_start3A_3935] : memref<1000064xi32, #tpu.memory_space<vmem_shared>> -> memref<1000064xi32, #tpu.memory_space<vmem_shared>>
        tpu.enqueue_indirect_dma source(%dma_start3A_3936 : memref<1000064xi32, #tpu.memory_space<vmem_shared>>) target(%dma_start3A_3931 : memref<104xi32, #tpu.memory_space<vmem>>) offsets(%dma_start3A_3934 : memref<104xi32, #tpu.memory_space<vmem>>) semaphore(%arg15 : memref<!tpu.dma_semaphore, #tpu.memory_space<semaphore_mem>>)
      } else {
      }
      %eq3A_1428 = arith.constant 0 : i32
      %eq3A_1429 = vector.broadcast %eq3A_1428 : i32 to vector<16xi32>
      %eq3A_1430 = arith.cmpi eq, %iota3A, %eq3A_1429 : vector<16xi32>
      %eq3A_1431 = arith.constant 1 : i32
      %eq3A_1432 = vector.broadcast %eq3A_1431 : i32 to vector<16xi32>
      %eq3A_1433 = arith.cmpi eq, %iota3A, %eq3A_1432 : vector<16xi32>
      %jit3A_1434 = arith.constant 0.000000e+00 : f32
      %broadcast_in_dim3A_1435 = vector.broadcast %mul3A_1420 : f32 to vector<16xf32>
      %broadcast_in_dim3A_1436 = vector.broadcast %jit3A_1434 : f32 to vector<16xf32>
      %select_n3A_1437 = arith.select %eq3A_1433, %broadcast_in_dim3A_1435, %broadcast_in_dim3A_1436 : vector<16xi1>, vector<16xf32>
      %broadcast_in_dim3A_1438 = vector.broadcast %mul3A_1414 : f32 to vector<16xf32>
      %select_n3A_1439 = arith.select %eq3A_1430, %broadcast_in_dim3A_1438, %select_n3A_1437 : vector<16xi1>, vector<16xf32>
      %get3A_1440 = arith.constant 0 : index
      %get3A_1441 = tpu.vector_load %arg9[%get3A_1440] {strides = array<i32>} : memref<16xf32, #tpu.memory_space<vmem>>, vector<16xf32>,
      %add3A_1442 = arith.addf %select_n3A_1439, %get3A_1441 : vector<16xf32>
      %mul3A_1443 = arith.constant 2 : i32
      %mul3A_1444 = arith.muli %mul3A_1443, %add3A_1224 : i32
      %swap3A_1445 = arith.index_cast %mul3A_1444 : i32 to index
      %swap3A_1446 = tpu.vector_load %arg10[%swap3A_1445] {strides = array<i32>} : memref<272xf32, #tpu.memory_space<vmem>>, vector<16xf32>,
      tpu.vector_store %arg10[%swap3A_1445], %add3A_1442 {strides = array<i32>} : memref<272xf32, #tpu.memory_space<vmem>>, vector<16xf32>,
      %add3A_1447 = arith.constant 5 : i32
      %add3A_1448 = arith.addi %add3A_339, %add3A_1447 : i32
      %mul3A_1449 = arith.constant 2 : i32
      %mul3A_1450 = arith.muli %mul3A_1449, %add3A_1448 : i32
      %dma_wait3A_1451 = arith.constant 5 : i32
      %dma_wait3A_1452 = arith.constant 0 : i32
      %dma_wait3A_1453 = tpu.memref_slice %arg7[%dma_wait3A_1451, %dma_wait3A_1452] : memref<16x208xi32, #tpu.memory_space<vmem>> -> memref<1x104xi32, #tpu.memory_space<vmem>>
      %dma_wait3A_1454 = tpu.memref_squeeze %dma_wait3A_1453 : memref<1x104xi32, #tpu.memory_space<vmem>> -> memref<104xi32, #tpu.memory_space<vmem>>
      %dma_wait3A_1455 = arith.constant 0 : i32
      %dma_wait3A_1456 = tpu.memref_slice %arg6[%mul3A_1450, %dma_wait3A_1455] : memref<256x104xi32, #tpu.memory_space<vmem>> -> memref<1x104xi32, #tpu.memory_space<vmem>>
      %dma_wait3A_1457 = tpu.memref_squeeze %dma_wait3A_1456 : memref<1x104xi32, #tpu.memory_space<vmem>> -> memref<104xi32, #tpu.memory_space<vmem>>
      %dma_wait3A_1458 = arith.constant 0 : i32
      %dma_wait3A_1459 = tpu.memref_slice %arg8[%dma_wait3A_1458] : memref<1000064xi32, #tpu.memory_space<vmem_shared>> -> memref<1000064xi32, #tpu.memory_space<vmem_shared>>
      tpu.wait_indirect_dma semaphore(%arg16 : memref<!tpu.dma_semaphore, #tpu.memory_space<semaphore_mem>>) src(%dma_wait3A_1459 : memref<1000064xi32, #tpu.memory_space<vmem_shared>>) dst(%dma_wait3A_1454 : memref<104xi32, #tpu.memory_space<vmem>>)
      %mul3A_1460 = arith.constant 2 : i32
      %mul3A_1461 = arith.muli %mul3A_1460, %add3A_1448 : i32
      %add3A_1462 = arith.constant 1 : i32
      %add3A_1463 = arith.addi %mul3A_1461, %add3A_1462 : i32
      %dma_wait3A_1464 = arith.constant 5 : i32
      %dma_wait3A_1465 = arith.constant 104 : i32
      %dma_wait3A_1466 = tpu.memref_slice %arg7[%dma_wait3A_1464, %dma_wait3A_1465] : memref<16x208xi32, #tpu.memory_space<vmem>> -> memref<1x104xi32, #tpu.memory_space<vmem>>
      %dma_wait3A_1467 = tpu.memref_squeeze %dma_wait3A_1466 : memref<1x104xi32, #tpu.memory_space<vmem>> -> memref<104xi32, #tpu.memory_space<vmem>>
      %dma_wait3A_1468 = arith.constant 0 : i32
      %dma_wait3A_1469 = tpu.memref_slice %arg6[%add3A_1463, %dma_wait3A_1468] : memref<256x104xi32, #tpu.memory_space<vmem>> -> memref<1x104xi32, #tpu.memory_space<vmem>>
      %dma_wait3A_1470 = tpu.memref_squeeze %dma_wait3A_1469 : memref<1x104xi32, #tpu.memory_space<vmem>> -> memref<104xi32, #tpu.memory_space<vmem>>
      %dma_wait3A_1471 = arith.constant 0 : i32
      %dma_wait3A_1472 = tpu.memref_slice %arg8[%dma_wait3A_1471] : memref<1000064xi32, #tpu.memory_space<vmem_shared>> -> memref<1000064xi32, #tpu.memory_space<vmem_shared>>
      tpu.wait_indirect_dma semaphore(%arg16 : memref<!tpu.dma_semaphore, #tpu.memory_space<semaphore_mem>>) src(%dma_wait3A_1472 : memref<1000064xi32, #tpu.memory_space<vmem_shared>>) dst(%dma_wait3A_1467 : memref<104xi32, #tpu.memory_space<vmem>>)
      %broadcast_in_dim3A_1473 = arith.constant 0.000000e+00 : f32
      %broadcast_in_dim3A_1474 = vector.broadcast %broadcast_in_dim3A_1473 : f32 to vector<16xf32>
      %broadcast_in_dim3A_1475 = arith.constant 0.000000e+00 : f32
      %broadcast_in_dim3A_1476 = vector.broadcast %broadcast_in_dim3A_1475 : f32 to vector<16xf32>
      %get3A_1477 = arith.constant 5 : i32
      %get3A_1478 = arith.index_cast %get3A_1477 : i32 to index
      %get3A_1479 = arith.constant 0 : index
      %get3A_1480 = tpu.vector_load %arg7[%get3A_1478, %get3A_1479] {strides = array<i32>} : memref<16x208xi32, #tpu.memory_space<vmem>>, vector<16xi32>,
      %shift_left3A_1481 = arith.constant 16 : i32
      %shift_left3A_1482 = vector.broadcast %shift_left3A_1481 : i32 to vector<16xi32>
      %shift_left3A_1483 = arith.shli %get3A_1480, %shift_left3A_1482 : vector<16xi32>
      %bitcast_convert_type3A_1484 = tpu.bitcast %shift_left3A_1483 : vector<16xi32> -> vector<16xf32>
      %add3A_1485 = arith.addf %broadcast_in_dim3A_1474, %bitcast_convert_type3A_1484 : vector<16xf32>
      %and3A_1486 = arith.andi %get3A_1480, %broadcast_in_dim3A_328 : vector<16xi32>
      %bitcast_convert_type3A_1487 = tpu.bitcast %and3A_1486 : vector<16xi32> -> vector<16xf32>
      %add3A_1488 = arith.addf %broadcast_in_dim3A_1476, %bitcast_convert_type3A_1487 : vector<16xf32>
      %get3A_1489 = arith.constant 5 : i32
      %get3A_1490 = arith.index_cast %get3A_1489 : i32 to index
      %get3A_1491 = arith.constant 16 : index
      %get3A_1492 = tpu.vector_load %arg7[%get3A_1490, %get3A_1491] {strides = array<i32>} : memref<16x208xi32, #tpu.memory_space<vmem>>, vector<16xi32>,
      %shift_left3A_1493 = arith.constant 16 : i32
      %shift_left3A_1494 = vector.broadcast %shift_left3A_1493 : i32 to vector<16xi32>
      %shift_left3A_1495 = arith.shli %get3A_1492, %shift_left3A_1494 : vector<16xi32>
      %bitcast_convert_type3A_1496 = tpu.bitcast %shift_left3A_1495 : vector<16xi32> -> vector<16xf32>
      %add3A_1497 = arith.addf %add3A_1485, %bitcast_convert_type3A_1496 : vector<16xf32>
      %and3A_1498 = arith.andi %get3A_1492, %broadcast_in_dim3A_328 : vector<16xi32>
      %bitcast_convert_type3A_1499 = tpu.bitcast %and3A_1498 : vector<16xi32> -> vector<16xf32>
      %add3A_1500 = arith.addf %add3A_1488, %bitcast_convert_type3A_1499 : vector<16xf32>
      %get3A_1501 = arith.constant 5 : i32
      %get3A_1502 = arith.index_cast %get3A_1501 : i32 to index
      %get3A_1503 = arith.constant 32 : index
      %get3A_1504 = tpu.vector_load %arg7[%get3A_1502, %get3A_1503] {strides = array<i32>} : memref<16x208xi32, #tpu.memory_space<vmem>>, vector<16xi32>,
      %shift_left3A_1505 = arith.constant 16 : i32
      %shift_left3A_1506 = vector.broadcast %shift_left3A_1505 : i32 to vector<16xi32>
      %shift_left3A_1507 = arith.shli %get3A_1504, %shift_left3A_1506 : vector<16xi32>
      %bitcast_convert_type3A_1508 = tpu.bitcast %shift_left3A_1507 : vector<16xi32> -> vector<16xf32>
      %add3A_1509 = arith.addf %add3A_1497, %bitcast_convert_type3A_1508 : vector<16xf32>
      %and3A_1510 = arith.andi %get3A_1504, %broadcast_in_dim3A_328 : vector<16xi32>
      %bitcast_convert_type3A_1511 = tpu.bitcast %and3A_1510 : vector<16xi32> -> vector<16xf32>
      %add3A_1512 = arith.addf %add3A_1500, %bitcast_convert_type3A_1511 : vector<16xf32>
      %get3A_1513 = arith.constant 5 : i32
      %get3A_1514 = arith.index_cast %get3A_1513 : i32 to index
      %get3A_1515 = arith.constant 48 : index
      %get3A_1516 = tpu.vector_load %arg7[%get3A_1514, %get3A_1515] {strides = array<i32>} : memref<16x208xi32, #tpu.memory_space<vmem>>, vector<16xi32>,
      %shift_left3A_1517 = arith.constant 16 : i32
      %shift_left3A_1518 = vector.broadcast %shift_left3A_1517 : i32 to vector<16xi32>
      %shift_left3A_1519 = arith.shli %get3A_1516, %shift_left3A_1518 : vector<16xi32>
      %bitcast_convert_type3A_1520 = tpu.bitcast %shift_left3A_1519 : vector<16xi32> -> vector<16xf32>
      %add3A_1521 = arith.addf %add3A_1509, %bitcast_convert_type3A_1520 : vector<16xf32>
      %and3A_1522 = arith.andi %get3A_1516, %broadcast_in_dim3A_328 : vector<16xi32>
      %bitcast_convert_type3A_1523 = tpu.bitcast %and3A_1522 : vector<16xi32> -> vector<16xf32>
      %add3A_1524 = arith.addf %add3A_1512, %bitcast_convert_type3A_1523 : vector<16xf32>
      %get3A_1525 = arith.constant 5 : i32
      %get3A_1526 = arith.index_cast %get3A_1525 : i32 to index
      %get3A_1527 = arith.constant 64 : index
      %get3A_1528 = tpu.vector_load %arg7[%get3A_1526, %get3A_1527] {strides = array<i32>} : memref<16x208xi32, #tpu.memory_space<vmem>>, vector<16xi32>,
      %shift_left3A_1529 = arith.constant 16 : i32
      %shift_left3A_1530 = vector.broadcast %shift_left3A_1529 : i32 to vector<16xi32>
      %shift_left3A_1531 = arith.shli %get3A_1528, %shift_left3A_1530 : vector<16xi32>
      %bitcast_convert_type3A_1532 = tpu.bitcast %shift_left3A_1531 : vector<16xi32> -> vector<16xf32>
      %add3A_1533 = arith.addf %add3A_1521, %bitcast_convert_type3A_1532 : vector<16xf32>
      %and3A_1534 = arith.andi %get3A_1528, %broadcast_in_dim3A_328 : vector<16xi32>
      %bitcast_convert_type3A_1535 = tpu.bitcast %and3A_1534 : vector<16xi32> -> vector<16xf32>
      %add3A_1536 = arith.addf %add3A_1524, %bitcast_convert_type3A_1535 : vector<16xf32>
      %get3A_1537 = arith.constant 5 : i32
      %get3A_1538 = arith.index_cast %get3A_1537 : i32 to index
      %get3A_1539 = arith.constant 80 : index
      %get3A_1540 = tpu.vector_load %arg7[%get3A_1538, %get3A_1539] {strides = array<i32>} : memref<16x208xi32, #tpu.memory_space<vmem>>, vector<16xi32>,
      %shift_left3A_1541 = arith.constant 16 : i32
      %shift_left3A_1542 = vector.broadcast %shift_left3A_1541 : i32 to vector<16xi32>
      %shift_left3A_1543 = arith.shli %get3A_1540, %shift_left3A_1542 : vector<16xi32>
      %bitcast_convert_type3A_1544 = tpu.bitcast %shift_left3A_1543 : vector<16xi32> -> vector<16xf32>
      %add3A_1545 = arith.addf %add3A_1533, %bitcast_convert_type3A_1544 : vector<16xf32>
      %and3A_1546 = arith.andi %get3A_1540, %broadcast_in_dim3A_328 : vector<16xi32>
      %bitcast_convert_type3A_1547 = tpu.bitcast %and3A_1546 : vector<16xi32> -> vector<16xf32>
      %add3A_1548 = arith.addf %add3A_1536, %bitcast_convert_type3A_1547 : vector<16xf32>
      %get3A_1549 = arith.constant 5 : i32
      %get3A_1550 = arith.index_cast %get3A_1549 : i32 to index
      %get3A_1551 = arith.constant 96 : index
      %get3A_1552 = tpu.vector_load %arg7[%get3A_1550, %get3A_1551] {strides = array<i32>} : memref<16x208xi32, #tpu.memory_space<vmem>>, vector<16xi32>,
      %shift_left3A_1553 = arith.constant 16 : i32
      %shift_left3A_1554 = vector.broadcast %shift_left3A_1553 : i32 to vector<16xi32>
      %shift_left3A_1555 = arith.shli %get3A_1552, %shift_left3A_1554 : vector<16xi32>
      %bitcast_convert_type3A_1556 = tpu.bitcast %shift_left3A_1555 : vector<16xi32> -> vector<16xf32>
      %add3A_1557 = arith.addf %add3A_1545, %bitcast_convert_type3A_1556 : vector<16xf32>
      %and3A_1558 = arith.andi %get3A_1552, %broadcast_in_dim3A_328 : vector<16xi32>
      %bitcast_convert_type3A_1559 = tpu.bitcast %and3A_1558 : vector<16xi32> -> vector<16xf32>
      %add3A_1560 = arith.addf %add3A_1548, %bitcast_convert_type3A_1559 : vector<16xf32>
      %get3A_1561 = arith.constant 5 : i32
      %get3A_1562 = arith.index_cast %get3A_1561 : i32 to index
      %get3A_1563 = arith.constant 112 : index
      %get3A_1564 = tpu.vector_load %arg7[%get3A_1562, %get3A_1563] {strides = array<i32>} : memref<16x208xi32, #tpu.memory_space<vmem>>, vector<16xi32>,
      %shift_left3A_1565 = arith.constant 16 : i32
      %shift_left3A_1566 = vector.broadcast %shift_left3A_1565 : i32 to vector<16xi32>
      %shift_left3A_1567 = arith.shli %get3A_1564, %shift_left3A_1566 : vector<16xi32>
      %bitcast_convert_type3A_1568 = tpu.bitcast %shift_left3A_1567 : vector<16xi32> -> vector<16xf32>
      %add3A_1569 = arith.addf %add3A_1557, %bitcast_convert_type3A_1568 : vector<16xf32>
      %and3A_1570 = arith.andi %get3A_1564, %broadcast_in_dim3A_328 : vector<16xi32>
      %bitcast_convert_type3A_1571 = tpu.bitcast %and3A_1570 : vector<16xi32> -> vector<16xf32>
      %add3A_1572 = arith.addf %add3A_1560, %bitcast_convert_type3A_1571 : vector<16xf32>
      %get3A_1573 = arith.constant 5 : i32
      %get3A_1574 = arith.index_cast %get3A_1573 : i32 to index
      %get3A_1575 = arith.constant 128 : index
      %get3A_1576 = tpu.vector_load %arg7[%get3A_1574, %get3A_1575] {strides = array<i32>} : memref<16x208xi32, #tpu.memory_space<vmem>>, vector<16xi32>,
      %shift_left3A_1577 = arith.constant 16 : i32
      %shift_left3A_1578 = vector.broadcast %shift_left3A_1577 : i32 to vector<16xi32>
      %shift_left3A_1579 = arith.shli %get3A_1576, %shift_left3A_1578 : vector<16xi32>
      %bitcast_convert_type3A_1580 = tpu.bitcast %shift_left3A_1579 : vector<16xi32> -> vector<16xf32>
      %add3A_1581 = arith.addf %add3A_1569, %bitcast_convert_type3A_1580 : vector<16xf32>
      %and3A_1582 = arith.andi %get3A_1576, %broadcast_in_dim3A_328 : vector<16xi32>
      %bitcast_convert_type3A_1583 = tpu.bitcast %and3A_1582 : vector<16xi32> -> vector<16xf32>
      %add3A_1584 = arith.addf %add3A_1572, %bitcast_convert_type3A_1583 : vector<16xf32>
      %get3A_1585 = arith.constant 5 : i32
      %get3A_1586 = arith.index_cast %get3A_1585 : i32 to index
      %get3A_1587 = arith.constant 144 : index
      %get3A_1588 = tpu.vector_load %arg7[%get3A_1586, %get3A_1587] {strides = array<i32>} : memref<16x208xi32, #tpu.memory_space<vmem>>, vector<16xi32>,
      %shift_left3A_1589 = arith.constant 16 : i32
      %shift_left3A_1590 = vector.broadcast %shift_left3A_1589 : i32 to vector<16xi32>
      %shift_left3A_1591 = arith.shli %get3A_1588, %shift_left3A_1590 : vector<16xi32>
      %bitcast_convert_type3A_1592 = tpu.bitcast %shift_left3A_1591 : vector<16xi32> -> vector<16xf32>
      %add3A_1593 = arith.addf %add3A_1581, %bitcast_convert_type3A_1592 : vector<16xf32>
      %and3A_1594 = arith.andi %get3A_1588, %broadcast_in_dim3A_328 : vector<16xi32>
      %bitcast_convert_type3A_1595 = tpu.bitcast %and3A_1594 : vector<16xi32> -> vector<16xf32>
      %add3A_1596 = arith.addf %add3A_1584, %bitcast_convert_type3A_1595 : vector<16xf32>
      %get3A_1597 = arith.constant 5 : i32
      %get3A_1598 = arith.index_cast %get3A_1597 : i32 to index
      %get3A_1599 = arith.constant 160 : index
      %get3A_1600 = tpu.vector_load %arg7[%get3A_1598, %get3A_1599] {strides = array<i32>} : memref<16x208xi32, #tpu.memory_space<vmem>>, vector<16xi32>,
      %shift_left3A_1601 = arith.constant 16 : i32
      %shift_left3A_1602 = vector.broadcast %shift_left3A_1601 : i32 to vector<16xi32>
      %shift_left3A_1603 = arith.shli %get3A_1600, %shift_left3A_1602 : vector<16xi32>
      %bitcast_convert_type3A_1604 = tpu.bitcast %shift_left3A_1603 : vector<16xi32> -> vector<16xf32>
      %add3A_1605 = arith.addf %add3A_1593, %bitcast_convert_type3A_1604 : vector<16xf32>
      %and3A_1606 = arith.andi %get3A_1600, %broadcast_in_dim3A_328 : vector<16xi32>
      %bitcast_convert_type3A_1607 = tpu.bitcast %and3A_1606 : vector<16xi32> -> vector<16xf32>
      %add3A_1608 = arith.addf %add3A_1596, %bitcast_convert_type3A_1607 : vector<16xf32>
      %get3A_1609 = arith.constant 5 : i32
      %get3A_1610 = arith.index_cast %get3A_1609 : i32 to index
      %get3A_1611 = arith.constant 176 : index
      %get3A_1612 = tpu.vector_load %arg7[%get3A_1610, %get3A_1611] {strides = array<i32>} : memref<16x208xi32, #tpu.memory_space<vmem>>, vector<16xi32>,
      %shift_left3A_1613 = arith.constant 16 : i32
      %shift_left3A_1614 = vector.broadcast %shift_left3A_1613 : i32 to vector<16xi32>
      %shift_left3A_1615 = arith.shli %get3A_1612, %shift_left3A_1614 : vector<16xi32>
      %bitcast_convert_type3A_1616 = tpu.bitcast %shift_left3A_1615 : vector<16xi32> -> vector<16xf32>
      %add3A_1617 = arith.addf %add3A_1605, %bitcast_convert_type3A_1616 : vector<16xf32>
      %and3A_1618 = arith.andi %get3A_1612, %broadcast_in_dim3A_328 : vector<16xi32>
      %bitcast_convert_type3A_1619 = tpu.bitcast %and3A_1618 : vector<16xi32> -> vector<16xf32>
      %add3A_1620 = arith.addf %add3A_1608, %bitcast_convert_type3A_1619 : vector<16xf32>
      %get3A_1621 = arith.constant 5 : i32
      %get3A_1622 = arith.index_cast %get3A_1621 : i32 to index
      %get3A_1623 = arith.constant 192 : index
      %get3A_1624 = tpu.vector_load %arg7[%get3A_1622, %get3A_1623] {strides = array<i32>} : memref<16x208xi32, #tpu.memory_space<vmem>>, vector<16xi32>,
      %shift_left3A_1625 = arith.constant 16 : i32
      %shift_left3A_1626 = vector.broadcast %shift_left3A_1625 : i32 to vector<16xi32>
      %shift_left3A_1627 = arith.shli %get3A_1624, %shift_left3A_1626 : vector<16xi32>
      %bitcast_convert_type3A_1628 = tpu.bitcast %shift_left3A_1627 : vector<16xi32> -> vector<16xf32>
      %add3A_1629 = arith.addf %add3A_1617, %bitcast_convert_type3A_1628 : vector<16xf32>
      %and3A_1630 = arith.andi %get3A_1624, %broadcast_in_dim3A_328 : vector<16xi32>
      %bitcast_convert_type3A_1631 = tpu.bitcast %and3A_1630 : vector<16xi32> -> vector<16xf32>
      %add3A_1632 = arith.addf %add3A_1620, %bitcast_convert_type3A_1631 : vector<16xf32>
      %reduce_sum3A_1633 = arith.constant true
      %reduce_sum3A_1634 = vector.broadcast %reduce_sum3A_1633 : i1 to vector<16xi1>
      %reduce_sum3A_1635 = tpu.scan <sum>, %add3A_1629 masked %reduce_sum3A_1634 : vector<16xf32>, vector<16xi1> -> vector<16xf32>
      %reduce_sum3A_1636 = vector.extract %reduce_sum3A_1635[15] : f32 from vector<16xf32>
      %mul3A_1637 = arith.constant 5.000000e-03 : f32
      %mul3A_1638 = arith.mulf %reduce_sum3A_1636, %mul3A_1637 : f32
      %reduce_sum3A_1639 = arith.constant true
      %reduce_sum3A_1640 = vector.broadcast %reduce_sum3A_1639 : i1 to vector<16xi1>
      %reduce_sum3A_1641 = tpu.scan <sum>, %add3A_1632 masked %reduce_sum3A_1640 : vector<16xf32>, vector<16xi1> -> vector<16xf32>
      %reduce_sum3A_1642 = vector.extract %reduce_sum3A_1641[15] : f32 from vector<16xf32>
      %mul3A_1643 = arith.constant 5.000000e-03 : f32
      %mul3A_1644 = arith.mulf %reduce_sum3A_1642, %mul3A_1643 : f32
      %add3A_1645 = arith.constant 16 : i32
      %add3A_1646 = arith.addi %add3A_1448, %add3A_1645 : i32
      %lt3A_1647 = arith.constant 128 : i32
      %lt3A_1648 = arith.cmpi slt, %add3A_1646, %lt3A_1647 : i32
      %convert_element_type3A_1649 = arith.extui %lt3A_1648 : i1 to i32
      %cond3A_1650 = arith.constant 0 : i32
      %cond3A_1651 = arith.cmpi ne, %convert_element_type3A_1649, %cond3A_1650 : i32
      scf.if %cond3A_1651 {
        %add3A_3911 = arith.constant 16 : i32
        %add3A_3912 = arith.addi %add3A_1448, %add3A_3911 : i32
        %mul3A_3913 = arith.constant 2 : i32
        %mul3A_3914 = arith.muli %mul3A_3913, %add3A_3912 : i32
        %dma_start3A_3915 = arith.constant 5 : i32
        %dma_start3A_3916 = arith.constant 0 : i32
        %dma_start3A_3917 = tpu.memref_slice %arg7[%dma_start3A_3915, %dma_start3A_3916] : memref<16x208xi32, #tpu.memory_space<vmem>> -> memref<1x104xi32, #tpu.memory_space<vmem>>
        %dma_start3A_3918 = tpu.memref_squeeze %dma_start3A_3917 : memref<1x104xi32, #tpu.memory_space<vmem>> -> memref<104xi32, #tpu.memory_space<vmem>>
        %dma_start3A_3919 = arith.constant 0 : i32
        %dma_start3A_3920 = tpu.memref_slice %arg6[%mul3A_3914, %dma_start3A_3919] : memref<256x104xi32, #tpu.memory_space<vmem>> -> memref<1x104xi32, #tpu.memory_space<vmem>>
        %dma_start3A_3921 = tpu.memref_squeeze %dma_start3A_3920 : memref<1x104xi32, #tpu.memory_space<vmem>> -> memref<104xi32, #tpu.memory_space<vmem>>
        %dma_start3A_3922 = arith.constant 0 : i32
        %dma_start3A_3923 = tpu.memref_slice %arg8[%dma_start3A_3922] : memref<1000064xi32, #tpu.memory_space<vmem_shared>> -> memref<1000064xi32, #tpu.memory_space<vmem_shared>>
        tpu.enqueue_indirect_dma source(%dma_start3A_3923 : memref<1000064xi32, #tpu.memory_space<vmem_shared>>) target(%dma_start3A_3918 : memref<104xi32, #tpu.memory_space<vmem>>) offsets(%dma_start3A_3921 : memref<104xi32, #tpu.memory_space<vmem>>) semaphore(%arg16 : memref<!tpu.dma_semaphore, #tpu.memory_space<semaphore_mem>>)
        %mul3A_3924 = arith.constant 2 : i32
        %mul3A_3925 = arith.muli %mul3A_3924, %add3A_3912 : i32
        %add3A_3926 = arith.constant 1 : i32
        %add3A_3927 = arith.addi %mul3A_3925, %add3A_3926 : i32
        %dma_start3A_3928 = arith.constant 5 : i32
        %dma_start3A_3929 = arith.constant 104 : i32
        %dma_start3A_3930 = tpu.memref_slice %arg7[%dma_start3A_3928, %dma_start3A_3929] : memref<16x208xi32, #tpu.memory_space<vmem>> -> memref<1x104xi32, #tpu.memory_space<vmem>>
        %dma_start3A_3931 = tpu.memref_squeeze %dma_start3A_3930 : memref<1x104xi32, #tpu.memory_space<vmem>> -> memref<104xi32, #tpu.memory_space<vmem>>
        %dma_start3A_3932 = arith.constant 0 : i32
        %dma_start3A_3933 = tpu.memref_slice %arg6[%add3A_3927, %dma_start3A_3932] : memref<256x104xi32, #tpu.memory_space<vmem>> -> memref<1x104xi32, #tpu.memory_space<vmem>>
        %dma_start3A_3934 = tpu.memref_squeeze %dma_start3A_3933 : memref<1x104xi32, #tpu.memory_space<vmem>> -> memref<104xi32, #tpu.memory_space<vmem>>
        %dma_start3A_3935 = arith.constant 0 : i32
        %dma_start3A_3936 = tpu.memref_slice %arg8[%dma_start3A_3935] : memref<1000064xi32, #tpu.memory_space<vmem_shared>> -> memref<1000064xi32, #tpu.memory_space<vmem_shared>>
        tpu.enqueue_indirect_dma source(%dma_start3A_3936 : memref<1000064xi32, #tpu.memory_space<vmem_shared>>) target(%dma_start3A_3931 : memref<104xi32, #tpu.memory_space<vmem>>) offsets(%dma_start3A_3934 : memref<104xi32, #tpu.memory_space<vmem>>) semaphore(%arg16 : memref<!tpu.dma_semaphore, #tpu.memory_space<semaphore_mem>>)
      } else {
      }
      %eq3A_1652 = arith.constant 0 : i32
      %eq3A_1653 = vector.broadcast %eq3A_1652 : i32 to vector<16xi32>
      %eq3A_1654 = arith.cmpi eq, %iota3A, %eq3A_1653 : vector<16xi32>
      %eq3A_1655 = arith.constant 1 : i32
      %eq3A_1656 = vector.broadcast %eq3A_1655 : i32 to vector<16xi32>
      %eq3A_1657 = arith.cmpi eq, %iota3A, %eq3A_1656 : vector<16xi32>
      %jit3A_1658 = arith.constant 0.000000e+00 : f32
      %broadcast_in_dim3A_1659 = vector.broadcast %mul3A_1644 : f32 to vector<16xf32>
      %broadcast_in_dim3A_1660 = vector.broadcast %jit3A_1658 : f32 to vector<16xf32>
      %select_n3A_1661 = arith.select %eq3A_1657, %broadcast_in_dim3A_1659, %broadcast_in_dim3A_1660 : vector<16xi1>, vector<16xf32>
      %broadcast_in_dim3A_1662 = vector.broadcast %mul3A_1638 : f32 to vector<16xf32>
      %select_n3A_1663 = arith.select %eq3A_1654, %broadcast_in_dim3A_1662, %select_n3A_1661 : vector<16xi1>, vector<16xf32>
      %get3A_1664 = arith.constant 0 : index
      %get3A_1665 = tpu.vector_load %arg9[%get3A_1664] {strides = array<i32>} : memref<16xf32, #tpu.memory_space<vmem>>, vector<16xf32>,
      %add3A_1666 = arith.addf %select_n3A_1663, %get3A_1665 : vector<16xf32>
      %mul3A_1667 = arith.constant 2 : i32
      %mul3A_1668 = arith.muli %mul3A_1667, %add3A_1448 : i32
      %swap3A_1669 = arith.index_cast %mul3A_1668 : i32 to index
      %swap3A_1670 = tpu.vector_load %arg10[%swap3A_1669] {strides = array<i32>} : memref<272xf32, #tpu.memory_space<vmem>>, vector<16xf32>,
      tpu.vector_store %arg10[%swap3A_1669], %add3A_1666 {strides = array<i32>} : memref<272xf32, #tpu.memory_space<vmem>>, vector<16xf32>,
      %add3A_1671 = arith.constant 6 : i32
      %add3A_1672 = arith.addi %add3A_339, %add3A_1671 : i32
      %mul3A_1673 = arith.constant 2 : i32
      %mul3A_1674 = arith.muli %mul3A_1673, %add3A_1672 : i32
      %dma_wait3A_1675 = arith.constant 6 : i32
      %dma_wait3A_1676 = arith.constant 0 : i32
      %dma_wait3A_1677 = tpu.memref_slice %arg7[%dma_wait3A_1675, %dma_wait3A_1676] : memref<16x208xi32, #tpu.memory_space<vmem>> -> memref<1x104xi32, #tpu.memory_space<vmem>>
      %dma_wait3A_1678 = tpu.memref_squeeze %dma_wait3A_1677 : memref<1x104xi32, #tpu.memory_space<vmem>> -> memref<104xi32, #tpu.memory_space<vmem>>
      %dma_wait3A_1679 = arith.constant 0 : i32
      %dma_wait3A_1680 = tpu.memref_slice %arg6[%mul3A_1674, %dma_wait3A_1679] : memref<256x104xi32, #tpu.memory_space<vmem>> -> memref<1x104xi32, #tpu.memory_space<vmem>>
      %dma_wait3A_1681 = tpu.memref_squeeze %dma_wait3A_1680 : memref<1x104xi32, #tpu.memory_space<vmem>> -> memref<104xi32, #tpu.memory_space<vmem>>
      %dma_wait3A_1682 = arith.constant 0 : i32
      %dma_wait3A_1683 = tpu.memref_slice %arg8[%dma_wait3A_1682] : memref<1000064xi32, #tpu.memory_space<vmem_shared>> -> memref<1000064xi32, #tpu.memory_space<vmem_shared>>
      tpu.wait_indirect_dma semaphore(%arg17 : memref<!tpu.dma_semaphore, #tpu.memory_space<semaphore_mem>>) src(%dma_wait3A_1683 : memref<1000064xi32, #tpu.memory_space<vmem_shared>>) dst(%dma_wait3A_1678 : memref<104xi32, #tpu.memory_space<vmem>>)
      %mul3A_1684 = arith.constant 2 : i32
      %mul3A_1685 = arith.muli %mul3A_1684, %add3A_1672 : i32
      %add3A_1686 = arith.constant 1 : i32
      %add3A_1687 = arith.addi %mul3A_1685, %add3A_1686 : i32
      %dma_wait3A_1688 = arith.constant 6 : i32
      %dma_wait3A_1689 = arith.constant 104 : i32
      %dma_wait3A_1690 = tpu.memref_slice %arg7[%dma_wait3A_1688, %dma_wait3A_1689] : memref<16x208xi32, #tpu.memory_space<vmem>> -> memref<1x104xi32, #tpu.memory_space<vmem>>
      %dma_wait3A_1691 = tpu.memref_squeeze %dma_wait3A_1690 : memref<1x104xi32, #tpu.memory_space<vmem>> -> memref<104xi32, #tpu.memory_space<vmem>>
      %dma_wait3A_1692 = arith.constant 0 : i32
      %dma_wait3A_1693 = tpu.memref_slice %arg6[%add3A_1687, %dma_wait3A_1692] : memref<256x104xi32, #tpu.memory_space<vmem>> -> memref<1x104xi32, #tpu.memory_space<vmem>>
      %dma_wait3A_1694 = tpu.memref_squeeze %dma_wait3A_1693 : memref<1x104xi32, #tpu.memory_space<vmem>> -> memref<104xi32, #tpu.memory_space<vmem>>
      %dma_wait3A_1695 = arith.constant 0 : i32
      %dma_wait3A_1696 = tpu.memref_slice %arg8[%dma_wait3A_1695] : memref<1000064xi32, #tpu.memory_space<vmem_shared>> -> memref<1000064xi32, #tpu.memory_space<vmem_shared>>
      tpu.wait_indirect_dma semaphore(%arg17 : memref<!tpu.dma_semaphore, #tpu.memory_space<semaphore_mem>>) src(%dma_wait3A_1696 : memref<1000064xi32, #tpu.memory_space<vmem_shared>>) dst(%dma_wait3A_1691 : memref<104xi32, #tpu.memory_space<vmem>>)
      %broadcast_in_dim3A_1697 = arith.constant 0.000000e+00 : f32
      %broadcast_in_dim3A_1698 = vector.broadcast %broadcast_in_dim3A_1697 : f32 to vector<16xf32>
      %broadcast_in_dim3A_1699 = arith.constant 0.000000e+00 : f32
      %broadcast_in_dim3A_1700 = vector.broadcast %broadcast_in_dim3A_1699 : f32 to vector<16xf32>
      %get3A_1701 = arith.constant 6 : i32
      %get3A_1702 = arith.index_cast %get3A_1701 : i32 to index
      %get3A_1703 = arith.constant 0 : index
      %get3A_1704 = tpu.vector_load %arg7[%get3A_1702, %get3A_1703] {strides = array<i32>} : memref<16x208xi32, #tpu.memory_space<vmem>>, vector<16xi32>,
      %shift_left3A_1705 = arith.constant 16 : i32
      %shift_left3A_1706 = vector.broadcast %shift_left3A_1705 : i32 to vector<16xi32>
      %shift_left3A_1707 = arith.shli %get3A_1704, %shift_left3A_1706 : vector<16xi32>
      %bitcast_convert_type3A_1708 = tpu.bitcast %shift_left3A_1707 : vector<16xi32> -> vector<16xf32>
      %add3A_1709 = arith.addf %broadcast_in_dim3A_1698, %bitcast_convert_type3A_1708 : vector<16xf32>
      %and3A_1710 = arith.andi %get3A_1704, %broadcast_in_dim3A_328 : vector<16xi32>
      %bitcast_convert_type3A_1711 = tpu.bitcast %and3A_1710 : vector<16xi32> -> vector<16xf32>
      %add3A_1712 = arith.addf %broadcast_in_dim3A_1700, %bitcast_convert_type3A_1711 : vector<16xf32>
      %get3A_1713 = arith.constant 6 : i32
      %get3A_1714 = arith.index_cast %get3A_1713 : i32 to index
      %get3A_1715 = arith.constant 16 : index
      %get3A_1716 = tpu.vector_load %arg7[%get3A_1714, %get3A_1715] {strides = array<i32>} : memref<16x208xi32, #tpu.memory_space<vmem>>, vector<16xi32>,
      %shift_left3A_1717 = arith.constant 16 : i32
      %shift_left3A_1718 = vector.broadcast %shift_left3A_1717 : i32 to vector<16xi32>
      %shift_left3A_1719 = arith.shli %get3A_1716, %shift_left3A_1718 : vector<16xi32>
      %bitcast_convert_type3A_1720 = tpu.bitcast %shift_left3A_1719 : vector<16xi32> -> vector<16xf32>
      %add3A_1721 = arith.addf %add3A_1709, %bitcast_convert_type3A_1720 : vector<16xf32>
      %and3A_1722 = arith.andi %get3A_1716, %broadcast_in_dim3A_328 : vector<16xi32>
      %bitcast_convert_type3A_1723 = tpu.bitcast %and3A_1722 : vector<16xi32> -> vector<16xf32>
      %add3A_1724 = arith.addf %add3A_1712, %bitcast_convert_type3A_1723 : vector<16xf32>
      %get3A_1725 = arith.constant 6 : i32
      %get3A_1726 = arith.index_cast %get3A_1725 : i32 to index
      %get3A_1727 = arith.constant 32 : index
      %get3A_1728 = tpu.vector_load %arg7[%get3A_1726, %get3A_1727] {strides = array<i32>} : memref<16x208xi32, #tpu.memory_space<vmem>>, vector<16xi32>,
      %shift_left3A_1729 = arith.constant 16 : i32
      %shift_left3A_1730 = vector.broadcast %shift_left3A_1729 : i32 to vector<16xi32>
      %shift_left3A_1731 = arith.shli %get3A_1728, %shift_left3A_1730 : vector<16xi32>
      %bitcast_convert_type3A_1732 = tpu.bitcast %shift_left3A_1731 : vector<16xi32> -> vector<16xf32>
      %add3A_1733 = arith.addf %add3A_1721, %bitcast_convert_type3A_1732 : vector<16xf32>
      %and3A_1734 = arith.andi %get3A_1728, %broadcast_in_dim3A_328 : vector<16xi32>
      %bitcast_convert_type3A_1735 = tpu.bitcast %and3A_1734 : vector<16xi32> -> vector<16xf32>
      %add3A_1736 = arith.addf %add3A_1724, %bitcast_convert_type3A_1735 : vector<16xf32>
      %get3A_1737 = arith.constant 6 : i32
      %get3A_1738 = arith.index_cast %get3A_1737 : i32 to index
      %get3A_1739 = arith.constant 48 : index
      %get3A_1740 = tpu.vector_load %arg7[%get3A_1738, %get3A_1739] {strides = array<i32>} : memref<16x208xi32, #tpu.memory_space<vmem>>, vector<16xi32>,
      %shift_left3A_1741 = arith.constant 16 : i32
      %shift_left3A_1742 = vector.broadcast %shift_left3A_1741 : i32 to vector<16xi32>
      %shift_left3A_1743 = arith.shli %get3A_1740, %shift_left3A_1742 : vector<16xi32>
      %bitcast_convert_type3A_1744 = tpu.bitcast %shift_left3A_1743 : vector<16xi32> -> vector<16xf32>
      %add3A_1745 = arith.addf %add3A_1733, %bitcast_convert_type3A_1744 : vector<16xf32>
      %and3A_1746 = arith.andi %get3A_1740, %broadcast_in_dim3A_328 : vector<16xi32>
      %bitcast_convert_type3A_1747 = tpu.bitcast %and3A_1746 : vector<16xi32> -> vector<16xf32>
      %add3A_1748 = arith.addf %add3A_1736, %bitcast_convert_type3A_1747 : vector<16xf32>
      %get3A_1749 = arith.constant 6 : i32
      %get3A_1750 = arith.index_cast %get3A_1749 : i32 to index
      %get3A_1751 = arith.constant 64 : index
      %get3A_1752 = tpu.vector_load %arg7[%get3A_1750, %get3A_1751] {strides = array<i32>} : memref<16x208xi32, #tpu.memory_space<vmem>>, vector<16xi32>,
      %shift_left3A_1753 = arith.constant 16 : i32
      %shift_left3A_1754 = vector.broadcast %shift_left3A_1753 : i32 to vector<16xi32>
      %shift_left3A_1755 = arith.shli %get3A_1752, %shift_left3A_1754 : vector<16xi32>
      %bitcast_convert_type3A_1756 = tpu.bitcast %shift_left3A_1755 : vector<16xi32> -> vector<16xf32>
      %add3A_1757 = arith.addf %add3A_1745, %bitcast_convert_type3A_1756 : vector<16xf32>
      %and3A_1758 = arith.andi %get3A_1752, %broadcast_in_dim3A_328 : vector<16xi32>
      %bitcast_convert_type3A_1759 = tpu.bitcast %and3A_1758 : vector<16xi32> -> vector<16xf32>
      %add3A_1760 = arith.addf %add3A_1748, %bitcast_convert_type3A_1759 : vector<16xf32>
      %get3A_1761 = arith.constant 6 : i32
      %get3A_1762 = arith.index_cast %get3A_1761 : i32 to index
      %get3A_1763 = arith.constant 80 : index
      %get3A_1764 = tpu.vector_load %arg7[%get3A_1762, %get3A_1763] {strides = array<i32>} : memref<16x208xi32, #tpu.memory_space<vmem>>, vector<16xi32>,
      %shift_left3A_1765 = arith.constant 16 : i32
      %shift_left3A_1766 = vector.broadcast %shift_left3A_1765 : i32 to vector<16xi32>
      %shift_left3A_1767 = arith.shli %get3A_1764, %shift_left3A_1766 : vector<16xi32>
      %bitcast_convert_type3A_1768 = tpu.bitcast %shift_left3A_1767 : vector<16xi32> -> vector<16xf32>
      %add3A_1769 = arith.addf %add3A_1757, %bitcast_convert_type3A_1768 : vector<16xf32>
      %and3A_1770 = arith.andi %get3A_1764, %broadcast_in_dim3A_328 : vector<16xi32>
      %bitcast_convert_type3A_1771 = tpu.bitcast %and3A_1770 : vector<16xi32> -> vector<16xf32>
      %add3A_1772 = arith.addf %add3A_1760, %bitcast_convert_type3A_1771 : vector<16xf32>
      %get3A_1773 = arith.constant 6 : i32
      %get3A_1774 = arith.index_cast %get3A_1773 : i32 to index
      %get3A_1775 = arith.constant 96 : index
      %get3A_1776 = tpu.vector_load %arg7[%get3A_1774, %get3A_1775] {strides = array<i32>} : memref<16x208xi32, #tpu.memory_space<vmem>>, vector<16xi32>,
      %shift_left3A_1777 = arith.constant 16 : i32
      %shift_left3A_1778 = vector.broadcast %shift_left3A_1777 : i32 to vector<16xi32>
      %shift_left3A_1779 = arith.shli %get3A_1776, %shift_left3A_1778 : vector<16xi32>
      %bitcast_convert_type3A_1780 = tpu.bitcast %shift_left3A_1779 : vector<16xi32> -> vector<16xf32>
      %add3A_1781 = arith.addf %add3A_1769, %bitcast_convert_type3A_1780 : vector<16xf32>
      %and3A_1782 = arith.andi %get3A_1776, %broadcast_in_dim3A_328 : vector<16xi32>
      %bitcast_convert_type3A_1783 = tpu.bitcast %and3A_1782 : vector<16xi32> -> vector<16xf32>
      %add3A_1784 = arith.addf %add3A_1772, %bitcast_convert_type3A_1783 : vector<16xf32>
      %get3A_1785 = arith.constant 6 : i32
      %get3A_1786 = arith.index_cast %get3A_1785 : i32 to index
      %get3A_1787 = arith.constant 112 : index
      %get3A_1788 = tpu.vector_load %arg7[%get3A_1786, %get3A_1787] {strides = array<i32>} : memref<16x208xi32, #tpu.memory_space<vmem>>, vector<16xi32>,
      %shift_left3A_1789 = arith.constant 16 : i32
      %shift_left3A_1790 = vector.broadcast %shift_left3A_1789 : i32 to vector<16xi32>
      %shift_left3A_1791 = arith.shli %get3A_1788, %shift_left3A_1790 : vector<16xi32>
      %bitcast_convert_type3A_1792 = tpu.bitcast %shift_left3A_1791 : vector<16xi32> -> vector<16xf32>
      %add3A_1793 = arith.addf %add3A_1781, %bitcast_convert_type3A_1792 : vector<16xf32>
      %and3A_1794 = arith.andi %get3A_1788, %broadcast_in_dim3A_328 : vector<16xi32>
      %bitcast_convert_type3A_1795 = tpu.bitcast %and3A_1794 : vector<16xi32> -> vector<16xf32>
      %add3A_1796 = arith.addf %add3A_1784, %bitcast_convert_type3A_1795 : vector<16xf32>
      %get3A_1797 = arith.constant 6 : i32
      %get3A_1798 = arith.index_cast %get3A_1797 : i32 to index
      %get3A_1799 = arith.constant 128 : index
      %get3A_1800 = tpu.vector_load %arg7[%get3A_1798, %get3A_1799] {strides = array<i32>} : memref<16x208xi32, #tpu.memory_space<vmem>>, vector<16xi32>,
      %shift_left3A_1801 = arith.constant 16 : i32
      %shift_left3A_1802 = vector.broadcast %shift_left3A_1801 : i32 to vector<16xi32>
      %shift_left3A_1803 = arith.shli %get3A_1800, %shift_left3A_1802 : vector<16xi32>
      %bitcast_convert_type3A_1804 = tpu.bitcast %shift_left3A_1803 : vector<16xi32> -> vector<16xf32>
      %add3A_1805 = arith.addf %add3A_1793, %bitcast_convert_type3A_1804 : vector<16xf32>
      %and3A_1806 = arith.andi %get3A_1800, %broadcast_in_dim3A_328 : vector<16xi32>
      %bitcast_convert_type3A_1807 = tpu.bitcast %and3A_1806 : vector<16xi32> -> vector<16xf32>
      %add3A_1808 = arith.addf %add3A_1796, %bitcast_convert_type3A_1807 : vector<16xf32>
      %get3A_1809 = arith.constant 6 : i32
      %get3A_1810 = arith.index_cast %get3A_1809 : i32 to index
      %get3A_1811 = arith.constant 144 : index
      %get3A_1812 = tpu.vector_load %arg7[%get3A_1810, %get3A_1811] {strides = array<i32>} : memref<16x208xi32, #tpu.memory_space<vmem>>, vector<16xi32>,
      %shift_left3A_1813 = arith.constant 16 : i32
      %shift_left3A_1814 = vector.broadcast %shift_left3A_1813 : i32 to vector<16xi32>
      %shift_left3A_1815 = arith.shli %get3A_1812, %shift_left3A_1814 : vector<16xi32>
      %bitcast_convert_type3A_1816 = tpu.bitcast %shift_left3A_1815 : vector<16xi32> -> vector<16xf32>
      %add3A_1817 = arith.addf %add3A_1805, %bitcast_convert_type3A_1816 : vector<16xf32>
      %and3A_1818 = arith.andi %get3A_1812, %broadcast_in_dim3A_328 : vector<16xi32>
      %bitcast_convert_type3A_1819 = tpu.bitcast %and3A_1818 : vector<16xi32> -> vector<16xf32>
      %add3A_1820 = arith.addf %add3A_1808, %bitcast_convert_type3A_1819 : vector<16xf32>
      %get3A_1821 = arith.constant 6 : i32
      %get3A_1822 = arith.index_cast %get3A_1821 : i32 to index
      %get3A_1823 = arith.constant 160 : index
      %get3A_1824 = tpu.vector_load %arg7[%get3A_1822, %get3A_1823] {strides = array<i32>} : memref<16x208xi32, #tpu.memory_space<vmem>>, vector<16xi32>,
      %shift_left3A_1825 = arith.constant 16 : i32
      %shift_left3A_1826 = vector.broadcast %shift_left3A_1825 : i32 to vector<16xi32>
      %shift_left3A_1827 = arith.shli %get3A_1824, %shift_left3A_1826 : vector<16xi32>
      %bitcast_convert_type3A_1828 = tpu.bitcast %shift_left3A_1827 : vector<16xi32> -> vector<16xf32>
      %add3A_1829 = arith.addf %add3A_1817, %bitcast_convert_type3A_1828 : vector<16xf32>
      %and3A_1830 = arith.andi %get3A_1824, %broadcast_in_dim3A_328 : vector<16xi32>
      %bitcast_convert_type3A_1831 = tpu.bitcast %and3A_1830 : vector<16xi32> -> vector<16xf32>
      %add3A_1832 = arith.addf %add3A_1820, %bitcast_convert_type3A_1831 : vector<16xf32>
      %get3A_1833 = arith.constant 6 : i32
      %get3A_1834 = arith.index_cast %get3A_1833 : i32 to index
      %get3A_1835 = arith.constant 176 : index
      %get3A_1836 = tpu.vector_load %arg7[%get3A_1834, %get3A_1835] {strides = array<i32>} : memref<16x208xi32, #tpu.memory_space<vmem>>, vector<16xi32>,
      %shift_left3A_1837 = arith.constant 16 : i32
      %shift_left3A_1838 = vector.broadcast %shift_left3A_1837 : i32 to vector<16xi32>
      %shift_left3A_1839 = arith.shli %get3A_1836, %shift_left3A_1838 : vector<16xi32>
      %bitcast_convert_type3A_1840 = tpu.bitcast %shift_left3A_1839 : vector<16xi32> -> vector<16xf32>
      %add3A_1841 = arith.addf %add3A_1829, %bitcast_convert_type3A_1840 : vector<16xf32>
      %and3A_1842 = arith.andi %get3A_1836, %broadcast_in_dim3A_328 : vector<16xi32>
      %bitcast_convert_type3A_1843 = tpu.bitcast %and3A_1842 : vector<16xi32> -> vector<16xf32>
      %add3A_1844 = arith.addf %add3A_1832, %bitcast_convert_type3A_1843 : vector<16xf32>
      %get3A_1845 = arith.constant 6 : i32
      %get3A_1846 = arith.index_cast %get3A_1845 : i32 to index
      %get3A_1847 = arith.constant 192 : index
      %get3A_1848 = tpu.vector_load %arg7[%get3A_1846, %get3A_1847] {strides = array<i32>} : memref<16x208xi32, #tpu.memory_space<vmem>>, vector<16xi32>,
      %shift_left3A_1849 = arith.constant 16 : i32
      %shift_left3A_1850 = vector.broadcast %shift_left3A_1849 : i32 to vector<16xi32>
      %shift_left3A_1851 = arith.shli %get3A_1848, %shift_left3A_1850 : vector<16xi32>
      %bitcast_convert_type3A_1852 = tpu.bitcast %shift_left3A_1851 : vector<16xi32> -> vector<16xf32>
      %add3A_1853 = arith.addf %add3A_1841, %bitcast_convert_type3A_1852 : vector<16xf32>
      %and3A_1854 = arith.andi %get3A_1848, %broadcast_in_dim3A_328 : vector<16xi32>
      %bitcast_convert_type3A_1855 = tpu.bitcast %and3A_1854 : vector<16xi32> -> vector<16xf32>
      %add3A_1856 = arith.addf %add3A_1844, %bitcast_convert_type3A_1855 : vector<16xf32>
      %reduce_sum3A_1857 = arith.constant true
      %reduce_sum3A_1858 = vector.broadcast %reduce_sum3A_1857 : i1 to vector<16xi1>
      %reduce_sum3A_1859 = tpu.scan <sum>, %add3A_1853 masked %reduce_sum3A_1858 : vector<16xf32>, vector<16xi1> -> vector<16xf32>
      %reduce_sum3A_1860 = vector.extract %reduce_sum3A_1859[15] : f32 from vector<16xf32>
      %mul3A_1861 = arith.constant 5.000000e-03 : f32
      %mul3A_1862 = arith.mulf %reduce_sum3A_1860, %mul3A_1861 : f32
      %reduce_sum3A_1863 = arith.constant true
      %reduce_sum3A_1864 = vector.broadcast %reduce_sum3A_1863 : i1 to vector<16xi1>
      %reduce_sum3A_1865 = tpu.scan <sum>, %add3A_1856 masked %reduce_sum3A_1864 : vector<16xf32>, vector<16xi1> -> vector<16xf32>
      %reduce_sum3A_1866 = vector.extract %reduce_sum3A_1865[15] : f32 from vector<16xf32>
      %mul3A_1867 = arith.constant 5.000000e-03 : f32
      %mul3A_1868 = arith.mulf %reduce_sum3A_1866, %mul3A_1867 : f32
      %add3A_1869 = arith.constant 16 : i32
      %add3A_1870 = arith.addi %add3A_1672, %add3A_1869 : i32
      %lt3A_1871 = arith.constant 128 : i32
      %lt3A_1872 = arith.cmpi slt, %add3A_1870, %lt3A_1871 : i32
      %convert_element_type3A_1873 = arith.extui %lt3A_1872 : i1 to i32
      %cond3A_1874 = arith.constant 0 : i32
      %cond3A_1875 = arith.cmpi ne, %convert_element_type3A_1873, %cond3A_1874 : i32
      scf.if %cond3A_1875 {
        %add3A_3911 = arith.constant 16 : i32
        %add3A_3912 = arith.addi %add3A_1672, %add3A_3911 : i32
        %mul3A_3913 = arith.constant 2 : i32
        %mul3A_3914 = arith.muli %mul3A_3913, %add3A_3912 : i32
        %dma_start3A_3915 = arith.constant 6 : i32
        %dma_start3A_3916 = arith.constant 0 : i32
        %dma_start3A_3917 = tpu.memref_slice %arg7[%dma_start3A_3915, %dma_start3A_3916] : memref<16x208xi32, #tpu.memory_space<vmem>> -> memref<1x104xi32, #tpu.memory_space<vmem>>
        %dma_start3A_3918 = tpu.memref_squeeze %dma_start3A_3917 : memref<1x104xi32, #tpu.memory_space<vmem>> -> memref<104xi32, #tpu.memory_space<vmem>>
        %dma_start3A_3919 = arith.constant 0 : i32
        %dma_start3A_3920 = tpu.memref_slice %arg6[%mul3A_3914, %dma_start3A_3919] : memref<256x104xi32, #tpu.memory_space<vmem>> -> memref<1x104xi32, #tpu.memory_space<vmem>>
        %dma_start3A_3921 = tpu.memref_squeeze %dma_start3A_3920 : memref<1x104xi32, #tpu.memory_space<vmem>> -> memref<104xi32, #tpu.memory_space<vmem>>
        %dma_start3A_3922 = arith.constant 0 : i32
        %dma_start3A_3923 = tpu.memref_slice %arg8[%dma_start3A_3922] : memref<1000064xi32, #tpu.memory_space<vmem_shared>> -> memref<1000064xi32, #tpu.memory_space<vmem_shared>>
        tpu.enqueue_indirect_dma source(%dma_start3A_3923 : memref<1000064xi32, #tpu.memory_space<vmem_shared>>) target(%dma_start3A_3918 : memref<104xi32, #tpu.memory_space<vmem>>) offsets(%dma_start3A_3921 : memref<104xi32, #tpu.memory_space<vmem>>) semaphore(%arg17 : memref<!tpu.dma_semaphore, #tpu.memory_space<semaphore_mem>>)
        %mul3A_3924 = arith.constant 2 : i32
        %mul3A_3925 = arith.muli %mul3A_3924, %add3A_3912 : i32
        %add3A_3926 = arith.constant 1 : i32
        %add3A_3927 = arith.addi %mul3A_3925, %add3A_3926 : i32
        %dma_start3A_3928 = arith.constant 6 : i32
        %dma_start3A_3929 = arith.constant 104 : i32
        %dma_start3A_3930 = tpu.memref_slice %arg7[%dma_start3A_3928, %dma_start3A_3929] : memref<16x208xi32, #tpu.memory_space<vmem>> -> memref<1x104xi32, #tpu.memory_space<vmem>>
        %dma_start3A_3931 = tpu.memref_squeeze %dma_start3A_3930 : memref<1x104xi32, #tpu.memory_space<vmem>> -> memref<104xi32, #tpu.memory_space<vmem>>
        %dma_start3A_3932 = arith.constant 0 : i32
        %dma_start3A_3933 = tpu.memref_slice %arg6[%add3A_3927, %dma_start3A_3932] : memref<256x104xi32, #tpu.memory_space<vmem>> -> memref<1x104xi32, #tpu.memory_space<vmem>>
        %dma_start3A_3934 = tpu.memref_squeeze %dma_start3A_3933 : memref<1x104xi32, #tpu.memory_space<vmem>> -> memref<104xi32, #tpu.memory_space<vmem>>
        %dma_start3A_3935 = arith.constant 0 : i32
        %dma_start3A_3936 = tpu.memref_slice %arg8[%dma_start3A_3935] : memref<1000064xi32, #tpu.memory_space<vmem_shared>> -> memref<1000064xi32, #tpu.memory_space<vmem_shared>>
        tpu.enqueue_indirect_dma source(%dma_start3A_3936 : memref<1000064xi32, #tpu.memory_space<vmem_shared>>) target(%dma_start3A_3931 : memref<104xi32, #tpu.memory_space<vmem>>) offsets(%dma_start3A_3934 : memref<104xi32, #tpu.memory_space<vmem>>) semaphore(%arg17 : memref<!tpu.dma_semaphore, #tpu.memory_space<semaphore_mem>>)
      } else {
      }
      %eq3A_1876 = arith.constant 0 : i32
      %eq3A_1877 = vector.broadcast %eq3A_1876 : i32 to vector<16xi32>
      %eq3A_1878 = arith.cmpi eq, %iota3A, %eq3A_1877 : vector<16xi32>
      %eq3A_1879 = arith.constant 1 : i32
      %eq3A_1880 = vector.broadcast %eq3A_1879 : i32 to vector<16xi32>
      %eq3A_1881 = arith.cmpi eq, %iota3A, %eq3A_1880 : vector<16xi32>
      %jit3A_1882 = arith.constant 0.000000e+00 : f32
      %broadcast_in_dim3A_1883 = vector.broadcast %mul3A_1868 : f32 to vector<16xf32>
      %broadcast_in_dim3A_1884 = vector.broadcast %jit3A_1882 : f32 to vector<16xf32>
      %select_n3A_1885 = arith.select %eq3A_1881, %broadcast_in_dim3A_1883, %broadcast_in_dim3A_1884 : vector<16xi1>, vector<16xf32>
      %broadcast_in_dim3A_1886 = vector.broadcast %mul3A_1862 : f32 to vector<16xf32>
      %select_n3A_1887 = arith.select %eq3A_1878, %broadcast_in_dim3A_1886, %select_n3A_1885 : vector<16xi1>, vector<16xf32>
      %get3A_1888 = arith.constant 0 : index
      %get3A_1889 = tpu.vector_load %arg9[%get3A_1888] {strides = array<i32>} : memref<16xf32, #tpu.memory_space<vmem>>, vector<16xf32>,
      %add3A_1890 = arith.addf %select_n3A_1887, %get3A_1889 : vector<16xf32>
      %mul3A_1891 = arith.constant 2 : i32
      %mul3A_1892 = arith.muli %mul3A_1891, %add3A_1672 : i32
      %swap3A_1893 = arith.index_cast %mul3A_1892 : i32 to index
      %swap3A_1894 = tpu.vector_load %arg10[%swap3A_1893] {strides = array<i32>} : memref<272xf32, #tpu.memory_space<vmem>>, vector<16xf32>,
      tpu.vector_store %arg10[%swap3A_1893], %add3A_1890 {strides = array<i32>} : memref<272xf32, #tpu.memory_space<vmem>>, vector<16xf32>,
      %add3A_1895 = arith.constant 7 : i32
      %add3A_1896 = arith.addi %add3A_339, %add3A_1895 : i32
      %mul3A_1897 = arith.constant 2 : i32
      %mul3A_1898 = arith.muli %mul3A_1897, %add3A_1896 : i32
      %dma_wait3A_1899 = arith.constant 7 : i32
      %dma_wait3A_1900 = arith.constant 0 : i32
      %dma_wait3A_1901 = tpu.memref_slice %arg7[%dma_wait3A_1899, %dma_wait3A_1900] : memref<16x208xi32, #tpu.memory_space<vmem>> -> memref<1x104xi32, #tpu.memory_space<vmem>>
      %dma_wait3A_1902 = tpu.memref_squeeze %dma_wait3A_1901 : memref<1x104xi32, #tpu.memory_space<vmem>> -> memref<104xi32, #tpu.memory_space<vmem>>
      %dma_wait3A_1903 = arith.constant 0 : i32
      %dma_wait3A_1904 = tpu.memref_slice %arg6[%mul3A_1898, %dma_wait3A_1903] : memref<256x104xi32, #tpu.memory_space<vmem>> -> memref<1x104xi32, #tpu.memory_space<vmem>>
      %dma_wait3A_1905 = tpu.memref_squeeze %dma_wait3A_1904 : memref<1x104xi32, #tpu.memory_space<vmem>> -> memref<104xi32, #tpu.memory_space<vmem>>
      %dma_wait3A_1906 = arith.constant 0 : i32
      %dma_wait3A_1907 = tpu.memref_slice %arg8[%dma_wait3A_1906] : memref<1000064xi32, #tpu.memory_space<vmem_shared>> -> memref<1000064xi32, #tpu.memory_space<vmem_shared>>
      tpu.wait_indirect_dma semaphore(%arg18 : memref<!tpu.dma_semaphore, #tpu.memory_space<semaphore_mem>>) src(%dma_wait3A_1907 : memref<1000064xi32, #tpu.memory_space<vmem_shared>>) dst(%dma_wait3A_1902 : memref<104xi32, #tpu.memory_space<vmem>>)
      %mul3A_1908 = arith.constant 2 : i32
      %mul3A_1909 = arith.muli %mul3A_1908, %add3A_1896 : i32
      %add3A_1910 = arith.constant 1 : i32
      %add3A_1911 = arith.addi %mul3A_1909, %add3A_1910 : i32
      %dma_wait3A_1912 = arith.constant 7 : i32
      %dma_wait3A_1913 = arith.constant 104 : i32
      %dma_wait3A_1914 = tpu.memref_slice %arg7[%dma_wait3A_1912, %dma_wait3A_1913] : memref<16x208xi32, #tpu.memory_space<vmem>> -> memref<1x104xi32, #tpu.memory_space<vmem>>
      %dma_wait3A_1915 = tpu.memref_squeeze %dma_wait3A_1914 : memref<1x104xi32, #tpu.memory_space<vmem>> -> memref<104xi32, #tpu.memory_space<vmem>>
      %dma_wait3A_1916 = arith.constant 0 : i32
      %dma_wait3A_1917 = tpu.memref_slice %arg6[%add3A_1911, %dma_wait3A_1916] : memref<256x104xi32, #tpu.memory_space<vmem>> -> memref<1x104xi32, #tpu.memory_space<vmem>>
      %dma_wait3A_1918 = tpu.memref_squeeze %dma_wait3A_1917 : memref<1x104xi32, #tpu.memory_space<vmem>> -> memref<104xi32, #tpu.memory_space<vmem>>
      %dma_wait3A_1919 = arith.constant 0 : i32
      %dma_wait3A_1920 = tpu.memref_slice %arg8[%dma_wait3A_1919] : memref<1000064xi32, #tpu.memory_space<vmem_shared>> -> memref<1000064xi32, #tpu.memory_space<vmem_shared>>
      tpu.wait_indirect_dma semaphore(%arg18 : memref<!tpu.dma_semaphore, #tpu.memory_space<semaphore_mem>>) src(%dma_wait3A_1920 : memref<1000064xi32, #tpu.memory_space<vmem_shared>>) dst(%dma_wait3A_1915 : memref<104xi32, #tpu.memory_space<vmem>>)
      %broadcast_in_dim3A_1921 = arith.constant 0.000000e+00 : f32
      %broadcast_in_dim3A_1922 = vector.broadcast %broadcast_in_dim3A_1921 : f32 to vector<16xf32>
      %broadcast_in_dim3A_1923 = arith.constant 0.000000e+00 : f32
      %broadcast_in_dim3A_1924 = vector.broadcast %broadcast_in_dim3A_1923 : f32 to vector<16xf32>
      %get3A_1925 = arith.constant 7 : i32
      %get3A_1926 = arith.index_cast %get3A_1925 : i32 to index
      %get3A_1927 = arith.constant 0 : index
      %get3A_1928 = tpu.vector_load %arg7[%get3A_1926, %get3A_1927] {strides = array<i32>} : memref<16x208xi32, #tpu.memory_space<vmem>>, vector<16xi32>,
      %shift_left3A_1929 = arith.constant 16 : i32
      %shift_left3A_1930 = vector.broadcast %shift_left3A_1929 : i32 to vector<16xi32>
      %shift_left3A_1931 = arith.shli %get3A_1928, %shift_left3A_1930 : vector<16xi32>
      %bitcast_convert_type3A_1932 = tpu.bitcast %shift_left3A_1931 : vector<16xi32> -> vector<16xf32>
      %add3A_1933 = arith.addf %broadcast_in_dim3A_1922, %bitcast_convert_type3A_1932 : vector<16xf32>
      %and3A_1934 = arith.andi %get3A_1928, %broadcast_in_dim3A_328 : vector<16xi32>
      %bitcast_convert_type3A_1935 = tpu.bitcast %and3A_1934 : vector<16xi32> -> vector<16xf32>
      %add3A_1936 = arith.addf %broadcast_in_dim3A_1924, %bitcast_convert_type3A_1935 : vector<16xf32>
      %get3A_1937 = arith.constant 7 : i32
      %get3A_1938 = arith.index_cast %get3A_1937 : i32 to index
      %get3A_1939 = arith.constant 16 : index
      %get3A_1940 = tpu.vector_load %arg7[%get3A_1938, %get3A_1939] {strides = array<i32>} : memref<16x208xi32, #tpu.memory_space<vmem>>, vector<16xi32>,
      %shift_left3A_1941 = arith.constant 16 : i32
      %shift_left3A_1942 = vector.broadcast %shift_left3A_1941 : i32 to vector<16xi32>
      %shift_left3A_1943 = arith.shli %get3A_1940, %shift_left3A_1942 : vector<16xi32>
      %bitcast_convert_type3A_1944 = tpu.bitcast %shift_left3A_1943 : vector<16xi32> -> vector<16xf32>
      %add3A_1945 = arith.addf %add3A_1933, %bitcast_convert_type3A_1944 : vector<16xf32>
      %and3A_1946 = arith.andi %get3A_1940, %broadcast_in_dim3A_328 : vector<16xi32>
      %bitcast_convert_type3A_1947 = tpu.bitcast %and3A_1946 : vector<16xi32> -> vector<16xf32>
      %add3A_1948 = arith.addf %add3A_1936, %bitcast_convert_type3A_1947 : vector<16xf32>
      %get3A_1949 = arith.constant 7 : i32
      %get3A_1950 = arith.index_cast %get3A_1949 : i32 to index
      %get3A_1951 = arith.constant 32 : index
      %get3A_1952 = tpu.vector_load %arg7[%get3A_1950, %get3A_1951] {strides = array<i32>} : memref<16x208xi32, #tpu.memory_space<vmem>>, vector<16xi32>,
      %shift_left3A_1953 = arith.constant 16 : i32
      %shift_left3A_1954 = vector.broadcast %shift_left3A_1953 : i32 to vector<16xi32>
      %shift_left3A_1955 = arith.shli %get3A_1952, %shift_left3A_1954 : vector<16xi32>
      %bitcast_convert_type3A_1956 = tpu.bitcast %shift_left3A_1955 : vector<16xi32> -> vector<16xf32>
      %add3A_1957 = arith.addf %add3A_1945, %bitcast_convert_type3A_1956 : vector<16xf32>
      %and3A_1958 = arith.andi %get3A_1952, %broadcast_in_dim3A_328 : vector<16xi32>
      %bitcast_convert_type3A_1959 = tpu.bitcast %and3A_1958 : vector<16xi32> -> vector<16xf32>
      %add3A_1960 = arith.addf %add3A_1948, %bitcast_convert_type3A_1959 : vector<16xf32>
      %get3A_1961 = arith.constant 7 : i32
      %get3A_1962 = arith.index_cast %get3A_1961 : i32 to index
      %get3A_1963 = arith.constant 48 : index
      %get3A_1964 = tpu.vector_load %arg7[%get3A_1962, %get3A_1963] {strides = array<i32>} : memref<16x208xi32, #tpu.memory_space<vmem>>, vector<16xi32>,
      %shift_left3A_1965 = arith.constant 16 : i32
      %shift_left3A_1966 = vector.broadcast %shift_left3A_1965 : i32 to vector<16xi32>
      %shift_left3A_1967 = arith.shli %get3A_1964, %shift_left3A_1966 : vector<16xi32>
      %bitcast_convert_type3A_1968 = tpu.bitcast %shift_left3A_1967 : vector<16xi32> -> vector<16xf32>
      %add3A_1969 = arith.addf %add3A_1957, %bitcast_convert_type3A_1968 : vector<16xf32>
      %and3A_1970 = arith.andi %get3A_1964, %broadcast_in_dim3A_328 : vector<16xi32>
      %bitcast_convert_type3A_1971 = tpu.bitcast %and3A_1970 : vector<16xi32> -> vector<16xf32>
      %add3A_1972 = arith.addf %add3A_1960, %bitcast_convert_type3A_1971 : vector<16xf32>
      %get3A_1973 = arith.constant 7 : i32
      %get3A_1974 = arith.index_cast %get3A_1973 : i32 to index
      %get3A_1975 = arith.constant 64 : index
      %get3A_1976 = tpu.vector_load %arg7[%get3A_1974, %get3A_1975] {strides = array<i32>} : memref<16x208xi32, #tpu.memory_space<vmem>>, vector<16xi32>,
      %shift_left3A_1977 = arith.constant 16 : i32
      %shift_left3A_1978 = vector.broadcast %shift_left3A_1977 : i32 to vector<16xi32>
      %shift_left3A_1979 = arith.shli %get3A_1976, %shift_left3A_1978 : vector<16xi32>
      %bitcast_convert_type3A_1980 = tpu.bitcast %shift_left3A_1979 : vector<16xi32> -> vector<16xf32>
      %add3A_1981 = arith.addf %add3A_1969, %bitcast_convert_type3A_1980 : vector<16xf32>
      %and3A_1982 = arith.andi %get3A_1976, %broadcast_in_dim3A_328 : vector<16xi32>
      %bitcast_convert_type3A_1983 = tpu.bitcast %and3A_1982 : vector<16xi32> -> vector<16xf32>
      %add3A_1984 = arith.addf %add3A_1972, %bitcast_convert_type3A_1983 : vector<16xf32>
      %get3A_1985 = arith.constant 7 : i32
      %get3A_1986 = arith.index_cast %get3A_1985 : i32 to index
      %get3A_1987 = arith.constant 80 : index
      %get3A_1988 = tpu.vector_load %arg7[%get3A_1986, %get3A_1987] {strides = array<i32>} : memref<16x208xi32, #tpu.memory_space<vmem>>, vector<16xi32>,
      %shift_left3A_1989 = arith.constant 16 : i32
      %shift_left3A_1990 = vector.broadcast %shift_left3A_1989 : i32 to vector<16xi32>
      %shift_left3A_1991 = arith.shli %get3A_1988, %shift_left3A_1990 : vector<16xi32>
      %bitcast_convert_type3A_1992 = tpu.bitcast %shift_left3A_1991 : vector<16xi32> -> vector<16xf32>
      %add3A_1993 = arith.addf %add3A_1981, %bitcast_convert_type3A_1992 : vector<16xf32>
      %and3A_1994 = arith.andi %get3A_1988, %broadcast_in_dim3A_328 : vector<16xi32>
      %bitcast_convert_type3A_1995 = tpu.bitcast %and3A_1994 : vector<16xi32> -> vector<16xf32>
      %add3A_1996 = arith.addf %add3A_1984, %bitcast_convert_type3A_1995 : vector<16xf32>
      %get3A_1997 = arith.constant 7 : i32
      %get3A_1998 = arith.index_cast %get3A_1997 : i32 to index
      %get3A_1999 = arith.constant 96 : index
      %get3A_2000 = tpu.vector_load %arg7[%get3A_1998, %get3A_1999] {strides = array<i32>} : memref<16x208xi32, #tpu.memory_space<vmem>>, vector<16xi32>,
      %shift_left3A_2001 = arith.constant 16 : i32
      %shift_left3A_2002 = vector.broadcast %shift_left3A_2001 : i32 to vector<16xi32>
      %shift_left3A_2003 = arith.shli %get3A_2000, %shift_left3A_2002 : vector<16xi32>
      %bitcast_convert_type3A_2004 = tpu.bitcast %shift_left3A_2003 : vector<16xi32> -> vector<16xf32>
      %add3A_2005 = arith.addf %add3A_1993, %bitcast_convert_type3A_2004 : vector<16xf32>
      %and3A_2006 = arith.andi %get3A_2000, %broadcast_in_dim3A_328 : vector<16xi32>
      %bitcast_convert_type3A_2007 = tpu.bitcast %and3A_2006 : vector<16xi32> -> vector<16xf32>
      %add3A_2008 = arith.addf %add3A_1996, %bitcast_convert_type3A_2007 : vector<16xf32>
      %get3A_2009 = arith.constant 7 : i32
      %get3A_2010 = arith.index_cast %get3A_2009 : i32 to index
      %get3A_2011 = arith.constant 112 : index
      %get3A_2012 = tpu.vector_load %arg7[%get3A_2010, %get3A_2011] {strides = array<i32>} : memref<16x208xi32, #tpu.memory_space<vmem>>, vector<16xi32>,
      %shift_left3A_2013 = arith.constant 16 : i32
      %shift_left3A_2014 = vector.broadcast %shift_left3A_2013 : i32 to vector<16xi32>
      %shift_left3A_2015 = arith.shli %get3A_2012, %shift_left3A_2014 : vector<16xi32>
      %bitcast_convert_type3A_2016 = tpu.bitcast %shift_left3A_2015 : vector<16xi32> -> vector<16xf32>
      %add3A_2017 = arith.addf %add3A_2005, %bitcast_convert_type3A_2016 : vector<16xf32>
      %and3A_2018 = arith.andi %get3A_2012, %broadcast_in_dim3A_328 : vector<16xi32>
      %bitcast_convert_type3A_2019 = tpu.bitcast %and3A_2018 : vector<16xi32> -> vector<16xf32>
      %add3A_2020 = arith.addf %add3A_2008, %bitcast_convert_type3A_2019 : vector<16xf32>
      %get3A_2021 = arith.constant 7 : i32
      %get3A_2022 = arith.index_cast %get3A_2021 : i32 to index
      %get3A_2023 = arith.constant 128 : index
      %get3A_2024 = tpu.vector_load %arg7[%get3A_2022, %get3A_2023] {strides = array<i32>} : memref<16x208xi32, #tpu.memory_space<vmem>>, vector<16xi32>,
      %shift_left3A_2025 = arith.constant 16 : i32
      %shift_left3A_2026 = vector.broadcast %shift_left3A_2025 : i32 to vector<16xi32>
      %shift_left3A_2027 = arith.shli %get3A_2024, %shift_left3A_2026 : vector<16xi32>
      %bitcast_convert_type3A_2028 = tpu.bitcast %shift_left3A_2027 : vector<16xi32> -> vector<16xf32>
      %add3A_2029 = arith.addf %add3A_2017, %bitcast_convert_type3A_2028 : vector<16xf32>
      %and3A_2030 = arith.andi %get3A_2024, %broadcast_in_dim3A_328 : vector<16xi32>
      %bitcast_convert_type3A_2031 = tpu.bitcast %and3A_2030 : vector<16xi32> -> vector<16xf32>
      %add3A_2032 = arith.addf %add3A_2020, %bitcast_convert_type3A_2031 : vector<16xf32>
      %get3A_2033 = arith.constant 7 : i32
      %get3A_2034 = arith.index_cast %get3A_2033 : i32 to index
      %get3A_2035 = arith.constant 144 : index
      %get3A_2036 = tpu.vector_load %arg7[%get3A_2034, %get3A_2035] {strides = array<i32>} : memref<16x208xi32, #tpu.memory_space<vmem>>, vector<16xi32>,
      %shift_left3A_2037 = arith.constant 16 : i32
      %shift_left3A_2038 = vector.broadcast %shift_left3A_2037 : i32 to vector<16xi32>
      %shift_left3A_2039 = arith.shli %get3A_2036, %shift_left3A_2038 : vector<16xi32>
      %bitcast_convert_type3A_2040 = tpu.bitcast %shift_left3A_2039 : vector<16xi32> -> vector<16xf32>
      %add3A_2041 = arith.addf %add3A_2029, %bitcast_convert_type3A_2040 : vector<16xf32>
      %and3A_2042 = arith.andi %get3A_2036, %broadcast_in_dim3A_328 : vector<16xi32>
      %bitcast_convert_type3A_2043 = tpu.bitcast %and3A_2042 : vector<16xi32> -> vector<16xf32>
      %add3A_2044 = arith.addf %add3A_2032, %bitcast_convert_type3A_2043 : vector<16xf32>
      %get3A_2045 = arith.constant 7 : i32
      %get3A_2046 = arith.index_cast %get3A_2045 : i32 to index
      %get3A_2047 = arith.constant 160 : index
      %get3A_2048 = tpu.vector_load %arg7[%get3A_2046, %get3A_2047] {strides = array<i32>} : memref<16x208xi32, #tpu.memory_space<vmem>>, vector<16xi32>,
      %shift_left3A_2049 = arith.constant 16 : i32
      %shift_left3A_2050 = vector.broadcast %shift_left3A_2049 : i32 to vector<16xi32>
      %shift_left3A_2051 = arith.shli %get3A_2048, %shift_left3A_2050 : vector<16xi32>
      %bitcast_convert_type3A_2052 = tpu.bitcast %shift_left3A_2051 : vector<16xi32> -> vector<16xf32>
      %add3A_2053 = arith.addf %add3A_2041, %bitcast_convert_type3A_2052 : vector<16xf32>
      %and3A_2054 = arith.andi %get3A_2048, %broadcast_in_dim3A_328 : vector<16xi32>
      %bitcast_convert_type3A_2055 = tpu.bitcast %and3A_2054 : vector<16xi32> -> vector<16xf32>
      %add3A_2056 = arith.addf %add3A_2044, %bitcast_convert_type3A_2055 : vector<16xf32>
      %get3A_2057 = arith.constant 7 : i32
      %get3A_2058 = arith.index_cast %get3A_2057 : i32 to index
      %get3A_2059 = arith.constant 176 : index
      %get3A_2060 = tpu.vector_load %arg7[%get3A_2058, %get3A_2059] {strides = array<i32>} : memref<16x208xi32, #tpu.memory_space<vmem>>, vector<16xi32>,
      %shift_left3A_2061 = arith.constant 16 : i32
      %shift_left3A_2062 = vector.broadcast %shift_left3A_2061 : i32 to vector<16xi32>
      %shift_left3A_2063 = arith.shli %get3A_2060, %shift_left3A_2062 : vector<16xi32>
      %bitcast_convert_type3A_2064 = tpu.bitcast %shift_left3A_2063 : vector<16xi32> -> vector<16xf32>
      %add3A_2065 = arith.addf %add3A_2053, %bitcast_convert_type3A_2064 : vector<16xf32>
      %and3A_2066 = arith.andi %get3A_2060, %broadcast_in_dim3A_328 : vector<16xi32>
      %bitcast_convert_type3A_2067 = tpu.bitcast %and3A_2066 : vector<16xi32> -> vector<16xf32>
      %add3A_2068 = arith.addf %add3A_2056, %bitcast_convert_type3A_2067 : vector<16xf32>
      %get3A_2069 = arith.constant 7 : i32
      %get3A_2070 = arith.index_cast %get3A_2069 : i32 to index
      %get3A_2071 = arith.constant 192 : index
      %get3A_2072 = tpu.vector_load %arg7[%get3A_2070, %get3A_2071] {strides = array<i32>} : memref<16x208xi32, #tpu.memory_space<vmem>>, vector<16xi32>,
      %shift_left3A_2073 = arith.constant 16 : i32
      %shift_left3A_2074 = vector.broadcast %shift_left3A_2073 : i32 to vector<16xi32>
      %shift_left3A_2075 = arith.shli %get3A_2072, %shift_left3A_2074 : vector<16xi32>
      %bitcast_convert_type3A_2076 = tpu.bitcast %shift_left3A_2075 : vector<16xi32> -> vector<16xf32>
      %add3A_2077 = arith.addf %add3A_2065, %bitcast_convert_type3A_2076 : vector<16xf32>
      %and3A_2078 = arith.andi %get3A_2072, %broadcast_in_dim3A_328 : vector<16xi32>
      %bitcast_convert_type3A_2079 = tpu.bitcast %and3A_2078 : vector<16xi32> -> vector<16xf32>
      %add3A_2080 = arith.addf %add3A_2068, %bitcast_convert_type3A_2079 : vector<16xf32>
      %reduce_sum3A_2081 = arith.constant true
      %reduce_sum3A_2082 = vector.broadcast %reduce_sum3A_2081 : i1 to vector<16xi1>
      %reduce_sum3A_2083 = tpu.scan <sum>, %add3A_2077 masked %reduce_sum3A_2082 : vector<16xf32>, vector<16xi1> -> vector<16xf32>
      %reduce_sum3A_2084 = vector.extract %reduce_sum3A_2083[15] : f32 from vector<16xf32>
      %mul3A_2085 = arith.constant 5.000000e-03 : f32
      %mul3A_2086 = arith.mulf %reduce_sum3A_2084, %mul3A_2085 : f32
      %reduce_sum3A_2087 = arith.constant true
      %reduce_sum3A_2088 = vector.broadcast %reduce_sum3A_2087 : i1 to vector<16xi1>
      %reduce_sum3A_2089 = tpu.scan <sum>, %add3A_2080 masked %reduce_sum3A_2088 : vector<16xf32>, vector<16xi1> -> vector<16xf32>
      %reduce_sum3A_2090 = vector.extract %reduce_sum3A_2089[15] : f32 from vector<16xf32>
      %mul3A_2091 = arith.constant 5.000000e-03 : f32
      %mul3A_2092 = arith.mulf %reduce_sum3A_2090, %mul3A_2091 : f32
      %add3A_2093 = arith.constant 16 : i32
      %add3A_2094 = arith.addi %add3A_1896, %add3A_2093 : i32
      %lt3A_2095 = arith.constant 128 : i32
      %lt3A_2096 = arith.cmpi slt, %add3A_2094, %lt3A_2095 : i32
      %convert_element_type3A_2097 = arith.extui %lt3A_2096 : i1 to i32
      %cond3A_2098 = arith.constant 0 : i32
      %cond3A_2099 = arith.cmpi ne, %convert_element_type3A_2097, %cond3A_2098 : i32
      scf.if %cond3A_2099 {
        %add3A_3911 = arith.constant 16 : i32
        %add3A_3912 = arith.addi %add3A_1896, %add3A_3911 : i32
        %mul3A_3913 = arith.constant 2 : i32
        %mul3A_3914 = arith.muli %mul3A_3913, %add3A_3912 : i32
        %dma_start3A_3915 = arith.constant 7 : i32
        %dma_start3A_3916 = arith.constant 0 : i32
        %dma_start3A_3917 = tpu.memref_slice %arg7[%dma_start3A_3915, %dma_start3A_3916] : memref<16x208xi32, #tpu.memory_space<vmem>> -> memref<1x104xi32, #tpu.memory_space<vmem>>
        %dma_start3A_3918 = tpu.memref_squeeze %dma_start3A_3917 : memref<1x104xi32, #tpu.memory_space<vmem>> -> memref<104xi32, #tpu.memory_space<vmem>>
        %dma_start3A_3919 = arith.constant 0 : i32
        %dma_start3A_3920 = tpu.memref_slice %arg6[%mul3A_3914, %dma_start3A_3919] : memref<256x104xi32, #tpu.memory_space<vmem>> -> memref<1x104xi32, #tpu.memory_space<vmem>>
        %dma_start3A_3921 = tpu.memref_squeeze %dma_start3A_3920 : memref<1x104xi32, #tpu.memory_space<vmem>> -> memref<104xi32, #tpu.memory_space<vmem>>
        %dma_start3A_3922 = arith.constant 0 : i32
        %dma_start3A_3923 = tpu.memref_slice %arg8[%dma_start3A_3922] : memref<1000064xi32, #tpu.memory_space<vmem_shared>> -> memref<1000064xi32, #tpu.memory_space<vmem_shared>>
        tpu.enqueue_indirect_dma source(%dma_start3A_3923 : memref<1000064xi32, #tpu.memory_space<vmem_shared>>) target(%dma_start3A_3918 : memref<104xi32, #tpu.memory_space<vmem>>) offsets(%dma_start3A_3921 : memref<104xi32, #tpu.memory_space<vmem>>) semaphore(%arg18 : memref<!tpu.dma_semaphore, #tpu.memory_space<semaphore_mem>>)
        %mul3A_3924 = arith.constant 2 : i32
        %mul3A_3925 = arith.muli %mul3A_3924, %add3A_3912 : i32
        %add3A_3926 = arith.constant 1 : i32
        %add3A_3927 = arith.addi %mul3A_3925, %add3A_3926 : i32
        %dma_start3A_3928 = arith.constant 7 : i32
        %dma_start3A_3929 = arith.constant 104 : i32
        %dma_start3A_3930 = tpu.memref_slice %arg7[%dma_start3A_3928, %dma_start3A_3929] : memref<16x208xi32, #tpu.memory_space<vmem>> -> memref<1x104xi32, #tpu.memory_space<vmem>>
        %dma_start3A_3931 = tpu.memref_squeeze %dma_start3A_3930 : memref<1x104xi32, #tpu.memory_space<vmem>> -> memref<104xi32, #tpu.memory_space<vmem>>
        %dma_start3A_3932 = arith.constant 0 : i32
        %dma_start3A_3933 = tpu.memref_slice %arg6[%add3A_3927, %dma_start3A_3932] : memref<256x104xi32, #tpu.memory_space<vmem>> -> memref<1x104xi32, #tpu.memory_space<vmem>>
        %dma_start3A_3934 = tpu.memref_squeeze %dma_start3A_3933 : memref<1x104xi32, #tpu.memory_space<vmem>> -> memref<104xi32, #tpu.memory_space<vmem>>
        %dma_start3A_3935 = arith.constant 0 : i32
        %dma_start3A_3936 = tpu.memref_slice %arg8[%dma_start3A_3935] : memref<1000064xi32, #tpu.memory_space<vmem_shared>> -> memref<1000064xi32, #tpu.memory_space<vmem_shared>>
        tpu.enqueue_indirect_dma source(%dma_start3A_3936 : memref<1000064xi32, #tpu.memory_space<vmem_shared>>) target(%dma_start3A_3931 : memref<104xi32, #tpu.memory_space<vmem>>) offsets(%dma_start3A_3934 : memref<104xi32, #tpu.memory_space<vmem>>) semaphore(%arg18 : memref<!tpu.dma_semaphore, #tpu.memory_space<semaphore_mem>>)
      } else {
      }
      %eq3A_2100 = arith.constant 0 : i32
      %eq3A_2101 = vector.broadcast %eq3A_2100 : i32 to vector<16xi32>
      %eq3A_2102 = arith.cmpi eq, %iota3A, %eq3A_2101 : vector<16xi32>
      %eq3A_2103 = arith.constant 1 : i32
      %eq3A_2104 = vector.broadcast %eq3A_2103 : i32 to vector<16xi32>
      %eq3A_2105 = arith.cmpi eq, %iota3A, %eq3A_2104 : vector<16xi32>
      %jit3A_2106 = arith.constant 0.000000e+00 : f32
      %broadcast_in_dim3A_2107 = vector.broadcast %mul3A_2092 : f32 to vector<16xf32>
      %broadcast_in_dim3A_2108 = vector.broadcast %jit3A_2106 : f32 to vector<16xf32>
      %select_n3A_2109 = arith.select %eq3A_2105, %broadcast_in_dim3A_2107, %broadcast_in_dim3A_2108 : vector<16xi1>, vector<16xf32>
      %broadcast_in_dim3A_2110 = vector.broadcast %mul3A_2086 : f32 to vector<16xf32>
      %select_n3A_2111 = arith.select %eq3A_2102, %broadcast_in_dim3A_2110, %select_n3A_2109 : vector<16xi1>, vector<16xf32>
      %get3A_2112 = arith.constant 0 : index
      %get3A_2113 = tpu.vector_load %arg9[%get3A_2112] {strides = array<i32>} : memref<16xf32, #tpu.memory_space<vmem>>, vector<16xf32>,
      %add3A_2114 = arith.addf %select_n3A_2111, %get3A_2113 : vector<16xf32>
      %mul3A_2115 = arith.constant 2 : i32
      %mul3A_2116 = arith.muli %mul3A_2115, %add3A_1896 : i32
      %swap3A_2117 = arith.index_cast %mul3A_2116 : i32 to index
      %swap3A_2118 = tpu.vector_load %arg10[%swap3A_2117] {strides = array<i32>} : memref<272xf32, #tpu.memory_space<vmem>>, vector<16xf32>,
      tpu.vector_store %arg10[%swap3A_2117], %add3A_2114 {strides = array<i32>} : memref<272xf32, #tpu.memory_space<vmem>>, vector<16xf32>,
      %add3A_2119 = arith.constant 8 : i32
      %add3A_2120 = arith.addi %add3A_339, %add3A_2119 : i32
      %mul3A_2121 = arith.constant 2 : i32
      %mul3A_2122 = arith.muli %mul3A_2121, %add3A_2120 : i32
      %dma_wait3A_2123 = arith.constant 8 : i32
      %dma_wait3A_2124 = arith.constant 0 : i32
      %dma_wait3A_2125 = tpu.memref_slice %arg7[%dma_wait3A_2123, %dma_wait3A_2124] : memref<16x208xi32, #tpu.memory_space<vmem>> -> memref<1x104xi32, #tpu.memory_space<vmem>>
      %dma_wait3A_2126 = tpu.memref_squeeze %dma_wait3A_2125 : memref<1x104xi32, #tpu.memory_space<vmem>> -> memref<104xi32, #tpu.memory_space<vmem>>
      %dma_wait3A_2127 = arith.constant 0 : i32
      %dma_wait3A_2128 = tpu.memref_slice %arg6[%mul3A_2122, %dma_wait3A_2127] : memref<256x104xi32, #tpu.memory_space<vmem>> -> memref<1x104xi32, #tpu.memory_space<vmem>>
      %dma_wait3A_2129 = tpu.memref_squeeze %dma_wait3A_2128 : memref<1x104xi32, #tpu.memory_space<vmem>> -> memref<104xi32, #tpu.memory_space<vmem>>
      %dma_wait3A_2130 = arith.constant 0 : i32
      %dma_wait3A_2131 = tpu.memref_slice %arg8[%dma_wait3A_2130] : memref<1000064xi32, #tpu.memory_space<vmem_shared>> -> memref<1000064xi32, #tpu.memory_space<vmem_shared>>
      tpu.wait_indirect_dma semaphore(%arg19 : memref<!tpu.dma_semaphore, #tpu.memory_space<semaphore_mem>>) src(%dma_wait3A_2131 : memref<1000064xi32, #tpu.memory_space<vmem_shared>>) dst(%dma_wait3A_2126 : memref<104xi32, #tpu.memory_space<vmem>>)
      %mul3A_2132 = arith.constant 2 : i32
      %mul3A_2133 = arith.muli %mul3A_2132, %add3A_2120 : i32
      %add3A_2134 = arith.constant 1 : i32
      %add3A_2135 = arith.addi %mul3A_2133, %add3A_2134 : i32
      %dma_wait3A_2136 = arith.constant 8 : i32
      %dma_wait3A_2137 = arith.constant 104 : i32
      %dma_wait3A_2138 = tpu.memref_slice %arg7[%dma_wait3A_2136, %dma_wait3A_2137] : memref<16x208xi32, #tpu.memory_space<vmem>> -> memref<1x104xi32, #tpu.memory_space<vmem>>
      %dma_wait3A_2139 = tpu.memref_squeeze %dma_wait3A_2138 : memref<1x104xi32, #tpu.memory_space<vmem>> -> memref<104xi32, #tpu.memory_space<vmem>>
      %dma_wait3A_2140 = arith.constant 0 : i32
      %dma_wait3A_2141 = tpu.memref_slice %arg6[%add3A_2135, %dma_wait3A_2140] : memref<256x104xi32, #tpu.memory_space<vmem>> -> memref<1x104xi32, #tpu.memory_space<vmem>>
      %dma_wait3A_2142 = tpu.memref_squeeze %dma_wait3A_2141 : memref<1x104xi32, #tpu.memory_space<vmem>> -> memref<104xi32, #tpu.memory_space<vmem>>
      %dma_wait3A_2143 = arith.constant 0 : i32
      %dma_wait3A_2144 = tpu.memref_slice %arg8[%dma_wait3A_2143] : memref<1000064xi32, #tpu.memory_space<vmem_shared>> -> memref<1000064xi32, #tpu.memory_space<vmem_shared>>
      tpu.wait_indirect_dma semaphore(%arg19 : memref<!tpu.dma_semaphore, #tpu.memory_space<semaphore_mem>>) src(%dma_wait3A_2144 : memref<1000064xi32, #tpu.memory_space<vmem_shared>>) dst(%dma_wait3A_2139 : memref<104xi32, #tpu.memory_space<vmem>>)
      %broadcast_in_dim3A_2145 = arith.constant 0.000000e+00 : f32
      %broadcast_in_dim3A_2146 = vector.broadcast %broadcast_in_dim3A_2145 : f32 to vector<16xf32>
      %broadcast_in_dim3A_2147 = arith.constant 0.000000e+00 : f32
      %broadcast_in_dim3A_2148 = vector.broadcast %broadcast_in_dim3A_2147 : f32 to vector<16xf32>
      %get3A_2149 = arith.constant 8 : i32
      %get3A_2150 = arith.index_cast %get3A_2149 : i32 to index
      %get3A_2151 = arith.constant 0 : index
      %get3A_2152 = tpu.vector_load %arg7[%get3A_2150, %get3A_2151] {strides = array<i32>} : memref<16x208xi32, #tpu.memory_space<vmem>>, vector<16xi32>,
      %shift_left3A_2153 = arith.constant 16 : i32
      %shift_left3A_2154 = vector.broadcast %shift_left3A_2153 : i32 to vector<16xi32>
      %shift_left3A_2155 = arith.shli %get3A_2152, %shift_left3A_2154 : vector<16xi32>
      %bitcast_convert_type3A_2156 = tpu.bitcast %shift_left3A_2155 : vector<16xi32> -> vector<16xf32>
      %add3A_2157 = arith.addf %broadcast_in_dim3A_2146, %bitcast_convert_type3A_2156 : vector<16xf32>
      %and3A_2158 = arith.andi %get3A_2152, %broadcast_in_dim3A_328 : vector<16xi32>
      %bitcast_convert_type3A_2159 = tpu.bitcast %and3A_2158 : vector<16xi32> -> vector<16xf32>
      %add3A_2160 = arith.addf %broadcast_in_dim3A_2148, %bitcast_convert_type3A_2159 : vector<16xf32>
      %get3A_2161 = arith.constant 8 : i32
      %get3A_2162 = arith.index_cast %get3A_2161 : i32 to index
      %get3A_2163 = arith.constant 16 : index
      %get3A_2164 = tpu.vector_load %arg7[%get3A_2162, %get3A_2163] {strides = array<i32>} : memref<16x208xi32, #tpu.memory_space<vmem>>, vector<16xi32>,
      %shift_left3A_2165 = arith.constant 16 : i32
      %shift_left3A_2166 = vector.broadcast %shift_left3A_2165 : i32 to vector<16xi32>
      %shift_left3A_2167 = arith.shli %get3A_2164, %shift_left3A_2166 : vector<16xi32>
      %bitcast_convert_type3A_2168 = tpu.bitcast %shift_left3A_2167 : vector<16xi32> -> vector<16xf32>
      %add3A_2169 = arith.addf %add3A_2157, %bitcast_convert_type3A_2168 : vector<16xf32>
      %and3A_2170 = arith.andi %get3A_2164, %broadcast_in_dim3A_328 : vector<16xi32>
      %bitcast_convert_type3A_2171 = tpu.bitcast %and3A_2170 : vector<16xi32> -> vector<16xf32>
      %add3A_2172 = arith.addf %add3A_2160, %bitcast_convert_type3A_2171 : vector<16xf32>
      %get3A_2173 = arith.constant 8 : i32
      %get3A_2174 = arith.index_cast %get3A_2173 : i32 to index
      %get3A_2175 = arith.constant 32 : index
      %get3A_2176 = tpu.vector_load %arg7[%get3A_2174, %get3A_2175] {strides = array<i32>} : memref<16x208xi32, #tpu.memory_space<vmem>>, vector<16xi32>,
      %shift_left3A_2177 = arith.constant 16 : i32
      %shift_left3A_2178 = vector.broadcast %shift_left3A_2177 : i32 to vector<16xi32>
      %shift_left3A_2179 = arith.shli %get3A_2176, %shift_left3A_2178 : vector<16xi32>
      %bitcast_convert_type3A_2180 = tpu.bitcast %shift_left3A_2179 : vector<16xi32> -> vector<16xf32>
      %add3A_2181 = arith.addf %add3A_2169, %bitcast_convert_type3A_2180 : vector<16xf32>
      %and3A_2182 = arith.andi %get3A_2176, %broadcast_in_dim3A_328 : vector<16xi32>
      %bitcast_convert_type3A_2183 = tpu.bitcast %and3A_2182 : vector<16xi32> -> vector<16xf32>
      %add3A_2184 = arith.addf %add3A_2172, %bitcast_convert_type3A_2183 : vector<16xf32>
      %get3A_2185 = arith.constant 8 : i32
      %get3A_2186 = arith.index_cast %get3A_2185 : i32 to index
      %get3A_2187 = arith.constant 48 : index
      %get3A_2188 = tpu.vector_load %arg7[%get3A_2186, %get3A_2187] {strides = array<i32>} : memref<16x208xi32, #tpu.memory_space<vmem>>, vector<16xi32>,
      %shift_left3A_2189 = arith.constant 16 : i32
      %shift_left3A_2190 = vector.broadcast %shift_left3A_2189 : i32 to vector<16xi32>
      %shift_left3A_2191 = arith.shli %get3A_2188, %shift_left3A_2190 : vector<16xi32>
      %bitcast_convert_type3A_2192 = tpu.bitcast %shift_left3A_2191 : vector<16xi32> -> vector<16xf32>
      %add3A_2193 = arith.addf %add3A_2181, %bitcast_convert_type3A_2192 : vector<16xf32>
      %and3A_2194 = arith.andi %get3A_2188, %broadcast_in_dim3A_328 : vector<16xi32>
      %bitcast_convert_type3A_2195 = tpu.bitcast %and3A_2194 : vector<16xi32> -> vector<16xf32>
      %add3A_2196 = arith.addf %add3A_2184, %bitcast_convert_type3A_2195 : vector<16xf32>
      %get3A_2197 = arith.constant 8 : i32
      %get3A_2198 = arith.index_cast %get3A_2197 : i32 to index
      %get3A_2199 = arith.constant 64 : index
      %get3A_2200 = tpu.vector_load %arg7[%get3A_2198, %get3A_2199] {strides = array<i32>} : memref<16x208xi32, #tpu.memory_space<vmem>>, vector<16xi32>,
      %shift_left3A_2201 = arith.constant 16 : i32
      %shift_left3A_2202 = vector.broadcast %shift_left3A_2201 : i32 to vector<16xi32>
      %shift_left3A_2203 = arith.shli %get3A_2200, %shift_left3A_2202 : vector<16xi32>
      %bitcast_convert_type3A_2204 = tpu.bitcast %shift_left3A_2203 : vector<16xi32> -> vector<16xf32>
      %add3A_2205 = arith.addf %add3A_2193, %bitcast_convert_type3A_2204 : vector<16xf32>
      %and3A_2206 = arith.andi %get3A_2200, %broadcast_in_dim3A_328 : vector<16xi32>
      %bitcast_convert_type3A_2207 = tpu.bitcast %and3A_2206 : vector<16xi32> -> vector<16xf32>
      %add3A_2208 = arith.addf %add3A_2196, %bitcast_convert_type3A_2207 : vector<16xf32>
      %get3A_2209 = arith.constant 8 : i32
      %get3A_2210 = arith.index_cast %get3A_2209 : i32 to index
      %get3A_2211 = arith.constant 80 : index
      %get3A_2212 = tpu.vector_load %arg7[%get3A_2210, %get3A_2211] {strides = array<i32>} : memref<16x208xi32, #tpu.memory_space<vmem>>, vector<16xi32>,
      %shift_left3A_2213 = arith.constant 16 : i32
      %shift_left3A_2214 = vector.broadcast %shift_left3A_2213 : i32 to vector<16xi32>
      %shift_left3A_2215 = arith.shli %get3A_2212, %shift_left3A_2214 : vector<16xi32>
      %bitcast_convert_type3A_2216 = tpu.bitcast %shift_left3A_2215 : vector<16xi32> -> vector<16xf32>
      %add3A_2217 = arith.addf %add3A_2205, %bitcast_convert_type3A_2216 : vector<16xf32>
      %and3A_2218 = arith.andi %get3A_2212, %broadcast_in_dim3A_328 : vector<16xi32>
      %bitcast_convert_type3A_2219 = tpu.bitcast %and3A_2218 : vector<16xi32> -> vector<16xf32>
      %add3A_2220 = arith.addf %add3A_2208, %bitcast_convert_type3A_2219 : vector<16xf32>
      %get3A_2221 = arith.constant 8 : i32
      %get3A_2222 = arith.index_cast %get3A_2221 : i32 to index
      %get3A_2223 = arith.constant 96 : index
      %get3A_2224 = tpu.vector_load %arg7[%get3A_2222, %get3A_2223] {strides = array<i32>} : memref<16x208xi32, #tpu.memory_space<vmem>>, vector<16xi32>,
      %shift_left3A_2225 = arith.constant 16 : i32
      %shift_left3A_2226 = vector.broadcast %shift_left3A_2225 : i32 to vector<16xi32>
      %shift_left3A_2227 = arith.shli %get3A_2224, %shift_left3A_2226 : vector<16xi32>
      %bitcast_convert_type3A_2228 = tpu.bitcast %shift_left3A_2227 : vector<16xi32> -> vector<16xf32>
      %add3A_2229 = arith.addf %add3A_2217, %bitcast_convert_type3A_2228 : vector<16xf32>
      %and3A_2230 = arith.andi %get3A_2224, %broadcast_in_dim3A_328 : vector<16xi32>
      %bitcast_convert_type3A_2231 = tpu.bitcast %and3A_2230 : vector<16xi32> -> vector<16xf32>
      %add3A_2232 = arith.addf %add3A_2220, %bitcast_convert_type3A_2231 : vector<16xf32>
      %get3A_2233 = arith.constant 8 : i32
      %get3A_2234 = arith.index_cast %get3A_2233 : i32 to index
      %get3A_2235 = arith.constant 112 : index
      %get3A_2236 = tpu.vector_load %arg7[%get3A_2234, %get3A_2235] {strides = array<i32>} : memref<16x208xi32, #tpu.memory_space<vmem>>, vector<16xi32>,
      %shift_left3A_2237 = arith.constant 16 : i32
      %shift_left3A_2238 = vector.broadcast %shift_left3A_2237 : i32 to vector<16xi32>
      %shift_left3A_2239 = arith.shli %get3A_2236, %shift_left3A_2238 : vector<16xi32>
      %bitcast_convert_type3A_2240 = tpu.bitcast %shift_left3A_2239 : vector<16xi32> -> vector<16xf32>
      %add3A_2241 = arith.addf %add3A_2229, %bitcast_convert_type3A_2240 : vector<16xf32>
      %and3A_2242 = arith.andi %get3A_2236, %broadcast_in_dim3A_328 : vector<16xi32>
      %bitcast_convert_type3A_2243 = tpu.bitcast %and3A_2242 : vector<16xi32> -> vector<16xf32>
      %add3A_2244 = arith.addf %add3A_2232, %bitcast_convert_type3A_2243 : vector<16xf32>
      %get3A_2245 = arith.constant 8 : i32
      %get3A_2246 = arith.index_cast %get3A_2245 : i32 to index
      %get3A_2247 = arith.constant 128 : index
      %get3A_2248 = tpu.vector_load %arg7[%get3A_2246, %get3A_2247] {strides = array<i32>} : memref<16x208xi32, #tpu.memory_space<vmem>>, vector<16xi32>,
      %shift_left3A_2249 = arith.constant 16 : i32
      %shift_left3A_2250 = vector.broadcast %shift_left3A_2249 : i32 to vector<16xi32>
      %shift_left3A_2251 = arith.shli %get3A_2248, %shift_left3A_2250 : vector<16xi32>
      %bitcast_convert_type3A_2252 = tpu.bitcast %shift_left3A_2251 : vector<16xi32> -> vector<16xf32>
      %add3A_2253 = arith.addf %add3A_2241, %bitcast_convert_type3A_2252 : vector<16xf32>
      %and3A_2254 = arith.andi %get3A_2248, %broadcast_in_dim3A_328 : vector<16xi32>
      %bitcast_convert_type3A_2255 = tpu.bitcast %and3A_2254 : vector<16xi32> -> vector<16xf32>
      %add3A_2256 = arith.addf %add3A_2244, %bitcast_convert_type3A_2255 : vector<16xf32>
      %get3A_2257 = arith.constant 8 : i32
      %get3A_2258 = arith.index_cast %get3A_2257 : i32 to index
      %get3A_2259 = arith.constant 144 : index
      %get3A_2260 = tpu.vector_load %arg7[%get3A_2258, %get3A_2259] {strides = array<i32>} : memref<16x208xi32, #tpu.memory_space<vmem>>, vector<16xi32>,
      %shift_left3A_2261 = arith.constant 16 : i32
      %shift_left3A_2262 = vector.broadcast %shift_left3A_2261 : i32 to vector<16xi32>
      %shift_left3A_2263 = arith.shli %get3A_2260, %shift_left3A_2262 : vector<16xi32>
      %bitcast_convert_type3A_2264 = tpu.bitcast %shift_left3A_2263 : vector<16xi32> -> vector<16xf32>
      %add3A_2265 = arith.addf %add3A_2253, %bitcast_convert_type3A_2264 : vector<16xf32>
      %and3A_2266 = arith.andi %get3A_2260, %broadcast_in_dim3A_328 : vector<16xi32>
      %bitcast_convert_type3A_2267 = tpu.bitcast %and3A_2266 : vector<16xi32> -> vector<16xf32>
      %add3A_2268 = arith.addf %add3A_2256, %bitcast_convert_type3A_2267 : vector<16xf32>
      %get3A_2269 = arith.constant 8 : i32
      %get3A_2270 = arith.index_cast %get3A_2269 : i32 to index
      %get3A_2271 = arith.constant 160 : index
      %get3A_2272 = tpu.vector_load %arg7[%get3A_2270, %get3A_2271] {strides = array<i32>} : memref<16x208xi32, #tpu.memory_space<vmem>>, vector<16xi32>,
      %shift_left3A_2273 = arith.constant 16 : i32
      %shift_left3A_2274 = vector.broadcast %shift_left3A_2273 : i32 to vector<16xi32>
      %shift_left3A_2275 = arith.shli %get3A_2272, %shift_left3A_2274 : vector<16xi32>
      %bitcast_convert_type3A_2276 = tpu.bitcast %shift_left3A_2275 : vector<16xi32> -> vector<16xf32>
      %add3A_2277 = arith.addf %add3A_2265, %bitcast_convert_type3A_2276 : vector<16xf32>
      %and3A_2278 = arith.andi %get3A_2272, %broadcast_in_dim3A_328 : vector<16xi32>
      %bitcast_convert_type3A_2279 = tpu.bitcast %and3A_2278 : vector<16xi32> -> vector<16xf32>
      %add3A_2280 = arith.addf %add3A_2268, %bitcast_convert_type3A_2279 : vector<16xf32>
      %get3A_2281 = arith.constant 8 : i32
      %get3A_2282 = arith.index_cast %get3A_2281 : i32 to index
      %get3A_2283 = arith.constant 176 : index
      %get3A_2284 = tpu.vector_load %arg7[%get3A_2282, %get3A_2283] {strides = array<i32>} : memref<16x208xi32, #tpu.memory_space<vmem>>, vector<16xi32>,
      %shift_left3A_2285 = arith.constant 16 : i32
      %shift_left3A_2286 = vector.broadcast %shift_left3A_2285 : i32 to vector<16xi32>
      %shift_left3A_2287 = arith.shli %get3A_2284, %shift_left3A_2286 : vector<16xi32>
      %bitcast_convert_type3A_2288 = tpu.bitcast %shift_left3A_2287 : vector<16xi32> -> vector<16xf32>
      %add3A_2289 = arith.addf %add3A_2277, %bitcast_convert_type3A_2288 : vector<16xf32>
      %and3A_2290 = arith.andi %get3A_2284, %broadcast_in_dim3A_328 : vector<16xi32>
      %bitcast_convert_type3A_2291 = tpu.bitcast %and3A_2290 : vector<16xi32> -> vector<16xf32>
      %add3A_2292 = arith.addf %add3A_2280, %bitcast_convert_type3A_2291 : vector<16xf32>
      %get3A_2293 = arith.constant 8 : i32
      %get3A_2294 = arith.index_cast %get3A_2293 : i32 to index
      %get3A_2295 = arith.constant 192 : index
      %get3A_2296 = tpu.vector_load %arg7[%get3A_2294, %get3A_2295] {strides = array<i32>} : memref<16x208xi32, #tpu.memory_space<vmem>>, vector<16xi32>,
      %shift_left3A_2297 = arith.constant 16 : i32
      %shift_left3A_2298 = vector.broadcast %shift_left3A_2297 : i32 to vector<16xi32>
      %shift_left3A_2299 = arith.shli %get3A_2296, %shift_left3A_2298 : vector<16xi32>
      %bitcast_convert_type3A_2300 = tpu.bitcast %shift_left3A_2299 : vector<16xi32> -> vector<16xf32>
      %add3A_2301 = arith.addf %add3A_2289, %bitcast_convert_type3A_2300 : vector<16xf32>
      %and3A_2302 = arith.andi %get3A_2296, %broadcast_in_dim3A_328 : vector<16xi32>
      %bitcast_convert_type3A_2303 = tpu.bitcast %and3A_2302 : vector<16xi32> -> vector<16xf32>
      %add3A_2304 = arith.addf %add3A_2292, %bitcast_convert_type3A_2303 : vector<16xf32>
      %reduce_sum3A_2305 = arith.constant true
      %reduce_sum3A_2306 = vector.broadcast %reduce_sum3A_2305 : i1 to vector<16xi1>
      %reduce_sum3A_2307 = tpu.scan <sum>, %add3A_2301 masked %reduce_sum3A_2306 : vector<16xf32>, vector<16xi1> -> vector<16xf32>
      %reduce_sum3A_2308 = vector.extract %reduce_sum3A_2307[15] : f32 from vector<16xf32>
      %mul3A_2309 = arith.constant 5.000000e-03 : f32
      %mul3A_2310 = arith.mulf %reduce_sum3A_2308, %mul3A_2309 : f32
      %reduce_sum3A_2311 = arith.constant true
      %reduce_sum3A_2312 = vector.broadcast %reduce_sum3A_2311 : i1 to vector<16xi1>
      %reduce_sum3A_2313 = tpu.scan <sum>, %add3A_2304 masked %reduce_sum3A_2312 : vector<16xf32>, vector<16xi1> -> vector<16xf32>
      %reduce_sum3A_2314 = vector.extract %reduce_sum3A_2313[15] : f32 from vector<16xf32>
      %mul3A_2315 = arith.constant 5.000000e-03 : f32
      %mul3A_2316 = arith.mulf %reduce_sum3A_2314, %mul3A_2315 : f32
      %add3A_2317 = arith.constant 16 : i32
      %add3A_2318 = arith.addi %add3A_2120, %add3A_2317 : i32
      %lt3A_2319 = arith.constant 128 : i32
      %lt3A_2320 = arith.cmpi slt, %add3A_2318, %lt3A_2319 : i32
      %convert_element_type3A_2321 = arith.extui %lt3A_2320 : i1 to i32
      %cond3A_2322 = arith.constant 0 : i32
      %cond3A_2323 = arith.cmpi ne, %convert_element_type3A_2321, %cond3A_2322 : i32
      scf.if %cond3A_2323 {
        %add3A_3911 = arith.constant 16 : i32
        %add3A_3912 = arith.addi %add3A_2120, %add3A_3911 : i32
        %mul3A_3913 = arith.constant 2 : i32
        %mul3A_3914 = arith.muli %mul3A_3913, %add3A_3912 : i32
        %dma_start3A_3915 = arith.constant 8 : i32
        %dma_start3A_3916 = arith.constant 0 : i32
        %dma_start3A_3917 = tpu.memref_slice %arg7[%dma_start3A_3915, %dma_start3A_3916] : memref<16x208xi32, #tpu.memory_space<vmem>> -> memref<1x104xi32, #tpu.memory_space<vmem>>
        %dma_start3A_3918 = tpu.memref_squeeze %dma_start3A_3917 : memref<1x104xi32, #tpu.memory_space<vmem>> -> memref<104xi32, #tpu.memory_space<vmem>>
        %dma_start3A_3919 = arith.constant 0 : i32
        %dma_start3A_3920 = tpu.memref_slice %arg6[%mul3A_3914, %dma_start3A_3919] : memref<256x104xi32, #tpu.memory_space<vmem>> -> memref<1x104xi32, #tpu.memory_space<vmem>>
        %dma_start3A_3921 = tpu.memref_squeeze %dma_start3A_3920 : memref<1x104xi32, #tpu.memory_space<vmem>> -> memref<104xi32, #tpu.memory_space<vmem>>
        %dma_start3A_3922 = arith.constant 0 : i32
        %dma_start3A_3923 = tpu.memref_slice %arg8[%dma_start3A_3922] : memref<1000064xi32, #tpu.memory_space<vmem_shared>> -> memref<1000064xi32, #tpu.memory_space<vmem_shared>>
        tpu.enqueue_indirect_dma source(%dma_start3A_3923 : memref<1000064xi32, #tpu.memory_space<vmem_shared>>) target(%dma_start3A_3918 : memref<104xi32, #tpu.memory_space<vmem>>) offsets(%dma_start3A_3921 : memref<104xi32, #tpu.memory_space<vmem>>) semaphore(%arg19 : memref<!tpu.dma_semaphore, #tpu.memory_space<semaphore_mem>>)
        %mul3A_3924 = arith.constant 2 : i32
        %mul3A_3925 = arith.muli %mul3A_3924, %add3A_3912 : i32
        %add3A_3926 = arith.constant 1 : i32
        %add3A_3927 = arith.addi %mul3A_3925, %add3A_3926 : i32
        %dma_start3A_3928 = arith.constant 8 : i32
        %dma_start3A_3929 = arith.constant 104 : i32
        %dma_start3A_3930 = tpu.memref_slice %arg7[%dma_start3A_3928, %dma_start3A_3929] : memref<16x208xi32, #tpu.memory_space<vmem>> -> memref<1x104xi32, #tpu.memory_space<vmem>>
        %dma_start3A_3931 = tpu.memref_squeeze %dma_start3A_3930 : memref<1x104xi32, #tpu.memory_space<vmem>> -> memref<104xi32, #tpu.memory_space<vmem>>
        %dma_start3A_3932 = arith.constant 0 : i32
        %dma_start3A_3933 = tpu.memref_slice %arg6[%add3A_3927, %dma_start3A_3932] : memref<256x104xi32, #tpu.memory_space<vmem>> -> memref<1x104xi32, #tpu.memory_space<vmem>>
        %dma_start3A_3934 = tpu.memref_squeeze %dma_start3A_3933 : memref<1x104xi32, #tpu.memory_space<vmem>> -> memref<104xi32, #tpu.memory_space<vmem>>
        %dma_start3A_3935 = arith.constant 0 : i32
        %dma_start3A_3936 = tpu.memref_slice %arg8[%dma_start3A_3935] : memref<1000064xi32, #tpu.memory_space<vmem_shared>> -> memref<1000064xi32, #tpu.memory_space<vmem_shared>>
        tpu.enqueue_indirect_dma source(%dma_start3A_3936 : memref<1000064xi32, #tpu.memory_space<vmem_shared>>) target(%dma_start3A_3931 : memref<104xi32, #tpu.memory_space<vmem>>) offsets(%dma_start3A_3934 : memref<104xi32, #tpu.memory_space<vmem>>) semaphore(%arg19 : memref<!tpu.dma_semaphore, #tpu.memory_space<semaphore_mem>>)
      } else {
      }
      %eq3A_2324 = arith.constant 0 : i32
      %eq3A_2325 = vector.broadcast %eq3A_2324 : i32 to vector<16xi32>
      %eq3A_2326 = arith.cmpi eq, %iota3A, %eq3A_2325 : vector<16xi32>
      %eq3A_2327 = arith.constant 1 : i32
      %eq3A_2328 = vector.broadcast %eq3A_2327 : i32 to vector<16xi32>
      %eq3A_2329 = arith.cmpi eq, %iota3A, %eq3A_2328 : vector<16xi32>
      %jit3A_2330 = arith.constant 0.000000e+00 : f32
      %broadcast_in_dim3A_2331 = vector.broadcast %mul3A_2316 : f32 to vector<16xf32>
      %broadcast_in_dim3A_2332 = vector.broadcast %jit3A_2330 : f32 to vector<16xf32>
      %select_n3A_2333 = arith.select %eq3A_2329, %broadcast_in_dim3A_2331, %broadcast_in_dim3A_2332 : vector<16xi1>, vector<16xf32>
      %broadcast_in_dim3A_2334 = vector.broadcast %mul3A_2310 : f32 to vector<16xf32>
      %select_n3A_2335 = arith.select %eq3A_2326, %broadcast_in_dim3A_2334, %select_n3A_2333 : vector<16xi1>, vector<16xf32>
      %get3A_2336 = arith.constant 0 : index
      %get3A_2337 = tpu.vector_load %arg9[%get3A_2336] {strides = array<i32>} : memref<16xf32, #tpu.memory_space<vmem>>, vector<16xf32>,
      %add3A_2338 = arith.addf %select_n3A_2335, %get3A_2337 : vector<16xf32>
      %mul3A_2339 = arith.constant 2 : i32
      %mul3A_2340 = arith.muli %mul3A_2339, %add3A_2120 : i32
      %swap3A_2341 = arith.index_cast %mul3A_2340 : i32 to index
      %swap3A_2342 = tpu.vector_load %arg10[%swap3A_2341] {strides = array<i32>} : memref<272xf32, #tpu.memory_space<vmem>>, vector<16xf32>,
      tpu.vector_store %arg10[%swap3A_2341], %add3A_2338 {strides = array<i32>} : memref<272xf32, #tpu.memory_space<vmem>>, vector<16xf32>,
      %add3A_2343 = arith.constant 9 : i32
      %add3A_2344 = arith.addi %add3A_339, %add3A_2343 : i32
      %mul3A_2345 = arith.constant 2 : i32
      %mul3A_2346 = arith.muli %mul3A_2345, %add3A_2344 : i32
      %dma_wait3A_2347 = arith.constant 9 : i32
      %dma_wait3A_2348 = arith.constant 0 : i32
      %dma_wait3A_2349 = tpu.memref_slice %arg7[%dma_wait3A_2347, %dma_wait3A_2348] : memref<16x208xi32, #tpu.memory_space<vmem>> -> memref<1x104xi32, #tpu.memory_space<vmem>>
      %dma_wait3A_2350 = tpu.memref_squeeze %dma_wait3A_2349 : memref<1x104xi32, #tpu.memory_space<vmem>> -> memref<104xi32, #tpu.memory_space<vmem>>
      %dma_wait3A_2351 = arith.constant 0 : i32
      %dma_wait3A_2352 = tpu.memref_slice %arg6[%mul3A_2346, %dma_wait3A_2351] : memref<256x104xi32, #tpu.memory_space<vmem>> -> memref<1x104xi32, #tpu.memory_space<vmem>>
      %dma_wait3A_2353 = tpu.memref_squeeze %dma_wait3A_2352 : memref<1x104xi32, #tpu.memory_space<vmem>> -> memref<104xi32, #tpu.memory_space<vmem>>
      %dma_wait3A_2354 = arith.constant 0 : i32
      %dma_wait3A_2355 = tpu.memref_slice %arg8[%dma_wait3A_2354] : memref<1000064xi32, #tpu.memory_space<vmem_shared>> -> memref<1000064xi32, #tpu.memory_space<vmem_shared>>
      tpu.wait_indirect_dma semaphore(%arg20 : memref<!tpu.dma_semaphore, #tpu.memory_space<semaphore_mem>>) src(%dma_wait3A_2355 : memref<1000064xi32, #tpu.memory_space<vmem_shared>>) dst(%dma_wait3A_2350 : memref<104xi32, #tpu.memory_space<vmem>>)
      %mul3A_2356 = arith.constant 2 : i32
      %mul3A_2357 = arith.muli %mul3A_2356, %add3A_2344 : i32
      %add3A_2358 = arith.constant 1 : i32
      %add3A_2359 = arith.addi %mul3A_2357, %add3A_2358 : i32
      %dma_wait3A_2360 = arith.constant 9 : i32
      %dma_wait3A_2361 = arith.constant 104 : i32
      %dma_wait3A_2362 = tpu.memref_slice %arg7[%dma_wait3A_2360, %dma_wait3A_2361] : memref<16x208xi32, #tpu.memory_space<vmem>> -> memref<1x104xi32, #tpu.memory_space<vmem>>
      %dma_wait3A_2363 = tpu.memref_squeeze %dma_wait3A_2362 : memref<1x104xi32, #tpu.memory_space<vmem>> -> memref<104xi32, #tpu.memory_space<vmem>>
      %dma_wait3A_2364 = arith.constant 0 : i32
      %dma_wait3A_2365 = tpu.memref_slice %arg6[%add3A_2359, %dma_wait3A_2364] : memref<256x104xi32, #tpu.memory_space<vmem>> -> memref<1x104xi32, #tpu.memory_space<vmem>>
      %dma_wait3A_2366 = tpu.memref_squeeze %dma_wait3A_2365 : memref<1x104xi32, #tpu.memory_space<vmem>> -> memref<104xi32, #tpu.memory_space<vmem>>
      %dma_wait3A_2367 = arith.constant 0 : i32
      %dma_wait3A_2368 = tpu.memref_slice %arg8[%dma_wait3A_2367] : memref<1000064xi32, #tpu.memory_space<vmem_shared>> -> memref<1000064xi32, #tpu.memory_space<vmem_shared>>
      tpu.wait_indirect_dma semaphore(%arg20 : memref<!tpu.dma_semaphore, #tpu.memory_space<semaphore_mem>>) src(%dma_wait3A_2368 : memref<1000064xi32, #tpu.memory_space<vmem_shared>>) dst(%dma_wait3A_2363 : memref<104xi32, #tpu.memory_space<vmem>>)
      %broadcast_in_dim3A_2369 = arith.constant 0.000000e+00 : f32
      %broadcast_in_dim3A_2370 = vector.broadcast %broadcast_in_dim3A_2369 : f32 to vector<16xf32>
      %broadcast_in_dim3A_2371 = arith.constant 0.000000e+00 : f32
      %broadcast_in_dim3A_2372 = vector.broadcast %broadcast_in_dim3A_2371 : f32 to vector<16xf32>
      %get3A_2373 = arith.constant 9 : i32
      %get3A_2374 = arith.index_cast %get3A_2373 : i32 to index
      %get3A_2375 = arith.constant 0 : index
      %get3A_2376 = tpu.vector_load %arg7[%get3A_2374, %get3A_2375] {strides = array<i32>} : memref<16x208xi32, #tpu.memory_space<vmem>>, vector<16xi32>,
      %shift_left3A_2377 = arith.constant 16 : i32
      %shift_left3A_2378 = vector.broadcast %shift_left3A_2377 : i32 to vector<16xi32>
      %shift_left3A_2379 = arith.shli %get3A_2376, %shift_left3A_2378 : vector<16xi32>
      %bitcast_convert_type3A_2380 = tpu.bitcast %shift_left3A_2379 : vector<16xi32> -> vector<16xf32>
      %add3A_2381 = arith.addf %broadcast_in_dim3A_2370, %bitcast_convert_type3A_2380 : vector<16xf32>
      %and3A_2382 = arith.andi %get3A_2376, %broadcast_in_dim3A_328 : vector<16xi32>
      %bitcast_convert_type3A_2383 = tpu.bitcast %and3A_2382 : vector<16xi32> -> vector<16xf32>
      %add3A_2384 = arith.addf %broadcast_in_dim3A_2372, %bitcast_convert_type3A_2383 : vector<16xf32>
      %get3A_2385 = arith.constant 9 : i32
      %get3A_2386 = arith.index_cast %get3A_2385 : i32 to index
      %get3A_2387 = arith.constant 16 : index
      %get3A_2388 = tpu.vector_load %arg7[%get3A_2386, %get3A_2387] {strides = array<i32>} : memref<16x208xi32, #tpu.memory_space<vmem>>, vector<16xi32>,
      %shift_left3A_2389 = arith.constant 16 : i32
      %shift_left3A_2390 = vector.broadcast %shift_left3A_2389 : i32 to vector<16xi32>
      %shift_left3A_2391 = arith.shli %get3A_2388, %shift_left3A_2390 : vector<16xi32>
      %bitcast_convert_type3A_2392 = tpu.bitcast %shift_left3A_2391 : vector<16xi32> -> vector<16xf32>
      %add3A_2393 = arith.addf %add3A_2381, %bitcast_convert_type3A_2392 : vector<16xf32>
      %and3A_2394 = arith.andi %get3A_2388, %broadcast_in_dim3A_328 : vector<16xi32>
      %bitcast_convert_type3A_2395 = tpu.bitcast %and3A_2394 : vector<16xi32> -> vector<16xf32>
      %add3A_2396 = arith.addf %add3A_2384, %bitcast_convert_type3A_2395 : vector<16xf32>
      %get3A_2397 = arith.constant 9 : i32
      %get3A_2398 = arith.index_cast %get3A_2397 : i32 to index
      %get3A_2399 = arith.constant 32 : index
      %get3A_2400 = tpu.vector_load %arg7[%get3A_2398, %get3A_2399] {strides = array<i32>} : memref<16x208xi32, #tpu.memory_space<vmem>>, vector<16xi32>,
      %shift_left3A_2401 = arith.constant 16 : i32
      %shift_left3A_2402 = vector.broadcast %shift_left3A_2401 : i32 to vector<16xi32>
      %shift_left3A_2403 = arith.shli %get3A_2400, %shift_left3A_2402 : vector<16xi32>
      %bitcast_convert_type3A_2404 = tpu.bitcast %shift_left3A_2403 : vector<16xi32> -> vector<16xf32>
      %add3A_2405 = arith.addf %add3A_2393, %bitcast_convert_type3A_2404 : vector<16xf32>
      %and3A_2406 = arith.andi %get3A_2400, %broadcast_in_dim3A_328 : vector<16xi32>
      %bitcast_convert_type3A_2407 = tpu.bitcast %and3A_2406 : vector<16xi32> -> vector<16xf32>
      %add3A_2408 = arith.addf %add3A_2396, %bitcast_convert_type3A_2407 : vector<16xf32>
      %get3A_2409 = arith.constant 9 : i32
      %get3A_2410 = arith.index_cast %get3A_2409 : i32 to index
      %get3A_2411 = arith.constant 48 : index
      %get3A_2412 = tpu.vector_load %arg7[%get3A_2410, %get3A_2411] {strides = array<i32>} : memref<16x208xi32, #tpu.memory_space<vmem>>, vector<16xi32>,
      %shift_left3A_2413 = arith.constant 16 : i32
      %shift_left3A_2414 = vector.broadcast %shift_left3A_2413 : i32 to vector<16xi32>
      %shift_left3A_2415 = arith.shli %get3A_2412, %shift_left3A_2414 : vector<16xi32>
      %bitcast_convert_type3A_2416 = tpu.bitcast %shift_left3A_2415 : vector<16xi32> -> vector<16xf32>
      %add3A_2417 = arith.addf %add3A_2405, %bitcast_convert_type3A_2416 : vector<16xf32>
      %and3A_2418 = arith.andi %get3A_2412, %broadcast_in_dim3A_328 : vector<16xi32>
      %bitcast_convert_type3A_2419 = tpu.bitcast %and3A_2418 : vector<16xi32> -> vector<16xf32>
      %add3A_2420 = arith.addf %add3A_2408, %bitcast_convert_type3A_2419 : vector<16xf32>
      %get3A_2421 = arith.constant 9 : i32
      %get3A_2422 = arith.index_cast %get3A_2421 : i32 to index
      %get3A_2423 = arith.constant 64 : index
      %get3A_2424 = tpu.vector_load %arg7[%get3A_2422, %get3A_2423] {strides = array<i32>} : memref<16x208xi32, #tpu.memory_space<vmem>>, vector<16xi32>,
      %shift_left3A_2425 = arith.constant 16 : i32
      %shift_left3A_2426 = vector.broadcast %shift_left3A_2425 : i32 to vector<16xi32>
      %shift_left3A_2427 = arith.shli %get3A_2424, %shift_left3A_2426 : vector<16xi32>
      %bitcast_convert_type3A_2428 = tpu.bitcast %shift_left3A_2427 : vector<16xi32> -> vector<16xf32>
      %add3A_2429 = arith.addf %add3A_2417, %bitcast_convert_type3A_2428 : vector<16xf32>
      %and3A_2430 = arith.andi %get3A_2424, %broadcast_in_dim3A_328 : vector<16xi32>
      %bitcast_convert_type3A_2431 = tpu.bitcast %and3A_2430 : vector<16xi32> -> vector<16xf32>
      %add3A_2432 = arith.addf %add3A_2420, %bitcast_convert_type3A_2431 : vector<16xf32>
      %get3A_2433 = arith.constant 9 : i32
      %get3A_2434 = arith.index_cast %get3A_2433 : i32 to index
      %get3A_2435 = arith.constant 80 : index
      %get3A_2436 = tpu.vector_load %arg7[%get3A_2434, %get3A_2435] {strides = array<i32>} : memref<16x208xi32, #tpu.memory_space<vmem>>, vector<16xi32>,
      %shift_left3A_2437 = arith.constant 16 : i32
      %shift_left3A_2438 = vector.broadcast %shift_left3A_2437 : i32 to vector<16xi32>
      %shift_left3A_2439 = arith.shli %get3A_2436, %shift_left3A_2438 : vector<16xi32>
      %bitcast_convert_type3A_2440 = tpu.bitcast %shift_left3A_2439 : vector<16xi32> -> vector<16xf32>
      %add3A_2441 = arith.addf %add3A_2429, %bitcast_convert_type3A_2440 : vector<16xf32>
      %and3A_2442 = arith.andi %get3A_2436, %broadcast_in_dim3A_328 : vector<16xi32>
      %bitcast_convert_type3A_2443 = tpu.bitcast %and3A_2442 : vector<16xi32> -> vector<16xf32>
      %add3A_2444 = arith.addf %add3A_2432, %bitcast_convert_type3A_2443 : vector<16xf32>
      %get3A_2445 = arith.constant 9 : i32
      %get3A_2446 = arith.index_cast %get3A_2445 : i32 to index
      %get3A_2447 = arith.constant 96 : index
      %get3A_2448 = tpu.vector_load %arg7[%get3A_2446, %get3A_2447] {strides = array<i32>} : memref<16x208xi32, #tpu.memory_space<vmem>>, vector<16xi32>,
      %shift_left3A_2449 = arith.constant 16 : i32
      %shift_left3A_2450 = vector.broadcast %shift_left3A_2449 : i32 to vector<16xi32>
      %shift_left3A_2451 = arith.shli %get3A_2448, %shift_left3A_2450 : vector<16xi32>
      %bitcast_convert_type3A_2452 = tpu.bitcast %shift_left3A_2451 : vector<16xi32> -> vector<16xf32>
      %add3A_2453 = arith.addf %add3A_2441, %bitcast_convert_type3A_2452 : vector<16xf32>
      %and3A_2454 = arith.andi %get3A_2448, %broadcast_in_dim3A_328 : vector<16xi32>
      %bitcast_convert_type3A_2455 = tpu.bitcast %and3A_2454 : vector<16xi32> -> vector<16xf32>
      %add3A_2456 = arith.addf %add3A_2444, %bitcast_convert_type3A_2455 : vector<16xf32>
      %get3A_2457 = arith.constant 9 : i32
      %get3A_2458 = arith.index_cast %get3A_2457 : i32 to index
      %get3A_2459 = arith.constant 112 : index
      %get3A_2460 = tpu.vector_load %arg7[%get3A_2458, %get3A_2459] {strides = array<i32>} : memref<16x208xi32, #tpu.memory_space<vmem>>, vector<16xi32>,
      %shift_left3A_2461 = arith.constant 16 : i32
      %shift_left3A_2462 = vector.broadcast %shift_left3A_2461 : i32 to vector<16xi32>
      %shift_left3A_2463 = arith.shli %get3A_2460, %shift_left3A_2462 : vector<16xi32>
      %bitcast_convert_type3A_2464 = tpu.bitcast %shift_left3A_2463 : vector<16xi32> -> vector<16xf32>
      %add3A_2465 = arith.addf %add3A_2453, %bitcast_convert_type3A_2464 : vector<16xf32>
      %and3A_2466 = arith.andi %get3A_2460, %broadcast_in_dim3A_328 : vector<16xi32>
      %bitcast_convert_type3A_2467 = tpu.bitcast %and3A_2466 : vector<16xi32> -> vector<16xf32>
      %add3A_2468 = arith.addf %add3A_2456, %bitcast_convert_type3A_2467 : vector<16xf32>
      %get3A_2469 = arith.constant 9 : i32
      %get3A_2470 = arith.index_cast %get3A_2469 : i32 to index
      %get3A_2471 = arith.constant 128 : index
      %get3A_2472 = tpu.vector_load %arg7[%get3A_2470, %get3A_2471] {strides = array<i32>} : memref<16x208xi32, #tpu.memory_space<vmem>>, vector<16xi32>,
      %shift_left3A_2473 = arith.constant 16 : i32
      %shift_left3A_2474 = vector.broadcast %shift_left3A_2473 : i32 to vector<16xi32>
      %shift_left3A_2475 = arith.shli %get3A_2472, %shift_left3A_2474 : vector<16xi32>
      %bitcast_convert_type3A_2476 = tpu.bitcast %shift_left3A_2475 : vector<16xi32> -> vector<16xf32>
      %add3A_2477 = arith.addf %add3A_2465, %bitcast_convert_type3A_2476 : vector<16xf32>
      %and3A_2478 = arith.andi %get3A_2472, %broadcast_in_dim3A_328 : vector<16xi32>
      %bitcast_convert_type3A_2479 = tpu.bitcast %and3A_2478 : vector<16xi32> -> vector<16xf32>
      %add3A_2480 = arith.addf %add3A_2468, %bitcast_convert_type3A_2479 : vector<16xf32>
      %get3A_2481 = arith.constant 9 : i32
      %get3A_2482 = arith.index_cast %get3A_2481 : i32 to index
      %get3A_2483 = arith.constant 144 : index
      %get3A_2484 = tpu.vector_load %arg7[%get3A_2482, %get3A_2483] {strides = array<i32>} : memref<16x208xi32, #tpu.memory_space<vmem>>, vector<16xi32>,
      %shift_left3A_2485 = arith.constant 16 : i32
      %shift_left3A_2486 = vector.broadcast %shift_left3A_2485 : i32 to vector<16xi32>
      %shift_left3A_2487 = arith.shli %get3A_2484, %shift_left3A_2486 : vector<16xi32>
      %bitcast_convert_type3A_2488 = tpu.bitcast %shift_left3A_2487 : vector<16xi32> -> vector<16xf32>
      %add3A_2489 = arith.addf %add3A_2477, %bitcast_convert_type3A_2488 : vector<16xf32>
      %and3A_2490 = arith.andi %get3A_2484, %broadcast_in_dim3A_328 : vector<16xi32>
      %bitcast_convert_type3A_2491 = tpu.bitcast %and3A_2490 : vector<16xi32> -> vector<16xf32>
      %add3A_2492 = arith.addf %add3A_2480, %bitcast_convert_type3A_2491 : vector<16xf32>
      %get3A_2493 = arith.constant 9 : i32
      %get3A_2494 = arith.index_cast %get3A_2493 : i32 to index
      %get3A_2495 = arith.constant 160 : index
      %get3A_2496 = tpu.vector_load %arg7[%get3A_2494, %get3A_2495] {strides = array<i32>} : memref<16x208xi32, #tpu.memory_space<vmem>>, vector<16xi32>,
      %shift_left3A_2497 = arith.constant 16 : i32
      %shift_left3A_2498 = vector.broadcast %shift_left3A_2497 : i32 to vector<16xi32>
      %shift_left3A_2499 = arith.shli %get3A_2496, %shift_left3A_2498 : vector<16xi32>
      %bitcast_convert_type3A_2500 = tpu.bitcast %shift_left3A_2499 : vector<16xi32> -> vector<16xf32>
      %add3A_2501 = arith.addf %add3A_2489, %bitcast_convert_type3A_2500 : vector<16xf32>
      %and3A_2502 = arith.andi %get3A_2496, %broadcast_in_dim3A_328 : vector<16xi32>
      %bitcast_convert_type3A_2503 = tpu.bitcast %and3A_2502 : vector<16xi32> -> vector<16xf32>
      %add3A_2504 = arith.addf %add3A_2492, %bitcast_convert_type3A_2503 : vector<16xf32>
      %get3A_2505 = arith.constant 9 : i32
      %get3A_2506 = arith.index_cast %get3A_2505 : i32 to index
      %get3A_2507 = arith.constant 176 : index
      %get3A_2508 = tpu.vector_load %arg7[%get3A_2506, %get3A_2507] {strides = array<i32>} : memref<16x208xi32, #tpu.memory_space<vmem>>, vector<16xi32>,
      %shift_left3A_2509 = arith.constant 16 : i32
      %shift_left3A_2510 = vector.broadcast %shift_left3A_2509 : i32 to vector<16xi32>
      %shift_left3A_2511 = arith.shli %get3A_2508, %shift_left3A_2510 : vector<16xi32>
      %bitcast_convert_type3A_2512 = tpu.bitcast %shift_left3A_2511 : vector<16xi32> -> vector<16xf32>
      %add3A_2513 = arith.addf %add3A_2501, %bitcast_convert_type3A_2512 : vector<16xf32>
      %and3A_2514 = arith.andi %get3A_2508, %broadcast_in_dim3A_328 : vector<16xi32>
      %bitcast_convert_type3A_2515 = tpu.bitcast %and3A_2514 : vector<16xi32> -> vector<16xf32>
      %add3A_2516 = arith.addf %add3A_2504, %bitcast_convert_type3A_2515 : vector<16xf32>
      %get3A_2517 = arith.constant 9 : i32
      %get3A_2518 = arith.index_cast %get3A_2517 : i32 to index
      %get3A_2519 = arith.constant 192 : index
      %get3A_2520 = tpu.vector_load %arg7[%get3A_2518, %get3A_2519] {strides = array<i32>} : memref<16x208xi32, #tpu.memory_space<vmem>>, vector<16xi32>,
      %shift_left3A_2521 = arith.constant 16 : i32
      %shift_left3A_2522 = vector.broadcast %shift_left3A_2521 : i32 to vector<16xi32>
      %shift_left3A_2523 = arith.shli %get3A_2520, %shift_left3A_2522 : vector<16xi32>
      %bitcast_convert_type3A_2524 = tpu.bitcast %shift_left3A_2523 : vector<16xi32> -> vector<16xf32>
      %add3A_2525 = arith.addf %add3A_2513, %bitcast_convert_type3A_2524 : vector<16xf32>
      %and3A_2526 = arith.andi %get3A_2520, %broadcast_in_dim3A_328 : vector<16xi32>
      %bitcast_convert_type3A_2527 = tpu.bitcast %and3A_2526 : vector<16xi32> -> vector<16xf32>
      %add3A_2528 = arith.addf %add3A_2516, %bitcast_convert_type3A_2527 : vector<16xf32>
      %reduce_sum3A_2529 = arith.constant true
      %reduce_sum3A_2530 = vector.broadcast %reduce_sum3A_2529 : i1 to vector<16xi1>
      %reduce_sum3A_2531 = tpu.scan <sum>, %add3A_2525 masked %reduce_sum3A_2530 : vector<16xf32>, vector<16xi1> -> vector<16xf32>
      %reduce_sum3A_2532 = vector.extract %reduce_sum3A_2531[15] : f32 from vector<16xf32>
      %mul3A_2533 = arith.constant 5.000000e-03 : f32
      %mul3A_2534 = arith.mulf %reduce_sum3A_2532, %mul3A_2533 : f32
      %reduce_sum3A_2535 = arith.constant true
      %reduce_sum3A_2536 = vector.broadcast %reduce_sum3A_2535 : i1 to vector<16xi1>
      %reduce_sum3A_2537 = tpu.scan <sum>, %add3A_2528 masked %reduce_sum3A_2536 : vector<16xf32>, vector<16xi1> -> vector<16xf32>
      %reduce_sum3A_2538 = vector.extract %reduce_sum3A_2537[15] : f32 from vector<16xf32>
      %mul3A_2539 = arith.constant 5.000000e-03 : f32
      %mul3A_2540 = arith.mulf %reduce_sum3A_2538, %mul3A_2539 : f32
      %add3A_2541 = arith.constant 16 : i32
      %add3A_2542 = arith.addi %add3A_2344, %add3A_2541 : i32
      %lt3A_2543 = arith.constant 128 : i32
      %lt3A_2544 = arith.cmpi slt, %add3A_2542, %lt3A_2543 : i32
      %convert_element_type3A_2545 = arith.extui %lt3A_2544 : i1 to i32
      %cond3A_2546 = arith.constant 0 : i32
      %cond3A_2547 = arith.cmpi ne, %convert_element_type3A_2545, %cond3A_2546 : i32
      scf.if %cond3A_2547 {
        %add3A_3911 = arith.constant 16 : i32
        %add3A_3912 = arith.addi %add3A_2344, %add3A_3911 : i32
        %mul3A_3913 = arith.constant 2 : i32
        %mul3A_3914 = arith.muli %mul3A_3913, %add3A_3912 : i32
        %dma_start3A_3915 = arith.constant 9 : i32
        %dma_start3A_3916 = arith.constant 0 : i32
        %dma_start3A_3917 = tpu.memref_slice %arg7[%dma_start3A_3915, %dma_start3A_3916] : memref<16x208xi32, #tpu.memory_space<vmem>> -> memref<1x104xi32, #tpu.memory_space<vmem>>
        %dma_start3A_3918 = tpu.memref_squeeze %dma_start3A_3917 : memref<1x104xi32, #tpu.memory_space<vmem>> -> memref<104xi32, #tpu.memory_space<vmem>>
        %dma_start3A_3919 = arith.constant 0 : i32
        %dma_start3A_3920 = tpu.memref_slice %arg6[%mul3A_3914, %dma_start3A_3919] : memref<256x104xi32, #tpu.memory_space<vmem>> -> memref<1x104xi32, #tpu.memory_space<vmem>>
        %dma_start3A_3921 = tpu.memref_squeeze %dma_start3A_3920 : memref<1x104xi32, #tpu.memory_space<vmem>> -> memref<104xi32, #tpu.memory_space<vmem>>
        %dma_start3A_3922 = arith.constant 0 : i32
        %dma_start3A_3923 = tpu.memref_slice %arg8[%dma_start3A_3922] : memref<1000064xi32, #tpu.memory_space<vmem_shared>> -> memref<1000064xi32, #tpu.memory_space<vmem_shared>>
        tpu.enqueue_indirect_dma source(%dma_start3A_3923 : memref<1000064xi32, #tpu.memory_space<vmem_shared>>) target(%dma_start3A_3918 : memref<104xi32, #tpu.memory_space<vmem>>) offsets(%dma_start3A_3921 : memref<104xi32, #tpu.memory_space<vmem>>) semaphore(%arg20 : memref<!tpu.dma_semaphore, #tpu.memory_space<semaphore_mem>>)
        %mul3A_3924 = arith.constant 2 : i32
        %mul3A_3925 = arith.muli %mul3A_3924, %add3A_3912 : i32
        %add3A_3926 = arith.constant 1 : i32
        %add3A_3927 = arith.addi %mul3A_3925, %add3A_3926 : i32
        %dma_start3A_3928 = arith.constant 9 : i32
        %dma_start3A_3929 = arith.constant 104 : i32
        %dma_start3A_3930 = tpu.memref_slice %arg7[%dma_start3A_3928, %dma_start3A_3929] : memref<16x208xi32, #tpu.memory_space<vmem>> -> memref<1x104xi32, #tpu.memory_space<vmem>>
        %dma_start3A_3931 = tpu.memref_squeeze %dma_start3A_3930 : memref<1x104xi32, #tpu.memory_space<vmem>> -> memref<104xi32, #tpu.memory_space<vmem>>
        %dma_start3A_3932 = arith.constant 0 : i32
        %dma_start3A_3933 = tpu.memref_slice %arg6[%add3A_3927, %dma_start3A_3932] : memref<256x104xi32, #tpu.memory_space<vmem>> -> memref<1x104xi32, #tpu.memory_space<vmem>>
        %dma_start3A_3934 = tpu.memref_squeeze %dma_start3A_3933 : memref<1x104xi32, #tpu.memory_space<vmem>> -> memref<104xi32, #tpu.memory_space<vmem>>
        %dma_start3A_3935 = arith.constant 0 : i32
        %dma_start3A_3936 = tpu.memref_slice %arg8[%dma_start3A_3935] : memref<1000064xi32, #tpu.memory_space<vmem_shared>> -> memref<1000064xi32, #tpu.memory_space<vmem_shared>>
        tpu.enqueue_indirect_dma source(%dma_start3A_3936 : memref<1000064xi32, #tpu.memory_space<vmem_shared>>) target(%dma_start3A_3931 : memref<104xi32, #tpu.memory_space<vmem>>) offsets(%dma_start3A_3934 : memref<104xi32, #tpu.memory_space<vmem>>) semaphore(%arg20 : memref<!tpu.dma_semaphore, #tpu.memory_space<semaphore_mem>>)
      } else {
      }
      %eq3A_2548 = arith.constant 0 : i32
      %eq3A_2549 = vector.broadcast %eq3A_2548 : i32 to vector<16xi32>
      %eq3A_2550 = arith.cmpi eq, %iota3A, %eq3A_2549 : vector<16xi32>
      %eq3A_2551 = arith.constant 1 : i32
      %eq3A_2552 = vector.broadcast %eq3A_2551 : i32 to vector<16xi32>
      %eq3A_2553 = arith.cmpi eq, %iota3A, %eq3A_2552 : vector<16xi32>
      %jit3A_2554 = arith.constant 0.000000e+00 : f32
      %broadcast_in_dim3A_2555 = vector.broadcast %mul3A_2540 : f32 to vector<16xf32>
      %broadcast_in_dim3A_2556 = vector.broadcast %jit3A_2554 : f32 to vector<16xf32>
      %select_n3A_2557 = arith.select %eq3A_2553, %broadcast_in_dim3A_2555, %broadcast_in_dim3A_2556 : vector<16xi1>, vector<16xf32>
      %broadcast_in_dim3A_2558 = vector.broadcast %mul3A_2534 : f32 to vector<16xf32>
      %select_n3A_2559 = arith.select %eq3A_2550, %broadcast_in_dim3A_2558, %select_n3A_2557 : vector<16xi1>, vector<16xf32>
      %get3A_2560 = arith.constant 0 : index
      %get3A_2561 = tpu.vector_load %arg9[%get3A_2560] {strides = array<i32>} : memref<16xf32, #tpu.memory_space<vmem>>, vector<16xf32>,
      %add3A_2562 = arith.addf %select_n3A_2559, %get3A_2561 : vector<16xf32>
      %mul3A_2563 = arith.constant 2 : i32
      %mul3A_2564 = arith.muli %mul3A_2563, %add3A_2344 : i32
      %swap3A_2565 = arith.index_cast %mul3A_2564 : i32 to index
      %swap3A_2566 = tpu.vector_load %arg10[%swap3A_2565] {strides = array<i32>} : memref<272xf32, #tpu.memory_space<vmem>>, vector<16xf32>,
      tpu.vector_store %arg10[%swap3A_2565], %add3A_2562 {strides = array<i32>} : memref<272xf32, #tpu.memory_space<vmem>>, vector<16xf32>,
      %add3A_2567 = arith.constant 10 : i32
      %add3A_2568 = arith.addi %add3A_339, %add3A_2567 : i32
      %mul3A_2569 = arith.constant 2 : i32
      %mul3A_2570 = arith.muli %mul3A_2569, %add3A_2568 : i32
      %dma_wait3A_2571 = arith.constant 10 : i32
      %dma_wait3A_2572 = arith.constant 0 : i32
      %dma_wait3A_2573 = tpu.memref_slice %arg7[%dma_wait3A_2571, %dma_wait3A_2572] : memref<16x208xi32, #tpu.memory_space<vmem>> -> memref<1x104xi32, #tpu.memory_space<vmem>>
      %dma_wait3A_2574 = tpu.memref_squeeze %dma_wait3A_2573 : memref<1x104xi32, #tpu.memory_space<vmem>> -> memref<104xi32, #tpu.memory_space<vmem>>
      %dma_wait3A_2575 = arith.constant 0 : i32
      %dma_wait3A_2576 = tpu.memref_slice %arg6[%mul3A_2570, %dma_wait3A_2575] : memref<256x104xi32, #tpu.memory_space<vmem>> -> memref<1x104xi32, #tpu.memory_space<vmem>>
      %dma_wait3A_2577 = tpu.memref_squeeze %dma_wait3A_2576 : memref<1x104xi32, #tpu.memory_space<vmem>> -> memref<104xi32, #tpu.memory_space<vmem>>
      %dma_wait3A_2578 = arith.constant 0 : i32
      %dma_wait3A_2579 = tpu.memref_slice %arg8[%dma_wait3A_2578] : memref<1000064xi32, #tpu.memory_space<vmem_shared>> -> memref<1000064xi32, #tpu.memory_space<vmem_shared>>
      tpu.wait_indirect_dma semaphore(%arg21 : memref<!tpu.dma_semaphore, #tpu.memory_space<semaphore_mem>>) src(%dma_wait3A_2579 : memref<1000064xi32, #tpu.memory_space<vmem_shared>>) dst(%dma_wait3A_2574 : memref<104xi32, #tpu.memory_space<vmem>>)
      %mul3A_2580 = arith.constant 2 : i32
      %mul3A_2581 = arith.muli %mul3A_2580, %add3A_2568 : i32
      %add3A_2582 = arith.constant 1 : i32
      %add3A_2583 = arith.addi %mul3A_2581, %add3A_2582 : i32
      %dma_wait3A_2584 = arith.constant 10 : i32
      %dma_wait3A_2585 = arith.constant 104 : i32
      %dma_wait3A_2586 = tpu.memref_slice %arg7[%dma_wait3A_2584, %dma_wait3A_2585] : memref<16x208xi32, #tpu.memory_space<vmem>> -> memref<1x104xi32, #tpu.memory_space<vmem>>
      %dma_wait3A_2587 = tpu.memref_squeeze %dma_wait3A_2586 : memref<1x104xi32, #tpu.memory_space<vmem>> -> memref<104xi32, #tpu.memory_space<vmem>>
      %dma_wait3A_2588 = arith.constant 0 : i32
      %dma_wait3A_2589 = tpu.memref_slice %arg6[%add3A_2583, %dma_wait3A_2588] : memref<256x104xi32, #tpu.memory_space<vmem>> -> memref<1x104xi32, #tpu.memory_space<vmem>>
      %dma_wait3A_2590 = tpu.memref_squeeze %dma_wait3A_2589 : memref<1x104xi32, #tpu.memory_space<vmem>> -> memref<104xi32, #tpu.memory_space<vmem>>
      %dma_wait3A_2591 = arith.constant 0 : i32
      %dma_wait3A_2592 = tpu.memref_slice %arg8[%dma_wait3A_2591] : memref<1000064xi32, #tpu.memory_space<vmem_shared>> -> memref<1000064xi32, #tpu.memory_space<vmem_shared>>
      tpu.wait_indirect_dma semaphore(%arg21 : memref<!tpu.dma_semaphore, #tpu.memory_space<semaphore_mem>>) src(%dma_wait3A_2592 : memref<1000064xi32, #tpu.memory_space<vmem_shared>>) dst(%dma_wait3A_2587 : memref<104xi32, #tpu.memory_space<vmem>>)
      %broadcast_in_dim3A_2593 = arith.constant 0.000000e+00 : f32
      %broadcast_in_dim3A_2594 = vector.broadcast %broadcast_in_dim3A_2593 : f32 to vector<16xf32>
      %broadcast_in_dim3A_2595 = arith.constant 0.000000e+00 : f32
      %broadcast_in_dim3A_2596 = vector.broadcast %broadcast_in_dim3A_2595 : f32 to vector<16xf32>
      %get3A_2597 = arith.constant 10 : i32
      %get3A_2598 = arith.index_cast %get3A_2597 : i32 to index
      %get3A_2599 = arith.constant 0 : index
      %get3A_2600 = tpu.vector_load %arg7[%get3A_2598, %get3A_2599] {strides = array<i32>} : memref<16x208xi32, #tpu.memory_space<vmem>>, vector<16xi32>,
      %shift_left3A_2601 = arith.constant 16 : i32
      %shift_left3A_2602 = vector.broadcast %shift_left3A_2601 : i32 to vector<16xi32>
      %shift_left3A_2603 = arith.shli %get3A_2600, %shift_left3A_2602 : vector<16xi32>
      %bitcast_convert_type3A_2604 = tpu.bitcast %shift_left3A_2603 : vector<16xi32> -> vector<16xf32>
      %add3A_2605 = arith.addf %broadcast_in_dim3A_2594, %bitcast_convert_type3A_2604 : vector<16xf32>
      %and3A_2606 = arith.andi %get3A_2600, %broadcast_in_dim3A_328 : vector<16xi32>
      %bitcast_convert_type3A_2607 = tpu.bitcast %and3A_2606 : vector<16xi32> -> vector<16xf32>
      %add3A_2608 = arith.addf %broadcast_in_dim3A_2596, %bitcast_convert_type3A_2607 : vector<16xf32>
      %get3A_2609 = arith.constant 10 : i32
      %get3A_2610 = arith.index_cast %get3A_2609 : i32 to index
      %get3A_2611 = arith.constant 16 : index
      %get3A_2612 = tpu.vector_load %arg7[%get3A_2610, %get3A_2611] {strides = array<i32>} : memref<16x208xi32, #tpu.memory_space<vmem>>, vector<16xi32>,
      %shift_left3A_2613 = arith.constant 16 : i32
      %shift_left3A_2614 = vector.broadcast %shift_left3A_2613 : i32 to vector<16xi32>
      %shift_left3A_2615 = arith.shli %get3A_2612, %shift_left3A_2614 : vector<16xi32>
      %bitcast_convert_type3A_2616 = tpu.bitcast %shift_left3A_2615 : vector<16xi32> -> vector<16xf32>
      %add3A_2617 = arith.addf %add3A_2605, %bitcast_convert_type3A_2616 : vector<16xf32>
      %and3A_2618 = arith.andi %get3A_2612, %broadcast_in_dim3A_328 : vector<16xi32>
      %bitcast_convert_type3A_2619 = tpu.bitcast %and3A_2618 : vector<16xi32> -> vector<16xf32>
      %add3A_2620 = arith.addf %add3A_2608, %bitcast_convert_type3A_2619 : vector<16xf32>
      %get3A_2621 = arith.constant 10 : i32
      %get3A_2622 = arith.index_cast %get3A_2621 : i32 to index
      %get3A_2623 = arith.constant 32 : index
      %get3A_2624 = tpu.vector_load %arg7[%get3A_2622, %get3A_2623] {strides = array<i32>} : memref<16x208xi32, #tpu.memory_space<vmem>>, vector<16xi32>,
      %shift_left3A_2625 = arith.constant 16 : i32
      %shift_left3A_2626 = vector.broadcast %shift_left3A_2625 : i32 to vector<16xi32>
      %shift_left3A_2627 = arith.shli %get3A_2624, %shift_left3A_2626 : vector<16xi32>
      %bitcast_convert_type3A_2628 = tpu.bitcast %shift_left3A_2627 : vector<16xi32> -> vector<16xf32>
      %add3A_2629 = arith.addf %add3A_2617, %bitcast_convert_type3A_2628 : vector<16xf32>
      %and3A_2630 = arith.andi %get3A_2624, %broadcast_in_dim3A_328 : vector<16xi32>
      %bitcast_convert_type3A_2631 = tpu.bitcast %and3A_2630 : vector<16xi32> -> vector<16xf32>
      %add3A_2632 = arith.addf %add3A_2620, %bitcast_convert_type3A_2631 : vector<16xf32>
      %get3A_2633 = arith.constant 10 : i32
      %get3A_2634 = arith.index_cast %get3A_2633 : i32 to index
      %get3A_2635 = arith.constant 48 : index
      %get3A_2636 = tpu.vector_load %arg7[%get3A_2634, %get3A_2635] {strides = array<i32>} : memref<16x208xi32, #tpu.memory_space<vmem>>, vector<16xi32>,
      %shift_left3A_2637 = arith.constant 16 : i32
      %shift_left3A_2638 = vector.broadcast %shift_left3A_2637 : i32 to vector<16xi32>
      %shift_left3A_2639 = arith.shli %get3A_2636, %shift_left3A_2638 : vector<16xi32>
      %bitcast_convert_type3A_2640 = tpu.bitcast %shift_left3A_2639 : vector<16xi32> -> vector<16xf32>
      %add3A_2641 = arith.addf %add3A_2629, %bitcast_convert_type3A_2640 : vector<16xf32>
      %and3A_2642 = arith.andi %get3A_2636, %broadcast_in_dim3A_328 : vector<16xi32>
      %bitcast_convert_type3A_2643 = tpu.bitcast %and3A_2642 : vector<16xi32> -> vector<16xf32>
      %add3A_2644 = arith.addf %add3A_2632, %bitcast_convert_type3A_2643 : vector<16xf32>
      %get3A_2645 = arith.constant 10 : i32
      %get3A_2646 = arith.index_cast %get3A_2645 : i32 to index
      %get3A_2647 = arith.constant 64 : index
      %get3A_2648 = tpu.vector_load %arg7[%get3A_2646, %get3A_2647] {strides = array<i32>} : memref<16x208xi32, #tpu.memory_space<vmem>>, vector<16xi32>,
      %shift_left3A_2649 = arith.constant 16 : i32
      %shift_left3A_2650 = vector.broadcast %shift_left3A_2649 : i32 to vector<16xi32>
      %shift_left3A_2651 = arith.shli %get3A_2648, %shift_left3A_2650 : vector<16xi32>
      %bitcast_convert_type3A_2652 = tpu.bitcast %shift_left3A_2651 : vector<16xi32> -> vector<16xf32>
      %add3A_2653 = arith.addf %add3A_2641, %bitcast_convert_type3A_2652 : vector<16xf32>
      %and3A_2654 = arith.andi %get3A_2648, %broadcast_in_dim3A_328 : vector<16xi32>
      %bitcast_convert_type3A_2655 = tpu.bitcast %and3A_2654 : vector<16xi32> -> vector<16xf32>
      %add3A_2656 = arith.addf %add3A_2644, %bitcast_convert_type3A_2655 : vector<16xf32>
      %get3A_2657 = arith.constant 10 : i32
      %get3A_2658 = arith.index_cast %get3A_2657 : i32 to index
      %get3A_2659 = arith.constant 80 : index
      %get3A_2660 = tpu.vector_load %arg7[%get3A_2658, %get3A_2659] {strides = array<i32>} : memref<16x208xi32, #tpu.memory_space<vmem>>, vector<16xi32>,
      %shift_left3A_2661 = arith.constant 16 : i32
      %shift_left3A_2662 = vector.broadcast %shift_left3A_2661 : i32 to vector<16xi32>
      %shift_left3A_2663 = arith.shli %get3A_2660, %shift_left3A_2662 : vector<16xi32>
      %bitcast_convert_type3A_2664 = tpu.bitcast %shift_left3A_2663 : vector<16xi32> -> vector<16xf32>
      %add3A_2665 = arith.addf %add3A_2653, %bitcast_convert_type3A_2664 : vector<16xf32>
      %and3A_2666 = arith.andi %get3A_2660, %broadcast_in_dim3A_328 : vector<16xi32>
      %bitcast_convert_type3A_2667 = tpu.bitcast %and3A_2666 : vector<16xi32> -> vector<16xf32>
      %add3A_2668 = arith.addf %add3A_2656, %bitcast_convert_type3A_2667 : vector<16xf32>
      %get3A_2669 = arith.constant 10 : i32
      %get3A_2670 = arith.index_cast %get3A_2669 : i32 to index
      %get3A_2671 = arith.constant 96 : index
      %get3A_2672 = tpu.vector_load %arg7[%get3A_2670, %get3A_2671] {strides = array<i32>} : memref<16x208xi32, #tpu.memory_space<vmem>>, vector<16xi32>,
      %shift_left3A_2673 = arith.constant 16 : i32
      %shift_left3A_2674 = vector.broadcast %shift_left3A_2673 : i32 to vector<16xi32>
      %shift_left3A_2675 = arith.shli %get3A_2672, %shift_left3A_2674 : vector<16xi32>
      %bitcast_convert_type3A_2676 = tpu.bitcast %shift_left3A_2675 : vector<16xi32> -> vector<16xf32>
      %add3A_2677 = arith.addf %add3A_2665, %bitcast_convert_type3A_2676 : vector<16xf32>
      %and3A_2678 = arith.andi %get3A_2672, %broadcast_in_dim3A_328 : vector<16xi32>
      %bitcast_convert_type3A_2679 = tpu.bitcast %and3A_2678 : vector<16xi32> -> vector<16xf32>
      %add3A_2680 = arith.addf %add3A_2668, %bitcast_convert_type3A_2679 : vector<16xf32>
      %get3A_2681 = arith.constant 10 : i32
      %get3A_2682 = arith.index_cast %get3A_2681 : i32 to index
      %get3A_2683 = arith.constant 112 : index
      %get3A_2684 = tpu.vector_load %arg7[%get3A_2682, %get3A_2683] {strides = array<i32>} : memref<16x208xi32, #tpu.memory_space<vmem>>, vector<16xi32>,
      %shift_left3A_2685 = arith.constant 16 : i32
      %shift_left3A_2686 = vector.broadcast %shift_left3A_2685 : i32 to vector<16xi32>
      %shift_left3A_2687 = arith.shli %get3A_2684, %shift_left3A_2686 : vector<16xi32>
      %bitcast_convert_type3A_2688 = tpu.bitcast %shift_left3A_2687 : vector<16xi32> -> vector<16xf32>
      %add3A_2689 = arith.addf %add3A_2677, %bitcast_convert_type3A_2688 : vector<16xf32>
      %and3A_2690 = arith.andi %get3A_2684, %broadcast_in_dim3A_328 : vector<16xi32>
      %bitcast_convert_type3A_2691 = tpu.bitcast %and3A_2690 : vector<16xi32> -> vector<16xf32>
      %add3A_2692 = arith.addf %add3A_2680, %bitcast_convert_type3A_2691 : vector<16xf32>
      %get3A_2693 = arith.constant 10 : i32
      %get3A_2694 = arith.index_cast %get3A_2693 : i32 to index
      %get3A_2695 = arith.constant 128 : index
      %get3A_2696 = tpu.vector_load %arg7[%get3A_2694, %get3A_2695] {strides = array<i32>} : memref<16x208xi32, #tpu.memory_space<vmem>>, vector<16xi32>,
      %shift_left3A_2697 = arith.constant 16 : i32
      %shift_left3A_2698 = vector.broadcast %shift_left3A_2697 : i32 to vector<16xi32>
      %shift_left3A_2699 = arith.shli %get3A_2696, %shift_left3A_2698 : vector<16xi32>
      %bitcast_convert_type3A_2700 = tpu.bitcast %shift_left3A_2699 : vector<16xi32> -> vector<16xf32>
      %add3A_2701 = arith.addf %add3A_2689, %bitcast_convert_type3A_2700 : vector<16xf32>
      %and3A_2702 = arith.andi %get3A_2696, %broadcast_in_dim3A_328 : vector<16xi32>
      %bitcast_convert_type3A_2703 = tpu.bitcast %and3A_2702 : vector<16xi32> -> vector<16xf32>
      %add3A_2704 = arith.addf %add3A_2692, %bitcast_convert_type3A_2703 : vector<16xf32>
      %get3A_2705 = arith.constant 10 : i32
      %get3A_2706 = arith.index_cast %get3A_2705 : i32 to index
      %get3A_2707 = arith.constant 144 : index
      %get3A_2708 = tpu.vector_load %arg7[%get3A_2706, %get3A_2707] {strides = array<i32>} : memref<16x208xi32, #tpu.memory_space<vmem>>, vector<16xi32>,
      %shift_left3A_2709 = arith.constant 16 : i32
      %shift_left3A_2710 = vector.broadcast %shift_left3A_2709 : i32 to vector<16xi32>
      %shift_left3A_2711 = arith.shli %get3A_2708, %shift_left3A_2710 : vector<16xi32>
      %bitcast_convert_type3A_2712 = tpu.bitcast %shift_left3A_2711 : vector<16xi32> -> vector<16xf32>
      %add3A_2713 = arith.addf %add3A_2701, %bitcast_convert_type3A_2712 : vector<16xf32>
      %and3A_2714 = arith.andi %get3A_2708, %broadcast_in_dim3A_328 : vector<16xi32>
      %bitcast_convert_type3A_2715 = tpu.bitcast %and3A_2714 : vector<16xi32> -> vector<16xf32>
      %add3A_2716 = arith.addf %add3A_2704, %bitcast_convert_type3A_2715 : vector<16xf32>
      %get3A_2717 = arith.constant 10 : i32
      %get3A_2718 = arith.index_cast %get3A_2717 : i32 to index
      %get3A_2719 = arith.constant 160 : index
      %get3A_2720 = tpu.vector_load %arg7[%get3A_2718, %get3A_2719] {strides = array<i32>} : memref<16x208xi32, #tpu.memory_space<vmem>>, vector<16xi32>,
      %shift_left3A_2721 = arith.constant 16 : i32
      %shift_left3A_2722 = vector.broadcast %shift_left3A_2721 : i32 to vector<16xi32>
      %shift_left3A_2723 = arith.shli %get3A_2720, %shift_left3A_2722 : vector<16xi32>
      %bitcast_convert_type3A_2724 = tpu.bitcast %shift_left3A_2723 : vector<16xi32> -> vector<16xf32>
      %add3A_2725 = arith.addf %add3A_2713, %bitcast_convert_type3A_2724 : vector<16xf32>
      %and3A_2726 = arith.andi %get3A_2720, %broadcast_in_dim3A_328 : vector<16xi32>
      %bitcast_convert_type3A_2727 = tpu.bitcast %and3A_2726 : vector<16xi32> -> vector<16xf32>
      %add3A_2728 = arith.addf %add3A_2716, %bitcast_convert_type3A_2727 : vector<16xf32>
      %get3A_2729 = arith.constant 10 : i32
      %get3A_2730 = arith.index_cast %get3A_2729 : i32 to index
      %get3A_2731 = arith.constant 176 : index
      %get3A_2732 = tpu.vector_load %arg7[%get3A_2730, %get3A_2731] {strides = array<i32>} : memref<16x208xi32, #tpu.memory_space<vmem>>, vector<16xi32>,
      %shift_left3A_2733 = arith.constant 16 : i32
      %shift_left3A_2734 = vector.broadcast %shift_left3A_2733 : i32 to vector<16xi32>
      %shift_left3A_2735 = arith.shli %get3A_2732, %shift_left3A_2734 : vector<16xi32>
      %bitcast_convert_type3A_2736 = tpu.bitcast %shift_left3A_2735 : vector<16xi32> -> vector<16xf32>
      %add3A_2737 = arith.addf %add3A_2725, %bitcast_convert_type3A_2736 : vector<16xf32>
      %and3A_2738 = arith.andi %get3A_2732, %broadcast_in_dim3A_328 : vector<16xi32>
      %bitcast_convert_type3A_2739 = tpu.bitcast %and3A_2738 : vector<16xi32> -> vector<16xf32>
      %add3A_2740 = arith.addf %add3A_2728, %bitcast_convert_type3A_2739 : vector<16xf32>
      %get3A_2741 = arith.constant 10 : i32
      %get3A_2742 = arith.index_cast %get3A_2741 : i32 to index
      %get3A_2743 = arith.constant 192 : index
      %get3A_2744 = tpu.vector_load %arg7[%get3A_2742, %get3A_2743] {strides = array<i32>} : memref<16x208xi32, #tpu.memory_space<vmem>>, vector<16xi32>,
      %shift_left3A_2745 = arith.constant 16 : i32
      %shift_left3A_2746 = vector.broadcast %shift_left3A_2745 : i32 to vector<16xi32>
      %shift_left3A_2747 = arith.shli %get3A_2744, %shift_left3A_2746 : vector<16xi32>
      %bitcast_convert_type3A_2748 = tpu.bitcast %shift_left3A_2747 : vector<16xi32> -> vector<16xf32>
      %add3A_2749 = arith.addf %add3A_2737, %bitcast_convert_type3A_2748 : vector<16xf32>
      %and3A_2750 = arith.andi %get3A_2744, %broadcast_in_dim3A_328 : vector<16xi32>
      %bitcast_convert_type3A_2751 = tpu.bitcast %and3A_2750 : vector<16xi32> -> vector<16xf32>
      %add3A_2752 = arith.addf %add3A_2740, %bitcast_convert_type3A_2751 : vector<16xf32>
      %reduce_sum3A_2753 = arith.constant true
      %reduce_sum3A_2754 = vector.broadcast %reduce_sum3A_2753 : i1 to vector<16xi1>
      %reduce_sum3A_2755 = tpu.scan <sum>, %add3A_2749 masked %reduce_sum3A_2754 : vector<16xf32>, vector<16xi1> -> vector<16xf32>
      %reduce_sum3A_2756 = vector.extract %reduce_sum3A_2755[15] : f32 from vector<16xf32>
      %mul3A_2757 = arith.constant 5.000000e-03 : f32
      %mul3A_2758 = arith.mulf %reduce_sum3A_2756, %mul3A_2757 : f32
      %reduce_sum3A_2759 = arith.constant true
      %reduce_sum3A_2760 = vector.broadcast %reduce_sum3A_2759 : i1 to vector<16xi1>
      %reduce_sum3A_2761 = tpu.scan <sum>, %add3A_2752 masked %reduce_sum3A_2760 : vector<16xf32>, vector<16xi1> -> vector<16xf32>
      %reduce_sum3A_2762 = vector.extract %reduce_sum3A_2761[15] : f32 from vector<16xf32>
      %mul3A_2763 = arith.constant 5.000000e-03 : f32
      %mul3A_2764 = arith.mulf %reduce_sum3A_2762, %mul3A_2763 : f32
      %add3A_2765 = arith.constant 16 : i32
      %add3A_2766 = arith.addi %add3A_2568, %add3A_2765 : i32
      %lt3A_2767 = arith.constant 128 : i32
      %lt3A_2768 = arith.cmpi slt, %add3A_2766, %lt3A_2767 : i32
      %convert_element_type3A_2769 = arith.extui %lt3A_2768 : i1 to i32
      %cond3A_2770 = arith.constant 0 : i32
      %cond3A_2771 = arith.cmpi ne, %convert_element_type3A_2769, %cond3A_2770 : i32
      scf.if %cond3A_2771 {
        %add3A_3911 = arith.constant 16 : i32
        %add3A_3912 = arith.addi %add3A_2568, %add3A_3911 : i32
        %mul3A_3913 = arith.constant 2 : i32
        %mul3A_3914 = arith.muli %mul3A_3913, %add3A_3912 : i32
        %dma_start3A_3915 = arith.constant 10 : i32
        %dma_start3A_3916 = arith.constant 0 : i32
        %dma_start3A_3917 = tpu.memref_slice %arg7[%dma_start3A_3915, %dma_start3A_3916] : memref<16x208xi32, #tpu.memory_space<vmem>> -> memref<1x104xi32, #tpu.memory_space<vmem>>
        %dma_start3A_3918 = tpu.memref_squeeze %dma_start3A_3917 : memref<1x104xi32, #tpu.memory_space<vmem>> -> memref<104xi32, #tpu.memory_space<vmem>>
        %dma_start3A_3919 = arith.constant 0 : i32
        %dma_start3A_3920 = tpu.memref_slice %arg6[%mul3A_3914, %dma_start3A_3919] : memref<256x104xi32, #tpu.memory_space<vmem>> -> memref<1x104xi32, #tpu.memory_space<vmem>>
        %dma_start3A_3921 = tpu.memref_squeeze %dma_start3A_3920 : memref<1x104xi32, #tpu.memory_space<vmem>> -> memref<104xi32, #tpu.memory_space<vmem>>
        %dma_start3A_3922 = arith.constant 0 : i32
        %dma_start3A_3923 = tpu.memref_slice %arg8[%dma_start3A_3922] : memref<1000064xi32, #tpu.memory_space<vmem_shared>> -> memref<1000064xi32, #tpu.memory_space<vmem_shared>>
        tpu.enqueue_indirect_dma source(%dma_start3A_3923 : memref<1000064xi32, #tpu.memory_space<vmem_shared>>) target(%dma_start3A_3918 : memref<104xi32, #tpu.memory_space<vmem>>) offsets(%dma_start3A_3921 : memref<104xi32, #tpu.memory_space<vmem>>) semaphore(%arg21 : memref<!tpu.dma_semaphore, #tpu.memory_space<semaphore_mem>>)
        %mul3A_3924 = arith.constant 2 : i32
        %mul3A_3925 = arith.muli %mul3A_3924, %add3A_3912 : i32
        %add3A_3926 = arith.constant 1 : i32
        %add3A_3927 = arith.addi %mul3A_3925, %add3A_3926 : i32
        %dma_start3A_3928 = arith.constant 10 : i32
        %dma_start3A_3929 = arith.constant 104 : i32
        %dma_start3A_3930 = tpu.memref_slice %arg7[%dma_start3A_3928, %dma_start3A_3929] : memref<16x208xi32, #tpu.memory_space<vmem>> -> memref<1x104xi32, #tpu.memory_space<vmem>>
        %dma_start3A_3931 = tpu.memref_squeeze %dma_start3A_3930 : memref<1x104xi32, #tpu.memory_space<vmem>> -> memref<104xi32, #tpu.memory_space<vmem>>
        %dma_start3A_3932 = arith.constant 0 : i32
        %dma_start3A_3933 = tpu.memref_slice %arg6[%add3A_3927, %dma_start3A_3932] : memref<256x104xi32, #tpu.memory_space<vmem>> -> memref<1x104xi32, #tpu.memory_space<vmem>>
        %dma_start3A_3934 = tpu.memref_squeeze %dma_start3A_3933 : memref<1x104xi32, #tpu.memory_space<vmem>> -> memref<104xi32, #tpu.memory_space<vmem>>
        %dma_start3A_3935 = arith.constant 0 : i32
        %dma_start3A_3936 = tpu.memref_slice %arg8[%dma_start3A_3935] : memref<1000064xi32, #tpu.memory_space<vmem_shared>> -> memref<1000064xi32, #tpu.memory_space<vmem_shared>>
        tpu.enqueue_indirect_dma source(%dma_start3A_3936 : memref<1000064xi32, #tpu.memory_space<vmem_shared>>) target(%dma_start3A_3931 : memref<104xi32, #tpu.memory_space<vmem>>) offsets(%dma_start3A_3934 : memref<104xi32, #tpu.memory_space<vmem>>) semaphore(%arg21 : memref<!tpu.dma_semaphore, #tpu.memory_space<semaphore_mem>>)
      } else {
      }
      %eq3A_2772 = arith.constant 0 : i32
      %eq3A_2773 = vector.broadcast %eq3A_2772 : i32 to vector<16xi32>
      %eq3A_2774 = arith.cmpi eq, %iota3A, %eq3A_2773 : vector<16xi32>
      %eq3A_2775 = arith.constant 1 : i32
      %eq3A_2776 = vector.broadcast %eq3A_2775 : i32 to vector<16xi32>
      %eq3A_2777 = arith.cmpi eq, %iota3A, %eq3A_2776 : vector<16xi32>
      %jit3A_2778 = arith.constant 0.000000e+00 : f32
      %broadcast_in_dim3A_2779 = vector.broadcast %mul3A_2764 : f32 to vector<16xf32>
      %broadcast_in_dim3A_2780 = vector.broadcast %jit3A_2778 : f32 to vector<16xf32>
      %select_n3A_2781 = arith.select %eq3A_2777, %broadcast_in_dim3A_2779, %broadcast_in_dim3A_2780 : vector<16xi1>, vector<16xf32>
      %broadcast_in_dim3A_2782 = vector.broadcast %mul3A_2758 : f32 to vector<16xf32>
      %select_n3A_2783 = arith.select %eq3A_2774, %broadcast_in_dim3A_2782, %select_n3A_2781 : vector<16xi1>, vector<16xf32>
      %get3A_2784 = arith.constant 0 : index
      %get3A_2785 = tpu.vector_load %arg9[%get3A_2784] {strides = array<i32>} : memref<16xf32, #tpu.memory_space<vmem>>, vector<16xf32>,
      %add3A_2786 = arith.addf %select_n3A_2783, %get3A_2785 : vector<16xf32>
      %mul3A_2787 = arith.constant 2 : i32
      %mul3A_2788 = arith.muli %mul3A_2787, %add3A_2568 : i32
      %swap3A_2789 = arith.index_cast %mul3A_2788 : i32 to index
      %swap3A_2790 = tpu.vector_load %arg10[%swap3A_2789] {strides = array<i32>} : memref<272xf32, #tpu.memory_space<vmem>>, vector<16xf32>,
      tpu.vector_store %arg10[%swap3A_2789], %add3A_2786 {strides = array<i32>} : memref<272xf32, #tpu.memory_space<vmem>>, vector<16xf32>,
      %add3A_2791 = arith.constant 11 : i32
      %add3A_2792 = arith.addi %add3A_339, %add3A_2791 : i32
      %mul3A_2793 = arith.constant 2 : i32
      %mul3A_2794 = arith.muli %mul3A_2793, %add3A_2792 : i32
      %dma_wait3A_2795 = arith.constant 11 : i32
      %dma_wait3A_2796 = arith.constant 0 : i32
      %dma_wait3A_2797 = tpu.memref_slice %arg7[%dma_wait3A_2795, %dma_wait3A_2796] : memref<16x208xi32, #tpu.memory_space<vmem>> -> memref<1x104xi32, #tpu.memory_space<vmem>>
      %dma_wait3A_2798 = tpu.memref_squeeze %dma_wait3A_2797 : memref<1x104xi32, #tpu.memory_space<vmem>> -> memref<104xi32, #tpu.memory_space<vmem>>
      %dma_wait3A_2799 = arith.constant 0 : i32
      %dma_wait3A_2800 = tpu.memref_slice %arg6[%mul3A_2794, %dma_wait3A_2799] : memref<256x104xi32, #tpu.memory_space<vmem>> -> memref<1x104xi32, #tpu.memory_space<vmem>>
      %dma_wait3A_2801 = tpu.memref_squeeze %dma_wait3A_2800 : memref<1x104xi32, #tpu.memory_space<vmem>> -> memref<104xi32, #tpu.memory_space<vmem>>
      %dma_wait3A_2802 = arith.constant 0 : i32
      %dma_wait3A_2803 = tpu.memref_slice %arg8[%dma_wait3A_2802] : memref<1000064xi32, #tpu.memory_space<vmem_shared>> -> memref<1000064xi32, #tpu.memory_space<vmem_shared>>
      tpu.wait_indirect_dma semaphore(%arg22 : memref<!tpu.dma_semaphore, #tpu.memory_space<semaphore_mem>>) src(%dma_wait3A_2803 : memref<1000064xi32, #tpu.memory_space<vmem_shared>>) dst(%dma_wait3A_2798 : memref<104xi32, #tpu.memory_space<vmem>>)
      %mul3A_2804 = arith.constant 2 : i32
      %mul3A_2805 = arith.muli %mul3A_2804, %add3A_2792 : i32
      %add3A_2806 = arith.constant 1 : i32
      %add3A_2807 = arith.addi %mul3A_2805, %add3A_2806 : i32
      %dma_wait3A_2808 = arith.constant 11 : i32
      %dma_wait3A_2809 = arith.constant 104 : i32
      %dma_wait3A_2810 = tpu.memref_slice %arg7[%dma_wait3A_2808, %dma_wait3A_2809] : memref<16x208xi32, #tpu.memory_space<vmem>> -> memref<1x104xi32, #tpu.memory_space<vmem>>
      %dma_wait3A_2811 = tpu.memref_squeeze %dma_wait3A_2810 : memref<1x104xi32, #tpu.memory_space<vmem>> -> memref<104xi32, #tpu.memory_space<vmem>>
      %dma_wait3A_2812 = arith.constant 0 : i32
      %dma_wait3A_2813 = tpu.memref_slice %arg6[%add3A_2807, %dma_wait3A_2812] : memref<256x104xi32, #tpu.memory_space<vmem>> -> memref<1x104xi32, #tpu.memory_space<vmem>>
      %dma_wait3A_2814 = tpu.memref_squeeze %dma_wait3A_2813 : memref<1x104xi32, #tpu.memory_space<vmem>> -> memref<104xi32, #tpu.memory_space<vmem>>
      %dma_wait3A_2815 = arith.constant 0 : i32
      %dma_wait3A_2816 = tpu.memref_slice %arg8[%dma_wait3A_2815] : memref<1000064xi32, #tpu.memory_space<vmem_shared>> -> memref<1000064xi32, #tpu.memory_space<vmem_shared>>
      tpu.wait_indirect_dma semaphore(%arg22 : memref<!tpu.dma_semaphore, #tpu.memory_space<semaphore_mem>>) src(%dma_wait3A_2816 : memref<1000064xi32, #tpu.memory_space<vmem_shared>>) dst(%dma_wait3A_2811 : memref<104xi32, #tpu.memory_space<vmem>>)
      %broadcast_in_dim3A_2817 = arith.constant 0.000000e+00 : f32
      %broadcast_in_dim3A_2818 = vector.broadcast %broadcast_in_dim3A_2817 : f32 to vector<16xf32>
      %broadcast_in_dim3A_2819 = arith.constant 0.000000e+00 : f32
      %broadcast_in_dim3A_2820 = vector.broadcast %broadcast_in_dim3A_2819 : f32 to vector<16xf32>
      %get3A_2821 = arith.constant 11 : i32
      %get3A_2822 = arith.index_cast %get3A_2821 : i32 to index
      %get3A_2823 = arith.constant 0 : index
      %get3A_2824 = tpu.vector_load %arg7[%get3A_2822, %get3A_2823] {strides = array<i32>} : memref<16x208xi32, #tpu.memory_space<vmem>>, vector<16xi32>,
      %shift_left3A_2825 = arith.constant 16 : i32
      %shift_left3A_2826 = vector.broadcast %shift_left3A_2825 : i32 to vector<16xi32>
      %shift_left3A_2827 = arith.shli %get3A_2824, %shift_left3A_2826 : vector<16xi32>
      %bitcast_convert_type3A_2828 = tpu.bitcast %shift_left3A_2827 : vector<16xi32> -> vector<16xf32>
      %add3A_2829 = arith.addf %broadcast_in_dim3A_2818, %bitcast_convert_type3A_2828 : vector<16xf32>
      %and3A_2830 = arith.andi %get3A_2824, %broadcast_in_dim3A_328 : vector<16xi32>
      %bitcast_convert_type3A_2831 = tpu.bitcast %and3A_2830 : vector<16xi32> -> vector<16xf32>
      %add3A_2832 = arith.addf %broadcast_in_dim3A_2820, %bitcast_convert_type3A_2831 : vector<16xf32>
      %get3A_2833 = arith.constant 11 : i32
      %get3A_2834 = arith.index_cast %get3A_2833 : i32 to index
      %get3A_2835 = arith.constant 16 : index
      %get3A_2836 = tpu.vector_load %arg7[%get3A_2834, %get3A_2835] {strides = array<i32>} : memref<16x208xi32, #tpu.memory_space<vmem>>, vector<16xi32>,
      %shift_left3A_2837 = arith.constant 16 : i32
      %shift_left3A_2838 = vector.broadcast %shift_left3A_2837 : i32 to vector<16xi32>
      %shift_left3A_2839 = arith.shli %get3A_2836, %shift_left3A_2838 : vector<16xi32>
      %bitcast_convert_type3A_2840 = tpu.bitcast %shift_left3A_2839 : vector<16xi32> -> vector<16xf32>
      %add3A_2841 = arith.addf %add3A_2829, %bitcast_convert_type3A_2840 : vector<16xf32>
      %and3A_2842 = arith.andi %get3A_2836, %broadcast_in_dim3A_328 : vector<16xi32>
      %bitcast_convert_type3A_2843 = tpu.bitcast %and3A_2842 : vector<16xi32> -> vector<16xf32>
      %add3A_2844 = arith.addf %add3A_2832, %bitcast_convert_type3A_2843 : vector<16xf32>
      %get3A_2845 = arith.constant 11 : i32
      %get3A_2846 = arith.index_cast %get3A_2845 : i32 to index
      %get3A_2847 = arith.constant 32 : index
      %get3A_2848 = tpu.vector_load %arg7[%get3A_2846, %get3A_2847] {strides = array<i32>} : memref<16x208xi32, #tpu.memory_space<vmem>>, vector<16xi32>,
      %shift_left3A_2849 = arith.constant 16 : i32
      %shift_left3A_2850 = vector.broadcast %shift_left3A_2849 : i32 to vector<16xi32>
      %shift_left3A_2851 = arith.shli %get3A_2848, %shift_left3A_2850 : vector<16xi32>
      %bitcast_convert_type3A_2852 = tpu.bitcast %shift_left3A_2851 : vector<16xi32> -> vector<16xf32>
      %add3A_2853 = arith.addf %add3A_2841, %bitcast_convert_type3A_2852 : vector<16xf32>
      %and3A_2854 = arith.andi %get3A_2848, %broadcast_in_dim3A_328 : vector<16xi32>
      %bitcast_convert_type3A_2855 = tpu.bitcast %and3A_2854 : vector<16xi32> -> vector<16xf32>
      %add3A_2856 = arith.addf %add3A_2844, %bitcast_convert_type3A_2855 : vector<16xf32>
      %get3A_2857 = arith.constant 11 : i32
      %get3A_2858 = arith.index_cast %get3A_2857 : i32 to index
      %get3A_2859 = arith.constant 48 : index
      %get3A_2860 = tpu.vector_load %arg7[%get3A_2858, %get3A_2859] {strides = array<i32>} : memref<16x208xi32, #tpu.memory_space<vmem>>, vector<16xi32>,
      %shift_left3A_2861 = arith.constant 16 : i32
      %shift_left3A_2862 = vector.broadcast %shift_left3A_2861 : i32 to vector<16xi32>
      %shift_left3A_2863 = arith.shli %get3A_2860, %shift_left3A_2862 : vector<16xi32>
      %bitcast_convert_type3A_2864 = tpu.bitcast %shift_left3A_2863 : vector<16xi32> -> vector<16xf32>
      %add3A_2865 = arith.addf %add3A_2853, %bitcast_convert_type3A_2864 : vector<16xf32>
      %and3A_2866 = arith.andi %get3A_2860, %broadcast_in_dim3A_328 : vector<16xi32>
      %bitcast_convert_type3A_2867 = tpu.bitcast %and3A_2866 : vector<16xi32> -> vector<16xf32>
      %add3A_2868 = arith.addf %add3A_2856, %bitcast_convert_type3A_2867 : vector<16xf32>
      %get3A_2869 = arith.constant 11 : i32
      %get3A_2870 = arith.index_cast %get3A_2869 : i32 to index
      %get3A_2871 = arith.constant 64 : index
      %get3A_2872 = tpu.vector_load %arg7[%get3A_2870, %get3A_2871] {strides = array<i32>} : memref<16x208xi32, #tpu.memory_space<vmem>>, vector<16xi32>,
      %shift_left3A_2873 = arith.constant 16 : i32
      %shift_left3A_2874 = vector.broadcast %shift_left3A_2873 : i32 to vector<16xi32>
      %shift_left3A_2875 = arith.shli %get3A_2872, %shift_left3A_2874 : vector<16xi32>
      %bitcast_convert_type3A_2876 = tpu.bitcast %shift_left3A_2875 : vector<16xi32> -> vector<16xf32>
      %add3A_2877 = arith.addf %add3A_2865, %bitcast_convert_type3A_2876 : vector<16xf32>
      %and3A_2878 = arith.andi %get3A_2872, %broadcast_in_dim3A_328 : vector<16xi32>
      %bitcast_convert_type3A_2879 = tpu.bitcast %and3A_2878 : vector<16xi32> -> vector<16xf32>
      %add3A_2880 = arith.addf %add3A_2868, %bitcast_convert_type3A_2879 : vector<16xf32>
      %get3A_2881 = arith.constant 11 : i32
      %get3A_2882 = arith.index_cast %get3A_2881 : i32 to index
      %get3A_2883 = arith.constant 80 : index
      %get3A_2884 = tpu.vector_load %arg7[%get3A_2882, %get3A_2883] {strides = array<i32>} : memref<16x208xi32, #tpu.memory_space<vmem>>, vector<16xi32>,
      %shift_left3A_2885 = arith.constant 16 : i32
      %shift_left3A_2886 = vector.broadcast %shift_left3A_2885 : i32 to vector<16xi32>
      %shift_left3A_2887 = arith.shli %get3A_2884, %shift_left3A_2886 : vector<16xi32>
      %bitcast_convert_type3A_2888 = tpu.bitcast %shift_left3A_2887 : vector<16xi32> -> vector<16xf32>
      %add3A_2889 = arith.addf %add3A_2877, %bitcast_convert_type3A_2888 : vector<16xf32>
      %and3A_2890 = arith.andi %get3A_2884, %broadcast_in_dim3A_328 : vector<16xi32>
      %bitcast_convert_type3A_2891 = tpu.bitcast %and3A_2890 : vector<16xi32> -> vector<16xf32>
      %add3A_2892 = arith.addf %add3A_2880, %bitcast_convert_type3A_2891 : vector<16xf32>
      %get3A_2893 = arith.constant 11 : i32
      %get3A_2894 = arith.index_cast %get3A_2893 : i32 to index
      %get3A_2895 = arith.constant 96 : index
      %get3A_2896 = tpu.vector_load %arg7[%get3A_2894, %get3A_2895] {strides = array<i32>} : memref<16x208xi32, #tpu.memory_space<vmem>>, vector<16xi32>,
      %shift_left3A_2897 = arith.constant 16 : i32
      %shift_left3A_2898 = vector.broadcast %shift_left3A_2897 : i32 to vector<16xi32>
      %shift_left3A_2899 = arith.shli %get3A_2896, %shift_left3A_2898 : vector<16xi32>
      %bitcast_convert_type3A_2900 = tpu.bitcast %shift_left3A_2899 : vector<16xi32> -> vector<16xf32>
      %add3A_2901 = arith.addf %add3A_2889, %bitcast_convert_type3A_2900 : vector<16xf32>
      %and3A_2902 = arith.andi %get3A_2896, %broadcast_in_dim3A_328 : vector<16xi32>
      %bitcast_convert_type3A_2903 = tpu.bitcast %and3A_2902 : vector<16xi32> -> vector<16xf32>
      %add3A_2904 = arith.addf %add3A_2892, %bitcast_convert_type3A_2903 : vector<16xf32>
      %get3A_2905 = arith.constant 11 : i32
      %get3A_2906 = arith.index_cast %get3A_2905 : i32 to index
      %get3A_2907 = arith.constant 112 : index
      %get3A_2908 = tpu.vector_load %arg7[%get3A_2906, %get3A_2907] {strides = array<i32>} : memref<16x208xi32, #tpu.memory_space<vmem>>, vector<16xi32>,
      %shift_left3A_2909 = arith.constant 16 : i32
      %shift_left3A_2910 = vector.broadcast %shift_left3A_2909 : i32 to vector<16xi32>
      %shift_left3A_2911 = arith.shli %get3A_2908, %shift_left3A_2910 : vector<16xi32>
      %bitcast_convert_type3A_2912 = tpu.bitcast %shift_left3A_2911 : vector<16xi32> -> vector<16xf32>
      %add3A_2913 = arith.addf %add3A_2901, %bitcast_convert_type3A_2912 : vector<16xf32>
      %and3A_2914 = arith.andi %get3A_2908, %broadcast_in_dim3A_328 : vector<16xi32>
      %bitcast_convert_type3A_2915 = tpu.bitcast %and3A_2914 : vector<16xi32> -> vector<16xf32>
      %add3A_2916 = arith.addf %add3A_2904, %bitcast_convert_type3A_2915 : vector<16xf32>
      %get3A_2917 = arith.constant 11 : i32
      %get3A_2918 = arith.index_cast %get3A_2917 : i32 to index
      %get3A_2919 = arith.constant 128 : index
      %get3A_2920 = tpu.vector_load %arg7[%get3A_2918, %get3A_2919] {strides = array<i32>} : memref<16x208xi32, #tpu.memory_space<vmem>>, vector<16xi32>,
      %shift_left3A_2921 = arith.constant 16 : i32
      %shift_left3A_2922 = vector.broadcast %shift_left3A_2921 : i32 to vector<16xi32>
      %shift_left3A_2923 = arith.shli %get3A_2920, %shift_left3A_2922 : vector<16xi32>
      %bitcast_convert_type3A_2924 = tpu.bitcast %shift_left3A_2923 : vector<16xi32> -> vector<16xf32>
      %add3A_2925 = arith.addf %add3A_2913, %bitcast_convert_type3A_2924 : vector<16xf32>
      %and3A_2926 = arith.andi %get3A_2920, %broadcast_in_dim3A_328 : vector<16xi32>
      %bitcast_convert_type3A_2927 = tpu.bitcast %and3A_2926 : vector<16xi32> -> vector<16xf32>
      %add3A_2928 = arith.addf %add3A_2916, %bitcast_convert_type3A_2927 : vector<16xf32>
      %get3A_2929 = arith.constant 11 : i32
      %get3A_2930 = arith.index_cast %get3A_2929 : i32 to index
      %get3A_2931 = arith.constant 144 : index
      %get3A_2932 = tpu.vector_load %arg7[%get3A_2930, %get3A_2931] {strides = array<i32>} : memref<16x208xi32, #tpu.memory_space<vmem>>, vector<16xi32>,
      %shift_left3A_2933 = arith.constant 16 : i32
      %shift_left3A_2934 = vector.broadcast %shift_left3A_2933 : i32 to vector<16xi32>
      %shift_left3A_2935 = arith.shli %get3A_2932, %shift_left3A_2934 : vector<16xi32>
      %bitcast_convert_type3A_2936 = tpu.bitcast %shift_left3A_2935 : vector<16xi32> -> vector<16xf32>
      %add3A_2937 = arith.addf %add3A_2925, %bitcast_convert_type3A_2936 : vector<16xf32>
      %and3A_2938 = arith.andi %get3A_2932, %broadcast_in_dim3A_328 : vector<16xi32>
      %bitcast_convert_type3A_2939 = tpu.bitcast %and3A_2938 : vector<16xi32> -> vector<16xf32>
      %add3A_2940 = arith.addf %add3A_2928, %bitcast_convert_type3A_2939 : vector<16xf32>
      %get3A_2941 = arith.constant 11 : i32
      %get3A_2942 = arith.index_cast %get3A_2941 : i32 to index
      %get3A_2943 = arith.constant 160 : index
      %get3A_2944 = tpu.vector_load %arg7[%get3A_2942, %get3A_2943] {strides = array<i32>} : memref<16x208xi32, #tpu.memory_space<vmem>>, vector<16xi32>,
      %shift_left3A_2945 = arith.constant 16 : i32
      %shift_left3A_2946 = vector.broadcast %shift_left3A_2945 : i32 to vector<16xi32>
      %shift_left3A_2947 = arith.shli %get3A_2944, %shift_left3A_2946 : vector<16xi32>
      %bitcast_convert_type3A_2948 = tpu.bitcast %shift_left3A_2947 : vector<16xi32> -> vector<16xf32>
      %add3A_2949 = arith.addf %add3A_2937, %bitcast_convert_type3A_2948 : vector<16xf32>
      %and3A_2950 = arith.andi %get3A_2944, %broadcast_in_dim3A_328 : vector<16xi32>
      %bitcast_convert_type3A_2951 = tpu.bitcast %and3A_2950 : vector<16xi32> -> vector<16xf32>
      %add3A_2952 = arith.addf %add3A_2940, %bitcast_convert_type3A_2951 : vector<16xf32>
      %get3A_2953 = arith.constant 11 : i32
      %get3A_2954 = arith.index_cast %get3A_2953 : i32 to index
      %get3A_2955 = arith.constant 176 : index
      %get3A_2956 = tpu.vector_load %arg7[%get3A_2954, %get3A_2955] {strides = array<i32>} : memref<16x208xi32, #tpu.memory_space<vmem>>, vector<16xi32>,
      %shift_left3A_2957 = arith.constant 16 : i32
      %shift_left3A_2958 = vector.broadcast %shift_left3A_2957 : i32 to vector<16xi32>
      %shift_left3A_2959 = arith.shli %get3A_2956, %shift_left3A_2958 : vector<16xi32>
      %bitcast_convert_type3A_2960 = tpu.bitcast %shift_left3A_2959 : vector<16xi32> -> vector<16xf32>
      %add3A_2961 = arith.addf %add3A_2949, %bitcast_convert_type3A_2960 : vector<16xf32>
      %and3A_2962 = arith.andi %get3A_2956, %broadcast_in_dim3A_328 : vector<16xi32>
      %bitcast_convert_type3A_2963 = tpu.bitcast %and3A_2962 : vector<16xi32> -> vector<16xf32>
      %add3A_2964 = arith.addf %add3A_2952, %bitcast_convert_type3A_2963 : vector<16xf32>
      %get3A_2965 = arith.constant 11 : i32
      %get3A_2966 = arith.index_cast %get3A_2965 : i32 to index
      %get3A_2967 = arith.constant 192 : index
      %get3A_2968 = tpu.vector_load %arg7[%get3A_2966, %get3A_2967] {strides = array<i32>} : memref<16x208xi32, #tpu.memory_space<vmem>>, vector<16xi32>,
      %shift_left3A_2969 = arith.constant 16 : i32
      %shift_left3A_2970 = vector.broadcast %shift_left3A_2969 : i32 to vector<16xi32>
      %shift_left3A_2971 = arith.shli %get3A_2968, %shift_left3A_2970 : vector<16xi32>
      %bitcast_convert_type3A_2972 = tpu.bitcast %shift_left3A_2971 : vector<16xi32> -> vector<16xf32>
      %add3A_2973 = arith.addf %add3A_2961, %bitcast_convert_type3A_2972 : vector<16xf32>
      %and3A_2974 = arith.andi %get3A_2968, %broadcast_in_dim3A_328 : vector<16xi32>
      %bitcast_convert_type3A_2975 = tpu.bitcast %and3A_2974 : vector<16xi32> -> vector<16xf32>
      %add3A_2976 = arith.addf %add3A_2964, %bitcast_convert_type3A_2975 : vector<16xf32>
      %reduce_sum3A_2977 = arith.constant true
      %reduce_sum3A_2978 = vector.broadcast %reduce_sum3A_2977 : i1 to vector<16xi1>
      %reduce_sum3A_2979 = tpu.scan <sum>, %add3A_2973 masked %reduce_sum3A_2978 : vector<16xf32>, vector<16xi1> -> vector<16xf32>
      %reduce_sum3A_2980 = vector.extract %reduce_sum3A_2979[15] : f32 from vector<16xf32>
      %mul3A_2981 = arith.constant 5.000000e-03 : f32
      %mul3A_2982 = arith.mulf %reduce_sum3A_2980, %mul3A_2981 : f32
      %reduce_sum3A_2983 = arith.constant true
      %reduce_sum3A_2984 = vector.broadcast %reduce_sum3A_2983 : i1 to vector<16xi1>
      %reduce_sum3A_2985 = tpu.scan <sum>, %add3A_2976 masked %reduce_sum3A_2984 : vector<16xf32>, vector<16xi1> -> vector<16xf32>
      %reduce_sum3A_2986 = vector.extract %reduce_sum3A_2985[15] : f32 from vector<16xf32>
      %mul3A_2987 = arith.constant 5.000000e-03 : f32
      %mul3A_2988 = arith.mulf %reduce_sum3A_2986, %mul3A_2987 : f32
      %add3A_2989 = arith.constant 16 : i32
      %add3A_2990 = arith.addi %add3A_2792, %add3A_2989 : i32
      %lt3A_2991 = arith.constant 128 : i32
      %lt3A_2992 = arith.cmpi slt, %add3A_2990, %lt3A_2991 : i32
      %convert_element_type3A_2993 = arith.extui %lt3A_2992 : i1 to i32
      %cond3A_2994 = arith.constant 0 : i32
      %cond3A_2995 = arith.cmpi ne, %convert_element_type3A_2993, %cond3A_2994 : i32
      scf.if %cond3A_2995 {
        %add3A_3911 = arith.constant 16 : i32
        %add3A_3912 = arith.addi %add3A_2792, %add3A_3911 : i32
        %mul3A_3913 = arith.constant 2 : i32
        %mul3A_3914 = arith.muli %mul3A_3913, %add3A_3912 : i32
        %dma_start3A_3915 = arith.constant 11 : i32
        %dma_start3A_3916 = arith.constant 0 : i32
        %dma_start3A_3917 = tpu.memref_slice %arg7[%dma_start3A_3915, %dma_start3A_3916] : memref<16x208xi32, #tpu.memory_space<vmem>> -> memref<1x104xi32, #tpu.memory_space<vmem>>
        %dma_start3A_3918 = tpu.memref_squeeze %dma_start3A_3917 : memref<1x104xi32, #tpu.memory_space<vmem>> -> memref<104xi32, #tpu.memory_space<vmem>>
        %dma_start3A_3919 = arith.constant 0 : i32
        %dma_start3A_3920 = tpu.memref_slice %arg6[%mul3A_3914, %dma_start3A_3919] : memref<256x104xi32, #tpu.memory_space<vmem>> -> memref<1x104xi32, #tpu.memory_space<vmem>>
        %dma_start3A_3921 = tpu.memref_squeeze %dma_start3A_3920 : memref<1x104xi32, #tpu.memory_space<vmem>> -> memref<104xi32, #tpu.memory_space<vmem>>
        %dma_start3A_3922 = arith.constant 0 : i32
        %dma_start3A_3923 = tpu.memref_slice %arg8[%dma_start3A_3922] : memref<1000064xi32, #tpu.memory_space<vmem_shared>> -> memref<1000064xi32, #tpu.memory_space<vmem_shared>>
        tpu.enqueue_indirect_dma source(%dma_start3A_3923 : memref<1000064xi32, #tpu.memory_space<vmem_shared>>) target(%dma_start3A_3918 : memref<104xi32, #tpu.memory_space<vmem>>) offsets(%dma_start3A_3921 : memref<104xi32, #tpu.memory_space<vmem>>) semaphore(%arg22 : memref<!tpu.dma_semaphore, #tpu.memory_space<semaphore_mem>>)
        %mul3A_3924 = arith.constant 2 : i32
        %mul3A_3925 = arith.muli %mul3A_3924, %add3A_3912 : i32
        %add3A_3926 = arith.constant 1 : i32
        %add3A_3927 = arith.addi %mul3A_3925, %add3A_3926 : i32
        %dma_start3A_3928 = arith.constant 11 : i32
        %dma_start3A_3929 = arith.constant 104 : i32
        %dma_start3A_3930 = tpu.memref_slice %arg7[%dma_start3A_3928, %dma_start3A_3929] : memref<16x208xi32, #tpu.memory_space<vmem>> -> memref<1x104xi32, #tpu.memory_space<vmem>>
        %dma_start3A_3931 = tpu.memref_squeeze %dma_start3A_3930 : memref<1x104xi32, #tpu.memory_space<vmem>> -> memref<104xi32, #tpu.memory_space<vmem>>
        %dma_start3A_3932 = arith.constant 0 : i32
        %dma_start3A_3933 = tpu.memref_slice %arg6[%add3A_3927, %dma_start3A_3932] : memref<256x104xi32, #tpu.memory_space<vmem>> -> memref<1x104xi32, #tpu.memory_space<vmem>>
        %dma_start3A_3934 = tpu.memref_squeeze %dma_start3A_3933 : memref<1x104xi32, #tpu.memory_space<vmem>> -> memref<104xi32, #tpu.memory_space<vmem>>
        %dma_start3A_3935 = arith.constant 0 : i32
        %dma_start3A_3936 = tpu.memref_slice %arg8[%dma_start3A_3935] : memref<1000064xi32, #tpu.memory_space<vmem_shared>> -> memref<1000064xi32, #tpu.memory_space<vmem_shared>>
        tpu.enqueue_indirect_dma source(%dma_start3A_3936 : memref<1000064xi32, #tpu.memory_space<vmem_shared>>) target(%dma_start3A_3931 : memref<104xi32, #tpu.memory_space<vmem>>) offsets(%dma_start3A_3934 : memref<104xi32, #tpu.memory_space<vmem>>) semaphore(%arg22 : memref<!tpu.dma_semaphore, #tpu.memory_space<semaphore_mem>>)
      } else {
      }
      %eq3A_2996 = arith.constant 0 : i32
      %eq3A_2997 = vector.broadcast %eq3A_2996 : i32 to vector<16xi32>
      %eq3A_2998 = arith.cmpi eq, %iota3A, %eq3A_2997 : vector<16xi32>
      %eq3A_2999 = arith.constant 1 : i32
      %eq3A_3000 = vector.broadcast %eq3A_2999 : i32 to vector<16xi32>
      %eq3A_3001 = arith.cmpi eq, %iota3A, %eq3A_3000 : vector<16xi32>
      %jit3A_3002 = arith.constant 0.000000e+00 : f32
      %broadcast_in_dim3A_3003 = vector.broadcast %mul3A_2988 : f32 to vector<16xf32>
      %broadcast_in_dim3A_3004 = vector.broadcast %jit3A_3002 : f32 to vector<16xf32>
      %select_n3A_3005 = arith.select %eq3A_3001, %broadcast_in_dim3A_3003, %broadcast_in_dim3A_3004 : vector<16xi1>, vector<16xf32>
      %broadcast_in_dim3A_3006 = vector.broadcast %mul3A_2982 : f32 to vector<16xf32>
      %select_n3A_3007 = arith.select %eq3A_2998, %broadcast_in_dim3A_3006, %select_n3A_3005 : vector<16xi1>, vector<16xf32>
      %get3A_3008 = arith.constant 0 : index
      %get3A_3009 = tpu.vector_load %arg9[%get3A_3008] {strides = array<i32>} : memref<16xf32, #tpu.memory_space<vmem>>, vector<16xf32>,
      %add3A_3010 = arith.addf %select_n3A_3007, %get3A_3009 : vector<16xf32>
      %mul3A_3011 = arith.constant 2 : i32
      %mul3A_3012 = arith.muli %mul3A_3011, %add3A_2792 : i32
      %swap3A_3013 = arith.index_cast %mul3A_3012 : i32 to index
      %swap3A_3014 = tpu.vector_load %arg10[%swap3A_3013] {strides = array<i32>} : memref<272xf32, #tpu.memory_space<vmem>>, vector<16xf32>,
      tpu.vector_store %arg10[%swap3A_3013], %add3A_3010 {strides = array<i32>} : memref<272xf32, #tpu.memory_space<vmem>>, vector<16xf32>,
      %add3A_3015 = arith.constant 12 : i32
      %add3A_3016 = arith.addi %add3A_339, %add3A_3015 : i32
      %mul3A_3017 = arith.constant 2 : i32
      %mul3A_3018 = arith.muli %mul3A_3017, %add3A_3016 : i32
      %dma_wait3A_3019 = arith.constant 12 : i32
      %dma_wait3A_3020 = arith.constant 0 : i32
      %dma_wait3A_3021 = tpu.memref_slice %arg7[%dma_wait3A_3019, %dma_wait3A_3020] : memref<16x208xi32, #tpu.memory_space<vmem>> -> memref<1x104xi32, #tpu.memory_space<vmem>>
      %dma_wait3A_3022 = tpu.memref_squeeze %dma_wait3A_3021 : memref<1x104xi32, #tpu.memory_space<vmem>> -> memref<104xi32, #tpu.memory_space<vmem>>
      %dma_wait3A_3023 = arith.constant 0 : i32
      %dma_wait3A_3024 = tpu.memref_slice %arg6[%mul3A_3018, %dma_wait3A_3023] : memref<256x104xi32, #tpu.memory_space<vmem>> -> memref<1x104xi32, #tpu.memory_space<vmem>>
      %dma_wait3A_3025 = tpu.memref_squeeze %dma_wait3A_3024 : memref<1x104xi32, #tpu.memory_space<vmem>> -> memref<104xi32, #tpu.memory_space<vmem>>
      %dma_wait3A_3026 = arith.constant 0 : i32
      %dma_wait3A_3027 = tpu.memref_slice %arg8[%dma_wait3A_3026] : memref<1000064xi32, #tpu.memory_space<vmem_shared>> -> memref<1000064xi32, #tpu.memory_space<vmem_shared>>
      tpu.wait_indirect_dma semaphore(%arg23 : memref<!tpu.dma_semaphore, #tpu.memory_space<semaphore_mem>>) src(%dma_wait3A_3027 : memref<1000064xi32, #tpu.memory_space<vmem_shared>>) dst(%dma_wait3A_3022 : memref<104xi32, #tpu.memory_space<vmem>>)
      %mul3A_3028 = arith.constant 2 : i32
      %mul3A_3029 = arith.muli %mul3A_3028, %add3A_3016 : i32
      %add3A_3030 = arith.constant 1 : i32
      %add3A_3031 = arith.addi %mul3A_3029, %add3A_3030 : i32
      %dma_wait3A_3032 = arith.constant 12 : i32
      %dma_wait3A_3033 = arith.constant 104 : i32
      %dma_wait3A_3034 = tpu.memref_slice %arg7[%dma_wait3A_3032, %dma_wait3A_3033] : memref<16x208xi32, #tpu.memory_space<vmem>> -> memref<1x104xi32, #tpu.memory_space<vmem>>
      %dma_wait3A_3035 = tpu.memref_squeeze %dma_wait3A_3034 : memref<1x104xi32, #tpu.memory_space<vmem>> -> memref<104xi32, #tpu.memory_space<vmem>>
      %dma_wait3A_3036 = arith.constant 0 : i32
      %dma_wait3A_3037 = tpu.memref_slice %arg6[%add3A_3031, %dma_wait3A_3036] : memref<256x104xi32, #tpu.memory_space<vmem>> -> memref<1x104xi32, #tpu.memory_space<vmem>>
      %dma_wait3A_3038 = tpu.memref_squeeze %dma_wait3A_3037 : memref<1x104xi32, #tpu.memory_space<vmem>> -> memref<104xi32, #tpu.memory_space<vmem>>
      %dma_wait3A_3039 = arith.constant 0 : i32
      %dma_wait3A_3040 = tpu.memref_slice %arg8[%dma_wait3A_3039] : memref<1000064xi32, #tpu.memory_space<vmem_shared>> -> memref<1000064xi32, #tpu.memory_space<vmem_shared>>
      tpu.wait_indirect_dma semaphore(%arg23 : memref<!tpu.dma_semaphore, #tpu.memory_space<semaphore_mem>>) src(%dma_wait3A_3040 : memref<1000064xi32, #tpu.memory_space<vmem_shared>>) dst(%dma_wait3A_3035 : memref<104xi32, #tpu.memory_space<vmem>>)
      %broadcast_in_dim3A_3041 = arith.constant 0.000000e+00 : f32
      %broadcast_in_dim3A_3042 = vector.broadcast %broadcast_in_dim3A_3041 : f32 to vector<16xf32>
      %broadcast_in_dim3A_3043 = arith.constant 0.000000e+00 : f32
      %broadcast_in_dim3A_3044 = vector.broadcast %broadcast_in_dim3A_3043 : f32 to vector<16xf32>
      %get3A_3045 = arith.constant 12 : i32
      %get3A_3046 = arith.index_cast %get3A_3045 : i32 to index
      %get3A_3047 = arith.constant 0 : index
      %get3A_3048 = tpu.vector_load %arg7[%get3A_3046, %get3A_3047] {strides = array<i32>} : memref<16x208xi32, #tpu.memory_space<vmem>>, vector<16xi32>,
      %shift_left3A_3049 = arith.constant 16 : i32
      %shift_left3A_3050 = vector.broadcast %shift_left3A_3049 : i32 to vector<16xi32>
      %shift_left3A_3051 = arith.shli %get3A_3048, %shift_left3A_3050 : vector<16xi32>
      %bitcast_convert_type3A_3052 = tpu.bitcast %shift_left3A_3051 : vector<16xi32> -> vector<16xf32>
      %add3A_3053 = arith.addf %broadcast_in_dim3A_3042, %bitcast_convert_type3A_3052 : vector<16xf32>
      %and3A_3054 = arith.andi %get3A_3048, %broadcast_in_dim3A_328 : vector<16xi32>
      %bitcast_convert_type3A_3055 = tpu.bitcast %and3A_3054 : vector<16xi32> -> vector<16xf32>
      %add3A_3056 = arith.addf %broadcast_in_dim3A_3044, %bitcast_convert_type3A_3055 : vector<16xf32>
      %get3A_3057 = arith.constant 12 : i32
      %get3A_3058 = arith.index_cast %get3A_3057 : i32 to index
      %get3A_3059 = arith.constant 16 : index
      %get3A_3060 = tpu.vector_load %arg7[%get3A_3058, %get3A_3059] {strides = array<i32>} : memref<16x208xi32, #tpu.memory_space<vmem>>, vector<16xi32>,
      %shift_left3A_3061 = arith.constant 16 : i32
      %shift_left3A_3062 = vector.broadcast %shift_left3A_3061 : i32 to vector<16xi32>
      %shift_left3A_3063 = arith.shli %get3A_3060, %shift_left3A_3062 : vector<16xi32>
      %bitcast_convert_type3A_3064 = tpu.bitcast %shift_left3A_3063 : vector<16xi32> -> vector<16xf32>
      %add3A_3065 = arith.addf %add3A_3053, %bitcast_convert_type3A_3064 : vector<16xf32>
      %and3A_3066 = arith.andi %get3A_3060, %broadcast_in_dim3A_328 : vector<16xi32>
      %bitcast_convert_type3A_3067 = tpu.bitcast %and3A_3066 : vector<16xi32> -> vector<16xf32>
      %add3A_3068 = arith.addf %add3A_3056, %bitcast_convert_type3A_3067 : vector<16xf32>
      %get3A_3069 = arith.constant 12 : i32
      %get3A_3070 = arith.index_cast %get3A_3069 : i32 to index
      %get3A_3071 = arith.constant 32 : index
      %get3A_3072 = tpu.vector_load %arg7[%get3A_3070, %get3A_3071] {strides = array<i32>} : memref<16x208xi32, #tpu.memory_space<vmem>>, vector<16xi32>,
      %shift_left3A_3073 = arith.constant 16 : i32
      %shift_left3A_3074 = vector.broadcast %shift_left3A_3073 : i32 to vector<16xi32>
      %shift_left3A_3075 = arith.shli %get3A_3072, %shift_left3A_3074 : vector<16xi32>
      %bitcast_convert_type3A_3076 = tpu.bitcast %shift_left3A_3075 : vector<16xi32> -> vector<16xf32>
      %add3A_3077 = arith.addf %add3A_3065, %bitcast_convert_type3A_3076 : vector<16xf32>
      %and3A_3078 = arith.andi %get3A_3072, %broadcast_in_dim3A_328 : vector<16xi32>
      %bitcast_convert_type3A_3079 = tpu.bitcast %and3A_3078 : vector<16xi32> -> vector<16xf32>
      %add3A_3080 = arith.addf %add3A_3068, %bitcast_convert_type3A_3079 : vector<16xf32>
      %get3A_3081 = arith.constant 12 : i32
      %get3A_3082 = arith.index_cast %get3A_3081 : i32 to index
      %get3A_3083 = arith.constant 48 : index
      %get3A_3084 = tpu.vector_load %arg7[%get3A_3082, %get3A_3083] {strides = array<i32>} : memref<16x208xi32, #tpu.memory_space<vmem>>, vector<16xi32>,
      %shift_left3A_3085 = arith.constant 16 : i32
      %shift_left3A_3086 = vector.broadcast %shift_left3A_3085 : i32 to vector<16xi32>
      %shift_left3A_3087 = arith.shli %get3A_3084, %shift_left3A_3086 : vector<16xi32>
      %bitcast_convert_type3A_3088 = tpu.bitcast %shift_left3A_3087 : vector<16xi32> -> vector<16xf32>
      %add3A_3089 = arith.addf %add3A_3077, %bitcast_convert_type3A_3088 : vector<16xf32>
      %and3A_3090 = arith.andi %get3A_3084, %broadcast_in_dim3A_328 : vector<16xi32>
      %bitcast_convert_type3A_3091 = tpu.bitcast %and3A_3090 : vector<16xi32> -> vector<16xf32>
      %add3A_3092 = arith.addf %add3A_3080, %bitcast_convert_type3A_3091 : vector<16xf32>
      %get3A_3093 = arith.constant 12 : i32
      %get3A_3094 = arith.index_cast %get3A_3093 : i32 to index
      %get3A_3095 = arith.constant 64 : index
      %get3A_3096 = tpu.vector_load %arg7[%get3A_3094, %get3A_3095] {strides = array<i32>} : memref<16x208xi32, #tpu.memory_space<vmem>>, vector<16xi32>,
      %shift_left3A_3097 = arith.constant 16 : i32
      %shift_left3A_3098 = vector.broadcast %shift_left3A_3097 : i32 to vector<16xi32>
      %shift_left3A_3099 = arith.shli %get3A_3096, %shift_left3A_3098 : vector<16xi32>
      %bitcast_convert_type3A_3100 = tpu.bitcast %shift_left3A_3099 : vector<16xi32> -> vector<16xf32>
      %add3A_3101 = arith.addf %add3A_3089, %bitcast_convert_type3A_3100 : vector<16xf32>
      %and3A_3102 = arith.andi %get3A_3096, %broadcast_in_dim3A_328 : vector<16xi32>
      %bitcast_convert_type3A_3103 = tpu.bitcast %and3A_3102 : vector<16xi32> -> vector<16xf32>
      %add3A_3104 = arith.addf %add3A_3092, %bitcast_convert_type3A_3103 : vector<16xf32>
      %get3A_3105 = arith.constant 12 : i32
      %get3A_3106 = arith.index_cast %get3A_3105 : i32 to index
      %get3A_3107 = arith.constant 80 : index
      %get3A_3108 = tpu.vector_load %arg7[%get3A_3106, %get3A_3107] {strides = array<i32>} : memref<16x208xi32, #tpu.memory_space<vmem>>, vector<16xi32>,
      %shift_left3A_3109 = arith.constant 16 : i32
      %shift_left3A_3110 = vector.broadcast %shift_left3A_3109 : i32 to vector<16xi32>
      %shift_left3A_3111 = arith.shli %get3A_3108, %shift_left3A_3110 : vector<16xi32>
      %bitcast_convert_type3A_3112 = tpu.bitcast %shift_left3A_3111 : vector<16xi32> -> vector<16xf32>
      %add3A_3113 = arith.addf %add3A_3101, %bitcast_convert_type3A_3112 : vector<16xf32>
      %and3A_3114 = arith.andi %get3A_3108, %broadcast_in_dim3A_328 : vector<16xi32>
      %bitcast_convert_type3A_3115 = tpu.bitcast %and3A_3114 : vector<16xi32> -> vector<16xf32>
      %add3A_3116 = arith.addf %add3A_3104, %bitcast_convert_type3A_3115 : vector<16xf32>
      %get3A_3117 = arith.constant 12 : i32
      %get3A_3118 = arith.index_cast %get3A_3117 : i32 to index
      %get3A_3119 = arith.constant 96 : index
      %get3A_3120 = tpu.vector_load %arg7[%get3A_3118, %get3A_3119] {strides = array<i32>} : memref<16x208xi32, #tpu.memory_space<vmem>>, vector<16xi32>,
      %shift_left3A_3121 = arith.constant 16 : i32
      %shift_left3A_3122 = vector.broadcast %shift_left3A_3121 : i32 to vector<16xi32>
      %shift_left3A_3123 = arith.shli %get3A_3120, %shift_left3A_3122 : vector<16xi32>
      %bitcast_convert_type3A_3124 = tpu.bitcast %shift_left3A_3123 : vector<16xi32> -> vector<16xf32>
      %add3A_3125 = arith.addf %add3A_3113, %bitcast_convert_type3A_3124 : vector<16xf32>
      %and3A_3126 = arith.andi %get3A_3120, %broadcast_in_dim3A_328 : vector<16xi32>
      %bitcast_convert_type3A_3127 = tpu.bitcast %and3A_3126 : vector<16xi32> -> vector<16xf32>
      %add3A_3128 = arith.addf %add3A_3116, %bitcast_convert_type3A_3127 : vector<16xf32>
      %get3A_3129 = arith.constant 12 : i32
      %get3A_3130 = arith.index_cast %get3A_3129 : i32 to index
      %get3A_3131 = arith.constant 112 : index
      %get3A_3132 = tpu.vector_load %arg7[%get3A_3130, %get3A_3131] {strides = array<i32>} : memref<16x208xi32, #tpu.memory_space<vmem>>, vector<16xi32>,
      %shift_left3A_3133 = arith.constant 16 : i32
      %shift_left3A_3134 = vector.broadcast %shift_left3A_3133 : i32 to vector<16xi32>
      %shift_left3A_3135 = arith.shli %get3A_3132, %shift_left3A_3134 : vector<16xi32>
      %bitcast_convert_type3A_3136 = tpu.bitcast %shift_left3A_3135 : vector<16xi32> -> vector<16xf32>
      %add3A_3137 = arith.addf %add3A_3125, %bitcast_convert_type3A_3136 : vector<16xf32>
      %and3A_3138 = arith.andi %get3A_3132, %broadcast_in_dim3A_328 : vector<16xi32>
      %bitcast_convert_type3A_3139 = tpu.bitcast %and3A_3138 : vector<16xi32> -> vector<16xf32>
      %add3A_3140 = arith.addf %add3A_3128, %bitcast_convert_type3A_3139 : vector<16xf32>
      %get3A_3141 = arith.constant 12 : i32
      %get3A_3142 = arith.index_cast %get3A_3141 : i32 to index
      %get3A_3143 = arith.constant 128 : index
      %get3A_3144 = tpu.vector_load %arg7[%get3A_3142, %get3A_3143] {strides = array<i32>} : memref<16x208xi32, #tpu.memory_space<vmem>>, vector<16xi32>,
      %shift_left3A_3145 = arith.constant 16 : i32
      %shift_left3A_3146 = vector.broadcast %shift_left3A_3145 : i32 to vector<16xi32>
      %shift_left3A_3147 = arith.shli %get3A_3144, %shift_left3A_3146 : vector<16xi32>
      %bitcast_convert_type3A_3148 = tpu.bitcast %shift_left3A_3147 : vector<16xi32> -> vector<16xf32>
      %add3A_3149 = arith.addf %add3A_3137, %bitcast_convert_type3A_3148 : vector<16xf32>
      %and3A_3150 = arith.andi %get3A_3144, %broadcast_in_dim3A_328 : vector<16xi32>
      %bitcast_convert_type3A_3151 = tpu.bitcast %and3A_3150 : vector<16xi32> -> vector<16xf32>
      %add3A_3152 = arith.addf %add3A_3140, %bitcast_convert_type3A_3151 : vector<16xf32>
      %get3A_3153 = arith.constant 12 : i32
      %get3A_3154 = arith.index_cast %get3A_3153 : i32 to index
      %get3A_3155 = arith.constant 144 : index
      %get3A_3156 = tpu.vector_load %arg7[%get3A_3154, %get3A_3155] {strides = array<i32>} : memref<16x208xi32, #tpu.memory_space<vmem>>, vector<16xi32>,
      %shift_left3A_3157 = arith.constant 16 : i32
      %shift_left3A_3158 = vector.broadcast %shift_left3A_3157 : i32 to vector<16xi32>
      %shift_left3A_3159 = arith.shli %get3A_3156, %shift_left3A_3158 : vector<16xi32>
      %bitcast_convert_type3A_3160 = tpu.bitcast %shift_left3A_3159 : vector<16xi32> -> vector<16xf32>
      %add3A_3161 = arith.addf %add3A_3149, %bitcast_convert_type3A_3160 : vector<16xf32>
      %and3A_3162 = arith.andi %get3A_3156, %broadcast_in_dim3A_328 : vector<16xi32>
      %bitcast_convert_type3A_3163 = tpu.bitcast %and3A_3162 : vector<16xi32> -> vector<16xf32>
      %add3A_3164 = arith.addf %add3A_3152, %bitcast_convert_type3A_3163 : vector<16xf32>
      %get3A_3165 = arith.constant 12 : i32
      %get3A_3166 = arith.index_cast %get3A_3165 : i32 to index
      %get3A_3167 = arith.constant 160 : index
      %get3A_3168 = tpu.vector_load %arg7[%get3A_3166, %get3A_3167] {strides = array<i32>} : memref<16x208xi32, #tpu.memory_space<vmem>>, vector<16xi32>,
      %shift_left3A_3169 = arith.constant 16 : i32
      %shift_left3A_3170 = vector.broadcast %shift_left3A_3169 : i32 to vector<16xi32>
      %shift_left3A_3171 = arith.shli %get3A_3168, %shift_left3A_3170 : vector<16xi32>
      %bitcast_convert_type3A_3172 = tpu.bitcast %shift_left3A_3171 : vector<16xi32> -> vector<16xf32>
      %add3A_3173 = arith.addf %add3A_3161, %bitcast_convert_type3A_3172 : vector<16xf32>
      %and3A_3174 = arith.andi %get3A_3168, %broadcast_in_dim3A_328 : vector<16xi32>
      %bitcast_convert_type3A_3175 = tpu.bitcast %and3A_3174 : vector<16xi32> -> vector<16xf32>
      %add3A_3176 = arith.addf %add3A_3164, %bitcast_convert_type3A_3175 : vector<16xf32>
      %get3A_3177 = arith.constant 12 : i32
      %get3A_3178 = arith.index_cast %get3A_3177 : i32 to index
      %get3A_3179 = arith.constant 176 : index
      %get3A_3180 = tpu.vector_load %arg7[%get3A_3178, %get3A_3179] {strides = array<i32>} : memref<16x208xi32, #tpu.memory_space<vmem>>, vector<16xi32>,
      %shift_left3A_3181 = arith.constant 16 : i32
      %shift_left3A_3182 = vector.broadcast %shift_left3A_3181 : i32 to vector<16xi32>
      %shift_left3A_3183 = arith.shli %get3A_3180, %shift_left3A_3182 : vector<16xi32>
      %bitcast_convert_type3A_3184 = tpu.bitcast %shift_left3A_3183 : vector<16xi32> -> vector<16xf32>
      %add3A_3185 = arith.addf %add3A_3173, %bitcast_convert_type3A_3184 : vector<16xf32>
      %and3A_3186 = arith.andi %get3A_3180, %broadcast_in_dim3A_328 : vector<16xi32>
      %bitcast_convert_type3A_3187 = tpu.bitcast %and3A_3186 : vector<16xi32> -> vector<16xf32>
      %add3A_3188 = arith.addf %add3A_3176, %bitcast_convert_type3A_3187 : vector<16xf32>
      %get3A_3189 = arith.constant 12 : i32
      %get3A_3190 = arith.index_cast %get3A_3189 : i32 to index
      %get3A_3191 = arith.constant 192 : index
      %get3A_3192 = tpu.vector_load %arg7[%get3A_3190, %get3A_3191] {strides = array<i32>} : memref<16x208xi32, #tpu.memory_space<vmem>>, vector<16xi32>,
      %shift_left3A_3193 = arith.constant 16 : i32
      %shift_left3A_3194 = vector.broadcast %shift_left3A_3193 : i32 to vector<16xi32>
      %shift_left3A_3195 = arith.shli %get3A_3192, %shift_left3A_3194 : vector<16xi32>
      %bitcast_convert_type3A_3196 = tpu.bitcast %shift_left3A_3195 : vector<16xi32> -> vector<16xf32>
      %add3A_3197 = arith.addf %add3A_3185, %bitcast_convert_type3A_3196 : vector<16xf32>
      %and3A_3198 = arith.andi %get3A_3192, %broadcast_in_dim3A_328 : vector<16xi32>
      %bitcast_convert_type3A_3199 = tpu.bitcast %and3A_3198 : vector<16xi32> -> vector<16xf32>
      %add3A_3200 = arith.addf %add3A_3188, %bitcast_convert_type3A_3199 : vector<16xf32>
      %reduce_sum3A_3201 = arith.constant true
      %reduce_sum3A_3202 = vector.broadcast %reduce_sum3A_3201 : i1 to vector<16xi1>
      %reduce_sum3A_3203 = tpu.scan <sum>, %add3A_3197 masked %reduce_sum3A_3202 : vector<16xf32>, vector<16xi1> -> vector<16xf32>
      %reduce_sum3A_3204 = vector.extract %reduce_sum3A_3203[15] : f32 from vector<16xf32>
      %mul3A_3205 = arith.constant 5.000000e-03 : f32
      %mul3A_3206 = arith.mulf %reduce_sum3A_3204, %mul3A_3205 : f32
      %reduce_sum3A_3207 = arith.constant true
      %reduce_sum3A_3208 = vector.broadcast %reduce_sum3A_3207 : i1 to vector<16xi1>
      %reduce_sum3A_3209 = tpu.scan <sum>, %add3A_3200 masked %reduce_sum3A_3208 : vector<16xf32>, vector<16xi1> -> vector<16xf32>
      %reduce_sum3A_3210 = vector.extract %reduce_sum3A_3209[15] : f32 from vector<16xf32>
      %mul3A_3211 = arith.constant 5.000000e-03 : f32
      %mul3A_3212 = arith.mulf %reduce_sum3A_3210, %mul3A_3211 : f32
      %add3A_3213 = arith.constant 16 : i32
      %add3A_3214 = arith.addi %add3A_3016, %add3A_3213 : i32
      %lt3A_3215 = arith.constant 128 : i32
      %lt3A_3216 = arith.cmpi slt, %add3A_3214, %lt3A_3215 : i32
      %convert_element_type3A_3217 = arith.extui %lt3A_3216 : i1 to i32
      %cond3A_3218 = arith.constant 0 : i32
      %cond3A_3219 = arith.cmpi ne, %convert_element_type3A_3217, %cond3A_3218 : i32
      scf.if %cond3A_3219 {
        %add3A_3911 = arith.constant 16 : i32
        %add3A_3912 = arith.addi %add3A_3016, %add3A_3911 : i32
        %mul3A_3913 = arith.constant 2 : i32
        %mul3A_3914 = arith.muli %mul3A_3913, %add3A_3912 : i32
        %dma_start3A_3915 = arith.constant 12 : i32
        %dma_start3A_3916 = arith.constant 0 : i32
        %dma_start3A_3917 = tpu.memref_slice %arg7[%dma_start3A_3915, %dma_start3A_3916] : memref<16x208xi32, #tpu.memory_space<vmem>> -> memref<1x104xi32, #tpu.memory_space<vmem>>
        %dma_start3A_3918 = tpu.memref_squeeze %dma_start3A_3917 : memref<1x104xi32, #tpu.memory_space<vmem>> -> memref<104xi32, #tpu.memory_space<vmem>>
        %dma_start3A_3919 = arith.constant 0 : i32
        %dma_start3A_3920 = tpu.memref_slice %arg6[%mul3A_3914, %dma_start3A_3919] : memref<256x104xi32, #tpu.memory_space<vmem>> -> memref<1x104xi32, #tpu.memory_space<vmem>>
        %dma_start3A_3921 = tpu.memref_squeeze %dma_start3A_3920 : memref<1x104xi32, #tpu.memory_space<vmem>> -> memref<104xi32, #tpu.memory_space<vmem>>
        %dma_start3A_3922 = arith.constant 0 : i32
        %dma_start3A_3923 = tpu.memref_slice %arg8[%dma_start3A_3922] : memref<1000064xi32, #tpu.memory_space<vmem_shared>> -> memref<1000064xi32, #tpu.memory_space<vmem_shared>>
        tpu.enqueue_indirect_dma source(%dma_start3A_3923 : memref<1000064xi32, #tpu.memory_space<vmem_shared>>) target(%dma_start3A_3918 : memref<104xi32, #tpu.memory_space<vmem>>) offsets(%dma_start3A_3921 : memref<104xi32, #tpu.memory_space<vmem>>) semaphore(%arg23 : memref<!tpu.dma_semaphore, #tpu.memory_space<semaphore_mem>>)
        %mul3A_3924 = arith.constant 2 : i32
        %mul3A_3925 = arith.muli %mul3A_3924, %add3A_3912 : i32
        %add3A_3926 = arith.constant 1 : i32
        %add3A_3927 = arith.addi %mul3A_3925, %add3A_3926 : i32
        %dma_start3A_3928 = arith.constant 12 : i32
        %dma_start3A_3929 = arith.constant 104 : i32
        %dma_start3A_3930 = tpu.memref_slice %arg7[%dma_start3A_3928, %dma_start3A_3929] : memref<16x208xi32, #tpu.memory_space<vmem>> -> memref<1x104xi32, #tpu.memory_space<vmem>>
        %dma_start3A_3931 = tpu.memref_squeeze %dma_start3A_3930 : memref<1x104xi32, #tpu.memory_space<vmem>> -> memref<104xi32, #tpu.memory_space<vmem>>
        %dma_start3A_3932 = arith.constant 0 : i32
        %dma_start3A_3933 = tpu.memref_slice %arg6[%add3A_3927, %dma_start3A_3932] : memref<256x104xi32, #tpu.memory_space<vmem>> -> memref<1x104xi32, #tpu.memory_space<vmem>>
        %dma_start3A_3934 = tpu.memref_squeeze %dma_start3A_3933 : memref<1x104xi32, #tpu.memory_space<vmem>> -> memref<104xi32, #tpu.memory_space<vmem>>
        %dma_start3A_3935 = arith.constant 0 : i32
        %dma_start3A_3936 = tpu.memref_slice %arg8[%dma_start3A_3935] : memref<1000064xi32, #tpu.memory_space<vmem_shared>> -> memref<1000064xi32, #tpu.memory_space<vmem_shared>>
        tpu.enqueue_indirect_dma source(%dma_start3A_3936 : memref<1000064xi32, #tpu.memory_space<vmem_shared>>) target(%dma_start3A_3931 : memref<104xi32, #tpu.memory_space<vmem>>) offsets(%dma_start3A_3934 : memref<104xi32, #tpu.memory_space<vmem>>) semaphore(%arg23 : memref<!tpu.dma_semaphore, #tpu.memory_space<semaphore_mem>>)
      } else {
      }
      %eq3A_3220 = arith.constant 0 : i32
      %eq3A_3221 = vector.broadcast %eq3A_3220 : i32 to vector<16xi32>
      %eq3A_3222 = arith.cmpi eq, %iota3A, %eq3A_3221 : vector<16xi32>
      %eq3A_3223 = arith.constant 1 : i32
      %eq3A_3224 = vector.broadcast %eq3A_3223 : i32 to vector<16xi32>
      %eq3A_3225 = arith.cmpi eq, %iota3A, %eq3A_3224 : vector<16xi32>
      %jit3A_3226 = arith.constant 0.000000e+00 : f32
      %broadcast_in_dim3A_3227 = vector.broadcast %mul3A_3212 : f32 to vector<16xf32>
      %broadcast_in_dim3A_3228 = vector.broadcast %jit3A_3226 : f32 to vector<16xf32>
      %select_n3A_3229 = arith.select %eq3A_3225, %broadcast_in_dim3A_3227, %broadcast_in_dim3A_3228 : vector<16xi1>, vector<16xf32>
      %broadcast_in_dim3A_3230 = vector.broadcast %mul3A_3206 : f32 to vector<16xf32>
      %select_n3A_3231 = arith.select %eq3A_3222, %broadcast_in_dim3A_3230, %select_n3A_3229 : vector<16xi1>, vector<16xf32>
      %get3A_3232 = arith.constant 0 : index
      %get3A_3233 = tpu.vector_load %arg9[%get3A_3232] {strides = array<i32>} : memref<16xf32, #tpu.memory_space<vmem>>, vector<16xf32>,
      %add3A_3234 = arith.addf %select_n3A_3231, %get3A_3233 : vector<16xf32>
      %mul3A_3235 = arith.constant 2 : i32
      %mul3A_3236 = arith.muli %mul3A_3235, %add3A_3016 : i32
      %swap3A_3237 = arith.index_cast %mul3A_3236 : i32 to index
      %swap3A_3238 = tpu.vector_load %arg10[%swap3A_3237] {strides = array<i32>} : memref<272xf32, #tpu.memory_space<vmem>>, vector<16xf32>,
      tpu.vector_store %arg10[%swap3A_3237], %add3A_3234 {strides = array<i32>} : memref<272xf32, #tpu.memory_space<vmem>>, vector<16xf32>,
      %add3A_3239 = arith.constant 13 : i32
      %add3A_3240 = arith.addi %add3A_339, %add3A_3239 : i32
      %mul3A_3241 = arith.constant 2 : i32
      %mul3A_3242 = arith.muli %mul3A_3241, %add3A_3240 : i32
      %dma_wait3A_3243 = arith.constant 13 : i32
      %dma_wait3A_3244 = arith.constant 0 : i32
      %dma_wait3A_3245 = tpu.memref_slice %arg7[%dma_wait3A_3243, %dma_wait3A_3244] : memref<16x208xi32, #tpu.memory_space<vmem>> -> memref<1x104xi32, #tpu.memory_space<vmem>>
      %dma_wait3A_3246 = tpu.memref_squeeze %dma_wait3A_3245 : memref<1x104xi32, #tpu.memory_space<vmem>> -> memref<104xi32, #tpu.memory_space<vmem>>
      %dma_wait3A_3247 = arith.constant 0 : i32
      %dma_wait3A_3248 = tpu.memref_slice %arg6[%mul3A_3242, %dma_wait3A_3247] : memref<256x104xi32, #tpu.memory_space<vmem>> -> memref<1x104xi32, #tpu.memory_space<vmem>>
      %dma_wait3A_3249 = tpu.memref_squeeze %dma_wait3A_3248 : memref<1x104xi32, #tpu.memory_space<vmem>> -> memref<104xi32, #tpu.memory_space<vmem>>
      %dma_wait3A_3250 = arith.constant 0 : i32
      %dma_wait3A_3251 = tpu.memref_slice %arg8[%dma_wait3A_3250] : memref<1000064xi32, #tpu.memory_space<vmem_shared>> -> memref<1000064xi32, #tpu.memory_space<vmem_shared>>
      tpu.wait_indirect_dma semaphore(%arg24 : memref<!tpu.dma_semaphore, #tpu.memory_space<semaphore_mem>>) src(%dma_wait3A_3251 : memref<1000064xi32, #tpu.memory_space<vmem_shared>>) dst(%dma_wait3A_3246 : memref<104xi32, #tpu.memory_space<vmem>>)
      %mul3A_3252 = arith.constant 2 : i32
      %mul3A_3253 = arith.muli %mul3A_3252, %add3A_3240 : i32
      %add3A_3254 = arith.constant 1 : i32
      %add3A_3255 = arith.addi %mul3A_3253, %add3A_3254 : i32
      %dma_wait3A_3256 = arith.constant 13 : i32
      %dma_wait3A_3257 = arith.constant 104 : i32
      %dma_wait3A_3258 = tpu.memref_slice %arg7[%dma_wait3A_3256, %dma_wait3A_3257] : memref<16x208xi32, #tpu.memory_space<vmem>> -> memref<1x104xi32, #tpu.memory_space<vmem>>
      %dma_wait3A_3259 = tpu.memref_squeeze %dma_wait3A_3258 : memref<1x104xi32, #tpu.memory_space<vmem>> -> memref<104xi32, #tpu.memory_space<vmem>>
      %dma_wait3A_3260 = arith.constant 0 : i32
      %dma_wait3A_3261 = tpu.memref_slice %arg6[%add3A_3255, %dma_wait3A_3260] : memref<256x104xi32, #tpu.memory_space<vmem>> -> memref<1x104xi32, #tpu.memory_space<vmem>>
      %dma_wait3A_3262 = tpu.memref_squeeze %dma_wait3A_3261 : memref<1x104xi32, #tpu.memory_space<vmem>> -> memref<104xi32, #tpu.memory_space<vmem>>
      %dma_wait3A_3263 = arith.constant 0 : i32
      %dma_wait3A_3264 = tpu.memref_slice %arg8[%dma_wait3A_3263] : memref<1000064xi32, #tpu.memory_space<vmem_shared>> -> memref<1000064xi32, #tpu.memory_space<vmem_shared>>
      tpu.wait_indirect_dma semaphore(%arg24 : memref<!tpu.dma_semaphore, #tpu.memory_space<semaphore_mem>>) src(%dma_wait3A_3264 : memref<1000064xi32, #tpu.memory_space<vmem_shared>>) dst(%dma_wait3A_3259 : memref<104xi32, #tpu.memory_space<vmem>>)
      %broadcast_in_dim3A_3265 = arith.constant 0.000000e+00 : f32
      %broadcast_in_dim3A_3266 = vector.broadcast %broadcast_in_dim3A_3265 : f32 to vector<16xf32>
      %broadcast_in_dim3A_3267 = arith.constant 0.000000e+00 : f32
      %broadcast_in_dim3A_3268 = vector.broadcast %broadcast_in_dim3A_3267 : f32 to vector<16xf32>
      %get3A_3269 = arith.constant 13 : i32
      %get3A_3270 = arith.index_cast %get3A_3269 : i32 to index
      %get3A_3271 = arith.constant 0 : index
      %get3A_3272 = tpu.vector_load %arg7[%get3A_3270, %get3A_3271] {strides = array<i32>} : memref<16x208xi32, #tpu.memory_space<vmem>>, vector<16xi32>,
      %shift_left3A_3273 = arith.constant 16 : i32
      %shift_left3A_3274 = vector.broadcast %shift_left3A_3273 : i32 to vector<16xi32>
      %shift_left3A_3275 = arith.shli %get3A_3272, %shift_left3A_3274 : vector<16xi32>
      %bitcast_convert_type3A_3276 = tpu.bitcast %shift_left3A_3275 : vector<16xi32> -> vector<16xf32>
      %add3A_3277 = arith.addf %broadcast_in_dim3A_3266, %bitcast_convert_type3A_3276 : vector<16xf32>
      %and3A_3278 = arith.andi %get3A_3272, %broadcast_in_dim3A_328 : vector<16xi32>
      %bitcast_convert_type3A_3279 = tpu.bitcast %and3A_3278 : vector<16xi32> -> vector<16xf32>
      %add3A_3280 = arith.addf %broadcast_in_dim3A_3268, %bitcast_convert_type3A_3279 : vector<16xf32>
      %get3A_3281 = arith.constant 13 : i32
      %get3A_3282 = arith.index_cast %get3A_3281 : i32 to index
      %get3A_3283 = arith.constant 16 : index
      %get3A_3284 = tpu.vector_load %arg7[%get3A_3282, %get3A_3283] {strides = array<i32>} : memref<16x208xi32, #tpu.memory_space<vmem>>, vector<16xi32>,
      %shift_left3A_3285 = arith.constant 16 : i32
      %shift_left3A_3286 = vector.broadcast %shift_left3A_3285 : i32 to vector<16xi32>
      %shift_left3A_3287 = arith.shli %get3A_3284, %shift_left3A_3286 : vector<16xi32>
      %bitcast_convert_type3A_3288 = tpu.bitcast %shift_left3A_3287 : vector<16xi32> -> vector<16xf32>
      %add3A_3289 = arith.addf %add3A_3277, %bitcast_convert_type3A_3288 : vector<16xf32>
      %and3A_3290 = arith.andi %get3A_3284, %broadcast_in_dim3A_328 : vector<16xi32>
      %bitcast_convert_type3A_3291 = tpu.bitcast %and3A_3290 : vector<16xi32> -> vector<16xf32>
      %add3A_3292 = arith.addf %add3A_3280, %bitcast_convert_type3A_3291 : vector<16xf32>
      %get3A_3293 = arith.constant 13 : i32
      %get3A_3294 = arith.index_cast %get3A_3293 : i32 to index
      %get3A_3295 = arith.constant 32 : index
      %get3A_3296 = tpu.vector_load %arg7[%get3A_3294, %get3A_3295] {strides = array<i32>} : memref<16x208xi32, #tpu.memory_space<vmem>>, vector<16xi32>,
      %shift_left3A_3297 = arith.constant 16 : i32
      %shift_left3A_3298 = vector.broadcast %shift_left3A_3297 : i32 to vector<16xi32>
      %shift_left3A_3299 = arith.shli %get3A_3296, %shift_left3A_3298 : vector<16xi32>
      %bitcast_convert_type3A_3300 = tpu.bitcast %shift_left3A_3299 : vector<16xi32> -> vector<16xf32>
      %add3A_3301 = arith.addf %add3A_3289, %bitcast_convert_type3A_3300 : vector<16xf32>
      %and3A_3302 = arith.andi %get3A_3296, %broadcast_in_dim3A_328 : vector<16xi32>
      %bitcast_convert_type3A_3303 = tpu.bitcast %and3A_3302 : vector<16xi32> -> vector<16xf32>
      %add3A_3304 = arith.addf %add3A_3292, %bitcast_convert_type3A_3303 : vector<16xf32>
      %get3A_3305 = arith.constant 13 : i32
      %get3A_3306 = arith.index_cast %get3A_3305 : i32 to index
      %get3A_3307 = arith.constant 48 : index
      %get3A_3308 = tpu.vector_load %arg7[%get3A_3306, %get3A_3307] {strides = array<i32>} : memref<16x208xi32, #tpu.memory_space<vmem>>, vector<16xi32>,
      %shift_left3A_3309 = arith.constant 16 : i32
      %shift_left3A_3310 = vector.broadcast %shift_left3A_3309 : i32 to vector<16xi32>
      %shift_left3A_3311 = arith.shli %get3A_3308, %shift_left3A_3310 : vector<16xi32>
      %bitcast_convert_type3A_3312 = tpu.bitcast %shift_left3A_3311 : vector<16xi32> -> vector<16xf32>
      %add3A_3313 = arith.addf %add3A_3301, %bitcast_convert_type3A_3312 : vector<16xf32>
      %and3A_3314 = arith.andi %get3A_3308, %broadcast_in_dim3A_328 : vector<16xi32>
      %bitcast_convert_type3A_3315 = tpu.bitcast %and3A_3314 : vector<16xi32> -> vector<16xf32>
      %add3A_3316 = arith.addf %add3A_3304, %bitcast_convert_type3A_3315 : vector<16xf32>
      %get3A_3317 = arith.constant 13 : i32
      %get3A_3318 = arith.index_cast %get3A_3317 : i32 to index
      %get3A_3319 = arith.constant 64 : index
      %get3A_3320 = tpu.vector_load %arg7[%get3A_3318, %get3A_3319] {strides = array<i32>} : memref<16x208xi32, #tpu.memory_space<vmem>>, vector<16xi32>,
      %shift_left3A_3321 = arith.constant 16 : i32
      %shift_left3A_3322 = vector.broadcast %shift_left3A_3321 : i32 to vector<16xi32>
      %shift_left3A_3323 = arith.shli %get3A_3320, %shift_left3A_3322 : vector<16xi32>
      %bitcast_convert_type3A_3324 = tpu.bitcast %shift_left3A_3323 : vector<16xi32> -> vector<16xf32>
      %add3A_3325 = arith.addf %add3A_3313, %bitcast_convert_type3A_3324 : vector<16xf32>
      %and3A_3326 = arith.andi %get3A_3320, %broadcast_in_dim3A_328 : vector<16xi32>
      %bitcast_convert_type3A_3327 = tpu.bitcast %and3A_3326 : vector<16xi32> -> vector<16xf32>
      %add3A_3328 = arith.addf %add3A_3316, %bitcast_convert_type3A_3327 : vector<16xf32>
      %get3A_3329 = arith.constant 13 : i32
      %get3A_3330 = arith.index_cast %get3A_3329 : i32 to index
      %get3A_3331 = arith.constant 80 : index
      %get3A_3332 = tpu.vector_load %arg7[%get3A_3330, %get3A_3331] {strides = array<i32>} : memref<16x208xi32, #tpu.memory_space<vmem>>, vector<16xi32>,
      %shift_left3A_3333 = arith.constant 16 : i32
      %shift_left3A_3334 = vector.broadcast %shift_left3A_3333 : i32 to vector<16xi32>
      %shift_left3A_3335 = arith.shli %get3A_3332, %shift_left3A_3334 : vector<16xi32>
      %bitcast_convert_type3A_3336 = tpu.bitcast %shift_left3A_3335 : vector<16xi32> -> vector<16xf32>
      %add3A_3337 = arith.addf %add3A_3325, %bitcast_convert_type3A_3336 : vector<16xf32>
      %and3A_3338 = arith.andi %get3A_3332, %broadcast_in_dim3A_328 : vector<16xi32>
      %bitcast_convert_type3A_3339 = tpu.bitcast %and3A_3338 : vector<16xi32> -> vector<16xf32>
      %add3A_3340 = arith.addf %add3A_3328, %bitcast_convert_type3A_3339 : vector<16xf32>
      %get3A_3341 = arith.constant 13 : i32
      %get3A_3342 = arith.index_cast %get3A_3341 : i32 to index
      %get3A_3343 = arith.constant 96 : index
      %get3A_3344 = tpu.vector_load %arg7[%get3A_3342, %get3A_3343] {strides = array<i32>} : memref<16x208xi32, #tpu.memory_space<vmem>>, vector<16xi32>,
      %shift_left3A_3345 = arith.constant 16 : i32
      %shift_left3A_3346 = vector.broadcast %shift_left3A_3345 : i32 to vector<16xi32>
      %shift_left3A_3347 = arith.shli %get3A_3344, %shift_left3A_3346 : vector<16xi32>
      %bitcast_convert_type3A_3348 = tpu.bitcast %shift_left3A_3347 : vector<16xi32> -> vector<16xf32>
      %add3A_3349 = arith.addf %add3A_3337, %bitcast_convert_type3A_3348 : vector<16xf32>
      %and3A_3350 = arith.andi %get3A_3344, %broadcast_in_dim3A_328 : vector<16xi32>
      %bitcast_convert_type3A_3351 = tpu.bitcast %and3A_3350 : vector<16xi32> -> vector<16xf32>
      %add3A_3352 = arith.addf %add3A_3340, %bitcast_convert_type3A_3351 : vector<16xf32>
      %get3A_3353 = arith.constant 13 : i32
      %get3A_3354 = arith.index_cast %get3A_3353 : i32 to index
      %get3A_3355 = arith.constant 112 : index
      %get3A_3356 = tpu.vector_load %arg7[%get3A_3354, %get3A_3355] {strides = array<i32>} : memref<16x208xi32, #tpu.memory_space<vmem>>, vector<16xi32>,
      %shift_left3A_3357 = arith.constant 16 : i32
      %shift_left3A_3358 = vector.broadcast %shift_left3A_3357 : i32 to vector<16xi32>
      %shift_left3A_3359 = arith.shli %get3A_3356, %shift_left3A_3358 : vector<16xi32>
      %bitcast_convert_type3A_3360 = tpu.bitcast %shift_left3A_3359 : vector<16xi32> -> vector<16xf32>
      %add3A_3361 = arith.addf %add3A_3349, %bitcast_convert_type3A_3360 : vector<16xf32>
      %and3A_3362 = arith.andi %get3A_3356, %broadcast_in_dim3A_328 : vector<16xi32>
      %bitcast_convert_type3A_3363 = tpu.bitcast %and3A_3362 : vector<16xi32> -> vector<16xf32>
      %add3A_3364 = arith.addf %add3A_3352, %bitcast_convert_type3A_3363 : vector<16xf32>
      %get3A_3365 = arith.constant 13 : i32
      %get3A_3366 = arith.index_cast %get3A_3365 : i32 to index
      %get3A_3367 = arith.constant 128 : index
      %get3A_3368 = tpu.vector_load %arg7[%get3A_3366, %get3A_3367] {strides = array<i32>} : memref<16x208xi32, #tpu.memory_space<vmem>>, vector<16xi32>,
      %shift_left3A_3369 = arith.constant 16 : i32
      %shift_left3A_3370 = vector.broadcast %shift_left3A_3369 : i32 to vector<16xi32>
      %shift_left3A_3371 = arith.shli %get3A_3368, %shift_left3A_3370 : vector<16xi32>
      %bitcast_convert_type3A_3372 = tpu.bitcast %shift_left3A_3371 : vector<16xi32> -> vector<16xf32>
      %add3A_3373 = arith.addf %add3A_3361, %bitcast_convert_type3A_3372 : vector<16xf32>
      %and3A_3374 = arith.andi %get3A_3368, %broadcast_in_dim3A_328 : vector<16xi32>
      %bitcast_convert_type3A_3375 = tpu.bitcast %and3A_3374 : vector<16xi32> -> vector<16xf32>
      %add3A_3376 = arith.addf %add3A_3364, %bitcast_convert_type3A_3375 : vector<16xf32>
      %get3A_3377 = arith.constant 13 : i32
      %get3A_3378 = arith.index_cast %get3A_3377 : i32 to index
      %get3A_3379 = arith.constant 144 : index
      %get3A_3380 = tpu.vector_load %arg7[%get3A_3378, %get3A_3379] {strides = array<i32>} : memref<16x208xi32, #tpu.memory_space<vmem>>, vector<16xi32>,
      %shift_left3A_3381 = arith.constant 16 : i32
      %shift_left3A_3382 = vector.broadcast %shift_left3A_3381 : i32 to vector<16xi32>
      %shift_left3A_3383 = arith.shli %get3A_3380, %shift_left3A_3382 : vector<16xi32>
      %bitcast_convert_type3A_3384 = tpu.bitcast %shift_left3A_3383 : vector<16xi32> -> vector<16xf32>
      %add3A_3385 = arith.addf %add3A_3373, %bitcast_convert_type3A_3384 : vector<16xf32>
      %and3A_3386 = arith.andi %get3A_3380, %broadcast_in_dim3A_328 : vector<16xi32>
      %bitcast_convert_type3A_3387 = tpu.bitcast %and3A_3386 : vector<16xi32> -> vector<16xf32>
      %add3A_3388 = arith.addf %add3A_3376, %bitcast_convert_type3A_3387 : vector<16xf32>
      %get3A_3389 = arith.constant 13 : i32
      %get3A_3390 = arith.index_cast %get3A_3389 : i32 to index
      %get3A_3391 = arith.constant 160 : index
      %get3A_3392 = tpu.vector_load %arg7[%get3A_3390, %get3A_3391] {strides = array<i32>} : memref<16x208xi32, #tpu.memory_space<vmem>>, vector<16xi32>,
      %shift_left3A_3393 = arith.constant 16 : i32
      %shift_left3A_3394 = vector.broadcast %shift_left3A_3393 : i32 to vector<16xi32>
      %shift_left3A_3395 = arith.shli %get3A_3392, %shift_left3A_3394 : vector<16xi32>
      %bitcast_convert_type3A_3396 = tpu.bitcast %shift_left3A_3395 : vector<16xi32> -> vector<16xf32>
      %add3A_3397 = arith.addf %add3A_3385, %bitcast_convert_type3A_3396 : vector<16xf32>
      %and3A_3398 = arith.andi %get3A_3392, %broadcast_in_dim3A_328 : vector<16xi32>
      %bitcast_convert_type3A_3399 = tpu.bitcast %and3A_3398 : vector<16xi32> -> vector<16xf32>
      %add3A_3400 = arith.addf %add3A_3388, %bitcast_convert_type3A_3399 : vector<16xf32>
      %get3A_3401 = arith.constant 13 : i32
      %get3A_3402 = arith.index_cast %get3A_3401 : i32 to index
      %get3A_3403 = arith.constant 176 : index
      %get3A_3404 = tpu.vector_load %arg7[%get3A_3402, %get3A_3403] {strides = array<i32>} : memref<16x208xi32, #tpu.memory_space<vmem>>, vector<16xi32>,
      %shift_left3A_3405 = arith.constant 16 : i32
      %shift_left3A_3406 = vector.broadcast %shift_left3A_3405 : i32 to vector<16xi32>
      %shift_left3A_3407 = arith.shli %get3A_3404, %shift_left3A_3406 : vector<16xi32>
      %bitcast_convert_type3A_3408 = tpu.bitcast %shift_left3A_3407 : vector<16xi32> -> vector<16xf32>
      %add3A_3409 = arith.addf %add3A_3397, %bitcast_convert_type3A_3408 : vector<16xf32>
      %and3A_3410 = arith.andi %get3A_3404, %broadcast_in_dim3A_328 : vector<16xi32>
      %bitcast_convert_type3A_3411 = tpu.bitcast %and3A_3410 : vector<16xi32> -> vector<16xf32>
      %add3A_3412 = arith.addf %add3A_3400, %bitcast_convert_type3A_3411 : vector<16xf32>
      %get3A_3413 = arith.constant 13 : i32
      %get3A_3414 = arith.index_cast %get3A_3413 : i32 to index
      %get3A_3415 = arith.constant 192 : index
      %get3A_3416 = tpu.vector_load %arg7[%get3A_3414, %get3A_3415] {strides = array<i32>} : memref<16x208xi32, #tpu.memory_space<vmem>>, vector<16xi32>,
      %shift_left3A_3417 = arith.constant 16 : i32
      %shift_left3A_3418 = vector.broadcast %shift_left3A_3417 : i32 to vector<16xi32>
      %shift_left3A_3419 = arith.shli %get3A_3416, %shift_left3A_3418 : vector<16xi32>
      %bitcast_convert_type3A_3420 = tpu.bitcast %shift_left3A_3419 : vector<16xi32> -> vector<16xf32>
      %add3A_3421 = arith.addf %add3A_3409, %bitcast_convert_type3A_3420 : vector<16xf32>
      %and3A_3422 = arith.andi %get3A_3416, %broadcast_in_dim3A_328 : vector<16xi32>
      %bitcast_convert_type3A_3423 = tpu.bitcast %and3A_3422 : vector<16xi32> -> vector<16xf32>
      %add3A_3424 = arith.addf %add3A_3412, %bitcast_convert_type3A_3423 : vector<16xf32>
      %reduce_sum3A_3425 = arith.constant true
      %reduce_sum3A_3426 = vector.broadcast %reduce_sum3A_3425 : i1 to vector<16xi1>
      %reduce_sum3A_3427 = tpu.scan <sum>, %add3A_3421 masked %reduce_sum3A_3426 : vector<16xf32>, vector<16xi1> -> vector<16xf32>
      %reduce_sum3A_3428 = vector.extract %reduce_sum3A_3427[15] : f32 from vector<16xf32>
      %mul3A_3429 = arith.constant 5.000000e-03 : f32
      %mul3A_3430 = arith.mulf %reduce_sum3A_3428, %mul3A_3429 : f32
      %reduce_sum3A_3431 = arith.constant true
      %reduce_sum3A_3432 = vector.broadcast %reduce_sum3A_3431 : i1 to vector<16xi1>
      %reduce_sum3A_3433 = tpu.scan <sum>, %add3A_3424 masked %reduce_sum3A_3432 : vector<16xf32>, vector<16xi1> -> vector<16xf32>
      %reduce_sum3A_3434 = vector.extract %reduce_sum3A_3433[15] : f32 from vector<16xf32>
      %mul3A_3435 = arith.constant 5.000000e-03 : f32
      %mul3A_3436 = arith.mulf %reduce_sum3A_3434, %mul3A_3435 : f32
      %add3A_3437 = arith.constant 16 : i32
      %add3A_3438 = arith.addi %add3A_3240, %add3A_3437 : i32
      %lt3A_3439 = arith.constant 128 : i32
      %lt3A_3440 = arith.cmpi slt, %add3A_3438, %lt3A_3439 : i32
      %convert_element_type3A_3441 = arith.extui %lt3A_3440 : i1 to i32
      %cond3A_3442 = arith.constant 0 : i32
      %cond3A_3443 = arith.cmpi ne, %convert_element_type3A_3441, %cond3A_3442 : i32
      scf.if %cond3A_3443 {
        %add3A_3911 = arith.constant 16 : i32
        %add3A_3912 = arith.addi %add3A_3240, %add3A_3911 : i32
        %mul3A_3913 = arith.constant 2 : i32
        %mul3A_3914 = arith.muli %mul3A_3913, %add3A_3912 : i32
        %dma_start3A_3915 = arith.constant 13 : i32
        %dma_start3A_3916 = arith.constant 0 : i32
        %dma_start3A_3917 = tpu.memref_slice %arg7[%dma_start3A_3915, %dma_start3A_3916] : memref<16x208xi32, #tpu.memory_space<vmem>> -> memref<1x104xi32, #tpu.memory_space<vmem>>
        %dma_start3A_3918 = tpu.memref_squeeze %dma_start3A_3917 : memref<1x104xi32, #tpu.memory_space<vmem>> -> memref<104xi32, #tpu.memory_space<vmem>>
        %dma_start3A_3919 = arith.constant 0 : i32
        %dma_start3A_3920 = tpu.memref_slice %arg6[%mul3A_3914, %dma_start3A_3919] : memref<256x104xi32, #tpu.memory_space<vmem>> -> memref<1x104xi32, #tpu.memory_space<vmem>>
        %dma_start3A_3921 = tpu.memref_squeeze %dma_start3A_3920 : memref<1x104xi32, #tpu.memory_space<vmem>> -> memref<104xi32, #tpu.memory_space<vmem>>
        %dma_start3A_3922 = arith.constant 0 : i32
        %dma_start3A_3923 = tpu.memref_slice %arg8[%dma_start3A_3922] : memref<1000064xi32, #tpu.memory_space<vmem_shared>> -> memref<1000064xi32, #tpu.memory_space<vmem_shared>>
        tpu.enqueue_indirect_dma source(%dma_start3A_3923 : memref<1000064xi32, #tpu.memory_space<vmem_shared>>) target(%dma_start3A_3918 : memref<104xi32, #tpu.memory_space<vmem>>) offsets(%dma_start3A_3921 : memref<104xi32, #tpu.memory_space<vmem>>) semaphore(%arg24 : memref<!tpu.dma_semaphore, #tpu.memory_space<semaphore_mem>>)
        %mul3A_3924 = arith.constant 2 : i32
        %mul3A_3925 = arith.muli %mul3A_3924, %add3A_3912 : i32
        %add3A_3926 = arith.constant 1 : i32
        %add3A_3927 = arith.addi %mul3A_3925, %add3A_3926 : i32
        %dma_start3A_3928 = arith.constant 13 : i32
        %dma_start3A_3929 = arith.constant 104 : i32
        %dma_start3A_3930 = tpu.memref_slice %arg7[%dma_start3A_3928, %dma_start3A_3929] : memref<16x208xi32, #tpu.memory_space<vmem>> -> memref<1x104xi32, #tpu.memory_space<vmem>>
        %dma_start3A_3931 = tpu.memref_squeeze %dma_start3A_3930 : memref<1x104xi32, #tpu.memory_space<vmem>> -> memref<104xi32, #tpu.memory_space<vmem>>
        %dma_start3A_3932 = arith.constant 0 : i32
        %dma_start3A_3933 = tpu.memref_slice %arg6[%add3A_3927, %dma_start3A_3932] : memref<256x104xi32, #tpu.memory_space<vmem>> -> memref<1x104xi32, #tpu.memory_space<vmem>>
        %dma_start3A_3934 = tpu.memref_squeeze %dma_start3A_3933 : memref<1x104xi32, #tpu.memory_space<vmem>> -> memref<104xi32, #tpu.memory_space<vmem>>
        %dma_start3A_3935 = arith.constant 0 : i32
        %dma_start3A_3936 = tpu.memref_slice %arg8[%dma_start3A_3935] : memref<1000064xi32, #tpu.memory_space<vmem_shared>> -> memref<1000064xi32, #tpu.memory_space<vmem_shared>>
        tpu.enqueue_indirect_dma source(%dma_start3A_3936 : memref<1000064xi32, #tpu.memory_space<vmem_shared>>) target(%dma_start3A_3931 : memref<104xi32, #tpu.memory_space<vmem>>) offsets(%dma_start3A_3934 : memref<104xi32, #tpu.memory_space<vmem>>) semaphore(%arg24 : memref<!tpu.dma_semaphore, #tpu.memory_space<semaphore_mem>>)
      } else {
      }
      %eq3A_3444 = arith.constant 0 : i32
      %eq3A_3445 = vector.broadcast %eq3A_3444 : i32 to vector<16xi32>
      %eq3A_3446 = arith.cmpi eq, %iota3A, %eq3A_3445 : vector<16xi32>
      %eq3A_3447 = arith.constant 1 : i32
      %eq3A_3448 = vector.broadcast %eq3A_3447 : i32 to vector<16xi32>
      %eq3A_3449 = arith.cmpi eq, %iota3A, %eq3A_3448 : vector<16xi32>
      %jit3A_3450 = arith.constant 0.000000e+00 : f32
      %broadcast_in_dim3A_3451 = vector.broadcast %mul3A_3436 : f32 to vector<16xf32>
      %broadcast_in_dim3A_3452 = vector.broadcast %jit3A_3450 : f32 to vector<16xf32>
      %select_n3A_3453 = arith.select %eq3A_3449, %broadcast_in_dim3A_3451, %broadcast_in_dim3A_3452 : vector<16xi1>, vector<16xf32>
      %broadcast_in_dim3A_3454 = vector.broadcast %mul3A_3430 : f32 to vector<16xf32>
      %select_n3A_3455 = arith.select %eq3A_3446, %broadcast_in_dim3A_3454, %select_n3A_3453 : vector<16xi1>, vector<16xf32>
      %get3A_3456 = arith.constant 0 : index
      %get3A_3457 = tpu.vector_load %arg9[%get3A_3456] {strides = array<i32>} : memref<16xf32, #tpu.memory_space<vmem>>, vector<16xf32>,
      %add3A_3458 = arith.addf %select_n3A_3455, %get3A_3457 : vector<16xf32>
      %mul3A_3459 = arith.constant 2 : i32
      %mul3A_3460 = arith.muli %mul3A_3459, %add3A_3240 : i32
      %swap3A_3461 = arith.index_cast %mul3A_3460 : i32 to index
      %swap3A_3462 = tpu.vector_load %arg10[%swap3A_3461] {strides = array<i32>} : memref<272xf32, #tpu.memory_space<vmem>>, vector<16xf32>,
      tpu.vector_store %arg10[%swap3A_3461], %add3A_3458 {strides = array<i32>} : memref<272xf32, #tpu.memory_space<vmem>>, vector<16xf32>,
      %add3A_3463 = arith.constant 14 : i32
      %add3A_3464 = arith.addi %add3A_339, %add3A_3463 : i32
      %mul3A_3465 = arith.constant 2 : i32
      %mul3A_3466 = arith.muli %mul3A_3465, %add3A_3464 : i32
      %dma_wait3A_3467 = arith.constant 14 : i32
      %dma_wait3A_3468 = arith.constant 0 : i32
      %dma_wait3A_3469 = tpu.memref_slice %arg7[%dma_wait3A_3467, %dma_wait3A_3468] : memref<16x208xi32, #tpu.memory_space<vmem>> -> memref<1x104xi32, #tpu.memory_space<vmem>>
      %dma_wait3A_3470 = tpu.memref_squeeze %dma_wait3A_3469 : memref<1x104xi32, #tpu.memory_space<vmem>> -> memref<104xi32, #tpu.memory_space<vmem>>
      %dma_wait3A_3471 = arith.constant 0 : i32
      %dma_wait3A_3472 = tpu.memref_slice %arg6[%mul3A_3466, %dma_wait3A_3471] : memref<256x104xi32, #tpu.memory_space<vmem>> -> memref<1x104xi32, #tpu.memory_space<vmem>>
      %dma_wait3A_3473 = tpu.memref_squeeze %dma_wait3A_3472 : memref<1x104xi32, #tpu.memory_space<vmem>> -> memref<104xi32, #tpu.memory_space<vmem>>
      %dma_wait3A_3474 = arith.constant 0 : i32
      %dma_wait3A_3475 = tpu.memref_slice %arg8[%dma_wait3A_3474] : memref<1000064xi32, #tpu.memory_space<vmem_shared>> -> memref<1000064xi32, #tpu.memory_space<vmem_shared>>
      tpu.wait_indirect_dma semaphore(%arg25 : memref<!tpu.dma_semaphore, #tpu.memory_space<semaphore_mem>>) src(%dma_wait3A_3475 : memref<1000064xi32, #tpu.memory_space<vmem_shared>>) dst(%dma_wait3A_3470 : memref<104xi32, #tpu.memory_space<vmem>>)
      %mul3A_3476 = arith.constant 2 : i32
      %mul3A_3477 = arith.muli %mul3A_3476, %add3A_3464 : i32
      %add3A_3478 = arith.constant 1 : i32
      %add3A_3479 = arith.addi %mul3A_3477, %add3A_3478 : i32
      %dma_wait3A_3480 = arith.constant 14 : i32
      %dma_wait3A_3481 = arith.constant 104 : i32
      %dma_wait3A_3482 = tpu.memref_slice %arg7[%dma_wait3A_3480, %dma_wait3A_3481] : memref<16x208xi32, #tpu.memory_space<vmem>> -> memref<1x104xi32, #tpu.memory_space<vmem>>
      %dma_wait3A_3483 = tpu.memref_squeeze %dma_wait3A_3482 : memref<1x104xi32, #tpu.memory_space<vmem>> -> memref<104xi32, #tpu.memory_space<vmem>>
      %dma_wait3A_3484 = arith.constant 0 : i32
      %dma_wait3A_3485 = tpu.memref_slice %arg6[%add3A_3479, %dma_wait3A_3484] : memref<256x104xi32, #tpu.memory_space<vmem>> -> memref<1x104xi32, #tpu.memory_space<vmem>>
      %dma_wait3A_3486 = tpu.memref_squeeze %dma_wait3A_3485 : memref<1x104xi32, #tpu.memory_space<vmem>> -> memref<104xi32, #tpu.memory_space<vmem>>
      %dma_wait3A_3487 = arith.constant 0 : i32
      %dma_wait3A_3488 = tpu.memref_slice %arg8[%dma_wait3A_3487] : memref<1000064xi32, #tpu.memory_space<vmem_shared>> -> memref<1000064xi32, #tpu.memory_space<vmem_shared>>
      tpu.wait_indirect_dma semaphore(%arg25 : memref<!tpu.dma_semaphore, #tpu.memory_space<semaphore_mem>>) src(%dma_wait3A_3488 : memref<1000064xi32, #tpu.memory_space<vmem_shared>>) dst(%dma_wait3A_3483 : memref<104xi32, #tpu.memory_space<vmem>>)
      %broadcast_in_dim3A_3489 = arith.constant 0.000000e+00 : f32
      %broadcast_in_dim3A_3490 = vector.broadcast %broadcast_in_dim3A_3489 : f32 to vector<16xf32>
      %broadcast_in_dim3A_3491 = arith.constant 0.000000e+00 : f32
      %broadcast_in_dim3A_3492 = vector.broadcast %broadcast_in_dim3A_3491 : f32 to vector<16xf32>
      %get3A_3493 = arith.constant 14 : i32
      %get3A_3494 = arith.index_cast %get3A_3493 : i32 to index
      %get3A_3495 = arith.constant 0 : index
      %get3A_3496 = tpu.vector_load %arg7[%get3A_3494, %get3A_3495] {strides = array<i32>} : memref<16x208xi32, #tpu.memory_space<vmem>>, vector<16xi32>,
      %shift_left3A_3497 = arith.constant 16 : i32
      %shift_left3A_3498 = vector.broadcast %shift_left3A_3497 : i32 to vector<16xi32>
      %shift_left3A_3499 = arith.shli %get3A_3496, %shift_left3A_3498 : vector<16xi32>
      %bitcast_convert_type3A_3500 = tpu.bitcast %shift_left3A_3499 : vector<16xi32> -> vector<16xf32>
      %add3A_3501 = arith.addf %broadcast_in_dim3A_3490, %bitcast_convert_type3A_3500 : vector<16xf32>
      %and3A_3502 = arith.andi %get3A_3496, %broadcast_in_dim3A_328 : vector<16xi32>
      %bitcast_convert_type3A_3503 = tpu.bitcast %and3A_3502 : vector<16xi32> -> vector<16xf32>
      %add3A_3504 = arith.addf %broadcast_in_dim3A_3492, %bitcast_convert_type3A_3503 : vector<16xf32>
      %get3A_3505 = arith.constant 14 : i32
      %get3A_3506 = arith.index_cast %get3A_3505 : i32 to index
      %get3A_3507 = arith.constant 16 : index
      %get3A_3508 = tpu.vector_load %arg7[%get3A_3506, %get3A_3507] {strides = array<i32>} : memref<16x208xi32, #tpu.memory_space<vmem>>, vector<16xi32>,
      %shift_left3A_3509 = arith.constant 16 : i32
      %shift_left3A_3510 = vector.broadcast %shift_left3A_3509 : i32 to vector<16xi32>
      %shift_left3A_3511 = arith.shli %get3A_3508, %shift_left3A_3510 : vector<16xi32>
      %bitcast_convert_type3A_3512 = tpu.bitcast %shift_left3A_3511 : vector<16xi32> -> vector<16xf32>
      %add3A_3513 = arith.addf %add3A_3501, %bitcast_convert_type3A_3512 : vector<16xf32>
      %and3A_3514 = arith.andi %get3A_3508, %broadcast_in_dim3A_328 : vector<16xi32>
      %bitcast_convert_type3A_3515 = tpu.bitcast %and3A_3514 : vector<16xi32> -> vector<16xf32>
      %add3A_3516 = arith.addf %add3A_3504, %bitcast_convert_type3A_3515 : vector<16xf32>
      %get3A_3517 = arith.constant 14 : i32
      %get3A_3518 = arith.index_cast %get3A_3517 : i32 to index
      %get3A_3519 = arith.constant 32 : index
      %get3A_3520 = tpu.vector_load %arg7[%get3A_3518, %get3A_3519] {strides = array<i32>} : memref<16x208xi32, #tpu.memory_space<vmem>>, vector<16xi32>,
      %shift_left3A_3521 = arith.constant 16 : i32
      %shift_left3A_3522 = vector.broadcast %shift_left3A_3521 : i32 to vector<16xi32>
      %shift_left3A_3523 = arith.shli %get3A_3520, %shift_left3A_3522 : vector<16xi32>
      %bitcast_convert_type3A_3524 = tpu.bitcast %shift_left3A_3523 : vector<16xi32> -> vector<16xf32>
      %add3A_3525 = arith.addf %add3A_3513, %bitcast_convert_type3A_3524 : vector<16xf32>
      %and3A_3526 = arith.andi %get3A_3520, %broadcast_in_dim3A_328 : vector<16xi32>
      %bitcast_convert_type3A_3527 = tpu.bitcast %and3A_3526 : vector<16xi32> -> vector<16xf32>
      %add3A_3528 = arith.addf %add3A_3516, %bitcast_convert_type3A_3527 : vector<16xf32>
      %get3A_3529 = arith.constant 14 : i32
      %get3A_3530 = arith.index_cast %get3A_3529 : i32 to index
      %get3A_3531 = arith.constant 48 : index
      %get3A_3532 = tpu.vector_load %arg7[%get3A_3530, %get3A_3531] {strides = array<i32>} : memref<16x208xi32, #tpu.memory_space<vmem>>, vector<16xi32>,
      %shift_left3A_3533 = arith.constant 16 : i32
      %shift_left3A_3534 = vector.broadcast %shift_left3A_3533 : i32 to vector<16xi32>
      %shift_left3A_3535 = arith.shli %get3A_3532, %shift_left3A_3534 : vector<16xi32>
      %bitcast_convert_type3A_3536 = tpu.bitcast %shift_left3A_3535 : vector<16xi32> -> vector<16xf32>
      %add3A_3537 = arith.addf %add3A_3525, %bitcast_convert_type3A_3536 : vector<16xf32>
      %and3A_3538 = arith.andi %get3A_3532, %broadcast_in_dim3A_328 : vector<16xi32>
      %bitcast_convert_type3A_3539 = tpu.bitcast %and3A_3538 : vector<16xi32> -> vector<16xf32>
      %add3A_3540 = arith.addf %add3A_3528, %bitcast_convert_type3A_3539 : vector<16xf32>
      %get3A_3541 = arith.constant 14 : i32
      %get3A_3542 = arith.index_cast %get3A_3541 : i32 to index
      %get3A_3543 = arith.constant 64 : index
      %get3A_3544 = tpu.vector_load %arg7[%get3A_3542, %get3A_3543] {strides = array<i32>} : memref<16x208xi32, #tpu.memory_space<vmem>>, vector<16xi32>,
      %shift_left3A_3545 = arith.constant 16 : i32
      %shift_left3A_3546 = vector.broadcast %shift_left3A_3545 : i32 to vector<16xi32>
      %shift_left3A_3547 = arith.shli %get3A_3544, %shift_left3A_3546 : vector<16xi32>
      %bitcast_convert_type3A_3548 = tpu.bitcast %shift_left3A_3547 : vector<16xi32> -> vector<16xf32>
      %add3A_3549 = arith.addf %add3A_3537, %bitcast_convert_type3A_3548 : vector<16xf32>
      %and3A_3550 = arith.andi %get3A_3544, %broadcast_in_dim3A_328 : vector<16xi32>
      %bitcast_convert_type3A_3551 = tpu.bitcast %and3A_3550 : vector<16xi32> -> vector<16xf32>
      %add3A_3552 = arith.addf %add3A_3540, %bitcast_convert_type3A_3551 : vector<16xf32>
      %get3A_3553 = arith.constant 14 : i32
      %get3A_3554 = arith.index_cast %get3A_3553 : i32 to index
      %get3A_3555 = arith.constant 80 : index
      %get3A_3556 = tpu.vector_load %arg7[%get3A_3554, %get3A_3555] {strides = array<i32>} : memref<16x208xi32, #tpu.memory_space<vmem>>, vector<16xi32>,
      %shift_left3A_3557 = arith.constant 16 : i32
      %shift_left3A_3558 = vector.broadcast %shift_left3A_3557 : i32 to vector<16xi32>
      %shift_left3A_3559 = arith.shli %get3A_3556, %shift_left3A_3558 : vector<16xi32>
      %bitcast_convert_type3A_3560 = tpu.bitcast %shift_left3A_3559 : vector<16xi32> -> vector<16xf32>
      %add3A_3561 = arith.addf %add3A_3549, %bitcast_convert_type3A_3560 : vector<16xf32>
      %and3A_3562 = arith.andi %get3A_3556, %broadcast_in_dim3A_328 : vector<16xi32>
      %bitcast_convert_type3A_3563 = tpu.bitcast %and3A_3562 : vector<16xi32> -> vector<16xf32>
      %add3A_3564 = arith.addf %add3A_3552, %bitcast_convert_type3A_3563 : vector<16xf32>
      %get3A_3565 = arith.constant 14 : i32
      %get3A_3566 = arith.index_cast %get3A_3565 : i32 to index
      %get3A_3567 = arith.constant 96 : index
      %get3A_3568 = tpu.vector_load %arg7[%get3A_3566, %get3A_3567] {strides = array<i32>} : memref<16x208xi32, #tpu.memory_space<vmem>>, vector<16xi32>,
      %shift_left3A_3569 = arith.constant 16 : i32
      %shift_left3A_3570 = vector.broadcast %shift_left3A_3569 : i32 to vector<16xi32>
      %shift_left3A_3571 = arith.shli %get3A_3568, %shift_left3A_3570 : vector<16xi32>
      %bitcast_convert_type3A_3572 = tpu.bitcast %shift_left3A_3571 : vector<16xi32> -> vector<16xf32>
      %add3A_3573 = arith.addf %add3A_3561, %bitcast_convert_type3A_3572 : vector<16xf32>
      %and3A_3574 = arith.andi %get3A_3568, %broadcast_in_dim3A_328 : vector<16xi32>
      %bitcast_convert_type3A_3575 = tpu.bitcast %and3A_3574 : vector<16xi32> -> vector<16xf32>
      %add3A_3576 = arith.addf %add3A_3564, %bitcast_convert_type3A_3575 : vector<16xf32>
      %get3A_3577 = arith.constant 14 : i32
      %get3A_3578 = arith.index_cast %get3A_3577 : i32 to index
      %get3A_3579 = arith.constant 112 : index
      %get3A_3580 = tpu.vector_load %arg7[%get3A_3578, %get3A_3579] {strides = array<i32>} : memref<16x208xi32, #tpu.memory_space<vmem>>, vector<16xi32>,
      %shift_left3A_3581 = arith.constant 16 : i32
      %shift_left3A_3582 = vector.broadcast %shift_left3A_3581 : i32 to vector<16xi32>
      %shift_left3A_3583 = arith.shli %get3A_3580, %shift_left3A_3582 : vector<16xi32>
      %bitcast_convert_type3A_3584 = tpu.bitcast %shift_left3A_3583 : vector<16xi32> -> vector<16xf32>
      %add3A_3585 = arith.addf %add3A_3573, %bitcast_convert_type3A_3584 : vector<16xf32>
      %and3A_3586 = arith.andi %get3A_3580, %broadcast_in_dim3A_328 : vector<16xi32>
      %bitcast_convert_type3A_3587 = tpu.bitcast %and3A_3586 : vector<16xi32> -> vector<16xf32>
      %add3A_3588 = arith.addf %add3A_3576, %bitcast_convert_type3A_3587 : vector<16xf32>
      %get3A_3589 = arith.constant 14 : i32
      %get3A_3590 = arith.index_cast %get3A_3589 : i32 to index
      %get3A_3591 = arith.constant 128 : index
      %get3A_3592 = tpu.vector_load %arg7[%get3A_3590, %get3A_3591] {strides = array<i32>} : memref<16x208xi32, #tpu.memory_space<vmem>>, vector<16xi32>,
      %shift_left3A_3593 = arith.constant 16 : i32
      %shift_left3A_3594 = vector.broadcast %shift_left3A_3593 : i32 to vector<16xi32>
      %shift_left3A_3595 = arith.shli %get3A_3592, %shift_left3A_3594 : vector<16xi32>
      %bitcast_convert_type3A_3596 = tpu.bitcast %shift_left3A_3595 : vector<16xi32> -> vector<16xf32>
      %add3A_3597 = arith.addf %add3A_3585, %bitcast_convert_type3A_3596 : vector<16xf32>
      %and3A_3598 = arith.andi %get3A_3592, %broadcast_in_dim3A_328 : vector<16xi32>
      %bitcast_convert_type3A_3599 = tpu.bitcast %and3A_3598 : vector<16xi32> -> vector<16xf32>
      %add3A_3600 = arith.addf %add3A_3588, %bitcast_convert_type3A_3599 : vector<16xf32>
      %get3A_3601 = arith.constant 14 : i32
      %get3A_3602 = arith.index_cast %get3A_3601 : i32 to index
      %get3A_3603 = arith.constant 144 : index
      %get3A_3604 = tpu.vector_load %arg7[%get3A_3602, %get3A_3603] {strides = array<i32>} : memref<16x208xi32, #tpu.memory_space<vmem>>, vector<16xi32>,
      %shift_left3A_3605 = arith.constant 16 : i32
      %shift_left3A_3606 = vector.broadcast %shift_left3A_3605 : i32 to vector<16xi32>
      %shift_left3A_3607 = arith.shli %get3A_3604, %shift_left3A_3606 : vector<16xi32>
      %bitcast_convert_type3A_3608 = tpu.bitcast %shift_left3A_3607 : vector<16xi32> -> vector<16xf32>
      %add3A_3609 = arith.addf %add3A_3597, %bitcast_convert_type3A_3608 : vector<16xf32>
      %and3A_3610 = arith.andi %get3A_3604, %broadcast_in_dim3A_328 : vector<16xi32>
      %bitcast_convert_type3A_3611 = tpu.bitcast %and3A_3610 : vector<16xi32> -> vector<16xf32>
      %add3A_3612 = arith.addf %add3A_3600, %bitcast_convert_type3A_3611 : vector<16xf32>
      %get3A_3613 = arith.constant 14 : i32
      %get3A_3614 = arith.index_cast %get3A_3613 : i32 to index
      %get3A_3615 = arith.constant 160 : index
      %get3A_3616 = tpu.vector_load %arg7[%get3A_3614, %get3A_3615] {strides = array<i32>} : memref<16x208xi32, #tpu.memory_space<vmem>>, vector<16xi32>,
      %shift_left3A_3617 = arith.constant 16 : i32
      %shift_left3A_3618 = vector.broadcast %shift_left3A_3617 : i32 to vector<16xi32>
      %shift_left3A_3619 = arith.shli %get3A_3616, %shift_left3A_3618 : vector<16xi32>
      %bitcast_convert_type3A_3620 = tpu.bitcast %shift_left3A_3619 : vector<16xi32> -> vector<16xf32>
      %add3A_3621 = arith.addf %add3A_3609, %bitcast_convert_type3A_3620 : vector<16xf32>
      %and3A_3622 = arith.andi %get3A_3616, %broadcast_in_dim3A_328 : vector<16xi32>
      %bitcast_convert_type3A_3623 = tpu.bitcast %and3A_3622 : vector<16xi32> -> vector<16xf32>
      %add3A_3624 = arith.addf %add3A_3612, %bitcast_convert_type3A_3623 : vector<16xf32>
      %get3A_3625 = arith.constant 14 : i32
      %get3A_3626 = arith.index_cast %get3A_3625 : i32 to index
      %get3A_3627 = arith.constant 176 : index
      %get3A_3628 = tpu.vector_load %arg7[%get3A_3626, %get3A_3627] {strides = array<i32>} : memref<16x208xi32, #tpu.memory_space<vmem>>, vector<16xi32>,
      %shift_left3A_3629 = arith.constant 16 : i32
      %shift_left3A_3630 = vector.broadcast %shift_left3A_3629 : i32 to vector<16xi32>
      %shift_left3A_3631 = arith.shli %get3A_3628, %shift_left3A_3630 : vector<16xi32>
      %bitcast_convert_type3A_3632 = tpu.bitcast %shift_left3A_3631 : vector<16xi32> -> vector<16xf32>
      %add3A_3633 = arith.addf %add3A_3621, %bitcast_convert_type3A_3632 : vector<16xf32>
      %and3A_3634 = arith.andi %get3A_3628, %broadcast_in_dim3A_328 : vector<16xi32>
      %bitcast_convert_type3A_3635 = tpu.bitcast %and3A_3634 : vector<16xi32> -> vector<16xf32>
      %add3A_3636 = arith.addf %add3A_3624, %bitcast_convert_type3A_3635 : vector<16xf32>
      %get3A_3637 = arith.constant 14 : i32
      %get3A_3638 = arith.index_cast %get3A_3637 : i32 to index
      %get3A_3639 = arith.constant 192 : index
      %get3A_3640 = tpu.vector_load %arg7[%get3A_3638, %get3A_3639] {strides = array<i32>} : memref<16x208xi32, #tpu.memory_space<vmem>>, vector<16xi32>,
      %shift_left3A_3641 = arith.constant 16 : i32
      %shift_left3A_3642 = vector.broadcast %shift_left3A_3641 : i32 to vector<16xi32>
      %shift_left3A_3643 = arith.shli %get3A_3640, %shift_left3A_3642 : vector<16xi32>
      %bitcast_convert_type3A_3644 = tpu.bitcast %shift_left3A_3643 : vector<16xi32> -> vector<16xf32>
      %add3A_3645 = arith.addf %add3A_3633, %bitcast_convert_type3A_3644 : vector<16xf32>
      %and3A_3646 = arith.andi %get3A_3640, %broadcast_in_dim3A_328 : vector<16xi32>
      %bitcast_convert_type3A_3647 = tpu.bitcast %and3A_3646 : vector<16xi32> -> vector<16xf32>
      %add3A_3648 = arith.addf %add3A_3636, %bitcast_convert_type3A_3647 : vector<16xf32>
      %reduce_sum3A_3649 = arith.constant true
      %reduce_sum3A_3650 = vector.broadcast %reduce_sum3A_3649 : i1 to vector<16xi1>
      %reduce_sum3A_3651 = tpu.scan <sum>, %add3A_3645 masked %reduce_sum3A_3650 : vector<16xf32>, vector<16xi1> -> vector<16xf32>
      %reduce_sum3A_3652 = vector.extract %reduce_sum3A_3651[15] : f32 from vector<16xf32>
      %mul3A_3653 = arith.constant 5.000000e-03 : f32
      %mul3A_3654 = arith.mulf %reduce_sum3A_3652, %mul3A_3653 : f32
      %reduce_sum3A_3655 = arith.constant true
      %reduce_sum3A_3656 = vector.broadcast %reduce_sum3A_3655 : i1 to vector<16xi1>
      %reduce_sum3A_3657 = tpu.scan <sum>, %add3A_3648 masked %reduce_sum3A_3656 : vector<16xf32>, vector<16xi1> -> vector<16xf32>
      %reduce_sum3A_3658 = vector.extract %reduce_sum3A_3657[15] : f32 from vector<16xf32>
      %mul3A_3659 = arith.constant 5.000000e-03 : f32
      %mul3A_3660 = arith.mulf %reduce_sum3A_3658, %mul3A_3659 : f32
      %add3A_3661 = arith.constant 16 : i32
      %add3A_3662 = arith.addi %add3A_3464, %add3A_3661 : i32
      %lt3A_3663 = arith.constant 128 : i32
      %lt3A_3664 = arith.cmpi slt, %add3A_3662, %lt3A_3663 : i32
      %convert_element_type3A_3665 = arith.extui %lt3A_3664 : i1 to i32
      %cond3A_3666 = arith.constant 0 : i32
      %cond3A_3667 = arith.cmpi ne, %convert_element_type3A_3665, %cond3A_3666 : i32
      scf.if %cond3A_3667 {
        %add3A_3911 = arith.constant 16 : i32
        %add3A_3912 = arith.addi %add3A_3464, %add3A_3911 : i32
        %mul3A_3913 = arith.constant 2 : i32
        %mul3A_3914 = arith.muli %mul3A_3913, %add3A_3912 : i32
        %dma_start3A_3915 = arith.constant 14 : i32
        %dma_start3A_3916 = arith.constant 0 : i32
        %dma_start3A_3917 = tpu.memref_slice %arg7[%dma_start3A_3915, %dma_start3A_3916] : memref<16x208xi32, #tpu.memory_space<vmem>> -> memref<1x104xi32, #tpu.memory_space<vmem>>
        %dma_start3A_3918 = tpu.memref_squeeze %dma_start3A_3917 : memref<1x104xi32, #tpu.memory_space<vmem>> -> memref<104xi32, #tpu.memory_space<vmem>>
        %dma_start3A_3919 = arith.constant 0 : i32
        %dma_start3A_3920 = tpu.memref_slice %arg6[%mul3A_3914, %dma_start3A_3919] : memref<256x104xi32, #tpu.memory_space<vmem>> -> memref<1x104xi32, #tpu.memory_space<vmem>>
        %dma_start3A_3921 = tpu.memref_squeeze %dma_start3A_3920 : memref<1x104xi32, #tpu.memory_space<vmem>> -> memref<104xi32, #tpu.memory_space<vmem>>
        %dma_start3A_3922 = arith.constant 0 : i32
        %dma_start3A_3923 = tpu.memref_slice %arg8[%dma_start3A_3922] : memref<1000064xi32, #tpu.memory_space<vmem_shared>> -> memref<1000064xi32, #tpu.memory_space<vmem_shared>>
        tpu.enqueue_indirect_dma source(%dma_start3A_3923 : memref<1000064xi32, #tpu.memory_space<vmem_shared>>) target(%dma_start3A_3918 : memref<104xi32, #tpu.memory_space<vmem>>) offsets(%dma_start3A_3921 : memref<104xi32, #tpu.memory_space<vmem>>) semaphore(%arg25 : memref<!tpu.dma_semaphore, #tpu.memory_space<semaphore_mem>>)
        %mul3A_3924 = arith.constant 2 : i32
        %mul3A_3925 = arith.muli %mul3A_3924, %add3A_3912 : i32
        %add3A_3926 = arith.constant 1 : i32
        %add3A_3927 = arith.addi %mul3A_3925, %add3A_3926 : i32
        %dma_start3A_3928 = arith.constant 14 : i32
        %dma_start3A_3929 = arith.constant 104 : i32
        %dma_start3A_3930 = tpu.memref_slice %arg7[%dma_start3A_3928, %dma_start3A_3929] : memref<16x208xi32, #tpu.memory_space<vmem>> -> memref<1x104xi32, #tpu.memory_space<vmem>>
        %dma_start3A_3931 = tpu.memref_squeeze %dma_start3A_3930 : memref<1x104xi32, #tpu.memory_space<vmem>> -> memref<104xi32, #tpu.memory_space<vmem>>
        %dma_start3A_3932 = arith.constant 0 : i32
        %dma_start3A_3933 = tpu.memref_slice %arg6[%add3A_3927, %dma_start3A_3932] : memref<256x104xi32, #tpu.memory_space<vmem>> -> memref<1x104xi32, #tpu.memory_space<vmem>>
        %dma_start3A_3934 = tpu.memref_squeeze %dma_start3A_3933 : memref<1x104xi32, #tpu.memory_space<vmem>> -> memref<104xi32, #tpu.memory_space<vmem>>
        %dma_start3A_3935 = arith.constant 0 : i32
        %dma_start3A_3936 = tpu.memref_slice %arg8[%dma_start3A_3935] : memref<1000064xi32, #tpu.memory_space<vmem_shared>> -> memref<1000064xi32, #tpu.memory_space<vmem_shared>>
        tpu.enqueue_indirect_dma source(%dma_start3A_3936 : memref<1000064xi32, #tpu.memory_space<vmem_shared>>) target(%dma_start3A_3931 : memref<104xi32, #tpu.memory_space<vmem>>) offsets(%dma_start3A_3934 : memref<104xi32, #tpu.memory_space<vmem>>) semaphore(%arg25 : memref<!tpu.dma_semaphore, #tpu.memory_space<semaphore_mem>>)
      } else {
      }
      %eq3A_3668 = arith.constant 0 : i32
      %eq3A_3669 = vector.broadcast %eq3A_3668 : i32 to vector<16xi32>
      %eq3A_3670 = arith.cmpi eq, %iota3A, %eq3A_3669 : vector<16xi32>
      %eq3A_3671 = arith.constant 1 : i32
      %eq3A_3672 = vector.broadcast %eq3A_3671 : i32 to vector<16xi32>
      %eq3A_3673 = arith.cmpi eq, %iota3A, %eq3A_3672 : vector<16xi32>
      %jit3A_3674 = arith.constant 0.000000e+00 : f32
      %broadcast_in_dim3A_3675 = vector.broadcast %mul3A_3660 : f32 to vector<16xf32>
      %broadcast_in_dim3A_3676 = vector.broadcast %jit3A_3674 : f32 to vector<16xf32>
      %select_n3A_3677 = arith.select %eq3A_3673, %broadcast_in_dim3A_3675, %broadcast_in_dim3A_3676 : vector<16xi1>, vector<16xf32>
      %broadcast_in_dim3A_3678 = vector.broadcast %mul3A_3654 : f32 to vector<16xf32>
      %select_n3A_3679 = arith.select %eq3A_3670, %broadcast_in_dim3A_3678, %select_n3A_3677 : vector<16xi1>, vector<16xf32>
      %get3A_3680 = arith.constant 0 : index
      %get3A_3681 = tpu.vector_load %arg9[%get3A_3680] {strides = array<i32>} : memref<16xf32, #tpu.memory_space<vmem>>, vector<16xf32>,
      %add3A_3682 = arith.addf %select_n3A_3679, %get3A_3681 : vector<16xf32>
      %mul3A_3683 = arith.constant 2 : i32
      %mul3A_3684 = arith.muli %mul3A_3683, %add3A_3464 : i32
      %swap3A_3685 = arith.index_cast %mul3A_3684 : i32 to index
      %swap3A_3686 = tpu.vector_load %arg10[%swap3A_3685] {strides = array<i32>} : memref<272xf32, #tpu.memory_space<vmem>>, vector<16xf32>,
      tpu.vector_store %arg10[%swap3A_3685], %add3A_3682 {strides = array<i32>} : memref<272xf32, #tpu.memory_space<vmem>>, vector<16xf32>,
      %add3A_3687 = arith.constant 15 : i32
      %add3A_3688 = arith.addi %add3A_339, %add3A_3687 : i32
      %mul3A_3689 = arith.constant 2 : i32
      %mul3A_3690 = arith.muli %mul3A_3689, %add3A_3688 : i32
      %dma_wait3A_3691 = arith.constant 15 : i32
      %dma_wait3A_3692 = arith.constant 0 : i32
      %dma_wait3A_3693 = tpu.memref_slice %arg7[%dma_wait3A_3691, %dma_wait3A_3692] : memref<16x208xi32, #tpu.memory_space<vmem>> -> memref<1x104xi32, #tpu.memory_space<vmem>>
      %dma_wait3A_3694 = tpu.memref_squeeze %dma_wait3A_3693 : memref<1x104xi32, #tpu.memory_space<vmem>> -> memref<104xi32, #tpu.memory_space<vmem>>
      %dma_wait3A_3695 = arith.constant 0 : i32
      %dma_wait3A_3696 = tpu.memref_slice %arg6[%mul3A_3690, %dma_wait3A_3695] : memref<256x104xi32, #tpu.memory_space<vmem>> -> memref<1x104xi32, #tpu.memory_space<vmem>>
      %dma_wait3A_3697 = tpu.memref_squeeze %dma_wait3A_3696 : memref<1x104xi32, #tpu.memory_space<vmem>> -> memref<104xi32, #tpu.memory_space<vmem>>
      %dma_wait3A_3698 = arith.constant 0 : i32
      %dma_wait3A_3699 = tpu.memref_slice %arg8[%dma_wait3A_3698] : memref<1000064xi32, #tpu.memory_space<vmem_shared>> -> memref<1000064xi32, #tpu.memory_space<vmem_shared>>
      tpu.wait_indirect_dma semaphore(%arg26 : memref<!tpu.dma_semaphore, #tpu.memory_space<semaphore_mem>>) src(%dma_wait3A_3699 : memref<1000064xi32, #tpu.memory_space<vmem_shared>>) dst(%dma_wait3A_3694 : memref<104xi32, #tpu.memory_space<vmem>>)
      %mul3A_3700 = arith.constant 2 : i32
      %mul3A_3701 = arith.muli %mul3A_3700, %add3A_3688 : i32
      %add3A_3702 = arith.constant 1 : i32
      %add3A_3703 = arith.addi %mul3A_3701, %add3A_3702 : i32
      %dma_wait3A_3704 = arith.constant 15 : i32
      %dma_wait3A_3705 = arith.constant 104 : i32
      %dma_wait3A_3706 = tpu.memref_slice %arg7[%dma_wait3A_3704, %dma_wait3A_3705] : memref<16x208xi32, #tpu.memory_space<vmem>> -> memref<1x104xi32, #tpu.memory_space<vmem>>
      %dma_wait3A_3707 = tpu.memref_squeeze %dma_wait3A_3706 : memref<1x104xi32, #tpu.memory_space<vmem>> -> memref<104xi32, #tpu.memory_space<vmem>>
      %dma_wait3A_3708 = arith.constant 0 : i32
      %dma_wait3A_3709 = tpu.memref_slice %arg6[%add3A_3703, %dma_wait3A_3708] : memref<256x104xi32, #tpu.memory_space<vmem>> -> memref<1x104xi32, #tpu.memory_space<vmem>>
      %dma_wait3A_3710 = tpu.memref_squeeze %dma_wait3A_3709 : memref<1x104xi32, #tpu.memory_space<vmem>> -> memref<104xi32, #tpu.memory_space<vmem>>
      %dma_wait3A_3711 = arith.constant 0 : i32
      %dma_wait3A_3712 = tpu.memref_slice %arg8[%dma_wait3A_3711] : memref<1000064xi32, #tpu.memory_space<vmem_shared>> -> memref<1000064xi32, #tpu.memory_space<vmem_shared>>
      tpu.wait_indirect_dma semaphore(%arg26 : memref<!tpu.dma_semaphore, #tpu.memory_space<semaphore_mem>>) src(%dma_wait3A_3712 : memref<1000064xi32, #tpu.memory_space<vmem_shared>>) dst(%dma_wait3A_3707 : memref<104xi32, #tpu.memory_space<vmem>>)
      %broadcast_in_dim3A_3713 = arith.constant 0.000000e+00 : f32
      %broadcast_in_dim3A_3714 = vector.broadcast %broadcast_in_dim3A_3713 : f32 to vector<16xf32>
      %broadcast_in_dim3A_3715 = arith.constant 0.000000e+00 : f32
      %broadcast_in_dim3A_3716 = vector.broadcast %broadcast_in_dim3A_3715 : f32 to vector<16xf32>
      %get3A_3717 = arith.constant 15 : i32
      %get3A_3718 = arith.index_cast %get3A_3717 : i32 to index
      %get3A_3719 = arith.constant 0 : index
      %get3A_3720 = tpu.vector_load %arg7[%get3A_3718, %get3A_3719] {strides = array<i32>} : memref<16x208xi32, #tpu.memory_space<vmem>>, vector<16xi32>,
      %shift_left3A_3721 = arith.constant 16 : i32
      %shift_left3A_3722 = vector.broadcast %shift_left3A_3721 : i32 to vector<16xi32>
      %shift_left3A_3723 = arith.shli %get3A_3720, %shift_left3A_3722 : vector<16xi32>
      %bitcast_convert_type3A_3724 = tpu.bitcast %shift_left3A_3723 : vector<16xi32> -> vector<16xf32>
      %add3A_3725 = arith.addf %broadcast_in_dim3A_3714, %bitcast_convert_type3A_3724 : vector<16xf32>
      %and3A_3726 = arith.andi %get3A_3720, %broadcast_in_dim3A_328 : vector<16xi32>
      %bitcast_convert_type3A_3727 = tpu.bitcast %and3A_3726 : vector<16xi32> -> vector<16xf32>
      %add3A_3728 = arith.addf %broadcast_in_dim3A_3716, %bitcast_convert_type3A_3727 : vector<16xf32>
      %get3A_3729 = arith.constant 15 : i32
      %get3A_3730 = arith.index_cast %get3A_3729 : i32 to index
      %get3A_3731 = arith.constant 16 : index
      %get3A_3732 = tpu.vector_load %arg7[%get3A_3730, %get3A_3731] {strides = array<i32>} : memref<16x208xi32, #tpu.memory_space<vmem>>, vector<16xi32>,
      %shift_left3A_3733 = arith.constant 16 : i32
      %shift_left3A_3734 = vector.broadcast %shift_left3A_3733 : i32 to vector<16xi32>
      %shift_left3A_3735 = arith.shli %get3A_3732, %shift_left3A_3734 : vector<16xi32>
      %bitcast_convert_type3A_3736 = tpu.bitcast %shift_left3A_3735 : vector<16xi32> -> vector<16xf32>
      %add3A_3737 = arith.addf %add3A_3725, %bitcast_convert_type3A_3736 : vector<16xf32>
      %and3A_3738 = arith.andi %get3A_3732, %broadcast_in_dim3A_328 : vector<16xi32>
      %bitcast_convert_type3A_3739 = tpu.bitcast %and3A_3738 : vector<16xi32> -> vector<16xf32>
      %add3A_3740 = arith.addf %add3A_3728, %bitcast_convert_type3A_3739 : vector<16xf32>
      %get3A_3741 = arith.constant 15 : i32
      %get3A_3742 = arith.index_cast %get3A_3741 : i32 to index
      %get3A_3743 = arith.constant 32 : index
      %get3A_3744 = tpu.vector_load %arg7[%get3A_3742, %get3A_3743] {strides = array<i32>} : memref<16x208xi32, #tpu.memory_space<vmem>>, vector<16xi32>,
      %shift_left3A_3745 = arith.constant 16 : i32
      %shift_left3A_3746 = vector.broadcast %shift_left3A_3745 : i32 to vector<16xi32>
      %shift_left3A_3747 = arith.shli %get3A_3744, %shift_left3A_3746 : vector<16xi32>
      %bitcast_convert_type3A_3748 = tpu.bitcast %shift_left3A_3747 : vector<16xi32> -> vector<16xf32>
      %add3A_3749 = arith.addf %add3A_3737, %bitcast_convert_type3A_3748 : vector<16xf32>
      %and3A_3750 = arith.andi %get3A_3744, %broadcast_in_dim3A_328 : vector<16xi32>
      %bitcast_convert_type3A_3751 = tpu.bitcast %and3A_3750 : vector<16xi32> -> vector<16xf32>
      %add3A_3752 = arith.addf %add3A_3740, %bitcast_convert_type3A_3751 : vector<16xf32>
      %get3A_3753 = arith.constant 15 : i32
      %get3A_3754 = arith.index_cast %get3A_3753 : i32 to index
      %get3A_3755 = arith.constant 48 : index
      %get3A_3756 = tpu.vector_load %arg7[%get3A_3754, %get3A_3755] {strides = array<i32>} : memref<16x208xi32, #tpu.memory_space<vmem>>, vector<16xi32>,
      %shift_left3A_3757 = arith.constant 16 : i32
      %shift_left3A_3758 = vector.broadcast %shift_left3A_3757 : i32 to vector<16xi32>
      %shift_left3A_3759 = arith.shli %get3A_3756, %shift_left3A_3758 : vector<16xi32>
      %bitcast_convert_type3A_3760 = tpu.bitcast %shift_left3A_3759 : vector<16xi32> -> vector<16xf32>
      %add3A_3761 = arith.addf %add3A_3749, %bitcast_convert_type3A_3760 : vector<16xf32>
      %and3A_3762 = arith.andi %get3A_3756, %broadcast_in_dim3A_328 : vector<16xi32>
      %bitcast_convert_type3A_3763 = tpu.bitcast %and3A_3762 : vector<16xi32> -> vector<16xf32>
      %add3A_3764 = arith.addf %add3A_3752, %bitcast_convert_type3A_3763 : vector<16xf32>
      %get3A_3765 = arith.constant 15 : i32
      %get3A_3766 = arith.index_cast %get3A_3765 : i32 to index
      %get3A_3767 = arith.constant 64 : index
      %get3A_3768 = tpu.vector_load %arg7[%get3A_3766, %get3A_3767] {strides = array<i32>} : memref<16x208xi32, #tpu.memory_space<vmem>>, vector<16xi32>,
      %shift_left3A_3769 = arith.constant 16 : i32
      %shift_left3A_3770 = vector.broadcast %shift_left3A_3769 : i32 to vector<16xi32>
      %shift_left3A_3771 = arith.shli %get3A_3768, %shift_left3A_3770 : vector<16xi32>
      %bitcast_convert_type3A_3772 = tpu.bitcast %shift_left3A_3771 : vector<16xi32> -> vector<16xf32>
      %add3A_3773 = arith.addf %add3A_3761, %bitcast_convert_type3A_3772 : vector<16xf32>
      %and3A_3774 = arith.andi %get3A_3768, %broadcast_in_dim3A_328 : vector<16xi32>
      %bitcast_convert_type3A_3775 = tpu.bitcast %and3A_3774 : vector<16xi32> -> vector<16xf32>
      %add3A_3776 = arith.addf %add3A_3764, %bitcast_convert_type3A_3775 : vector<16xf32>
      %get3A_3777 = arith.constant 15 : i32
      %get3A_3778 = arith.index_cast %get3A_3777 : i32 to index
      %get3A_3779 = arith.constant 80 : index
      %get3A_3780 = tpu.vector_load %arg7[%get3A_3778, %get3A_3779] {strides = array<i32>} : memref<16x208xi32, #tpu.memory_space<vmem>>, vector<16xi32>,
      %shift_left3A_3781 = arith.constant 16 : i32
      %shift_left3A_3782 = vector.broadcast %shift_left3A_3781 : i32 to vector<16xi32>
      %shift_left3A_3783 = arith.shli %get3A_3780, %shift_left3A_3782 : vector<16xi32>
      %bitcast_convert_type3A_3784 = tpu.bitcast %shift_left3A_3783 : vector<16xi32> -> vector<16xf32>
      %add3A_3785 = arith.addf %add3A_3773, %bitcast_convert_type3A_3784 : vector<16xf32>
      %and3A_3786 = arith.andi %get3A_3780, %broadcast_in_dim3A_328 : vector<16xi32>
      %bitcast_convert_type3A_3787 = tpu.bitcast %and3A_3786 : vector<16xi32> -> vector<16xf32>
      %add3A_3788 = arith.addf %add3A_3776, %bitcast_convert_type3A_3787 : vector<16xf32>
      %get3A_3789 = arith.constant 15 : i32
      %get3A_3790 = arith.index_cast %get3A_3789 : i32 to index
      %get3A_3791 = arith.constant 96 : index
      %get3A_3792 = tpu.vector_load %arg7[%get3A_3790, %get3A_3791] {strides = array<i32>} : memref<16x208xi32, #tpu.memory_space<vmem>>, vector<16xi32>,
      %shift_left3A_3793 = arith.constant 16 : i32
      %shift_left3A_3794 = vector.broadcast %shift_left3A_3793 : i32 to vector<16xi32>
      %shift_left3A_3795 = arith.shli %get3A_3792, %shift_left3A_3794 : vector<16xi32>
      %bitcast_convert_type3A_3796 = tpu.bitcast %shift_left3A_3795 : vector<16xi32> -> vector<16xf32>
      %add3A_3797 = arith.addf %add3A_3785, %bitcast_convert_type3A_3796 : vector<16xf32>
      %and3A_3798 = arith.andi %get3A_3792, %broadcast_in_dim3A_328 : vector<16xi32>
      %bitcast_convert_type3A_3799 = tpu.bitcast %and3A_3798 : vector<16xi32> -> vector<16xf32>
      %add3A_3800 = arith.addf %add3A_3788, %bitcast_convert_type3A_3799 : vector<16xf32>
      %get3A_3801 = arith.constant 15 : i32
      %get3A_3802 = arith.index_cast %get3A_3801 : i32 to index
      %get3A_3803 = arith.constant 112 : index
      %get3A_3804 = tpu.vector_load %arg7[%get3A_3802, %get3A_3803] {strides = array<i32>} : memref<16x208xi32, #tpu.memory_space<vmem>>, vector<16xi32>,
      %shift_left3A_3805 = arith.constant 16 : i32
      %shift_left3A_3806 = vector.broadcast %shift_left3A_3805 : i32 to vector<16xi32>
      %shift_left3A_3807 = arith.shli %get3A_3804, %shift_left3A_3806 : vector<16xi32>
      %bitcast_convert_type3A_3808 = tpu.bitcast %shift_left3A_3807 : vector<16xi32> -> vector<16xf32>
      %add3A_3809 = arith.addf %add3A_3797, %bitcast_convert_type3A_3808 : vector<16xf32>
      %and3A_3810 = arith.andi %get3A_3804, %broadcast_in_dim3A_328 : vector<16xi32>
      %bitcast_convert_type3A_3811 = tpu.bitcast %and3A_3810 : vector<16xi32> -> vector<16xf32>
      %add3A_3812 = arith.addf %add3A_3800, %bitcast_convert_type3A_3811 : vector<16xf32>
      %get3A_3813 = arith.constant 15 : i32
      %get3A_3814 = arith.index_cast %get3A_3813 : i32 to index
      %get3A_3815 = arith.constant 128 : index
      %get3A_3816 = tpu.vector_load %arg7[%get3A_3814, %get3A_3815] {strides = array<i32>} : memref<16x208xi32, #tpu.memory_space<vmem>>, vector<16xi32>,
      %shift_left3A_3817 = arith.constant 16 : i32
      %shift_left3A_3818 = vector.broadcast %shift_left3A_3817 : i32 to vector<16xi32>
      %shift_left3A_3819 = arith.shli %get3A_3816, %shift_left3A_3818 : vector<16xi32>
      %bitcast_convert_type3A_3820 = tpu.bitcast %shift_left3A_3819 : vector<16xi32> -> vector<16xf32>
      %add3A_3821 = arith.addf %add3A_3809, %bitcast_convert_type3A_3820 : vector<16xf32>
      %and3A_3822 = arith.andi %get3A_3816, %broadcast_in_dim3A_328 : vector<16xi32>
      %bitcast_convert_type3A_3823 = tpu.bitcast %and3A_3822 : vector<16xi32> -> vector<16xf32>
      %add3A_3824 = arith.addf %add3A_3812, %bitcast_convert_type3A_3823 : vector<16xf32>
      %get3A_3825 = arith.constant 15 : i32
      %get3A_3826 = arith.index_cast %get3A_3825 : i32 to index
      %get3A_3827 = arith.constant 144 : index
      %get3A_3828 = tpu.vector_load %arg7[%get3A_3826, %get3A_3827] {strides = array<i32>} : memref<16x208xi32, #tpu.memory_space<vmem>>, vector<16xi32>,
      %shift_left3A_3829 = arith.constant 16 : i32
      %shift_left3A_3830 = vector.broadcast %shift_left3A_3829 : i32 to vector<16xi32>
      %shift_left3A_3831 = arith.shli %get3A_3828, %shift_left3A_3830 : vector<16xi32>
      %bitcast_convert_type3A_3832 = tpu.bitcast %shift_left3A_3831 : vector<16xi32> -> vector<16xf32>
      %add3A_3833 = arith.addf %add3A_3821, %bitcast_convert_type3A_3832 : vector<16xf32>
      %and3A_3834 = arith.andi %get3A_3828, %broadcast_in_dim3A_328 : vector<16xi32>
      %bitcast_convert_type3A_3835 = tpu.bitcast %and3A_3834 : vector<16xi32> -> vector<16xf32>
      %add3A_3836 = arith.addf %add3A_3824, %bitcast_convert_type3A_3835 : vector<16xf32>
      %get3A_3837 = arith.constant 15 : i32
      %get3A_3838 = arith.index_cast %get3A_3837 : i32 to index
      %get3A_3839 = arith.constant 160 : index
      %get3A_3840 = tpu.vector_load %arg7[%get3A_3838, %get3A_3839] {strides = array<i32>} : memref<16x208xi32, #tpu.memory_space<vmem>>, vector<16xi32>,
      %shift_left3A_3841 = arith.constant 16 : i32
      %shift_left3A_3842 = vector.broadcast %shift_left3A_3841 : i32 to vector<16xi32>
      %shift_left3A_3843 = arith.shli %get3A_3840, %shift_left3A_3842 : vector<16xi32>
      %bitcast_convert_type3A_3844 = tpu.bitcast %shift_left3A_3843 : vector<16xi32> -> vector<16xf32>
      %add3A_3845 = arith.addf %add3A_3833, %bitcast_convert_type3A_3844 : vector<16xf32>
      %and3A_3846 = arith.andi %get3A_3840, %broadcast_in_dim3A_328 : vector<16xi32>
      %bitcast_convert_type3A_3847 = tpu.bitcast %and3A_3846 : vector<16xi32> -> vector<16xf32>
      %add3A_3848 = arith.addf %add3A_3836, %bitcast_convert_type3A_3847 : vector<16xf32>
      %get3A_3849 = arith.constant 15 : i32
      %get3A_3850 = arith.index_cast %get3A_3849 : i32 to index
      %get3A_3851 = arith.constant 176 : index
      %get3A_3852 = tpu.vector_load %arg7[%get3A_3850, %get3A_3851] {strides = array<i32>} : memref<16x208xi32, #tpu.memory_space<vmem>>, vector<16xi32>,
      %shift_left3A_3853 = arith.constant 16 : i32
      %shift_left3A_3854 = vector.broadcast %shift_left3A_3853 : i32 to vector<16xi32>
      %shift_left3A_3855 = arith.shli %get3A_3852, %shift_left3A_3854 : vector<16xi32>
      %bitcast_convert_type3A_3856 = tpu.bitcast %shift_left3A_3855 : vector<16xi32> -> vector<16xf32>
      %add3A_3857 = arith.addf %add3A_3845, %bitcast_convert_type3A_3856 : vector<16xf32>
      %and3A_3858 = arith.andi %get3A_3852, %broadcast_in_dim3A_328 : vector<16xi32>
      %bitcast_convert_type3A_3859 = tpu.bitcast %and3A_3858 : vector<16xi32> -> vector<16xf32>
      %add3A_3860 = arith.addf %add3A_3848, %bitcast_convert_type3A_3859 : vector<16xf32>
      %get3A_3861 = arith.constant 15 : i32
      %get3A_3862 = arith.index_cast %get3A_3861 : i32 to index
      %get3A_3863 = arith.constant 192 : index
      %get3A_3864 = tpu.vector_load %arg7[%get3A_3862, %get3A_3863] {strides = array<i32>} : memref<16x208xi32, #tpu.memory_space<vmem>>, vector<16xi32>,
      %shift_left3A_3865 = arith.constant 16 : i32
      %shift_left3A_3866 = vector.broadcast %shift_left3A_3865 : i32 to vector<16xi32>
      %shift_left3A_3867 = arith.shli %get3A_3864, %shift_left3A_3866 : vector<16xi32>
      %bitcast_convert_type3A_3868 = tpu.bitcast %shift_left3A_3867 : vector<16xi32> -> vector<16xf32>
      %add3A_3869 = arith.addf %add3A_3857, %bitcast_convert_type3A_3868 : vector<16xf32>
      %and3A_3870 = arith.andi %get3A_3864, %broadcast_in_dim3A_328 : vector<16xi32>
      %bitcast_convert_type3A_3871 = tpu.bitcast %and3A_3870 : vector<16xi32> -> vector<16xf32>
      %add3A_3872 = arith.addf %add3A_3860, %bitcast_convert_type3A_3871 : vector<16xf32>
      %reduce_sum3A_3873 = arith.constant true
      %reduce_sum3A_3874 = vector.broadcast %reduce_sum3A_3873 : i1 to vector<16xi1>
      %reduce_sum3A_3875 = tpu.scan <sum>, %add3A_3869 masked %reduce_sum3A_3874 : vector<16xf32>, vector<16xi1> -> vector<16xf32>
      %reduce_sum3A_3876 = vector.extract %reduce_sum3A_3875[15] : f32 from vector<16xf32>
      %mul3A_3877 = arith.constant 5.000000e-03 : f32
      %mul3A_3878 = arith.mulf %reduce_sum3A_3876, %mul3A_3877 : f32
      %reduce_sum3A_3879 = arith.constant true
      %reduce_sum3A_3880 = vector.broadcast %reduce_sum3A_3879 : i1 to vector<16xi1>
      %reduce_sum3A_3881 = tpu.scan <sum>, %add3A_3872 masked %reduce_sum3A_3880 : vector<16xf32>, vector<16xi1> -> vector<16xf32>
      %reduce_sum3A_3882 = vector.extract %reduce_sum3A_3881[15] : f32 from vector<16xf32>
      %mul3A_3883 = arith.constant 5.000000e-03 : f32
      %mul3A_3884 = arith.mulf %reduce_sum3A_3882, %mul3A_3883 : f32
      %add3A_3885 = arith.constant 16 : i32
      %add3A_3886 = arith.addi %add3A_3688, %add3A_3885 : i32
      %lt3A_3887 = arith.constant 128 : i32
      %lt3A_3888 = arith.cmpi slt, %add3A_3886, %lt3A_3887 : i32
      %convert_element_type3A_3889 = arith.extui %lt3A_3888 : i1 to i32
      %cond3A_3890 = arith.constant 0 : i32
      %cond3A_3891 = arith.cmpi ne, %convert_element_type3A_3889, %cond3A_3890 : i32
      scf.if %cond3A_3891 {
        %add3A_3911 = arith.constant 16 : i32
        %add3A_3912 = arith.addi %add3A_3688, %add3A_3911 : i32
        %mul3A_3913 = arith.constant 2 : i32
        %mul3A_3914 = arith.muli %mul3A_3913, %add3A_3912 : i32
        %dma_start3A_3915 = arith.constant 15 : i32
        %dma_start3A_3916 = arith.constant 0 : i32
        %dma_start3A_3917 = tpu.memref_slice %arg7[%dma_start3A_3915, %dma_start3A_3916] : memref<16x208xi32, #tpu.memory_space<vmem>> -> memref<1x104xi32, #tpu.memory_space<vmem>>
        %dma_start3A_3918 = tpu.memref_squeeze %dma_start3A_3917 : memref<1x104xi32, #tpu.memory_space<vmem>> -> memref<104xi32, #tpu.memory_space<vmem>>
        %dma_start3A_3919 = arith.constant 0 : i32
        %dma_start3A_3920 = tpu.memref_slice %arg6[%mul3A_3914, %dma_start3A_3919] : memref<256x104xi32, #tpu.memory_space<vmem>> -> memref<1x104xi32, #tpu.memory_space<vmem>>
        %dma_start3A_3921 = tpu.memref_squeeze %dma_start3A_3920 : memref<1x104xi32, #tpu.memory_space<vmem>> -> memref<104xi32, #tpu.memory_space<vmem>>
        %dma_start3A_3922 = arith.constant 0 : i32
        %dma_start3A_3923 = tpu.memref_slice %arg8[%dma_start3A_3922] : memref<1000064xi32, #tpu.memory_space<vmem_shared>> -> memref<1000064xi32, #tpu.memory_space<vmem_shared>>
        tpu.enqueue_indirect_dma source(%dma_start3A_3923 : memref<1000064xi32, #tpu.memory_space<vmem_shared>>) target(%dma_start3A_3918 : memref<104xi32, #tpu.memory_space<vmem>>) offsets(%dma_start3A_3921 : memref<104xi32, #tpu.memory_space<vmem>>) semaphore(%arg26 : memref<!tpu.dma_semaphore, #tpu.memory_space<semaphore_mem>>)
        %mul3A_3924 = arith.constant 2 : i32
        %mul3A_3925 = arith.muli %mul3A_3924, %add3A_3912 : i32
        %add3A_3926 = arith.constant 1 : i32
        %add3A_3927 = arith.addi %mul3A_3925, %add3A_3926 : i32
        %dma_start3A_3928 = arith.constant 15 : i32
        %dma_start3A_3929 = arith.constant 104 : i32
        %dma_start3A_3930 = tpu.memref_slice %arg7[%dma_start3A_3928, %dma_start3A_3929] : memref<16x208xi32, #tpu.memory_space<vmem>> -> memref<1x104xi32, #tpu.memory_space<vmem>>
        %dma_start3A_3931 = tpu.memref_squeeze %dma_start3A_3930 : memref<1x104xi32, #tpu.memory_space<vmem>> -> memref<104xi32, #tpu.memory_space<vmem>>
        %dma_start3A_3932 = arith.constant 0 : i32
        %dma_start3A_3933 = tpu.memref_slice %arg6[%add3A_3927, %dma_start3A_3932] : memref<256x104xi32, #tpu.memory_space<vmem>> -> memref<1x104xi32, #tpu.memory_space<vmem>>
        %dma_start3A_3934 = tpu.memref_squeeze %dma_start3A_3933 : memref<1x104xi32, #tpu.memory_space<vmem>> -> memref<104xi32, #tpu.memory_space<vmem>>
        %dma_start3A_3935 = arith.constant 0 : i32
        %dma_start3A_3936 = tpu.memref_slice %arg8[%dma_start3A_3935] : memref<1000064xi32, #tpu.memory_space<vmem_shared>> -> memref<1000064xi32, #tpu.memory_space<vmem_shared>>
        tpu.enqueue_indirect_dma source(%dma_start3A_3936 : memref<1000064xi32, #tpu.memory_space<vmem_shared>>) target(%dma_start3A_3931 : memref<104xi32, #tpu.memory_space<vmem>>) offsets(%dma_start3A_3934 : memref<104xi32, #tpu.memory_space<vmem>>) semaphore(%arg26 : memref<!tpu.dma_semaphore, #tpu.memory_space<semaphore_mem>>)
      } else {
      }
      %eq3A_3892 = arith.constant 0 : i32
      %eq3A_3893 = vector.broadcast %eq3A_3892 : i32 to vector<16xi32>
      %eq3A_3894 = arith.cmpi eq, %iota3A, %eq3A_3893 : vector<16xi32>
      %eq3A_3895 = arith.constant 1 : i32
      %eq3A_3896 = vector.broadcast %eq3A_3895 : i32 to vector<16xi32>
      %eq3A_3897 = arith.cmpi eq, %iota3A, %eq3A_3896 : vector<16xi32>
      %jit3A_3898 = arith.constant 0.000000e+00 : f32
      %broadcast_in_dim3A_3899 = vector.broadcast %mul3A_3884 : f32 to vector<16xf32>
      %broadcast_in_dim3A_3900 = vector.broadcast %jit3A_3898 : f32 to vector<16xf32>
      %select_n3A_3901 = arith.select %eq3A_3897, %broadcast_in_dim3A_3899, %broadcast_in_dim3A_3900 : vector<16xi1>, vector<16xf32>
      %broadcast_in_dim3A_3902 = vector.broadcast %mul3A_3878 : f32 to vector<16xf32>
      %select_n3A_3903 = arith.select %eq3A_3894, %broadcast_in_dim3A_3902, %select_n3A_3901 : vector<16xi1>, vector<16xf32>
      %get3A_3904 = arith.constant 0 : index
      %get3A_3905 = tpu.vector_load %arg9[%get3A_3904] {strides = array<i32>} : memref<16xf32, #tpu.memory_space<vmem>>, vector<16xf32>,
      %add3A_3906 = arith.addf %select_n3A_3903, %get3A_3905 : vector<16xf32>
      %mul3A_3907 = arith.constant 2 : i32
      %mul3A_3908 = arith.muli %mul3A_3907, %add3A_3688 : i32
      %swap3A_3909 = arith.index_cast %mul3A_3908 : i32 to index
      %swap3A_3910 = tpu.vector_load %arg10[%swap3A_3909] {strides = array<i32>} : memref<272xf32, #tpu.memory_space<vmem>>, vector<16xf32>,
      tpu.vector_store %arg10[%swap3A_3909], %add3A_3906 {strides = array<i32>} : memref<272xf32, #tpu.memory_space<vmem>>, vector<16xf32>,
    }
    %scan3A_332 = arith.constant 8 : i32
    %mul3A_333 = arith.constant 2 : i32
    %mul3A_334 = arith.muli %mul3A_2, %mul3A_333 : i32
    "tpu.region"() ({
      %run_scoped3A = tpu.sem_alloc : memref<!tpu.dma_semaphore, #tpu.memory_space<semaphore_mem>>
      %dma_start3A_335 = arith.constant 0 : i32
      %dma_start3A_336 = tpu.memref_slice %arg10[%dma_start3A_335] : memref<272xf32, #tpu.memory_space<vmem>> -> memref<256xf32, #tpu.memory_space<vmem>>
      %dma_start3A_337 = tpu.memref_slice %arg5[%mul3A_334] : memref<8192xf32, #tpu.memory_space<hbm>> -> memref<256xf32, #tpu.memory_space<hbm>>
      %dma_start3A_338 = tpu.memref_slice %arg5[%mul3A_334] : memref<8192xf32, #tpu.memory_space<hbm>> -> memref<256xf32, #tpu.memory_space<hbm>>
      %dma_start3A_339 = arith.constant 0 : i32
      %dma_start3A_340 = tpu.memref_slice %arg10[%dma_start3A_339] : memref<272xf32, #tpu.memory_space<vmem>> -> memref<256xf32, #tpu.memory_space<vmem>>
      tpu.enqueue_dma source(%dma_start3A_340 : memref<256xf32, #tpu.memory_space<vmem>>) target(%dma_start3A_338 : memref<256xf32, #tpu.memory_space<hbm>>) target_semaphore(%run_scoped3A : memref<!tpu.dma_semaphore, #tpu.memory_space<semaphore_mem>>)
      %dma_wait3A = arith.constant 0 : i32
      %dma_wait3A_341 = tpu.memref_slice %arg10[%dma_wait3A] : memref<272xf32, #tpu.memory_space<vmem>> -> memref<256xf32, #tpu.memory_space<vmem>>
      %dma_wait3A_342 = tpu.memref_slice %arg5[%mul3A_334] : memref<8192xf32, #tpu.memory_space<hbm>> -> memref<256xf32, #tpu.memory_space<hbm>>
      %dma_wait3A_343 = tpu.memref_slice %arg5[%mul3A_334] : memref<8192xf32, #tpu.memory_space<hbm>> -> memref<256xf32, #tpu.memory_space<hbm>>
      %dma_wait3A_344 = arith.constant 0 : i32
      %dma_wait3A_345 = tpu.memref_slice %arg10[%dma_wait3A_344] : memref<272xf32, #tpu.memory_space<vmem>> -> memref<256xf32, #tpu.memory_space<vmem>>
      tpu.wait_dma2 semaphore(%run_scoped3A : memref<!tpu.dma_semaphore, #tpu.memory_space<semaphore_mem>>) src(%dma_wait3A_345 : memref<256xf32, #tpu.memory_space<vmem>>) dst(%dma_wait3A_343 : memref<256xf32, #tpu.memory_space<hbm>>)
      tpu.yield
    }) : () -> ()
    return
  }
}

module attributes {stable_mosaic.version = 14 : i64} {
  func.func @_proj_body(%arg0: i32, %arg1: memref<2x64xf32, #tpu.memory_space<vmem>>, %arg2: memref<64x32768xf32, #tpu.memory_space<vmem>>, %arg3: memref<32768xi32, #tpu.memory_space<vmem>>) attributes {dimension_semantics = [#tpu.dimension_semantics<arbitrary>], iteration_bounds = array<i64: 31>, scalar_prefetch = 0 : i64, scratch_operands = 0 : i64, tpu.core_type = #tpu.core_type<tc>, window_params = [{pipeline_mode = #tpu.pipeline_mode<synchronous>, transform_indices = @transform_0, window_bounds = array<i64: 2, 64>}, {transform_indices = @transform_1, window_bounds = array<i64: 64, 32768>}, {transform_indices = @transform_2, window_bounds = array<i64: 32768>}]} {
    %get3A = arith.constant 0 : index
    %get3A_0 = arith.constant 0 : index
    %get3A_1 = vector.load %arg1[%get3A, %get3A_0] : memref<2x64xf32, #tpu.memory_space<vmem>>, vector<2x64xf32>
    %get3A_2 = arith.constant 0 : index
    %get3A_3 = arith.constant 0 : index
    %get3A_4 = vector.load %arg2[%get3A_2, %get3A_3] : memref<64x32768xf32, #tpu.memory_space<vmem>>, vector<64x32768xf32>
    %dot_general3A = arith.constant dense<0.000000e+00> : vector<2x32768xf32>
    %dot_general3A_5 = tpu.matmul %get3A_1, %get3A_4, %dot_general3A {dimension_numbers = #tpu.dot_dimension_numbers<[1], [0], [0], [1], [0, 0, 1, 1], [], []>, transpose_lhs_hint = false} : vector<2x64xf32>, vector<64x32768xf32>, vector<2x32768xf32> -> vector<2x32768xf32>
    %slice3A = vector.extract_strided_slice %dot_general3A_5 {offsets = [0, 0], sizes = [1, 32768], strides = [1, 1]} : vector<2x32768xf32> to vector<1x32768xf32>
    %squeeze3A = vector.shape_cast %slice3A : vector<1x32768xf32> to vector<32768xf32>
    %convert_element_type3A = arith.truncf %squeeze3A : vector<32768xf32> to vector<32768xbf16>
    %convert_element_type3A_6 = arith.extf %convert_element_type3A : vector<32768xbf16> to vector<32768xf32>
    %slice3A_7 = vector.extract_strided_slice %dot_general3A_5 {offsets = [1, 0], sizes = [1, 32768], strides = [1, 1]} : vector<2x32768xf32> to vector<1x32768xf32>
    %squeeze3A_8 = vector.shape_cast %slice3A_7 : vector<1x32768xf32> to vector<32768xf32>
    %convert_element_type3A_9 = arith.truncf %squeeze3A_8 : vector<32768xf32> to vector<32768xbf16>
    %convert_element_type3A_10 = arith.extf %convert_element_type3A_9 : vector<32768xbf16> to vector<32768xf32>
    %bitcast_convert_type3A = tpu.bitcast %convert_element_type3A_6 : vector<32768xf32> -> vector<32768xi32>
    %shift_right_logical3A = arith.constant 16 : i32
    %shift_right_logical3A_11 = vector.broadcast %shift_right_logical3A : i32 to vector<32768xi32>
    %shift_right_logical3A_12 = arith.shrui %bitcast_convert_type3A, %shift_right_logical3A_11 : vector<32768xi32>
    %bitcast_convert_type3A_13 = tpu.bitcast %convert_element_type3A_10 : vector<32768xf32> -> vector<32768xi32>
    %and3A = arith.constant -65536 : i32
    %and3A_14 = vector.broadcast %and3A : i32 to vector<32768xi32>
    %and3A_15 = arith.andi %bitcast_convert_type3A_13, %and3A_14 : vector<32768xi32>
    %or3A = arith.ori %shift_right_logical3A_12, %and3A_15 : vector<32768xi32>
    %swap3A = arith.constant 0 : index
    %swap3A_16 = vector.load %arg3[%swap3A] : memref<32768xi32, #tpu.memory_space<vmem>>, vector<32768xi32>
    tpu.vector_store %arg3[%swap3A], %or3A {strides = array<i32>} : memref<32768xi32, #tpu.memory_space<vmem>>, vector<32768xi32>,
    return
  }
  func.func @transform_0(%arg0: i32) -> (i32, i32) {
    %c0_i32 = arith.constant 0 : i32
    %c0_i32_0 = arith.constant 0 : i32
    %c0_i32_1 = arith.constant 0 : i32
    return %c0_i32, %c0_i32_0 : i32, i32
  }
  func.func @transform_1(%arg0: i32) -> (i32, i32) {
    %c0_i32 = arith.constant 0 : i32
    %c0_i32_0 = arith.constant 0 : i32
    return %c0_i32, %arg0 : i32, i32
  }
  func.func @transform_2(%arg0: i32) -> i32 {
    %c0_i32 = arith.constant 0 : i32
    return %arg0 : i32
  }
}

</mosaic_0001>

<sc_bundles>
// kernel: kernel.4.cloned.1.call-start
scs
__scs_entry_jumppad:
0x0: {  	(pc) =	sbr.rel $0x88, $3  }
0x1: {  	(tag) =	ssettag $0x0;
	lr =	simm.s32 $0x1  }
0x2: {  	[smem:$0x3F9D] =	sst lr;
	_ =	strace $0xD0000000  }
0x3: {  	_ = 	snop  }
0x4: {  	_ = 	snop  }
0x5: {  	_ = 	snop  }
0x6: {  	_ = 	snop  }
0x7: {  	_ = 	snop  }
__scs_overlays_trampoline_lowered:
0x8: {  	[smem:$0x3FAC] =	sst s0  }
0x9: {  	[smem:$0x3FAD] =	sst s1  }
0xa: {  	[smem:$0x3FAE] =	sst s2  }
0xb: {  	[smem:$0x3FAF] =	sst s3  }
0xc: {  	[smem:$0x3FB0] =	sst s4  }
0xd: {  	[smem:$0x3FB1] =	sst s5  }
0xe: {  	[smem:$0x3FB2] =	sst s6  }
0xf: {  	[smem:$0x3FB3] =	sst s7  }
0x10: {  	[smem:$0x3FB4] =	sst s8  }
0x11: {  	[smem:$0x3FB5] =	sst s9;
	s0 =	simm.s32 @!p0 $0x0  }
0x12: {  	s1 =	sld [smem:$0x3F9B];
	s0 =	simm.s32 @p0 $0x1  }
0x13: {  	[smem:$0x3FB6] =	sst s0;
	s0 =	simm.s32 @!p1 $0x0  }
0x14: {  	s2 =	sld [smem:$0x3F9A];
	s0 =	simm.s32 @p1 $0x1  }
0x15: {  	[smem:$0x3FB7] =	sst s0;
	s0 =	simm.s32 @!p2 $0x0  }
0x16: {  	s3 =	sld [smem:$0x3FDB];
	s0 =	simm.s32 @p2 $0x1  }
0x17: {  	s4 =	simm.s32 $0x1BF5;
	[smem:$0x3FB9] =	sst s0  }
0x18: {  	s0 =	sld [smem:$0x3F9C];
	_ =	swait.ge [sflag:s4], $0x0  }
0x19: {  	s7 =	sld [smem:$0x3F9D]  }
0x1a: {  	s8 =	sadd.s32 $0xFFFFE003, lr  }
0x1b: {  	s9 =	sadd.s32 $0xFFFFFEF7, lr;
	s5 =	simm.s32 $0xFFFFFFFF;
	p2 =	slt.u32 s8, $0xFFFFF086  }
0x1c: {  	p1 =	slt.u32 s9, $0xF7A;
	s5 =	simm.s32 @!p2 $0x0  }
0x1d: {  	s5 =	simm.s32 @p1 $0x1;
	p0 =	seq.s32 s7, s2  }
0x1e: {  	s7 =	smul.u32 @!p0 $0xF7A, s2;
	p2 =	seq.s32 @!p0 s5, $0x0  }
0x1f: {  	s9 =	smul.u32 $0xF7A, s1;
	s8 =	simm.s32 @!p0 $0x1BF5;
	p2 =	por !p2, p0  }
0x20: {  	[sflag:s8] =	ssyncset.s32 @!p0 $0xFFFFF086;
	s6 =	sadd.s32 @!p0 s3, s7;
	s7 =	simm.s32 @!p0 $0x108  }
0x21: {  	s3 =	sadd.s32 s3, s9;
	s6 =	sadd.s32 @!p0 $0x88, s6;
	s7 =	simm.s32 @p2 $0x1082  }
0x22: {  	[simem:s7], [sflag:s8] =	dma.local @!p0 [hbm:s6], $0xF7A  }
0x23: {  	s9 =	sor.u32 $0xD0000000, s2;
	s6 =	simm.s32 $0x108;
	_ =	swait.ge @!p0 [sflag:s8], $0x0  }
0x24: {  	s3 =	sadd.s32 $0x88, s3;
	s6 =	simm.s32 @!p1 $0x1082;
	[sflag:s4] =	ssyncset.s32 $0xFFFFF086  }
0x25: {  	[simem:s6], [sflag:s4] =	dma.local [hbm:s3], $0xF7A  }
0x26: {  	[smem:$0x3F9D] =	sst s1;
	(tag) =	ssettag s2;
	_ =	strace s9  }
0x27: {  	s1 =	sld [smem:$0x3FAD]  }
0x28: {  	s2 =	sld [smem:$0x3FAE]  }
0x29: {  	s4 =	sld [smem:$0x3FB0]  }
0x2a: {  	p0 =	seq.s32 s5, $0x0;
	s5 =	sld [smem:$0x3FB1]  }
0x2b: {  	s6 =	sld [smem:$0x3FB2]  }
0x2c: {  	s7 =	sld [smem:$0x3FB3]  }
0x2d: {  	s3 =	simm.s32 $0x108;
	s8 =	sld [smem:$0x3FB4]  }
0x2e: {  	s3 =	simm.s32 @!p0 $0x1082;
	s9 =	sld [smem:$0x3FB5]  }
0x2f: {  	lr =	sadd.s32 s0, s3;
	s0 =	sld [smem:$0x3FAC]  }
0x30: {  	s3 =	sld [smem:$0x3FAF]  }
0x31: {  	[smem:$0x3FB8] =	sst s10  }
0x32: {  	s10 =	sld [smem:$0x3FB6];
	_ =	sdelay $0x3  }
0x33: {  	p0 =	seq.s32 s10, $0x1;
	s10 =	sld [smem:$0x3FB8];
	_ =	sdelay $0x3  }
0x34: {  	[smem:$0x3FB8] =	sst s10  }
0x35: {  	s10 =	sld [smem:$0x3FB7];
	_ =	sdelay $0x3  }
0x36: {  	p1 =	seq.s32 s10, $0x1;
	s10 =	sld [smem:$0x3FB8];
	_ =	sdelay $0x3  }
0x37: {  	[smem:$0x3FB8] =	sst s10  }
0x38: {  	s10 =	sld [smem:$0x3FB9]  }
0x39: {  	_ = 	snop;
	(pc) =	sbr.ind lr, $3  }
0x3a: {  	_ = 	snop  }
0x3b: {  	_ = 	snop  }
0x3c: {  	p2 =	seq.s32 s10, $0x1;
	s10 =	sld [smem:$0x3FB8]  }
0x3d: {  	_ =	shalt  }
0x3e: {  	_ =	shalt  }
0x3f: {  	_ =	shalt  }
0x40: {  	_ =	shalt  }
0x41: {  	_ =	shalt  }
0x42: {  	_ =	shalt  }
0x43: {  	_ =	shalt  }
0x44: {  	_ =	shalt  }
0x45: {  	_ =	shalt  }
0x46: {  	_ =	shalt  }
0x47: {  	_ =	shalt  }
0x48: {  	_ =	shalt  }
0x49: {  	_ =	shalt  }
0x4a: {  	_ =	shalt  }
0x4b: {  	_ =	shalt  }
0x4c: {  	_ =	shalt  }
0x4d: {  	_ =	shalt  }
0x4e: {  	_ =	shalt  }
0x4f: {  	_ =	shalt  }
0x50: {  	_ =	shalt  }
0x51: {  	_ =	shalt  }
0x52: {  	_ =	shalt  }
0x53: {  	_ =	shalt  }
0x54: {  	_ =	shalt  }
0x55: {  	_ =	shalt  }
0x56: {  	_ =	shalt  }
0x57: {  	_ =	shalt  }
0x58: {  	_ =	shalt  }
0x59: {  	_ =	shalt  }
0x5a: {  	_ =	shalt  }
0x5b: {  	_ =	shalt  }
0x5c: {  	_ =	shalt  }
0x5d: {  	_ =	shalt  }
0x5e: {  	_ =	shalt  }
0x5f: {  	_ =	shalt  }
0x60: {  	_ =	shalt  }
0x61: {  	_ =	shalt  }
0x62: {  	_ =	shalt  }
0x63: {  	_ =	shalt  }
0x64: {  	_ =	shalt  }
0x65: {  	_ =	shalt  }
0x66: {  	_ =	shalt  }
0x67: {  	_ =	shalt  }
0x68: {  	_ =	shalt  }
0x69: {  	_ =	shalt  }
0x6a: {  	_ =	shalt  }
0x6b: {  	_ =	shalt  }
0x6c: {  	_ =	shalt  }
0x6d: {  	_ =	shalt  }
0x6e: {  	_ =	shalt  }
0x6f: {  	_ =	shalt  }
0x70: {  	_ =	shalt  }
0x71: {  	_ =	shalt  }
0x72: {  	_ =	shalt  }
0x73: {  	_ =	shalt  }
0x74: {  	_ =	shalt  }
0x75: {  	_ =	shalt  }
0x76: {  	_ =	shalt  }
0x77: {  	_ =	shalt  }
0x78: {  	_ =	shalt  }
0x79: {  	_ =	shalt  }
0x7a: {  	_ =	shalt  }
0x7b: {  	_ =	shalt  }
0x7c: {  	_ =	shalt  }
0x7d: {  	_ =	shalt  }
0x7e: {  	_ =	shalt  }
0x7f: {  	_ =	shalt  }
0x80: {  	_ =	shalt  }
0x81: {  	_ =	shalt  }
0x82: {  	_ =	shalt  }
0x83: {  	_ =	shalt  }
0x84: {  	_ =	shalt  }
0x85: {  	_ =	shalt  }
0x86: {  	_ =	shalt  }
0x87: {  	_ =	shalt  }
.Lfunc_end0:
.L_simem_size_0:
called_computation_lowered:
.L_overlay_start_0:
0x88: {  	s2 =	sld [smem:$0x3FD9]  }
0x89: {  	s3 =	sld [smem:$0x3FFE];
	_ =	sdelay $0x1  }
0x8a: {  	s1 =	srdreg.scid  }
0x8b: {  	s0 =	sand.u32 $0x1, s1  }
0x8c: {  	s17 =	sshll.u32 s0, $0xA;
	s2 =	sadd.s32 s3, s2  }
0x8d: {  	s2 =	sadd.s32 s2, s17  }
0x8e: {  	[smem:$0x3FC4] =	sst s2  }
0x8f: {  	_ = 	snop  }
0x90: {  	s2 =	sld [smem:$0x3FD0];
	(tm) =	ssettm $0x1  }
0x91: {  	s18 =	sld [smem:$0x3FFB];
	_ =	sdelay $0x3  }
0x92: {  	_ =	strace s18  }
0x93: {  	s3 =	sld [smem:$0x3FFC];
	_ =	sdelay $0x3  }
0x94: {  	_ =	strace s3  }
0x95: {  	s3 =	sld [smem:$0x3FFD];
	_ =	sdelay $0x3  }
0x96: {  	_ =	strace s3  }
0x97: {  	_ =	strace $0x8FFFFFFF  }
0x98: {  	s19 =	sld [smem:$0x3FDB];
	_ =	sdelay $0x1  }
0x99: {  	s4 =	simm.s32 $_scs_section_size  }
0x9a: {  	s5 =	simm.s32 $_size__tile_overlayer_lowered;
	s6 =	simm.s32 $_tile_overlayer_lowered  }
0x9b: {  	s22 =	simm.s32 $0x1BFF;
	s21 =	sshll.u32 s6, $0x1;
	s3 =	sadd.s32 s4, s19  }
0x9c: {  	s7 =	simm.s32 $0x0;
	s20 =	sshll.u32 s5, $0x1;
	s5 =	sadd.s32 s21, s3  }
0x9d: {  	[timem:s7], [sflag:s22] =	dma.local [hbm:s5], s20  }
0x9e: {  	_ =	swait.ge [sflag:s22], s20  }
0x9f: {  	s4 =	ssub.s32 $0x0, s20;
	[sflag:s22] =	ssyncset.done $0x0  }
0xa0: {  	[sflag:s22] =	ssyncadd.s32 s4;
	_ =	sdelay $0x1  }
0xa1: {  	s23 =	simm.s32 $0x1B8B  }
0xa2: {  	_ =	swait.ge [sflag:s23], $0x1  }
0xa3: {  	[sflag:s23] =	ssyncset.done $0x0  }
0xa4: {  	s25 =	simm.s32 $0x1B8E;
	s24 =	sld [smem:$0x3FFE];
	[sflag:s23] =	ssyncadd.s32 $0xFFFFFFFF  }
0xa5: {  	s26 =	simm.s32 $execute0_lowered;
	[smem:$0x3FD2] =	sst s25  }
0xa6: {  	s5 =	sshll.u32 s26, $0x1;
	_ =	strace $0x80000046;
	[dreg:$0x1] =	wrdreg $0xFFFFFFFF  }
0xa7: {  	s28 =	simm.s32 $_size_execute0_lowered;
	s3 =	sadd.s32 s3, s5;
	[dreg:$0x0] =	wrdreg $0x0  }
0xa8: {  	s5 =	sshll.u32 s28, $0x1;
	[dreg:$0x2] =	wrdreg s3  }
0xa9: {  	[dreg:$0x3] =	wrdreg s5  }
0xaa: {  	[dreg:$0x4] =	wrdreg $0xC0  }
0xab: {  	_ =	task [dreg:s7], $0x5FFFF  }
0xac: {  	[dreg:$0x1] =	wrdreg $0xFFFFFFFF  }
0xad: {  	[dreg:$0x0] =	wrdreg $0x60  }
0xae: {  	[dreg:$0x2] =	wrdreg s24  }
0xaf: {  	[dreg:$0x3] =	wrdreg s2  }
0xb0: {  	[dreg:$0x4] =	wrdreg $0x75000  }
0xb1: {  	[dreg:$0x5] =	wrdreg $0x9  }
0xb2: {  	_ =	task.clear_ibuf [dreg:s7], $0x6FFFF;
	_ =	strace $0x90000046  }
0xb3: {  	s29 =	simm.s32 $0x9;
	_ =	strace $0x80000048  }
0xb4: {  	_ =	swait.ge [sflag:s29], $0x1  }
0xb5: {  	[sflag:s29] =	ssyncadd.s32 $0xFFFFFFFF  }
0xb6: {  	_ =	strace $0x90000048  }
0xb7: {  	_ =	sfence  }
0xb8: {  	s30 =	sld [smem:$0x0];
	_ =	sdelay $0x2  }
0xb9: {  	s31 =	sshll.u32 s1, $0xD;
	s1 =	sshrl.u32 s1, $0x2  }
0xba: {  	s3 =	sand.u32 $0x4000, s31;
	s1 =	sadd.s32 s1, s30  }
0xbb: {  	s0 =	sor.u32 s3, s0;
	s1 =	sshll.u32 s1, $0x11  }
0xbc: {  	s0 =	sor.u32 s1, s0  }
0xbd: {  	s0 =	sadd.s32 $0x8F2B, s0  }
0xbe: {  	[sflag:s0] =	ssyncadd.remote.s32 $0x1  }
0xbf: {  	_ =	sfence.sel $0xFFFF  }
0xc0: {  	[dreg:$0x0] =	wrdreg $0xFFFFFFFF;
	(pc) =	sbr.abs _section_cstart, $3  }
0xc1: {  	[dreg:$0x1] =	wrdreg $0xFFFFFFFF  }
0xc2: {  	_ =	task.clear_ibuf [dreg:s7], $0x2FFFF;
	_ =	strace $0x9FFFFFFF  }
0xc3: {  	(tm) =	ssettm $0x7FFFFFFF  }
tec
execute0_lowered:
.L_overlay_start_1:
0x0: {  	(tag) =	ssettag $0x1  }
0x1: {  	s1 =	rddreg [dreg:$0x0]  }
0x2: {  	s0 =	srdreg.scid;
	s4 =	rddreg [dreg:$0x1]  }
0x3: {  	s9 =	stileid.u32;
	s2 =	rddreg [dreg:$0x2]  }
0x4: {  	s11 =	simm.s32 $0x11;
	s13 =	simm.s32 $0x68;
	s16 =	simm.s32 $0x1  }
0x5: {  	s17 =	simm.s32 $0x2;
	s18 =	simm.s32 $0x3;
	s19 =	simm.s32 $0x4  }
0x6: {  	s28 =	simm.s32 $0xC;
	s29 =	simm.s32 $0xD;
	s30 =	simm.s32 $0xE  }
0x7: {  	s31 =	simm.s32 $0xF;
	s12 =	simm.s32 $0x0;
	s0 =	sand.u32 $0x1, s0  }
0x8: {  	s3 =	sshll.u32 s9, $0x9;
	s6 =	smul.u32 $0xF428, s9;
	s23 =	sshll.u32 s9, $0x6  }
0x9: {  	s5 =	sshll.u32 s0, $0x8;
	s0 =	ssub.s32 $0x2, s0;
	s24 =	sor.u32 $0x1C11, s23  }
0xa: {  	s23 =	simm.s32 $0x8;
	s7 =	sor.u32 s5, s3;
	s3 =	simm.s32 $0x0  }
0xb: {  	s20 =	sshrl.u32 s6, $0x3;
	s21 =	sshrl.u32 s0, $0x1;
	s22 =	sadd.s32 s6, s2  }
0xc: {  	s5 =	smul.u32 $0xD, s7;
	[smem:$0x7FF] =	sst s3;
	s0 =	ssub.s32 s0, s21  }
0xd: {  	s25 =	sshrl.u32 s7, $0x3;
	s10 =	sshrl.u32 s22, $0x3;
	s21 =	simm.s32 $0x6  }
0xe: {  	s22 =	simm.s32 $0x7;
	_ =	strace $0x80000047;
	[dreg:$0x6] =	wrdreg s24  }
0xf: {  	s9 =	smax.u32 s0, $0x1;
	s24 =	simm.s32 $0x9;
	s8 =	sadd.s32 s5, s1  }
0x10: {  	s5 =	sadd.s32 s20, s1;
	s1 =	sadd.s32 $0x39200, s1;
	s20 =	simm.s32 $0x5  }
0x11: {  	[dreg:$0x4] =	wrdreg s1;
	s5 =	sadd.s32 $0x1A800, s5;
	s26 =	sadd.s32 $0x800, s8  }
0x12: {  	s8 =	sadd.s32 s4, s25;
	s25 =	simm.s32 $0xA;
	[dreg:$0x5] =	wrdreg s5  }
0x13: {  	vm0 =	vcmask $0x300;
	vm1 =	vcmask $0x704;
	s1 =	simm.s32 $0x10;
	[dreg:$0x7] =	wrdreg s26;
	s26 =	simm.s32 $0xB  }
.LBB2_1:
0x14: {  	s0 =	rddreg [dreg:$0x5]  }
0x15: {  	s4 =	rddreg [dreg:$0x6]  }
0x16: {  	[spmem:s10], [sflag:s4] =	dma.local [hbm:s0], $0x1E85  }
0x17: {  	_ =	swait.ge [sflag:s11], $0x1E85  }
0x18: {  	[sflag:s11] =	ssyncset.done $0x0  }
0x19: {  	s5 =	rddreg [dreg:$0x7];
	[sflag:s11] =	ssyncadd.s32 $0xFFFFE17B  }
0x1a: {  	[tilespmem:s3], [sflag:$0x11] =	stream.linear.gather [hbm4b:s5+s3], $0x6800, $0x38;
	[tilespmem:$0x16A48] =	vst v63  }
0x1b: {  	_ =	swait.ge [sflag:s11], $0x6800  }
0x1c: {  	[sflag:s11] =	ssyncset.done $0x0  }
0x1d: {  	s7 =	simm.s32 $0x16928;
	s6 =	rddreg [dreg:$0x4];
	[sflag:s11] =	ssyncadd.s32 $0xFFFF9800  }
0x1e: {  	[tilespmem:s7], [sflag:$0x11] =	stream.linear.gather [hbm4b:s6+s3], $0x10, $0x38;
	[tilespmem:$0x16A48] =	vst v63  }
0x1f: {  	_ =	swait.ge [sflag:s11], $0x10  }
0x20: {  	[sflag:s11] =	ssyncset.done $0x0  }
0x21: {  	[sflag:s11] =	ssyncadd.s32 $0xFFFFFFF0  }
0x22: {  	s14 =	simm.s32 $0x6800;
	[bflag:$0x0] =	sbarrier.arrive $0xFFFF  }
0x23: {  	[tilespmem:s14], [sflag:$0x1] =	stream.indirect.gather [spmem:s2], $0x1, s3, s13, $0xb8;
	[tilespmem:$0x16A48] =	vst v63  }
0x24: {  	s15 =	simm.s32 $0x6868  }
0x25: {  	[tilespmem:s15], [sflag:$0x1] =	stream.indirect.gather [spmem:s2], $0x1, s13, s13, $0xb8;
	[tilespmem:$0x16A48] =	vst v63  }
0x26: {  	s4 =	simm.s32 $0xD0;
	s5 =	simm.s32 $0x68D0  }
0x27: {  	[tilespmem:s5], [sflag:$0x2] =	stream.indirect.gather [spmem:s2], $0x1, s4, s13, $0xb8;
	[tilespmem:$0x16A48] =	vst v63  }
0x28: {  	s6 =	simm.s32 $0x138;
	s7 =	simm.s32 $0x6938  }
0x29: {  	[tilespmem:s7], [sflag:$0x2] =	stream.indirect.gather [spmem:s2], $0x1, s6, s13, $0xb8;
	[tilespmem:$0x16A48] =	vst v63  }
0x2a: {  	s14 =	simm.s32 $0x1A0;
	s15 =	simm.s32 $0x69A0  }
0x2b: {  	[tilespmem:s15], [sflag:$0x3] =	stream.indirect.gather [spmem:s2], $0x1, s14, s13, $0xb8;
	[tilespmem:$0x16A48] =	vst v63  }
0x2c: {  	s4 =	simm.s32 $0x208;
	s5 =	simm.s32 $0x6A08  }
0x2d: {  	[tilespmem:s5], [sflag:$0x3] =	stream.indirect.gather [spmem:s2], $0x1, s4, s13, $0xb8;
	[tilespmem:$0x16A48] =	vst v63  }
0x2e: {  	s6 =	simm.s32 $0x270;
	s7 =	simm.s32 $0x6A70  }
0x2f: {  	[tilespmem:s7], [sflag:$0x4] =	stream.indirect.gather [spmem:s2], $0x1, s6, s13, $0xb8;
	[tilespmem:$0x16A48] =	vst v63  }
0x30: {  	s14 =	simm.s32 $0x2D8;
	s15 =	simm.s32 $0x6AD8  }
0x31: {  	[tilespmem:s15], [sflag:$0x4] =	stream.indirect.gather [spmem:s2], $0x1, s14, s13, $0xb8;
	[tilespmem:$0x16A48] =	vst v63  }
0x32: {  	s4 =	simm.s32 $0x340;
	s5 =	simm.s32 $0x6B40  }
0x33: {  	[tilespmem:s5], [sflag:$0x5] =	stream.indirect.gather [spmem:s2], $0x1, s4, s13, $0xb8;
	[tilespmem:$0x16A48] =	vst v63  }
0x34: {  	s6 =	simm.s32 $0x3A8;
	s7 =	simm.s32 $0x6BA8  }
0x35: {  	[tilespmem:s7], [sflag:$0x5] =	stream.indirect.gather [spmem:s2], $0x1, s6, s13, $0xb8;
	[tilespmem:$0x16A48] =	vst v63  }
0x36: {  	s14 =	simm.s32 $0x410;
	s15 =	simm.s32 $0x6C10  }
0x37: {  	[tilespmem:s15], [sflag:$0x6] =	stream.indirect.gather [spmem:s2], $0x1, s14, s13, $0xb8;
	[tilespmem:$0x16A48] =	vst v63  }
0x38: {  	s4 =	simm.s32 $0x478;
	s5 =	simm.s32 $0x6C78  }
0x39: {  	[tilespmem:s5], [sflag:$0x6] =	stream.indirect.gather [spmem:s2], $0x1, s4, s13, $0xb8;
	[tilespmem:$0x16A48] =	vst v63  }
0x3a: {  	s6 =	simm.s32 $0x4E0;
	s7 =	simm.s32 $0x6CE0  }
0x3b: {  	[tilespmem:s7], [sflag:$0x7] =	stream.indirect.gather [spmem:s2], $0x1, s6, s13, $0xb8;
	[tilespmem:$0x16A48] =	vst v63  }
0x3c: {  	s14 =	simm.s32 $0x548;
	s15 =	simm.s32 $0x6D48  }
0x3d: {  	[tilespmem:s15], [sflag:$0x7] =	stream.indirect.gather [spmem:s2], $0x1, s14, s13, $0xb8;
	[tilespmem:$0x16A48] =	vst v63  }
0x3e: {  	s4 =	simm.s32 $0x5B0;
	s5 =	simm.s32 $0x6DB0  }
0x3f: {  	[tilespmem:s5], [sflag:$0x8] =	stream.indirect.gather [spmem:s2], $0x1, s4, s13, $0xb8;
	[tilespmem:$0x16A48] =	vst v63  }
0x40: {  	s6 =	simm.s32 $0x618;
	s7 =	simm.s32 $0x6E18  }
0x41: {  	[tilespmem:s7], [sflag:$0x8] =	stream.indirect.gather [spmem:s2], $0x1, s6, s13, $0xb8;
	[tilespmem:$0x16A48] =	vst v63  }
0x42: {  	s14 =	simm.s32 $0x680;
	s15 =	simm.s32 $0x6E80  }
0x43: {  	[tilespmem:s15], [sflag:$0x9] =	stream.indirect.gather [spmem:s2], $0x1, s14, s13, $0xb8;
	[tilespmem:$0x16A48] =	vst v63  }
0x44: {  	s4 =	simm.s32 $0x6E8;
	s5 =	simm.s32 $0x6EE8  }
0x45: {  	[tilespmem:s5], [sflag:$0x9] =	stream.indirect.gather [spmem:s2], $0x1, s4, s13, $0xb8;
	[tilespmem:$0x16A48] =	vst v63  }
0x46: {  	s6 =	simm.s32 $0x750;
	s7 =	simm.s32 $0x6F50  }
0x47: {  	[tilespmem:s7], [sflag:$0xA] =	stream.indirect.gather [spmem:s2], $0x1, s6, s13, $0xb8;
	[tilespmem:$0x16A48] =	vst v63  }
0x48: {  	s14 =	simm.s32 $0x7B8;
	s15 =	simm.s32 $0x6FB8  }
0x49: {  	[tilespmem:s15], [sflag:$0xA] =	stream.indirect.gather [spmem:s2], $0x1, s14, s13, $0xb8;
	[tilespmem:$0x16A48] =	vst v63  }
0x4a: {  	s4 =	simm.s32 $0x820;
	s5 =	simm.s32 $0x7020  }
0x4b: {  	[tilespmem:s5], [sflag:$0xB] =	stream.indirect.gather [spmem:s2], $0x1, s4, s13, $0xb8;
	[tilespmem:$0x16A48] =	vst v63  }
0x4c: {  	s6 =	simm.s32 $0x888;
	s7 =	simm.s32 $0x7088  }
0x4d: {  	[tilespmem:s7], [sflag:$0xB] =	stream.indirect.gather [spmem:s2], $0x1, s6, s13, $0xb8;
	[tilespmem:$0x16A48] =	vst v63  }
0x4e: {  	s14 =	simm.s32 $0x8F0;
	s15 =	simm.s32 $0x70F0  }
0x4f: {  	[tilespmem:s15], [sflag:$0xC] =	stream.indirect.gather [spmem:s2], $0x1, s14, s13, $0xb8;
	[tilespmem:$0x16A48] =	vst v63  }
0x50: {  	s4 =	simm.s32 $0x958;
	s5 =	simm.s32 $0x7158  }
0x51: {  	[tilespmem:s5], [sflag:$0xC] =	stream.indirect.gather [spmem:s2], $0x1, s4, s13, $0xb8;
	[tilespmem:$0x16A48] =	vst v63  }
0x52: {  	s6 =	simm.s32 $0x9C0;
	s7 =	simm.s32 $0x71C0  }
0x53: {  	[tilespmem:s7], [sflag:$0xD] =	stream.indirect.gather [spmem:s2], $0x1, s6, s13, $0xb8;
	[tilespmem:$0x16A48] =	vst v63  }
0x54: {  	s14 =	simm.s32 $0xA28;
	s15 =	simm.s32 $0x7228  }
0x55: {  	[tilespmem:s15], [sflag:$0xD] =	stream.indirect.gather [spmem:s2], $0x1, s14, s13, $0xb8;
	[tilespmem:$0x16A48] =	vst v63  }
0x56: {  	s4 =	simm.s32 $0xA90;
	s5 =	simm.s32 $0x7290  }
0x57: {  	[tilespmem:s5], [sflag:$0xE] =	stream.indirect.gather [spmem:s2], $0x1, s4, s13, $0xb8;
	[tilespmem:$0x16A48] =	vst v63  }
0x58: {  	s6 =	simm.s32 $0xAF8;
	s7 =	simm.s32 $0x72F8  }
0x59: {  	[tilespmem:s7], [sflag:$0xE] =	stream.indirect.gather [spmem:s2], $0x1, s6, s13, $0xb8;
	[tilespmem:$0x16A48] =	vst v63  }
0x5a: {  	s14 =	simm.s32 $0xB60;
	s15 =	simm.s32 $0x7360  }
0x5b: {  	[tilespmem:s15], [sflag:$0xF] =	stream.indirect.gather [spmem:s2], $0x1, s14, s13, $0xb8;
	[tilespmem:$0x16A48] =	vst v63  }
0x5c: {  	s4 =	simm.s32 $0xBC8;
	s5 =	simm.s32 $0x73C8  }
0x5d: {  	[tilespmem:s5], [sflag:$0xF] =	stream.indirect.gather [spmem:s2], $0x1, s4, s13, $0xb8;
	[tilespmem:$0x16A48] =	vst v63  }
0x5e: {  	s6 =	simm.s32 $0xC30;
	s7 =	simm.s32 $0x7430  }
0x5f: {  	[tilespmem:s7], [sflag:$0x10] =	stream.indirect.gather [spmem:s2], $0x1, s6, s13, $0xb8;
	[tilespmem:$0x16A48] =	vst v63  }
0x60: {  	s14 =	simm.s32 $0xC98;
	s15 =	simm.s32 $0x7498  }
0x61: {  	[tilespmem:s15], [sflag:$0x10] =	stream.indirect.gather [spmem:s2], $0x1, s14, s13, $0xb8;
	[tilespmem:$0x16A48] =	vst v63  }
0x62: {  	s14 =	simm.s32 $0x16948;
	s15 =	simm.s32 $0x0  }
.LBB2_2:
0x63: {  	_ =	swait.ge [sflag:s16], $0x68  }
0x64: {  	[sflag:s16] =	ssyncset.done $0x0  }
0x65: {  	[sflag:s16] =	ssyncadd.s32 $0xFFFFFF98  }
0x66: {  	_ =	swait.ge [sflag:s16], $0x68  }
0x67: {  	[sflag:s16] =	ssyncset.done $0x0  }
0x68: {  	[sflag:s16] =	ssyncadd.s32 $0xFFFFFF98  }
0x69: {  	v0 =	vld [tilespmem:$0x6800];
	_ =	sdelay $0x1  }
0x6a: {  	v1 =	vld [tilespmem:$0x6810];
	_ =	sdelay $0x1  }
0x6b: {  	v2 =	vld [tilespmem:$0x6820]  }
0x6c: {  	v3 =	vshll.u32 v0, $0x10  }
0x6d: {  	v4 =	vld [tilespmem:$0x6830];
	v3 =	vadd.f32 $0.0e+00, v3  }
0x6e: {  	v5 =	vshll.u32 v1, $0x10;
	v0 =	vand.u32 $0xFFFF0000, v0  }
0x6f: {  	v18 =	vld [tilespmem:$0x6840];
	v0 =	vadd.f32 $0.0e+00, v0;
	v3 =	vadd.f32 v5, v3  }
0x70: {  	v6 =	vshll.u32 v2, $0x10;
	v1 =	vand.u32 $0xFFFF0000, v1  }
0x71: {  	v19 =	vld [tilespmem:$0x6850];
	v0 =	vadd.f32 v1, v0;
	v3 =	vadd.f32 v6, v3  }
0x72: {  	v20 =	vshll.u32 v4, $0x10;
	v2 =	vand.u32 $0xFFFF0000, v2  }
0x73: {  	v21 =	vld [tilespmem:$0x6860];
	v0 =	vadd.f32 v2, v0;
	v1 =	vadd.f32 v20, v3  }
0x74: {  	v22 =	vshll.u32 v18, $0x10;
	v4 =	vand.u32 $0xFFFF0000, v4  }
0x75: {  	v23 =	vld [tilespmem:$0x6870];
	v0 =	vadd.f32 v4, v0;
	v1 =	vadd.f32 v22, v1  }
0x76: {  	v24 =	vshll.u32 v19, $0x10;
	v5 =	vand.u32 $0xFFFF0000, v18  }
0x77: {  	v25 =	vld [tilespmem:$0x6880];
	v0 =	vadd.f32 v5, v0;
	v1 =	vadd.f32 v24, v1  }
0x78: {  	v26 =	vshll.u32 v21, $0x10;
	v6 =	vand.u32 $0xFFFF0000, v19  }
0x79: {  	v27 =	vld [tilespmem:$0x6890];
	v0 =	vadd.f32 v6, v0;
	v1 =	vadd.f32 v26, v1  }
0x7a: {  	v28 =	vshll.u32 v23, $0x10;
	v3 =	vand.u32 $0xFFFF0000, v21  }
0x7b: {  	v29 =	vld [tilespmem:$0x68A0];
	v0 =	vadd.f32 v3, v0;
	v1 =	vadd.f32 v28, v1  }
0x7c: {  	v30 =	vshll.u32 v25, $0x10;
	v2 =	vand.u32 $0xFFFF0000, v23  }
0x7d: {  	v31 =	vld [tilespmem:$0x68B0];
	v0 =	vadd.f32 v2, v0;
	v1 =	vadd.f32 v30, v1  }
0x7e: {  	v32 =	vshll.u32 v27, $0x10;
	v4 =	vand.u32 $0xFFFF0000, v25  }
0x7f: {  	v33 =	vld [tilespmem:$0x68C0];
	v0 =	vadd.f32 v4, v0;
	v1 =	vadd.f32 v32, v1  }
0x80: {  	v34 =	vshll.u32 v29, $0x10;
	v5 =	vand.u32 $0xFFFF0000, v27  }
0x81: {  	v0 =	vadd.f32 v5, v0;
	v1 =	vadd.f32 v34, v1  }
0x82: {  	v35 =	vshll.u32 v31, $0x10;
	v36 =	vand.u32 $0xFFFF0000, v29  }
0x83: {  	v0 =	vadd.f32 v36, v0;
	v1 =	vadd.f32 v35, v1  }
0x84: {  	v37 =	vshll.u32 v33, $0x10;
	v3 =	vand.u32 $0xFFFF0000, v31  }
0x85: {  	v0 =	vadd.f32 v3, v0;
	v1 =	vadd.f32 v37, v1  }
0x86: {  	v2 =	vand.u32 $0xFFFF0000, v33  }
0x87: {  	v0 =	vadd.f32 v2, v0;
	(xrf2) =	vadd.scan.msk.f32 $0xffff, v1;
	_ =	sdelay $0x1  }
0x88: {  	(xrf2) =	vadd.scan.msk.f32 $0xffff, v0;
	_ =	sdelay $0x7  }
0x89: {  	v38, _, _ =	vpop (xrf2)  }
0x8a: {  	(v2sf) =	vpush v38, $0xF  }
0x8b: {  	v39, _, _ =	vpop (xrf2)  }
0x8c: {  	(v2sf) =	vpush v39, $0xF;
	_ =	sdelay $0x6  }
0x8d: {  	p0 =	seq.s32 s15, $0x16C00  }
0x8e: {  	s0 =	sshra.s32 @!p0 s15, $0x2  }
0x8f: {  	s4 =	simm.s32 @!p0 $0x68;
	s6 =	simm.s32 @!p0 $0x6800;
	s5 =	sadd.s32 @!p0 $0xD00, s0  }
0x90: {  	[tilespmem:s6], [sflag:$0x1] =	stream.indirect.gather @!p0 [spmem:s2], $0x1, s5, s4, $0xb8;
	[tilespmem:$0x16A48] =	vst v63  }
0x91: {  	s7 =	simm.s32 @!p0 $0x6868;
	s6 =	sadd.s32 @!p0 $0xD68, s0  }
0x92: {  	[tilespmem:s7], [sflag:$0x1] =	stream.indirect.gather @!p0 [spmem:s2], $0x1, s6, s4, $0xb8;
	[tilespmem:$0x16A48] =	vst v63  }
0x93: {  	s5 =	spop (v2sf)  }
0x94: {  	v40 =	vld [tilespmem:$0x16928];
	s5 =	smul.f32 $4.999999890e-03, s5  }
0x95: {  	s7 =	spop (v2sf)  }
0x96: {  	s6 =	smul.f32 $4.999999890e-03, s7;
	v41 =	vmov s5  }
0x97: {  	v1 =	vnsel vm0, $0x0, v41  }
0x98: {  	v1 =	vsel vm1, s6, v1  }
0x99: {  	v0 =	vadd.f32 v40, v1;
	_ =	sdelay $0x1  }
0x9a: {  	[tilespmem:s14+$0xFFFFFFF0] =	vst v0  }
0x9b: {  	_ =	swait.ge [sflag:s17], $0x68  }
0x9c: {  	[sflag:s17] =	ssyncset.done $0x0  }
0x9d: {  	[sflag:s17] =	ssyncadd.s32 $0xFFFFFF98  }
0x9e: {  	_ =	swait.ge [sflag:s17], $0x68  }
0x9f: {  	[sflag:s17] =	ssyncset.done $0x0  }
0xa0: {  	[sflag:s17] =	ssyncadd.s32 $0xFFFFFF98  }
0xa1: {  	v42 =	vld [tilespmem:$0x68D0];
	_ =	sdelay $0x1  }
0xa2: {  	v43 =	vld [tilespmem:$0x68E0];
	_ =	sdelay $0x1  }
0xa3: {  	v44 =	vld [tilespmem:$0x68F0]  }
0xa4: {  	v45 =	vshll.u32 v42, $0x10  }
0xa5: {  	v46 =	vld [tilespmem:$0x6900];
	v3 =	vadd.f32 $0.0e+00, v45  }
0xa6: {  	v47 =	vshll.u32 v43, $0x10;
	v0 =	vand.u32 $0xFFFF0000, v42  }
0xa7: {  	v48 =	vld [tilespmem:$0x6910];
	v0 =	vadd.f32 $0.0e+00, v0;
	v3 =	vadd.f32 v47, v3  }
0xa8: {  	v49 =	vshll.u32 v44, $0x10;
	v1 =	vand.u32 $0xFFFF0000, v43  }
0xa9: {  	v50 =	vld [tilespmem:$0x6920];
	v0 =	vadd.f32 v1, v0;
	v3 =	vadd.f32 v49, v3  }
0xaa: {  	v51 =	vshll.u32 v46, $0x10;
	v2 =	vand.u32 $0xFFFF0000, v44  }
0xab: {  	v52 =	vld [tilespmem:$0x6930];
	v0 =	vadd.f32 v2, v0;
	v1 =	vadd.f32 v51, v3  }
0xac: {  	v53 =	vshll.u32 v48, $0x10;
	v4 =	vand.u32 $0xFFFF0000, v46  }
0xad: {  	v54 =	vld [tilespmem:$0x6940];
	v0 =	vadd.f32 v4, v0;
	v1 =	vadd.f32 v53, v1  }
0xae: {  	v55 =	vshll.u32 v50, $0x10;
	v5 =	vand.u32 $0xFFFF0000, v48  }
0xaf: {  	v56 =	vld [tilespmem:$0x6950];
	v0 =	vadd.f32 v5, v0;
	v1 =	vadd.f32 v55, v1  }
0xb0: {  	v57 =	vshll.u32 v52, $0x10;
	v6 =	vand.u32 $0xFFFF0000, v50  }
0xb1: {  	v58 =	vld [tilespmem:$0x6960];
	v0 =	vadd.f32 v6, v0;
	v1 =	vadd.f32 v57, v1  }
0xb2: {  	v59 =	vshll.u32 v54, $0x10;
	v3 =	vand.u32 $0xFFFF0000, v52  }
0xb3: {  	v60 =	vld [tilespmem:$0x6970];
	v0 =	vadd.f32 v3, v0;
	v1 =	vadd.f32 v59, v1  }
0xb4: {  	v61 =	vshll.u32 v56, $0x10;
	v2 =	vand.u32 $0xFFFF0000, v54  }
0xb5: {  	v62 =	vld [tilespmem:$0x6980];
	v0 =	vadd.f32 v2, v0;
	v1 =	vadd.f32 v61, v1  }
0xb6: {  	v63 =	vshll.u32 v58, $0x10;
	v4 =	vand.u32 $0xFFFF0000, v56  }
0xb7: {  	v8 =	vld [tilespmem:$0x6990];
	v0 =	vadd.f32 v4, v0;
	v1 =	vadd.f32 v63, v1  }
0xb8: {  	v9 =	vshll.u32 v60, $0x10;
	v5 =	vand.u32 $0xFFFF0000, v58  }
0xb9: {  	v0 =	vadd.f32 v5, v0;
	v1 =	vadd.f32 v9, v1  }
0xba: {  	v10 =	vshll.u32 v62, $0x10;
	v11 =	vand.u32 $0xFFFF0000, v60  }
0xbb: {  	v0 =	vadd.f32 v11, v0;
	v1 =	vadd.f32 v10, v1  }
0xbc: {  	v12 =	vshll.u32 v8, $0x10;
	v3 =	vand.u32 $0xFFFF0000, v62  }
0xbd: {  	v0 =	vadd.f32 v3, v0;
	v1 =	vadd.f32 v12, v1  }
0xbe: {  	v2 =	vand.u32 $0xFFFF0000, v8  }
0xbf: {  	v0 =	vadd.f32 v2, v0;
	(xrf2) =	vadd.scan.msk.f32 $0xffff, v1;
	_ =	sdelay $0x1  }
0xc0: {  	(xrf2) =	vadd.scan.msk.f32 $0xffff, v0;
	_ =	sdelay $0x7  }
0xc1: {  	v13, _, _ =	vpop (xrf2)  }
0xc2: {  	(v2sf) =	vpush v13, $0xF  }
0xc3: {  	v14, _, _ =	vpop (xrf2)  }
0xc4: {  	(v2sf) =	vpush v14, $0xF;
	_ =	sdelay $0x8  }
0xc5: {  	s5 =	sadd.s32 @!p0 $0xDD0, s0;
	s6 =	simm.s32 @!p0 $0x68D0  }
0xc6: {  	[tilespmem:s6], [sflag:$0x2] =	stream.indirect.gather @!p0 [spmem:s2], $0x1, s5, s4, $0xb8;
	[tilespmem:$0x16A48] =	vst v63  }
0xc7: {  	s7 =	simm.s32 @!p0 $0x6938;
	s6 =	sadd.s32 @!p0 $0xE38, s0  }
0xc8: {  	[tilespmem:s7], [sflag:$0x2] =	stream.indirect.gather @!p0 [spmem:s2], $0x1, s6, s4, $0xb8;
	[tilespmem:$0x16A48] =	vst v63  }
0xc9: {  	s5 =	spop (v2sf)  }
0xca: {  	v15 =	vld [tilespmem:$0x16928];
	s5 =	smul.f32 $4.999999890e-03, s5  }
0xcb: {  	s7 =	spop (v2sf)  }
0xcc: {  	s6 =	smul.f32 $4.999999890e-03, s7;
	v16 =	vmov s5  }
0xcd: {  	v1 =	vnsel vm0, $0x0, v16  }
0xce: {  	v1 =	vsel vm1, s6, v1  }
0xcf: {  	v0 =	vadd.f32 v15, v1;
	_ =	sdelay $0x1  }
0xd0: {  	[tilespmem:s14+$0xFFFFFFF2] =	vst v0  }
0xd1: {  	_ =	swait.ge [sflag:s18], $0x68  }
0xd2: {  	[sflag:s18] =	ssyncset.done $0x0  }
0xd3: {  	[sflag:s18] =	ssyncadd.s32 $0xFFFFFF98  }
0xd4: {  	_ =	swait.ge [sflag:s18], $0x68  }
0xd5: {  	[sflag:s18] =	ssyncset.done $0x0  }
0xd6: {  	[sflag:s18] =	ssyncadd.s32 $0xFFFFFF98  }
0xd7: {  	v17 =	vld [tilespmem:$0x69A0];
	_ =	sdelay $0x1  }
0xd8: {  	v18 =	vld [tilespmem:$0x69B0];
	_ =	sdelay $0x1  }
0xd9: {  	v19 =	vld [tilespmem:$0x69C0]  }
0xda: {  	v20 =	vshll.u32 v17, $0x10  }
0xdb: {  	v21 =	vld [tilespmem:$0x69D0];
	v3 =	vadd.f32 $0.0e+00, v20  }
0xdc: {  	v22 =	vshll.u32 v18, $0x10;
	v0 =	vand.u32 $0xFFFF0000, v17  }
0xdd: {  	v23 =	vld [tilespmem:$0x69E0];
	v0 =	vadd.f32 $0.0e+00, v0;
	v3 =	vadd.f32 v22, v3  }
0xde: {  	v24 =	vshll.u32 v19, $0x10;
	v1 =	vand.u32 $0xFFFF0000, v18  }
0xdf: {  	v25 =	vld [tilespmem:$0x69F0];
	v0 =	vadd.f32 v1, v0;
	v3 =	vadd.f32 v24, v3  }
0xe0: {  	v26 =	vshll.u32 v21, $0x10;
	v2 =	vand.u32 $0xFFFF0000, v19  }
0xe1: {  	v27 =	vld [tilespmem:$0x6A00];
	v0 =	vadd.f32 v2, v0;
	v1 =	vadd.f32 v26, v3  }
0xe2: {  	v28 =	vshll.u32 v23, $0x10;
	v4 =	vand.u32 $0xFFFF0000, v21  }
0xe3: {  	v29 =	vld [tilespmem:$0x6A10];
	v0 =	vadd.f32 v4, v0;
	v1 =	vadd.f32 v28, v1  }
0xe4: {  	v30 =	vshll.u32 v25, $0x10;
	v5 =	vand.u32 $0xFFFF0000, v23  }
0xe5: {  	v31 =	vld [tilespmem:$0x6A20];
	v0 =	vadd.f32 v5, v0;
	v1 =	vadd.f32 v30, v1  }
0xe6: {  	v32 =	vshll.u32 v27, $0x10;
	v6 =	vand.u32 $0xFFFF0000, v25  }
0xe7: {  	v33 =	vld [tilespmem:$0x6A30];
	v0 =	vadd.f32 v6, v0;
	v1 =	vadd.f32 v32, v1  }
0xe8: {  	v34 =	vshll.u32 v29, $0x10;
	v3 =	vand.u32 $0xFFFF0000, v27  }
0xe9: {  	v35 =	vld [tilespmem:$0x6A40];
	v0 =	vadd.f32 v3, v0;
	v1 =	vadd.f32 v34, v1  }
0xea: {  	v36 =	vshll.u32 v31, $0x10;
	v2 =	vand.u32 $0xFFFF0000, v29  }
0xeb: {  	v37 =	vld [tilespmem:$0x6A50];
	v0 =	vadd.f32 v2, v0;
	v1 =	vadd.f32 v36, v1  }
0xec: {  	v38 =	vshll.u32 v33, $0x10;
	v4 =	vand.u32 $0xFFFF0000, v31  }
0xed: {  	v39 =	vld [tilespmem:$0x6A60];
	v0 =	vadd.f32 v4, v0;
	v1 =	vadd.f32 v38, v1  }
0xee: {  	v40 =	vshll.u32 v35, $0x10;
	v5 =	vand.u32 $0xFFFF0000, v33  }
0xef: {  	v0 =	vadd.f32 v5, v0;
	v1 =	vadd.f32 v40, v1  }
0xf0: {  	v41 =	vshll.u32 v37, $0x10;
	v42 =	vand.u32 $0xFFFF0000, v35  }
0xf1: {  	v0 =	vadd.f32 v42, v0;
	v1 =	vadd.f32 v41, v1  }
0xf2: {  	v43 =	vshll.u32 v39, $0x10;
	v3 =	vand.u32 $0xFFFF0000, v37  }
0xf3: {  	v0 =	vadd.f32 v3, v0;
	v1 =	vadd.f32 v43, v1  }
0xf4: {  	v2 =	vand.u32 $0xFFFF0000, v39  }
0xf5: {  	v0 =	vadd.f32 v2, v0;
	(xrf2) =	vadd.scan.msk.f32 $0xffff, v1;
	_ =	sdelay $0x1  }
0xf6: {  	(xrf2) =	vadd.scan.msk.f32 $0xffff, v0;
	_ =	sdelay $0x7  }
0xf7: {  	v44, _, _ =	vpop (xrf2)  }
0xf8: {  	(v2sf) =	vpush v44, $0xF  }
0xf9: {  	v45, _, _ =	vpop (xrf2)  }
0xfa: {  	(v2sf) =	vpush v45, $0xF;
	_ =	sdelay $0x8  }
0xfb: {  	s5 =	sadd.s32 @!p0 $0xEA0, s0;
	s6 =	simm.s32 @!p0 $0x69A0  }
0xfc: {  	[tilespmem:s6], [sflag:$0x3] =	stream.indirect.gather @!p0 [spmem:s2], $0x1, s5, s4, $0xb8;
	[tilespmem:$0x16A48] =	vst v63  }
0xfd: {  	s7 =	simm.s32 @!p0 $0x6A08;
	s6 =	sadd.s32 @!p0 $0xF08, s0  }
0xfe: {  	[tilespmem:s7], [sflag:$0x3] =	stream.indirect.gather @!p0 [spmem:s2], $0x1, s6, s4, $0xb8;
	[tilespmem:$0x16A48] =	vst v63  }
0xff: {  	s5 =	spop (v2sf)  }
0x100: {  	v46 =	vld [tilespmem:$0x16928];
	s5 =	smul.f32 $4.999999890e-03, s5  }
0x101: {  	s7 =	spop (v2sf)  }
0x102: {  	s6 =	smul.f32 $4.999999890e-03, s7;
	v47 =	vmov s5  }
0x103: {  	v1 =	vnsel vm0, $0x0, v47  }
0x104: {  	v1 =	vsel vm1, s6, v1  }
0x105: {  	v0 =	vadd.f32 v46, v1;
	_ =	sdelay $0x1  }
0x106: {  	[tilespmem:s14+$0xFFFFFFF4] =	vst v0  }
0x107: {  	_ =	swait.ge [sflag:s19], $0x68  }
0x108: {  	[sflag:s19] =	ssyncset.done $0x0  }
0x109: {  	[sflag:s19] =	ssyncadd.s32 $0xFFFFFF98  }
0x10a: {  	_ =	swait.ge [sflag:s19], $0x68  }
0x10b: {  	[sflag:s19] =	ssyncset.done $0x0  }
0x10c: {  	[sflag:s19] =	ssyncadd.s32 $0xFFFFFF98  }
0x10d: {  	v48 =	vld [tilespmem:$0x6A70];
	_ =	sdelay $0x1  }
0x10e: {  	v49 =	vld [tilespmem:$0x6A80];
	_ =	sdelay $0x1  }
0x10f: {  	v50 =	vld [tilespmem:$0x6A90]  }
0x110: {  	v51 =	vshll.u32 v48, $0x10  }
0x111: {  	v52 =	vld [tilespmem:$0x6AA0];
	v3 =	vadd.f32 $0.0e+00, v51  }
0x112: {  	v53 =	vshll.u32 v49, $0x10;
	v0 =	vand.u32 $0xFFFF0000, v48  }
0x113: {  	v54 =	vld [tilespmem:$0x6AB0];
	v0 =	vadd.f32 $0.0e+00, v0;
	v3 =	vadd.f32 v53, v3  }
0x114: {  	v55 =	vshll.u32 v50, $0x10;
	v1 =	vand.u32 $0xFFFF0000, v49  }
0x115: {  	v56 =	vld [tilespmem:$0x6AC0];
	v0 =	vadd.f32 v1, v0;
	v3 =	vadd.f32 v55, v3  }
0x116: {  	v57 =	vshll.u32 v52, $0x10;
	v2 =	vand.u32 $0xFFFF0000, v50  }
0x117: {  	v58 =	vld [tilespmem:$0x6AD0];
	v0 =	vadd.f32 v2, v0;
	v1 =	vadd.f32 v57, v3  }
0x118: {  	v59 =	vshll.u32 v54, $0x10;
	v4 =	vand.u32 $0xFFFF0000, v52  }
0x119: {  	v60 =	vld [tilespmem:$0x6AE0];
	v0 =	vadd.f32 v4, v0;
	v1 =	vadd.f32 v59, v1  }
0x11a: {  	v61 =	vshll.u32 v56, $0x10;
	v5 =	vand.u32 $0xFFFF0000, v54  }
0x11b: {  	v62 =	vld [tilespmem:$0x6AF0];
	v0 =	vadd.f32 v5, v0;
	v1 =	vadd.f32 v61, v1  }
0x11c: {  	v63 =	vshll.u32 v58, $0x10;
	v6 =	vand.u32 $0xFFFF0000, v56  }
0x11d: {  	v9 =	vld [tilespmem:$0x6B00];
	v0 =	vadd.f32 v6, v0;
	v1 =	vadd.f32 v63, v1  }
0x11e: {  	v10 =	vshll.u32 v60, $0x10;
	v3 =	vand.u32 $0xFFFF0000, v58  }
0x11f: {  	v11 =	vld [tilespmem:$0x6B10];
	v0 =	vadd.f32 v3, v0;
	v1 =	vadd.f32 v10, v1  }
0x120: {  	v12 =	vshll.u32 v62, $0x10;
	v2 =	vand.u32 $0xFFFF0000, v60  }
0x121: {  	v13 =	vld [tilespmem:$0x6B20];
	v0 =	vadd.f32 v2, v0;
	v1 =	vadd.f32 v12, v1  }
0x122: {  	v14 =	vshll.u32 v9, $0x10;
	v4 =	vand.u32 $0xFFFF0000, v62  }
0x123: {  	v15 =	vld [tilespmem:$0x6B30];
	v0 =	vadd.f32 v4, v0;
	v1 =	vadd.f32 v14, v1  }
0x124: {  	v16 =	vshll.u32 v11, $0x10;
	v5 =	vand.u32 $0xFFFF0000, v9  }
0x125: {  	v0 =	vadd.f32 v5, v0;
	v1 =	vadd.f32 v16, v1  }
0x126: {  	v17 =	vshll.u32 v13, $0x10;
	v18 =	vand.u32 $0xFFFF0000, v11  }
0x127: {  	v0 =	vadd.f32 v18, v0;
	v1 =	vadd.f32 v17, v1  }
0x128: {  	v19 =	vshll.u32 v15, $0x10;
	v3 =	vand.u32 $0xFFFF0000, v13  }
0x129: {  	v0 =	vadd.f32 v3, v0;
	v1 =	vadd.f32 v19, v1  }
0x12a: {  	v2 =	vand.u32 $0xFFFF0000, v15  }
0x12b: {  	v0 =	vadd.f32 v2, v0;
	(xrf2) =	vadd.scan.msk.f32 $0xffff, v1;
	_ =	sdelay $0x1  }
0x12c: {  	(xrf2) =	vadd.scan.msk.f32 $0xffff, v0;
	_ =	sdelay $0x7  }
0x12d: {  	v20, _, _ =	vpop (xrf2)  }
0x12e: {  	(v2sf) =	vpush v20, $0xF  }
0x12f: {  	v21, _, _ =	vpop (xrf2)  }
0x130: {  	(v2sf) =	vpush v21, $0xF;
	_ =	sdelay $0x8  }
0x131: {  	s5 =	sadd.s32 @!p0 $0xF70, s0;
	s6 =	simm.s32 @!p0 $0x6A70  }
0x132: {  	[tilespmem:s6], [sflag:$0x4] =	stream.indirect.gather @!p0 [spmem:s2], $0x1, s5, s4, $0xb8;
	[tilespmem:$0x16A48] =	vst v63  }
0x133: {  	s7 =	simm.s32 @!p0 $0x6AD8;
	s6 =	sadd.s32 @!p0 $0xFD8, s0  }
0x134: {  	[tilespmem:s7], [sflag:$0x4] =	stream.indirect.gather @!p0 [spmem:s2], $0x1, s6, s4, $0xb8;
	[tilespmem:$0x16A48] =	vst v63  }
0x135: {  	s5 =	spop (v2sf)  }
0x136: {  	v22 =	vld [tilespmem:$0x16928];
	s5 =	smul.f32 $4.999999890e-03, s5  }
0x137: {  	s7 =	spop (v2sf)  }
0x138: {  	s6 =	smul.f32 $4.999999890e-03, s7;
	v23 =	vmov s5  }
0x139: {  	v1 =	vnsel vm0, $0x0, v23  }
0x13a: {  	v1 =	vsel vm1, s6, v1  }
0x13b: {  	v0 =	vadd.f32 v22, v1;
	_ =	sdelay $0x1  }
0x13c: {  	[tilespmem:s14+$0xFFFFFFF6] =	vst v0  }
0x13d: {  	_ =	swait.ge [sflag:s20], $0x68  }
0x13e: {  	[sflag:s20] =	ssyncset.done $0x0  }
0x13f: {  	[sflag:s20] =	ssyncadd.s32 $0xFFFFFF98  }
0x140: {  	_ =	swait.ge [sflag:s20], $0x68  }
0x141: {  	[sflag:s20] =	ssyncset.done $0x0  }
0x142: {  	[sflag:s20] =	ssyncadd.s32 $0xFFFFFF98  }
0x143: {  	v24 =	vld [tilespmem:$0x6B40];
	_ =	sdelay $0x1  }
0x144: {  	v25 =	vld [tilespmem:$0x6B50];
	_ =	sdelay $0x1  }
0x145: {  	v26 =	vld [tilespmem:$0x6B60]  }
0x146: {  	v27 =	vshll.u32 v24, $0x10  }
0x147: {  	v28 =	vld [tilespmem:$0x6B70];
	v3 =	vadd.f32 $0.0e+00, v27  }
0x148: {  	v29 =	vshll.u32 v25, $0x10;
	v0 =	vand.u32 $0xFFFF0000, v24  }
0x149: {  	v30 =	vld [tilespmem:$0x6B80];
	v0 =	vadd.f32 $0.0e+00, v0;
	v3 =	vadd.f32 v29, v3  }
0x14a: {  	v31 =	vshll.u32 v26, $0x10;
	v1 =	vand.u32 $0xFFFF0000, v25  }
0x14b: {  	v32 =	vld [tilespmem:$0x6B90];
	v0 =	vadd.f32 v1, v0;
	v3 =	vadd.f32 v31, v3  }
0x14c: {  	v33 =	vshll.u32 v28, $0x10;
	v2 =	vand.u32 $0xFFFF0000, v26  }
0x14d: {  	v34 =	vld [tilespmem:$0x6BA0];
	v0 =	vadd.f32 v2, v0;
	v1 =	vadd.f32 v33, v3  }
0x14e: {  	v35 =	vshll.u32 v30, $0x10;
	v4 =	vand.u32 $0xFFFF0000, v28  }
0x14f: {  	v36 =	vld [tilespmem:$0x6BB0];
	v0 =	vadd.f32 v4, v0;
	v1 =	vadd.f32 v35, v1  }
0x150: {  	v37 =	vshll.u32 v32, $0x10;
	v5 =	vand.u32 $0xFFFF0000, v30  }
0x151: {  	v38 =	vld [tilespmem:$0x6BC0];
	v0 =	vadd.f32 v5, v0;
	v1 =	vadd.f32 v37, v1  }
0x152: {  	v39 =	vshll.u32 v34, $0x10;
	v6 =	vand.u32 $0xFFFF0000, v32  }
0x153: {  	v40 =	vld [tilespmem:$0x6BD0];
	v0 =	vadd.f32 v6, v0;
	v1 =	vadd.f32 v39, v1  }
0x154: {  	v41 =	vshll.u32 v36, $0x10;
	v3 =	vand.u32 $0xFFFF0000, v34  }
0x155: {  	v42 =	vld [tilespmem:$0x6BE0];
	v0 =	vadd.f32 v3, v0;
	v1 =	vadd.f32 v41, v1  }
0x156: {  	v43 =	vshll.u32 v38, $0x10;
	v2 =	vand.u32 $0xFFFF0000, v36  }
0x157: {  	v44 =	vld [tilespmem:$0x6BF0];
	v0 =	vadd.f32 v2, v0;
	v1 =	vadd.f32 v43, v1  }
0x158: {  	v45 =	vshll.u32 v40, $0x10;
	v4 =	vand.u32 $0xFFFF0000, v38  }
0x159: {  	v46 =	vld [tilespmem:$0x6C00];
	v0 =	vadd.f32 v4, v0;
	v1 =	vadd.f32 v45, v1  }
0x15a: {  	v47 =	vshll.u32 v42, $0x10;
	v5 =	vand.u32 $0xFFFF0000, v40  }
0x15b: {  	v0 =	vadd.f32 v5, v0;
	v1 =	vadd.f32 v47, v1  }
0x15c: {  	v48 =	vshll.u32 v44, $0x10;
	v49 =	vand.u32 $0xFFFF0000, v42  }
0x15d: {  	v0 =	vadd.f32 v49, v0;
	v1 =	vadd.f32 v48, v1  }
0x15e: {  	v50 =	vshll.u32 v46, $0x10;
	v3 =	vand.u32 $0xFFFF0000, v44  }
0x15f: {  	v0 =	vadd.f32 v3, v0;
	v1 =	vadd.f32 v50, v1  }
0x160: {  	v2 =	vand.u32 $0xFFFF0000, v46  }
0x161: {  	v0 =	vadd.f32 v2, v0;
	(xrf2) =	vadd.scan.msk.f32 $0xffff, v1;
	_ =	sdelay $0x1  }
0x162: {  	(xrf2) =	vadd.scan.msk.f32 $0xffff, v0;
	_ =	sdelay $0x7  }
0x163: {  	v51, _, _ =	vpop (xrf2)  }
0x164: {  	(v2sf) =	vpush v51, $0xF  }
0x165: {  	v52, _, _ =	vpop (xrf2)  }
0x166: {  	(v2sf) =	vpush v52, $0xF;
	_ =	sdelay $0x8  }
0x167: {  	s5 =	sadd.s32 @!p0 $0x1040, s0;
	s6 =	simm.s32 @!p0 $0x6B40  }
0x168: {  	[tilespmem:s6], [sflag:$0x5] =	stream.indirect.gather @!p0 [spmem:s2], $0x1, s5, s4, $0xb8;
	[tilespmem:$0x16A48] =	vst v63  }
0x169: {  	s7 =	simm.s32 @!p0 $0x6BA8;
	s6 =	sadd.s32 @!p0 $0x10A8, s0  }
0x16a: {  	[tilespmem:s7], [sflag:$0x5] =	stream.indirect.gather @!p0 [spmem:s2], $0x1, s6, s4, $0xb8;
	[tilespmem:$0x16A48] =	vst v63  }
0x16b: {  	s5 =	spop (v2sf)  }
0x16c: {  	v53 =	vld [tilespmem:$0x16928];
	s5 =	smul.f32 $4.999999890e-03, s5  }
0x16d: {  	s7 =	spop (v2sf)  }
0x16e: {  	s6 =	smul.f32 $4.999999890e-03, s7;
	v54 =	vmov s5  }
0x16f: {  	v1 =	vnsel vm0, $0x0, v54  }
0x170: {  	v1 =	vsel vm1, s6, v1  }
0x171: {  	v0 =	vadd.f32 v53, v1;
	_ =	sdelay $0x1  }
0x172: {  	[tilespmem:s14+$0xFFFFFFF8] =	vst v0  }
0x173: {  	_ =	swait.ge [sflag:s21], $0x68  }
0x174: {  	[sflag:s21] =	ssyncset.done $0x0  }
0x175: {  	[sflag:s21] =	ssyncadd.s32 $0xFFFFFF98  }
0x176: {  	_ =	swait.ge [sflag:s21], $0x68  }
0x177: {  	[sflag:s21] =	ssyncset.done $0x0  }
0x178: {  	[sflag:s21] =	ssyncadd.s32 $0xFFFFFF98  }
0x179: {  	v55 =	vld [tilespmem:$0x6C10];
	_ =	sdelay $0x1  }
0x17a: {  	v56 =	vld [tilespmem:$0x6C20];
	_ =	sdelay $0x1  }
0x17b: {  	v57 =	vld [tilespmem:$0x6C30]  }
0x17c: {  	v58 =	vshll.u32 v55, $0x10  }
0x17d: {  	v59 =	vld [tilespmem:$0x6C40];
	v3 =	vadd.f32 $0.0e+00, v58  }
0x17e: {  	v60 =	vshll.u32 v56, $0x10;
	v0 =	vand.u32 $0xFFFF0000, v55  }
0x17f: {  	v61 =	vld [tilespmem:$0x6C50];
	v0 =	vadd.f32 $0.0e+00, v0;
	v3 =	vadd.f32 v60, v3  }
0x180: {  	v62 =	vshll.u32 v57, $0x10;
	v1 =	vand.u32 $0xFFFF0000, v56  }
0x181: {  	v63 =	vld [tilespmem:$0x6C60];
	v0 =	vadd.f32 v1, v0;
	v3 =	vadd.f32 v62, v3  }
0x182: {  	v8 =	vshll.u32 v59, $0x10;
	v2 =	vand.u32 $0xFFFF0000, v57  }
0x183: {  	v9 =	vld [tilespmem:$0x6C70];
	v0 =	vadd.f32 v2, v0;
	v1 =	vadd.f32 v8, v3  }
0x184: {  	v10 =	vshll.u32 v61, $0x10;
	v4 =	vand.u32 $0xFFFF0000, v59  }
0x185: {  	v11 =	vld [tilespmem:$0x6C80];
	v0 =	vadd.f32 v4, v0;
	v1 =	vadd.f32 v10, v1  }
0x186: {  	v12 =	vshll.u32 v63, $0x10;
	v5 =	vand.u32 $0xFFFF0000, v61  }
0x187: {  	v13 =	vld [tilespmem:$0x6C90];
	v0 =	vadd.f32 v5, v0;
	v1 =	vadd.f32 v12, v1  }
0x188: {  	v14 =	vshll.u32 v9, $0x10;
	v6 =	vand.u32 $0xFFFF0000, v63  }
0x189: {  	v15 =	vld [tilespmem:$0x6CA0];
	v0 =	vadd.f32 v6, v0;
	v1 =	vadd.f32 v14, v1  }
0x18a: {  	v16 =	vshll.u32 v11, $0x10;
	v3 =	vand.u32 $0xFFFF0000, v9  }
0x18b: {  	v17 =	vld [tilespmem:$0x6CB0];
	v0 =	vadd.f32 v3, v0;
	v1 =	vadd.f32 v16, v1  }
0x18c: {  	v18 =	vshll.u32 v13, $0x10;
	v2 =	vand.u32 $0xFFFF0000, v11  }
0x18d: {  	v19 =	vld [tilespmem:$0x6CC0];
	v0 =	vadd.f32 v2, v0;
	v1 =	vadd.f32 v18, v1  }
0x18e: {  	v20 =	vshll.u32 v15, $0x10;
	v4 =	vand.u32 $0xFFFF0000, v13  }
0x18f: {  	v21 =	vld [tilespmem:$0x6CD0];
	v0 =	vadd.f32 v4, v0;
	v1 =	vadd.f32 v20, v1  }
0x190: {  	v22 =	vshll.u32 v17, $0x10;
	v5 =	vand.u32 $0xFFFF0000, v15  }
0x191: {  	v0 =	vadd.f32 v5, v0;
	v1 =	vadd.f32 v22, v1  }
0x192: {  	v23 =	vshll.u32 v19, $0x10;
	v24 =	vand.u32 $0xFFFF0000, v17  }
0x193: {  	v0 =	vadd.f32 v24, v0;
	v1 =	vadd.f32 v23, v1  }
0x194: {  	v25 =	vshll.u32 v21, $0x10;
	v3 =	vand.u32 $0xFFFF0000, v19  }
0x195: {  	v0 =	vadd.f32 v3, v0;
	v1 =	vadd.f32 v25, v1  }
0x196: {  	v2 =	vand.u32 $0xFFFF0000, v21  }
0x197: {  	v0 =	vadd.f32 v2, v0;
	(xrf2) =	vadd.scan.msk.f32 $0xffff, v1;
	_ =	sdelay $0x1  }
0x198: {  	(xrf2) =	vadd.scan.msk.f32 $0xffff, v0;
	_ =	sdelay $0x7  }
0x199: {  	v26, _, _ =	vpop (xrf2)  }
0x19a: {  	(v2sf) =	vpush v26, $0xF  }
0x19b: {  	v27, _, _ =	vpop (xrf2)  }
0x19c: {  	(v2sf) =	vpush v27, $0xF;
	_ =	sdelay $0x8  }
0x19d: {  	s5 =	sadd.s32 @!p0 $0x1110, s0;
	s6 =	simm.s32 @!p0 $0x6C10  }
0x19e: {  	[tilespmem:s6], [sflag:$0x6] =	stream.indirect.gather @!p0 [spmem:s2], $0x1, s5, s4, $0xb8;
	[tilespmem:$0x16A48] =	vst v63  }
0x19f: {  	s7 =	simm.s32 @!p0 $0x6C78;
	s6 =	sadd.s32 @!p0 $0x1178, s0  }
0x1a0: {  	[tilespmem:s7], [sflag:$0x6] =	stream.indirect.gather @!p0 [spmem:s2], $0x1, s6, s4, $0xb8;
	[tilespmem:$0x16A48] =	vst v63  }
0x1a1: {  	s5 =	spop (v2sf)  }
0x1a2: {  	v28 =	vld [tilespmem:$0x16928];
	s5 =	smul.f32 $4.999999890e-03, s5  }
0x1a3: {  	s7 =	spop (v2sf)  }
0x1a4: {  	s6 =	smul.f32 $4.999999890e-03, s7;
	v29 =	vmov s5  }
0x1a5: {  	v1 =	vnsel vm0, $0x0, v29  }
0x1a6: {  	v1 =	vsel vm1, s6, v1  }
0x1a7: {  	v0 =	vadd.f32 v28, v1;
	_ =	sdelay $0x1  }
0x1a8: {  	[tilespmem:s14+$0xFFFFFFFA] =	vst v0  }
0x1a9: {  	_ =	swait.ge [sflag:s22], $0x68  }
0x1aa: {  	[sflag:s22] =	ssyncset.done $0x0  }
0x1ab: {  	[sflag:s22] =	ssyncadd.s32 $0xFFFFFF98  }
0x1ac: {  	_ =	swait.ge [sflag:s22], $0x68  }
0x1ad: {  	[sflag:s22] =	ssyncset.done $0x0  }
0x1ae: {  	[sflag:s22] =	ssyncadd.s32 $0xFFFFFF98  }
0x1af: {  	v30 =	vld [tilespmem:$0x6CE0];
	_ =	sdelay $0x1  }
0x1b0: {  	v31 =	vld [tilespmem:$0x6CF0];
	_ =	sdelay $0x1  }
0x1b1: {  	v32 =	vld [tilespmem:$0x6D00]  }
0x1b2: {  	v33 =	vshll.u32 v30, $0x10  }
0x1b3: {  	v34 =	vld [tilespmem:$0x6D10];
	v3 =	vadd.f32 $0.0e+00, v33  }
0x1b4: {  	v35 =	vshll.u32 v31, $0x10;
	v0 =	vand.u32 $0xFFFF0000, v30  }
0x1b5: {  	v36 =	vld [tilespmem:$0x6D20];
	v0 =	vadd.f32 $0.0e+00, v0;
	v3 =	vadd.f32 v35, v3  }
0x1b6: {  	v37 =	vshll.u32 v32, $0x10;
	v1 =	vand.u32 $0xFFFF0000, v31  }
0x1b7: {  	v38 =	vld [tilespmem:$0x6D30];
	v0 =	vadd.f32 v1, v0;
	v3 =	vadd.f32 v37, v3  }
0x1b8: {  	v39 =	vshll.u32 v34, $0x10;
	v2 =	vand.u32 $0xFFFF0000, v32  }
0x1b9: {  	v40 =	vld [tilespmem:$0x6D40];
	v0 =	vadd.f32 v2, v0;
	v1 =	vadd.f32 v39, v3  }
0x1ba: {  	v41 =	vshll.u32 v36, $0x10;
	v4 =	vand.u32 $0xFFFF0000, v34  }
0x1bb: {  	v42 =	vld [tilespmem:$0x6D50];
	v0 =	vadd.f32 v4, v0;
	v1 =	vadd.f32 v41, v1  }
0x1bc: {  	v43 =	vshll.u32 v38, $0x10;
	v5 =	vand.u32 $0xFFFF0000, v36  }
0x1bd: {  	v44 =	vld [tilespmem:$0x6D60];
	v0 =	vadd.f32 v5, v0;
	v1 =	vadd.f32 v43, v1  }
0x1be: {  	v45 =	vshll.u32 v40, $0x10;
	v6 =	vand.u32 $0xFFFF0000, v38  }
0x1bf: {  	v46 =	vld [tilespmem:$0x6D70];
	v0 =	vadd.f32 v6, v0;
	v1 =	vadd.f32 v45, v1  }
0x1c0: {  	v47 =	vshll.u32 v42, $0x10;
	v3 =	vand.u32 $0xFFFF0000, v40  }
0x1c1: {  	v48 =	vld [tilespmem:$0x6D80];
	v0 =	vadd.f32 v3, v0;
	v1 =	vadd.f32 v47, v1  }
0x1c2: {  	v49 =	vshll.u32 v44, $0x10;
	v2 =	vand.u32 $0xFFFF0000, v42  }
0x1c3: {  	v50 =	vld [tilespmem:$0x6D90];
	v0 =	vadd.f32 v2, v0;
	v1 =	vadd.f32 v49, v1  }
0x1c4: {  	v51 =	vshll.u32 v46, $0x10;
	v4 =	vand.u32 $0xFFFF0000, v44  }
0x1c5: {  	v52 =	vld [tilespmem:$0x6DA0];
	v0 =	vadd.f32 v4, v0;
	v1 =	vadd.f32 v51, v1  }
0x1c6: {  	v53 =	vshll.u32 v48, $0x10;
	v5 =	vand.u32 $0xFFFF0000, v46  }
0x1c7: {  	v0 =	vadd.f32 v5, v0;
	v1 =	vadd.f32 v53, v1  }
0x1c8: {  	v54 =	vshll.u32 v50, $0x10;
	v55 =	vand.u32 $0xFFFF0000, v48  }
0x1c9: {  	v0 =	vadd.f32 v55, v0;
	v1 =	vadd.f32 v54, v1  }
0x1ca: {  	v56 =	vshll.u32 v52, $0x10;
	v3 =	vand.u32 $0xFFFF0000, v50  }
0x1cb: {  	v0 =	vadd.f32 v3, v0;
	v1 =	vadd.f32 v56, v1  }
0x1cc: {  	v2 =	vand.u32 $0xFFFF0000, v52  }
0x1cd: {  	v0 =	vadd.f32 v2, v0;
	(xrf2) =	vadd.scan.msk.f32 $0xffff, v1;
	_ =	sdelay $0x1  }
0x1ce: {  	(xrf2) =	vadd.scan.msk.f32 $0xffff, v0;
	_ =	sdelay $0x7  }
0x1cf: {  	v57, _, _ =	vpop (xrf2)  }
0x1d0: {  	(v2sf) =	vpush v57, $0xF  }
0x1d1: {  	v58, _, _ =	vpop (xrf2)  }
0x1d2: {  	(v2sf) =	vpush v58, $0xF;
	_ =	sdelay $0x8  }
0x1d3: {  	s5 =	sadd.s32 @!p0 $0x11E0, s0;
	s6 =	simm.s32 @!p0 $0x6CE0  }
0x1d4: {  	[tilespmem:s6], [sflag:$0x7] =	stream.indirect.gather @!p0 [spmem:s2], $0x1, s5, s4, $0xb8;
	[tilespmem:$0x16A48] =	vst v63  }
0x1d5: {  	s7 =	simm.s32 @!p0 $0x6D48;
	s6 =	sadd.s32 @!p0 $0x1248, s0  }
0x1d6: {  	[tilespmem:s7], [sflag:$0x7] =	stream.indirect.gather @!p0 [spmem:s2], $0x1, s6, s4, $0xb8;
	[tilespmem:$0x16A48] =	vst v63  }
0x1d7: {  	s5 =	spop (v2sf)  }
0x1d8: {  	v59 =	vld [tilespmem:$0x16928];
	s5 =	smul.f32 $4.999999890e-03, s5  }
0x1d9: {  	s7 =	spop (v2sf)  }
0x1da: {  	s6 =	smul.f32 $4.999999890e-03, s7;
	v60 =	vmov s5  }
0x1db: {  	v1 =	vnsel vm0, $0x0, v60  }
0x1dc: {  	v1 =	vsel vm1, s6, v1  }
0x1dd: {  	v0 =	vadd.f32 v59, v1;
	_ =	sdelay $0x1  }
0x1de: {  	[tilespmem:s14+$0xFFFFFFFC] =	vst v0  }
0x1df: {  	_ =	swait.ge [sflag:s23], $0x68  }
0x1e0: {  	[sflag:s23] =	ssyncset.done $0x0  }
0x1e1: {  	[sflag:s23] =	ssyncadd.s32 $0xFFFFFF98  }
0x1e2: {  	_ =	swait.ge [sflag:s23], $0x68  }
0x1e3: {  	[sflag:s23] =	ssyncset.done $0x0  }
0x1e4: {  	[sflag:s23] =	ssyncadd.s32 $0xFFFFFF98  }
0x1e5: {  	v61 =	vld [tilespmem:$0x6DB0];
	_ =	sdelay $0x1  }
0x1e6: {  	v62 =	vld [tilespmem:$0x6DC0];
	_ =	sdelay $0x1  }
0x1e7: {  	v63 =	vld [tilespmem:$0x6DD0]  }
0x1e8: {  	v9 =	vshll.u32 v61, $0x10  }
0x1e9: {  	v10 =	vld [tilespmem:$0x6DE0];
	v3 =	vadd.f32 $0.0e+00, v9  }
0x1ea: {  	v11 =	vshll.u32 v62, $0x10;
	v0 =	vand.u32 $0xFFFF0000, v61  }
0x1eb: {  	v12 =	vld [tilespmem:$0x6DF0];
	v0 =	vadd.f32 $0.0e+00, v0;
	v3 =	vadd.f32 v11, v3  }
0x1ec: {  	v13 =	vshll.u32 v63, $0x10;
	v1 =	vand.u32 $0xFFFF0000, v62  }
0x1ed: {  	v14 =	vld [tilespmem:$0x6E00];
	v0 =	vadd.f32 v1, v0;
	v3 =	vadd.f32 v13, v3  }
0x1ee: {  	v15 =	vshll.u32 v10, $0x10;
	v2 =	vand.u32 $0xFFFF0000, v63  }
0x1ef: {  	v16 =	vld [tilespmem:$0x6E10];
	v0 =	vadd.f32 v2, v0;
	v1 =	vadd.f32 v15, v3  }
0x1f0: {  	v17 =	vshll.u32 v12, $0x10;
	v4 =	vand.u32 $0xFFFF0000, v10  }
0x1f1: {  	v18 =	vld [tilespmem:$0x6E20];
	v0 =	vadd.f32 v4, v0;
	v1 =	vadd.f32 v17, v1  }
0x1f2: {  	v19 =	vshll.u32 v14, $0x10;
	v5 =	vand.u32 $0xFFFF0000, v12  }
0x1f3: {  	v20 =	vld [tilespmem:$0x6E30];
	v0 =	vadd.f32 v5, v0;
	v1 =	vadd.f32 v19, v1  }
0x1f4: {  	v21 =	vshll.u32 v16, $0x10;
	v6 =	vand.u32 $0xFFFF0000, v14  }
0x1f5: {  	v22 =	vld [tilespmem:$0x6E40];
	v0 =	vadd.f32 v6, v0;
	v1 =	vadd.f32 v21, v1  }
0x1f6: {  	v23 =	vshll.u32 v18, $0x10;
	v3 =	vand.u32 $0xFFFF0000, v16  }
0x1f7: {  	v24 =	vld [tilespmem:$0x6E50];
	v0 =	vadd.f32 v3, v0;
	v1 =	vadd.f32 v23, v1  }
0x1f8: {  	v25 =	vshll.u32 v20, $0x10;
	v2 =	vand.u32 $0xFFFF0000, v18  }
0x1f9: {  	v26 =	vld [tilespmem:$0x6E60];
	v0 =	vadd.f32 v2, v0;
	v1 =	vadd.f32 v25, v1  }
0x1fa: {  	v27 =	vshll.u32 v22, $0x10;
	v4 =	vand.u32 $0xFFFF0000, v20  }
0x1fb: {  	v28 =	vld [tilespmem:$0x6E70];
	v0 =	vadd.f32 v4, v0;
	v1 =	vadd.f32 v27, v1  }
0x1fc: {  	v29 =	vshll.u32 v24, $0x10;
	v5 =	vand.u32 $0xFFFF0000, v22  }
0x1fd: {  	v0 =	vadd.f32 v5, v0;
	v1 =	vadd.f32 v29, v1  }
0x1fe: {  	v30 =	vshll.u32 v26, $0x10;
	v31 =	vand.u32 $0xFFFF0000, v24  }
0x1ff: {  	v0 =	vadd.f32 v31, v0;
	v1 =	vadd.f32 v30, v1  }
0x200: {  	v32 =	vshll.u32 v28, $0x10;
	v3 =	vand.u32 $0xFFFF0000, v26  }
0x201: {  	v0 =	vadd.f32 v3, v0;
	v1 =	vadd.f32 v32, v1  }
0x202: {  	v2 =	vand.u32 $0xFFFF0000, v28  }
0x203: {  	v0 =	vadd.f32 v2, v0;
	(xrf2) =	vadd.scan.msk.f32 $0xffff, v1;
	_ =	sdelay $0x1  }
0x204: {  	(xrf2) =	vadd.scan.msk.f32 $0xffff, v0;
	_ =	sdelay $0x7  }
0x205: {  	v33, _, _ =	vpop (xrf2)  }
0x206: {  	(v2sf) =	vpush v33, $0xF  }
0x207: {  	v34, _, _ =	vpop (xrf2)  }
0x208: {  	(v2sf) =	vpush v34, $0xF;
	_ =	sdelay $0x8  }
0x209: {  	s5 =	sadd.s32 @!p0 $0x12B0, s0;
	s6 =	simm.s32 @!p0 $0x6DB0  }
0x20a: {  	[tilespmem:s6], [sflag:$0x8] =	stream.indirect.gather @!p0 [spmem:s2], $0x1, s5, s4, $0xb8;
	[tilespmem:$0x16A48] =	vst v63  }
0x20b: {  	s7 =	simm.s32 @!p0 $0x6E18;
	s6 =	sadd.s32 @!p0 $0x1318, s0  }
0x20c: {  	[tilespmem:s7], [sflag:$0x8] =	stream.indirect.gather @!p0 [spmem:s2], $0x1, s6, s4, $0xb8;
	[tilespmem:$0x16A48] =	vst v63  }
0x20d: {  	s5 =	spop (v2sf)  }
0x20e: {  	v35 =	vld [tilespmem:$0x16928];
	s5 =	smul.f32 $4.999999890e-03, s5  }
0x20f: {  	s7 =	spop (v2sf)  }
0x210: {  	s6 =	smul.f32 $4.999999890e-03, s7;
	v36 =	vmov s5  }
0x211: {  	v1 =	vnsel vm0, $0x0, v36  }
0x212: {  	v1 =	vsel vm1, s6, v1  }
0x213: {  	v0 =	vadd.f32 v35, v1;
	_ =	sdelay $0x1  }
0x214: {  	[tilespmem:s14+$0xFFFFFFFE] =	vst v0  }
0x215: {  	_ =	swait.ge [sflag:s24], $0x68  }
0x216: {  	[sflag:s24] =	ssyncset.done $0x0  }
0x217: {  	[sflag:s24] =	ssyncadd.s32 $0xFFFFFF98  }
0x218: {  	_ =	swait.ge [sflag:s24], $0x68  }
0x219: {  	[sflag:s24] =	ssyncset.done $0x0  }
0x21a: {  	[sflag:s24] =	ssyncadd.s32 $0xFFFFFF98  }
0x21b: {  	v37 =	vld [tilespmem:$0x6E80];
	_ =	sdelay $0x1  }
0x21c: {  	v38 =	vld [tilespmem:$0x6E90];
	_ =	sdelay $0x1  }
0x21d: {  	v39 =	vld [tilespmem:$0x6EA0]  }
0x21e: {  	v40 =	vshll.u32 v37, $0x10  }
0x21f: {  	v41 =	vld [tilespmem:$0x6EB0];
	v3 =	vadd.f32 $0.0e+00, v40  }
0x220: {  	v42 =	vshll.u32 v38, $0x10;
	v0 =	vand.u32 $0xFFFF0000, v37  }
0x221: {  	v43 =	vld [tilespmem:$0x6EC0];
	v0 =	vadd.f32 $0.0e+00, v0;
	v3 =	vadd.f32 v42, v3  }
0x222: {  	v44 =	vshll.u32 v39, $0x10;
	v1 =	vand.u32 $0xFFFF0000, v38  }
0x223: {  	v45 =	vld [tilespmem:$0x6ED0];
	v0 =	vadd.f32 v1, v0;
	v3 =	vadd.f32 v44, v3  }
0x224: {  	v46 =	vshll.u32 v41, $0x10;
	v2 =	vand.u32 $0xFFFF0000, v39  }
0x225: {  	v47 =	vld [tilespmem:$0x6EE0];
	v0 =	vadd.f32 v2, v0;
	v1 =	vadd.f32 v46, v3  }
0x226: {  	v48 =	vshll.u32 v43, $0x10;
	v4 =	vand.u32 $0xFFFF0000, v41  }
0x227: {  	v49 =	vld [tilespmem:$0x6EF0];
	v0 =	vadd.f32 v4, v0;
	v1 =	vadd.f32 v48, v1  }
0x228: {  	v50 =	vshll.u32 v45, $0x10;
	v5 =	vand.u32 $0xFFFF0000, v43  }
0x229: {  	v51 =	vld [tilespmem:$0x6F00];
	v0 =	vadd.f32 v5, v0;
	v1 =	vadd.f32 v50, v1  }
0x22a: {  	v52 =	vshll.u32 v47, $0x10;
	v6 =	vand.u32 $0xFFFF0000, v45  }
0x22b: {  	v53 =	vld [tilespmem:$0x6F10];
	v0 =	vadd.f32 v6, v0;
	v1 =	vadd.f32 v52, v1  }
0x22c: {  	v54 =	vshll.u32 v49, $0x10;
	v3 =	vand.u32 $0xFFFF0000, v47  }
0x22d: {  	v55 =	vld [tilespmem:$0x6F20];
	v0 =	vadd.f32 v3, v0;
	v1 =	vadd.f32 v54, v1  }
0x22e: {  	v56 =	vshll.u32 v51, $0x10;
	v2 =	vand.u32 $0xFFFF0000, v49  }
0x22f: {  	v57 =	vld [tilespmem:$0x6F30];
	v0 =	vadd.f32 v2, v0;
	v1 =	vadd.f32 v56, v1  }
0x230: {  	v58 =	vshll.u32 v53, $0x10;
	v4 =	vand.u32 $0xFFFF0000, v51  }
0x231: {  	v59 =	vld [tilespmem:$0x6F40];
	v0 =	vadd.f32 v4, v0;
	v1 =	vadd.f32 v58, v1  }
0x232: {  	v60 =	vshll.u32 v55, $0x10;
	v5 =	vand.u32 $0xFFFF0000, v53  }
0x233: {  	v0 =	vadd.f32 v5, v0;
	v1 =	vadd.f32 v60, v1  }
0x234: {  	v61 =	vshll.u32 v57, $0x10;
	v62 =	vand.u32 $0xFFFF0000, v55  }
0x235: {  	v0 =	vadd.f32 v62, v0;
	v1 =	vadd.f32 v61, v1  }
0x236: {  	v63 =	vshll.u32 v59, $0x10;
	v3 =	vand.u32 $0xFFFF0000, v57  }
0x237: {  	v0 =	vadd.f32 v3, v0;
	v1 =	vadd.f32 v63, v1  }
0x238: {  	v2 =	vand.u32 $0xFFFF0000, v59  }
0x239: {  	v0 =	vadd.f32 v2, v0;
	(xrf2) =	vadd.scan.msk.f32 $0xffff, v1;
	_ =	sdelay $0x1  }
0x23a: {  	(xrf2) =	vadd.scan.msk.f32 $0xffff, v0;
	_ =	sdelay $0x7  }
0x23b: {  	v8, _, _ =	vpop (xrf2)  }
0x23c: {  	(v2sf) =	vpush v8, $0xF  }
0x23d: {  	v9, _, _ =	vpop (xrf2)  }
0x23e: {  	(v2sf) =	vpush v9, $0xF;
	_ =	sdelay $0x8  }
0x23f: {  	s5 =	sadd.s32 @!p0 $0x1380, s0;
	s6 =	simm.s32 @!p0 $0x6E80  }
0x240: {  	[tilespmem:s6], [sflag:$0x9] =	stream.indirect.gather @!p0 [spmem:s2], $0x1, s5, s4, $0xb8;
	[tilespmem:$0x16A48] =	vst v63  }
0x241: {  	s7 =	simm.s32 @!p0 $0x6EE8;
	s6 =	sadd.s32 @!p0 $0x13E8, s0  }
0x242: {  	[tilespmem:s7], [sflag:$0x9] =	stream.indirect.gather @!p0 [spmem:s2], $0x1, s6, s4, $0xb8;
	[tilespmem:$0x16A48] =	vst v63  }
0x243: {  	s5 =	spop (v2sf)  }
0x244: {  	v10 =	vld [tilespmem:$0x16928];
	s5 =	smul.f32 $4.999999890e-03, s5  }
0x245: {  	s7 =	spop (v2sf)  }
0x246: {  	s6 =	smul.f32 $4.999999890e-03, s7;
	v11 =	vmov s5  }
0x247: {  	v1 =	vnsel vm0, $0x0, v11  }
0x248: {  	v1 =	vsel vm1, s6, v1  }
0x249: {  	v0 =	vadd.f32 v10, v1;
	_ =	sdelay $0x1  }
0x24a: {  	[tilespmem:s14+$0x0] =	vst v0  }
0x24b: {  	_ =	swait.ge [sflag:s25], $0x68  }
0x24c: {  	[sflag:s25] =	ssyncset.done $0x0  }
0x24d: {  	[sflag:s25] =	ssyncadd.s32 $0xFFFFFF98  }
0x24e: {  	_ =	swait.ge [sflag:s25], $0x68  }
0x24f: {  	[sflag:s25] =	ssyncset.done $0x0  }
0x250: {  	[sflag:s25] =	ssyncadd.s32 $0xFFFFFF98  }
0x251: {  	v12 =	vld [tilespmem:$0x6F50];
	_ =	sdelay $0x1  }
0x252: {  	v13 =	vld [tilespmem:$0x6F60];
	_ =	sdelay $0x1  }
0x253: {  	v14 =	vld [tilespmem:$0x6F70]  }
0x254: {  	v15 =	vshll.u32 v12, $0x10  }
0x255: {  	v16 =	vld [tilespmem:$0x6F80];
	v3 =	vadd.f32 $0.0e+00, v15  }
0x256: {  	v17 =	vshll.u32 v13, $0x10;
	v0 =	vand.u32 $0xFFFF0000, v12  }
0x257: {  	v18 =	vld [tilespmem:$0x6F90];
	v0 =	vadd.f32 $0.0e+00, v0;
	v3 =	vadd.f32 v17, v3  }
0x258: {  	v19 =	vshll.u32 v14, $0x10;
	v1 =	vand.u32 $0xFFFF0000, v13  }
0x259: {  	v20 =	vld [tilespmem:$0x6FA0];
	v0 =	vadd.f32 v1, v0;
	v3 =	vadd.f32 v19, v3  }
0x25a: {  	v21 =	vshll.u32 v16, $0x10;
	v2 =	vand.u32 $0xFFFF0000, v14  }
0x25b: {  	v22 =	vld [tilespmem:$0x6FB0];
	v0 =	vadd.f32 v2, v0;
	v1 =	vadd.f32 v21, v3  }
0x25c: {  	v23 =	vshll.u32 v18, $0x10;
	v4 =	vand.u32 $0xFFFF0000, v16  }
0x25d: {  	v24 =	vld [tilespmem:$0x6FC0];
	v0 =	vadd.f32 v4, v0;
	v1 =	vadd.f32 v23, v1  }
0x25e: {  	v25 =	vshll.u32 v20, $0x10;
	v5 =	vand.u32 $0xFFFF0000, v18  }
0x25f: {  	v26 =	vld [tilespmem:$0x6FD0];
	v0 =	vadd.f32 v5, v0;
	v1 =	vadd.f32 v25, v1  }
0x260: {  	v27 =	vshll.u32 v22, $0x10;
	v6 =	vand.u32 $0xFFFF0000, v20  }
0x261: {  	v28 =	vld [tilespmem:$0x6FE0];
	v0 =	vadd.f32 v6, v0;
	v1 =	vadd.f32 v27, v1  }
0x262: {  	v29 =	vshll.u32 v24, $0x10;
	v3 =	vand.u32 $0xFFFF0000, v22  }
0x263: {  	v30 =	vld [tilespmem:$0x6FF0];
	v0 =	vadd.f32 v3, v0;
	v1 =	vadd.f32 v29, v1  }
0x264: {  	v31 =	vshll.u32 v26, $0x10;
	v2 =	vand.u32 $0xFFFF0000, v24  }
0x265: {  	v32 =	vld [tilespmem:$0x7000];
	v0 =	vadd.f32 v2, v0;
	v1 =	vadd.f32 v31, v1  }
0x266: {  	v33 =	vshll.u32 v28, $0x10;
	v4 =	vand.u32 $0xFFFF0000, v26  }
0x267: {  	v34 =	vld [tilespmem:$0x7010];
	v0 =	vadd.f32 v4, v0;
	v1 =	vadd.f32 v33, v1  }
0x268: {  	v35 =	vshll.u32 v30, $0x10;
	v5 =	vand.u32 $0xFFFF0000, v28  }
0x269: {  	v0 =	vadd.f32 v5, v0;
	v1 =	vadd.f32 v35, v1  }
0x26a: {  	v36 =	vshll.u32 v32, $0x10;
	v37 =	vand.u32 $0xFFFF0000, v30  }
0x26b: {  	v0 =	vadd.f32 v37, v0;
	v1 =	vadd.f32 v36, v1  }
0x26c: {  	v38 =	vshll.u32 v34, $0x10;
	v3 =	vand.u32 $0xFFFF0000, v32  }
0x26d: {  	v0 =	vadd.f32 v3, v0;
	v1 =	vadd.f32 v38, v1  }
0x26e: {  	v2 =	vand.u32 $0xFFFF0000, v34  }
0x26f: {  	v0 =	vadd.f32 v2, v0;
	(xrf2) =	vadd.scan.msk.f32 $0xffff, v1;
	_ =	sdelay $0x1  }
0x270: {  	(xrf2) =	vadd.scan.msk.f32 $0xffff, v0;
	_ =	sdelay $0x7  }
0x271: {  	v39, _, _ =	vpop (xrf2)  }
0x272: {  	(v2sf) =	vpush v39, $0xF  }
0x273: {  	v40, _, _ =	vpop (xrf2)  }
0x274: {  	(v2sf) =	vpush v40, $0xF;
	_ =	sdelay $0x8  }
0x275: {  	s5 =	sadd.s32 @!p0 $0x1450, s0;
	s6 =	simm.s32 @!p0 $0x6F50  }
0x276: {  	[tilespmem:s6], [sflag:$0xA] =	stream.indirect.gather @!p0 [spmem:s2], $0x1, s5, s4, $0xb8;
	[tilespmem:$0x16A48] =	vst v63  }
0x277: {  	s7 =	simm.s32 @!p0 $0x6FB8;
	s6 =	sadd.s32 @!p0 $0x14B8, s0  }
0x278: {  	[tilespmem:s7], [sflag:$0xA] =	stream.indirect.gather @!p0 [spmem:s2], $0x1, s6, s4, $0xb8;
	[tilespmem:$0x16A48] =	vst v63  }
0x279: {  	s5 =	spop (v2sf)  }
0x27a: {  	v41 =	vld [tilespmem:$0x16928];
	s5 =	smul.f32 $4.999999890e-03, s5  }
0x27b: {  	s7 =	spop (v2sf)  }
0x27c: {  	s6 =	smul.f32 $4.999999890e-03, s7;
	v42 =	vmov s5  }
0x27d: {  	v1 =	vnsel vm0, $0x0, v42  }
0x27e: {  	v1 =	vsel vm1, s6, v1  }
0x27f: {  	v0 =	vadd.f32 v41, v1;
	_ =	sdelay $0x1  }
0x280: {  	[tilespmem:s14+$0x2] =	vst v0  }
0x281: {  	_ =	swait.ge [sflag:s26], $0x68  }
0x282: {  	[sflag:s26] =	ssyncset.done $0x0  }
0x283: {  	[sflag:s26] =	ssyncadd.s32 $0xFFFFFF98  }
0x284: {  	_ =	swait.ge [sflag:s26], $0x68  }
0x285: {  	[sflag:s26] =	ssyncset.done $0x0  }
0x286: {  	[sflag:s26] =	ssyncadd.s32 $0xFFFFFF98  }
0x287: {  	v43 =	vld [tilespmem:$0x7020];
	_ =	sdelay $0x1  }
0x288: {  	v44 =	vld [tilespmem:$0x7030];
	_ =	sdelay $0x1  }
0x289: {  	v45 =	vld [tilespmem:$0x7040]  }
0x28a: {  	v46 =	vshll.u32 v43, $0x10  }
0x28b: {  	v47 =	vld [tilespmem:$0x7050];
	v3 =	vadd.f32 $0.0e+00, v46  }
0x28c: {  	v48 =	vshll.u32 v44, $0x10;
	v0 =	vand.u32 $0xFFFF0000, v43  }
0x28d: {  	v49 =	vld [tilespmem:$0x7060];
	v0 =	vadd.f32 $0.0e+00, v0;
	v3 =	vadd.f32 v48, v3  }
0x28e: {  	v50 =	vshll.u32 v45, $0x10;
	v1 =	vand.u32 $0xFFFF0000, v44  }
0x28f: {  	v51 =	vld [tilespmem:$0x7070];
	v0 =	vadd.f32 v1, v0;
	v3 =	vadd.f32 v50, v3  }
0x290: {  	v52 =	vshll.u32 v47, $0x10;
	v2 =	vand.u32 $0xFFFF0000, v45  }
0x291: {  	v53 =	vld [tilespmem:$0x7080];
	v0 =	vadd.f32 v2, v0;
	v1 =	vadd.f32 v52, v3  }
0x292: {  	v54 =	vshll.u32 v49, $0x10;
	v4 =	vand.u32 $0xFFFF0000, v47  }
0x293: {  	v55 =	vld [tilespmem:$0x7090];
	v0 =	vadd.f32 v4, v0;
	v1 =	vadd.f32 v54, v1  }
0x294: {  	v56 =	vshll.u32 v51, $0x10;
	v5 =	vand.u32 $0xFFFF0000, v49  }
0x295: {  	v57 =	vld [tilespmem:$0x70A0];
	v0 =	vadd.f32 v5, v0;
	v1 =	vadd.f32 v56, v1  }
0x296: {  	v58 =	vshll.u32 v53, $0x10;
	v6 =	vand.u32 $0xFFFF0000, v51  }
0x297: {  	v59 =	vld [tilespmem:$0x70B0];
	v0 =	vadd.f32 v6, v0;
	v1 =	vadd.f32 v58, v1  }
0x298: {  	v60 =	vshll.u32 v55, $0x10;
	v3 =	vand.u32 $0xFFFF0000, v53  }
0x299: {  	v61 =	vld [tilespmem:$0x70C0];
	v0 =	vadd.f32 v3, v0;
	v1 =	vadd.f32 v60, v1  }
0x29a: {  	v62 =	vshll.u32 v57, $0x10;
	v2 =	vand.u32 $0xFFFF0000, v55  }
0x29b: {  	v63 =	vld [tilespmem:$0x70D0];
	v0 =	vadd.f32 v2, v0;
	v1 =	vadd.f32 v62, v1  }
0x29c: {  	v8 =	vshll.u32 v59, $0x10;
	v4 =	vand.u32 $0xFFFF0000, v57  }
0x29d: {  	v9 =	vld [tilespmem:$0x70E0];
	v0 =	vadd.f32 v4, v0;
	v1 =	vadd.f32 v8, v1  }
0x29e: {  	v10 =	vshll.u32 v61, $0x10;
	v5 =	vand.u32 $0xFFFF0000, v59  }
0x29f: {  	v0 =	vadd.f32 v5, v0;
	v1 =	vadd.f32 v10, v1  }
0x2a0: {  	v11 =	vshll.u32 v63, $0x10;
	v12 =	vand.u32 $0xFFFF0000, v61  }
0x2a1: {  	v0 =	vadd.f32 v12, v0;
	v1 =	vadd.f32 v11, v1  }
0x2a2: {  	v13 =	vshll.u32 v9, $0x10;
	v3 =	vand.u32 $0xFFFF0000, v63  }
0x2a3: {  	v0 =	vadd.f32 v3, v0;
	v1 =	vadd.f32 v13, v1  }
0x2a4: {  	v2 =	vand.u32 $0xFFFF0000, v9  }
0x2a5: {  	v0 =	vadd.f32 v2, v0;
	(xrf2) =	vadd.scan.msk.f32 $0xffff, v1;
	_ =	sdelay $0x1  }
0x2a6: {  	(xrf2) =	vadd.scan.msk.f32 $0xffff, v0;
	_ =	sdelay $0x7  }
0x2a7: {  	v14, _, _ =	vpop (xrf2)  }
0x2a8: {  	(v2sf) =	vpush v14, $0xF  }
0x2a9: {  	v15, _, _ =	vpop (xrf2)  }
0x2aa: {  	(v2sf) =	vpush v15, $0xF;
	_ =	sdelay $0x8  }
0x2ab: {  	s5 =	sadd.s32 @!p0 $0x1520, s0;
	s6 =	simm.s32 @!p0 $0x7020  }
0x2ac: {  	[tilespmem:s6], [sflag:$0xB] =	stream.indirect.gather @!p0 [spmem:s2], $0x1, s5, s4, $0xb8;
	[tilespmem:$0x16A48] =	vst v63  }
0x2ad: {  	s7 =	simm.s32 @!p0 $0x7088;
	s6 =	sadd.s32 @!p0 $0x1588, s0  }
0x2ae: {  	[tilespmem:s7], [sflag:$0xB] =	stream.indirect.gather @!p0 [spmem:s2], $0x1, s6, s4, $0xb8;
	[tilespmem:$0x16A48] =	vst v63  }
0x2af: {  	s5 =	spop (v2sf)  }
0x2b0: {  	v16 =	vld [tilespmem:$0x16928];
	s5 =	smul.f32 $4.999999890e-03, s5  }
0x2b1: {  	s7 =	spop (v2sf)  }
0x2b2: {  	s6 =	smul.f32 $4.999999890e-03, s7;
	v17 =	vmov s5  }
0x2b3: {  	v1 =	vnsel vm0, $0x0, v17  }
0x2b4: {  	v1 =	vsel vm1, s6, v1  }
0x2b5: {  	v0 =	vadd.f32 v16, v1;
	_ =	sdelay $0x1  }
0x2b6: {  	[tilespmem:s14+$0x4] =	vst v0  }
0x2b7: {  	_ =	swait.ge [sflag:s28], $0x68  }
0x2b8: {  	[sflag:s28] =	ssyncset.done $0x0  }
0x2b9: {  	[sflag:s28] =	ssyncadd.s32 $0xFFFFFF98  }
0x2ba: {  	_ =	swait.ge [sflag:s28], $0x68  }
0x2bb: {  	[sflag:s28] =	ssyncset.done $0x0  }
0x2bc: {  	[sflag:s28] =	ssyncadd.s32 $0xFFFFFF98  }
0x2bd: {  	v18 =	vld [tilespmem:$0x70F0];
	_ =	sdelay $0x1  }
0x2be: {  	v19 =	vld [tilespmem:$0x7100];
	_ =	sdelay $0x1  }
0x2bf: {  	v20 =	vld [tilespmem:$0x7110]  }
0x2c0: {  	v21 =	vshll.u32 v18, $0x10  }
0x2c1: {  	v22 =	vld [tilespmem:$0x7120];
	v3 =	vadd.f32 $0.0e+00, v21  }
0x2c2: {  	v23 =	vshll.u32 v19, $0x10;
	v0 =	vand.u32 $0xFFFF0000, v18  }
0x2c3: {  	v24 =	vld [tilespmem:$0x7130];
	v0 =	vadd.f32 $0.0e+00, v0;
	v3 =	vadd.f32 v23, v3  }
0x2c4: {  	v25 =	vshll.u32 v20, $0x10;
	v1 =	vand.u32 $0xFFFF0000, v19  }
0x2c5: {  	v26 =	vld [tilespmem:$0x7140];
	v0 =	vadd.f32 v1, v0;
	v3 =	vadd.f32 v25, v3  }
0x2c6: {  	v27 =	vshll.u32 v22, $0x10;
	v2 =	vand.u32 $0xFFFF0000, v20  }
0x2c7: {  	v28 =	vld [tilespmem:$0x7150];
	v0 =	vadd.f32 v2, v0;
	v1 =	vadd.f32 v27, v3  }
0x2c8: {  	v29 =	vshll.u32 v24, $0x10;
	v4 =	vand.u32 $0xFFFF0000, v22  }
0x2c9: {  	v30 =	vld [tilespmem:$0x7160];
	v0 =	vadd.f32 v4, v0;
	v1 =	vadd.f32 v29, v1  }
0x2ca: {  	v31 =	vshll.u32 v26, $0x10;
	v5 =	vand.u32 $0xFFFF0000, v24  }
0x2cb: {  	v32 =	vld [tilespmem:$0x7170];
	v0 =	vadd.f32 v5, v0;
	v1 =	vadd.f32 v31, v1  }
0x2cc: {  	v33 =	vshll.u32 v28, $0x10;
	v6 =	vand.u32 $0xFFFF0000, v26  }
0x2cd: {  	v34 =	vld [tilespmem:$0x7180];
	v0 =	vadd.f32 v6, v0;
	v1 =	vadd.f32 v33, v1  }
0x2ce: {  	v35 =	vshll.u32 v30, $0x10;
	v3 =	vand.u32 $0xFFFF0000, v28  }
0x2cf: {  	v36 =	vld [tilespmem:$0x7190];
	v0 =	vadd.f32 v3, v0;
	v1 =	vadd.f32 v35, v1  }
0x2d0: {  	v37 =	vshll.u32 v32, $0x10;
	v2 =	vand.u32 $0xFFFF0000, v30  }
0x2d1: {  	v38 =	vld [tilespmem:$0x71A0];
	v0 =	vadd.f32 v2, v0;
	v1 =	vadd.f32 v37, v1  }
0x2d2: {  	v39 =	vshll.u32 v34, $0x10;
	v4 =	vand.u32 $0xFFFF0000, v32  }
0x2d3: {  	v40 =	vld [tilespmem:$0x71B0];
	v0 =	vadd.f32 v4, v0;
	v1 =	vadd.f32 v39, v1  }
0x2d4: {  	v41 =	vshll.u32 v36, $0x10;
	v5 =	vand.u32 $0xFFFF0000, v34  }
0x2d5: {  	v0 =	vadd.f32 v5, v0;
	v1 =	vadd.f32 v41, v1  }
0x2d6: {  	v42 =	vshll.u32 v38, $0x10;
	v43 =	vand.u32 $0xFFFF0000, v36  }
0x2d7: {  	v0 =	vadd.f32 v43, v0;
	v1 =	vadd.f32 v42, v1  }
0x2d8: {  	v44 =	vshll.u32 v40, $0x10;
	v3 =	vand.u32 $0xFFFF0000, v38  }
0x2d9: {  	v0 =	vadd.f32 v3, v0;
	v1 =	vadd.f32 v44, v1  }
0x2da: {  	v2 =	vand.u32 $0xFFFF0000, v40  }
0x2db: {  	v0 =	vadd.f32 v2, v0;
	(xrf2) =	vadd.scan.msk.f32 $0xffff, v1;
	_ =	sdelay $0x1  }
0x2dc: {  	(xrf2) =	vadd.scan.msk.f32 $0xffff, v0;
	_ =	sdelay $0x7  }
0x2dd: {  	v45, _, _ =	vpop (xrf2)  }
0x2de: {  	(v2sf) =	vpush v45, $0xF  }
0x2df: {  	v46, _, _ =	vpop (xrf2)  }
0x2e0: {  	(v2sf) =	vpush v46, $0xF;
	_ =	sdelay $0x8  }
0x2e1: {  	s5 =	sadd.s32 @!p0 $0x15F0, s0;
	s6 =	simm.s32 @!p0 $0x70F0  }
0x2e2: {  	[tilespmem:s6], [sflag:$0xC] =	stream.indirect.gather @!p0 [spmem:s2], $0x1, s5, s4, $0xb8;
	[tilespmem:$0x16A48] =	vst v63  }
0x2e3: {  	s7 =	simm.s32 @!p0 $0x7158;
	s6 =	sadd.s32 @!p0 $0x1658, s0  }
0x2e4: {  	[tilespmem:s7], [sflag:$0xC] =	stream.indirect.gather @!p0 [spmem:s2], $0x1, s6, s4, $0xb8;
	[tilespmem:$0x16A48] =	vst v63  }
0x2e5: {  	s5 =	spop (v2sf)  }
0x2e6: {  	v47 =	vld [tilespmem:$0x16928];
	s5 =	smul.f32 $4.999999890e-03, s5  }
0x2e7: {  	s7 =	spop (v2sf)  }
0x2e8: {  	s6 =	smul.f32 $4.999999890e-03, s7;
	v48 =	vmov s5  }
0x2e9: {  	v1 =	vnsel vm0, $0x0, v48  }
0x2ea: {  	v1 =	vsel vm1, s6, v1  }
0x2eb: {  	v0 =	vadd.f32 v47, v1;
	_ =	sdelay $0x1  }
0x2ec: {  	[tilespmem:s14+$0x6] =	vst v0  }
0x2ed: {  	_ =	swait.ge [sflag:s29], $0x68  }
0x2ee: {  	[sflag:s29] =	ssyncset.done $0x0  }
0x2ef: {  	[sflag:s29] =	ssyncadd.s32 $0xFFFFFF98  }
0x2f0: {  	_ =	swait.ge [sflag:s29], $0x68  }
0x2f1: {  	[sflag:s29] =	ssyncset.done $0x0  }
0x2f2: {  	[sflag:s29] =	ssyncadd.s32 $0xFFFFFF98  }
0x2f3: {  	v49 =	vld [tilespmem:$0x71C0];
	_ =	sdelay $0x1  }
0x2f4: {  	v50 =	vld [tilespmem:$0x71D0];
	_ =	sdelay $0x1  }
0x2f5: {  	v51 =	vld [tilespmem:$0x71E0]  }
0x2f6: {  	v52 =	vshll.u32 v49, $0x10  }
0x2f7: {  	v53 =	vld [tilespmem:$0x71F0];
	v3 =	vadd.f32 $0.0e+00, v52  }
0x2f8: {  	v54 =	vshll.u32 v50, $0x10;
	v0 =	vand.u32 $0xFFFF0000, v49  }
0x2f9: {  	v55 =	vld [tilespmem:$0x7200];
	v0 =	vadd.f32 $0.0e+00, v0;
	v3 =	vadd.f32 v54, v3  }
0x2fa: {  	v56 =	vshll.u32 v51, $0x10;
	v1 =	vand.u32 $0xFFFF0000, v50  }
0x2fb: {  	v57 =	vld [tilespmem:$0x7210];
	v0 =	vadd.f32 v1, v0;
	v3 =	vadd.f32 v56, v3  }
0x2fc: {  	v58 =	vshll.u32 v53, $0x10;
	v2 =	vand.u32 $0xFFFF0000, v51  }
0x2fd: {  	v59 =	vld [tilespmem:$0x7220];
	v0 =	vadd.f32 v2, v0;
	v1 =	vadd.f32 v58, v3  }
0x2fe: {  	v60 =	vshll.u32 v55, $0x10;
	v4 =	vand.u32 $0xFFFF0000, v53  }
0x2ff: {  	v61 =	vld [tilespmem:$0x7230];
	v0 =	vadd.f32 v4, v0;
	v1 =	vadd.f32 v60, v1  }
0x300: {  	v62 =	vshll.u32 v57, $0x10;
	v5 =	vand.u32 $0xFFFF0000, v55  }
0x301: {  	v63 =	vld [tilespmem:$0x7240];
	v0 =	vadd.f32 v5, v0;
	v1 =	vadd.f32 v62, v1  }
0x302: {  	v9 =	vshll.u32 v59, $0x10;
	v6 =	vand.u32 $0xFFFF0000, v57  }
0x303: {  	v10 =	vld [tilespmem:$0x7250];
	v0 =	vadd.f32 v6, v0;
	v1 =	vadd.f32 v9, v1  }
0x304: {  	v11 =	vshll.u32 v61, $0x10;
	v3 =	vand.u32 $0xFFFF0000, v59  }
0x305: {  	v12 =	vld [tilespmem:$0x7260];
	v0 =	vadd.f32 v3, v0;
	v1 =	vadd.f32 v11, v1  }
0x306: {  	v13 =	vshll.u32 v63, $0x10;
	v2 =	vand.u32 $0xFFFF0000, v61  }
0x307: {  	v14 =	vld [tilespmem:$0x7270];
	v0 =	vadd.f32 v2, v0;
	v1 =	vadd.f32 v13, v1  }
0x308: {  	v15 =	vshll.u32 v10, $0x10;
	v4 =	vand.u32 $0xFFFF0000, v63  }
0x309: {  	v16 =	vld [tilespmem:$0x7280];
	v0 =	vadd.f32 v4, v0;
	v1 =	vadd.f32 v15, v1  }
0x30a: {  	v17 =	vshll.u32 v12, $0x10;
	v5 =	vand.u32 $0xFFFF0000, v10  }
0x30b: {  	v0 =	vadd.f32 v5, v0;
	v1 =	vadd.f32 v17, v1  }
0x30c: {  	v18 =	vshll.u32 v14, $0x10;
	v19 =	vand.u32 $0xFFFF0000, v12  }
0x30d: {  	v0 =	vadd.f32 v19, v0;
	v1 =	vadd.f32 v18, v1  }
0x30e: {  	v20 =	vshll.u32 v16, $0x10;
	v3 =	vand.u32 $0xFFFF0000, v14  }
0x30f: {  	v0 =	vadd.f32 v3, v0;
	v1 =	vadd.f32 v20, v1  }
0x310: {  	v2 =	vand.u32 $0xFFFF0000, v16  }
0x311: {  	v0 =	vadd.f32 v2, v0;
	(xrf2) =	vadd.scan.msk.f32 $0xffff, v1;
	_ =	sdelay $0x1  }
0x312: {  	(xrf2) =	vadd.scan.msk.f32 $0xffff, v0;
	_ =	sdelay $0x7  }
0x313: {  	v21, _, _ =	vpop (xrf2)  }
0x314: {  	(v2sf) =	vpush v21, $0xF  }
0x315: {  	v22, _, _ =	vpop (xrf2)  }
0x316: {  	(v2sf) =	vpush v22, $0xF;
	_ =	sdelay $0x8  }
0x317: {  	s5 =	sadd.s32 @!p0 $0x16C0, s0;
	s6 =	simm.s32 @!p0 $0x71C0  }
0x318: {  	[tilespmem:s6], [sflag:$0xD] =	stream.indirect.gather @!p0 [spmem:s2], $0x1, s5, s4, $0xb8;
	[tilespmem:$0x16A48] =	vst v63  }
0x319: {  	s7 =	simm.s32 @!p0 $0x7228;
	s6 =	sadd.s32 @!p0 $0x1728, s0  }
0x31a: {  	[tilespmem:s7], [sflag:$0xD] =	stream.indirect.gather @!p0 [spmem:s2], $0x1, s6, s4, $0xb8;
	[tilespmem:$0x16A48] =	vst v63  }
0x31b: {  	s5 =	spop (v2sf)  }
0x31c: {  	v23 =	vld [tilespmem:$0x16928];
	s5 =	smul.f32 $4.999999890e-03, s5  }
0x31d: {  	s7 =	spop (v2sf)  }
0x31e: {  	s6 =	smul.f32 $4.999999890e-03, s7;
	v24 =	vmov s5  }
0x31f: {  	v1 =	vnsel vm0, $0x0, v24  }
0x320: {  	v1 =	vsel vm1, s6, v1  }
0x321: {  	v0 =	vadd.f32 v23, v1;
	_ =	sdelay $0x1  }
0x322: {  	[tilespmem:s14+$0x8] =	vst v0  }
0x323: {  	_ =	swait.ge [sflag:s30], $0x68  }
0x324: {  	[sflag:s30] =	ssyncset.done $0x0  }
0x325: {  	[sflag:s30] =	ssyncadd.s32 $0xFFFFFF98  }
0x326: {  	_ =	swait.ge [sflag:s30], $0x68  }
0x327: {  	[sflag:s30] =	ssyncset.done $0x0  }
0x328: {  	[sflag:s30] =	ssyncadd.s32 $0xFFFFFF98  }
0x329: {  	v25 =	vld [tilespmem:$0x7290];
	_ =	sdelay $0x1  }
0x32a: {  	v26 =	vld [tilespmem:$0x72A0];
	_ =	sdelay $0x1  }
0x32b: {  	v27 =	vld [tilespmem:$0x72B0]  }
0x32c: {  	v28 =	vshll.u32 v25, $0x10  }
0x32d: {  	v29 =	vld [tilespmem:$0x72C0];
	v3 =	vadd.f32 $0.0e+00, v28  }
0x32e: {  	v30 =	vshll.u32 v26, $0x10;
	v0 =	vand.u32 $0xFFFF0000, v25  }
0x32f: {  	v31 =	vld [tilespmem:$0x72D0];
	v0 =	vadd.f32 $0.0e+00, v0;
	v3 =	vadd.f32 v30, v3  }
0x330: {  	v32 =	vshll.u32 v27, $0x10;
	v1 =	vand.u32 $0xFFFF0000, v26  }
0x331: {  	v33 =	vld [tilespmem:$0x72E0];
	v0 =	vadd.f32 v1, v0;
	v3 =	vadd.f32 v32, v3  }
0x332: {  	v34 =	vshll.u32 v29, $0x10;
	v2 =	vand.u32 $0xFFFF0000, v27  }
0x333: {  	v35 =	vld [tilespmem:$0x72F0];
	v0 =	vadd.f32 v2, v0;
	v1 =	vadd.f32 v34, v3  }
0x334: {  	v36 =	vshll.u32 v31, $0x10;
	v4 =	vand.u32 $0xFFFF0000, v29  }
0x335: {  	v37 =	vld [tilespmem:$0x7300];
	v0 =	vadd.f32 v4, v0;
	v1 =	vadd.f32 v36, v1  }
0x336: {  	v38 =	vshll.u32 v33, $0x10;
	v5 =	vand.u32 $0xFFFF0000, v31  }
0x337: {  	v39 =	vld [tilespmem:$0x7310];
	v0 =	vadd.f32 v5, v0;
	v1 =	vadd.f32 v38, v1  }
0x338: {  	v40 =	vshll.u32 v35, $0x10;
	v6 =	vand.u32 $0xFFFF0000, v33  }
0x339: {  	v41 =	vld [tilespmem:$0x7320];
	v0 =	vadd.f32 v6, v0;
	v1 =	vadd.f32 v40, v1  }
0x33a: {  	v42 =	vshll.u32 v37, $0x10;
	v3 =	vand.u32 $0xFFFF0000, v35  }
0x33b: {  	v43 =	vld [tilespmem:$0x7330];
	v0 =	vadd.f32 v3, v0;
	v1 =	vadd.f32 v42, v1  }
0x33c: {  	v44 =	vshll.u32 v39, $0x10;
	v2 =	vand.u32 $0xFFFF0000, v37  }
0x33d: {  	v45 =	vld [tilespmem:$0x7340];
	v0 =	vadd.f32 v2, v0;
	v1 =	vadd.f32 v44, v1  }
0x33e: {  	v46 =	vshll.u32 v41, $0x10;
	v4 =	vand.u32 $0xFFFF0000, v39  }
0x33f: {  	v47 =	vld [tilespmem:$0x7350];
	v0 =	vadd.f32 v4, v0;
	v1 =	vadd.f32 v46, v1  }
0x340: {  	v48 =	vshll.u32 v43, $0x10;
	v5 =	vand.u32 $0xFFFF0000, v41  }
0x341: {  	v0 =	vadd.f32 v5, v0;
	v1 =	vadd.f32 v48, v1  }
0x342: {  	v49 =	vshll.u32 v45, $0x10;
	v50 =	vand.u32 $0xFFFF0000, v43  }
0x343: {  	v0 =	vadd.f32 v50, v0;
	v1 =	vadd.f32 v49, v1  }
0x344: {  	v51 =	vshll.u32 v47, $0x10;
	v3 =	vand.u32 $0xFFFF0000, v45  }
0x345: {  	v0 =	vadd.f32 v3, v0;
	v1 =	vadd.f32 v51, v1  }
0x346: {  	v2 =	vand.u32 $0xFFFF0000, v47  }
0x347: {  	v0 =	vadd.f32 v2, v0;
	(xrf2) =	vadd.scan.msk.f32 $0xffff, v1;
	_ =	sdelay $0x1  }
0x348: {  	(xrf2) =	vadd.scan.msk.f32 $0xffff, v0;
	_ =	sdelay $0x7  }
0x349: {  	v52, _, _ =	vpop (xrf2)  }
0x34a: {  	(v2sf) =	vpush v52, $0xF  }
0x34b: {  	v53, _, _ =	vpop (xrf2)  }
0x34c: {  	(v2sf) =	vpush v53, $0xF;
	_ =	sdelay $0x8  }
0x34d: {  	s5 =	sadd.s32 @!p0 $0x1790, s0;
	s6 =	simm.s32 @!p0 $0x7290  }
0x34e: {  	[tilespmem:s6], [sflag:$0xE] =	stream.indirect.gather @!p0 [spmem:s2], $0x1, s5, s4, $0xb8;
	[tilespmem:$0x16A48] =	vst v63  }
0x34f: {  	s7 =	simm.s32 @!p0 $0x72F8;
	s6 =	sadd.s32 @!p0 $0x17F8, s0  }
0x350: {  	[tilespmem:s7], [sflag:$0xE] =	stream.indirect.gather @!p0 [spmem:s2], $0x1, s6, s4, $0xb8;
	[tilespmem:$0x16A48] =	vst v63  }
0x351: {  	s5 =	spop (v2sf)  }
0x352: {  	v54 =	vld [tilespmem:$0x16928];
	s5 =	smul.f32 $4.999999890e-03, s5  }
0x353: {  	s7 =	spop (v2sf)  }
0x354: {  	s6 =	smul.f32 $4.999999890e-03, s7;
	v55 =	vmov s5  }
0x355: {  	v1 =	vnsel vm0, $0x0, v55  }
0x356: {  	v1 =	vsel vm1, s6, v1  }
0x357: {  	v0 =	vadd.f32 v54, v1;
	_ =	sdelay $0x1  }
0x358: {  	[tilespmem:s14+$0xA] =	vst v0  }
0x359: {  	_ =	swait.ge [sflag:s31], $0x68  }
0x35a: {  	[sflag:s31] =	ssyncset.done $0x0  }
0x35b: {  	[sflag:s31] =	ssyncadd.s32 $0xFFFFFF98  }
0x35c: {  	_ =	swait.ge [sflag:s31], $0x68  }
0x35d: {  	[sflag:s31] =	ssyncset.done $0x0  }
0x35e: {  	[sflag:s31] =	ssyncadd.s32 $0xFFFFFF98  }
0x35f: {  	v56 =	vld [tilespmem:$0x7360];
	_ =	sdelay $0x1  }
0x360: {  	v57 =	vld [tilespmem:$0x7370];
	_ =	sdelay $0x1  }
0x361: {  	v58 =	vld [tilespmem:$0x7380]  }
0x362: {  	v59 =	vshll.u32 v56, $0x10  }
0x363: {  	v60 =	vld [tilespmem:$0x7390];
	v3 =	vadd.f32 $0.0e+00, v59  }
0x364: {  	v61 =	vshll.u32 v57, $0x10;
	v0 =	vand.u32 $0xFFFF0000, v56  }
0x365: {  	v62 =	vld [tilespmem:$0x73A0];
	v0 =	vadd.f32 $0.0e+00, v0;
	v3 =	vadd.f32 v61, v3  }
0x366: {  	v63 =	vshll.u32 v58, $0x10;
	v1 =	vand.u32 $0xFFFF0000, v57  }
0x367: {  	v9 =	vld [tilespmem:$0x73B0];
	v0 =	vadd.f32 v1, v0;
	v3 =	vadd.f32 v63, v3  }
0x368: {  	v10 =	vshll.u32 v60, $0x10;
	v2 =	vand.u32 $0xFFFF0000, v58  }
0x369: {  	v11 =	vld [tilespmem:$0x73C0];
	v0 =	vadd.f32 v2, v0;
	v1 =	vadd.f32 v10, v3  }
0x36a: {  	v12 =	vshll.u32 v62, $0x10;
	v4 =	vand.u32 $0xFFFF0000, v60  }
0x36b: {  	v13 =	vld [tilespmem:$0x73D0];
	v0 =	vadd.f32 v4, v0;
	v1 =	vadd.f32 v12, v1  }
0x36c: {  	v14 =	vshll.u32 v9, $0x10;
	v5 =	vand.u32 $0xFFFF0000, v62  }
0x36d: {  	v15 =	vld [tilespmem:$0x73E0];
	v0 =	vadd.f32 v5, v0;
	v1 =	vadd.f32 v14, v1  }
0x36e: {  	v16 =	vshll.u32 v11, $0x10;
	v6 =	vand.u32 $0xFFFF0000, v9  }
0x36f: {  	v17 =	vld [tilespmem:$0x73F0];
	v0 =	vadd.f32 v6, v0;
	v1 =	vadd.f32 v16, v1  }
0x370: {  	v18 =	vshll.u32 v13, $0x10;
	v3 =	vand.u32 $0xFFFF0000, v11  }
0x371: {  	v19 =	vld [tilespmem:$0x7400];
	v0 =	vadd.f32 v3, v0;
	v1 =	vadd.f32 v18, v1  }
0x372: {  	v20 =	vshll.u32 v15, $0x10;
	v2 =	vand.u32 $0xFFFF0000, v13  }
0x373: {  	v21 =	vld [tilespmem:$0x7410];
	v0 =	vadd.f32 v2, v0;
	v1 =	vadd.f32 v20, v1  }
0x374: {  	v22 =	vshll.u32 v17, $0x10;
	v4 =	vand.u32 $0xFFFF0000, v15  }
0x375: {  	v23 =	vld [tilespmem:$0x7420];
	v0 =	vadd.f32 v4, v0;
	v1 =	vadd.f32 v22, v1  }
0x376: {  	v24 =	vshll.u32 v19, $0x10;
	v5 =	vand.u32 $0xFFFF0000, v17  }
0x377: {  	v0 =	vadd.f32 v5, v0;
	v1 =	vadd.f32 v24, v1  }
0x378: {  	v25 =	vshll.u32 v21, $0x10;
	v26 =	vand.u32 $0xFFFF0000, v19  }
0x379: {  	v0 =	vadd.f32 v26, v0;
	v1 =	vadd.f32 v25, v1  }
0x37a: {  	v27 =	vshll.u32 v23, $0x10;
	v3 =	vand.u32 $0xFFFF0000, v21  }
0x37b: {  	v0 =	vadd.f32 v3, v0;
	v1 =	vadd.f32 v27, v1  }
0x37c: {  	v2 =	vand.u32 $0xFFFF0000, v23  }
0x37d: {  	v0 =	vadd.f32 v2, v0;
	(xrf2) =	vadd.scan.msk.f32 $0xffff, v1;
	_ =	sdelay $0x1  }
0x37e: {  	(xrf2) =	vadd.scan.msk.f32 $0xffff, v0;
	_ =	sdelay $0x7  }
0x37f: {  	v28, _, _ =	vpop (xrf2)  }
0x380: {  	(v2sf) =	vpush v28, $0xF  }
0x381: {  	v29, _, _ =	vpop (xrf2)  }
0x382: {  	(v2sf) =	vpush v29, $0xF;
	_ =	sdelay $0x8  }
0x383: {  	s5 =	sadd.s32 @!p0 $0x1860, s0;
	s6 =	simm.s32 @!p0 $0x7360  }
0x384: {  	[tilespmem:s6], [sflag:$0xF] =	stream.indirect.gather @!p0 [spmem:s2], $0x1, s5, s4, $0xb8;
	[tilespmem:$0x16A48] =	vst v63  }
0x385: {  	s7 =	simm.s32 @!p0 $0x73C8;
	s6 =	sadd.s32 @!p0 $0x18C8, s0  }
0x386: {  	[tilespmem:s7], [sflag:$0xF] =	stream.indirect.gather @!p0 [spmem:s2], $0x1, s6, s4, $0xb8;
	[tilespmem:$0x16A48] =	vst v63  }
0x387: {  	s5 =	spop (v2sf)  }
0x388: {  	v30 =	vld [tilespmem:$0x16928];
	s5 =	smul.f32 $4.999999890e-03, s5  }
0x389: {  	s7 =	spop (v2sf)  }
0x38a: {  	s6 =	smul.f32 $4.999999890e-03, s7;
	v31 =	vmov s5  }
0x38b: {  	v1 =	vnsel vm0, $0x0, v31  }
0x38c: {  	v1 =	vsel vm1, s6, v1  }
0x38d: {  	v0 =	vadd.f32 v30, v1;
	_ =	sdelay $0x1  }
0x38e: {  	[tilespmem:s14+$0xC] =	vst v0  }
0x38f: {  	_ =	swait.ge [sflag:s1], $0x68  }
0x390: {  	[sflag:s1] =	ssyncset.done $0x0  }
0x391: {  	[sflag:s1] =	ssyncadd.s32 $0xFFFFFF98  }
0x392: {  	_ =	swait.ge [sflag:s1], $0x68  }
0x393: {  	[sflag:s1] =	ssyncset.done $0x0  }
0x394: {  	[sflag:s1] =	ssyncadd.s32 $0xFFFFFF98  }
0x395: {  	v32 =	vld [tilespmem:$0x7430];
	_ =	sdelay $0x1  }
0x396: {  	v33 =	vld [tilespmem:$0x7440];
	_ =	sdelay $0x1  }
0x397: {  	v34 =	vld [tilespmem:$0x7450]  }
0x398: {  	v35 =	vshll.u32 v32, $0x10  }
0x399: {  	v36 =	vld [tilespmem:$0x7460];
	v3 =	vadd.f32 $0.0e+00, v35  }
0x39a: {  	v37 =	vshll.u32 v33, $0x10;
	v0 =	vand.u32 $0xFFFF0000, v32  }
0x39b: {  	v38 =	vld [tilespmem:$0x7470];
	v0 =	vadd.f32 $0.0e+00, v0;
	v3 =	vadd.f32 v37, v3  }
0x39c: {  	v39 =	vshll.u32 v34, $0x10;
	v1 =	vand.u32 $0xFFFF0000, v33  }
0x39d: {  	v40 =	vld [tilespmem:$0x7480];
	v0 =	vadd.f32 v1, v0;
	v3 =	vadd.f32 v39, v3  }
0x39e: {  	v41 =	vshll.u32 v36, $0x10;
	v2 =	vand.u32 $0xFFFF0000, v34  }
0x39f: {  	v42 =	vld [tilespmem:$0x7490];
	v0 =	vadd.f32 v2, v0;
	v1 =	vadd.f32 v41, v3  }
0x3a0: {  	v43 =	vshll.u32 v38, $0x10;
	v4 =	vand.u32 $0xFFFF0000, v36  }
0x3a1: {  	v44 =	vld [tilespmem:$0x74A0];
	v0 =	vadd.f32 v4, v0;
	v1 =	vadd.f32 v43, v1  }
0x3a2: {  	v45 =	vshll.u32 v40, $0x10;
	v5 =	vand.u32 $0xFFFF0000, v38  }
0x3a3: {  	v46 =	vld [tilespmem:$0x74B0];
	v0 =	vadd.f32 v5, v0;
	v1 =	vadd.f32 v45, v1  }
0x3a4: {  	v47 =	vshll.u32 v42, $0x10;
	v6 =	vand.u32 $0xFFFF0000, v40  }
0x3a5: {  	v48 =	vld [tilespmem:$0x74C0];
	v0 =	vadd.f32 v6, v0;
	v1 =	vadd.f32 v47, v1  }
0x3a6: {  	v49 =	vshll.u32 v44, $0x10;
	v3 =	vand.u32 $0xFFFF0000, v42  }
0x3a7: {  	v50 =	vld [tilespmem:$0x74D0];
	v0 =	vadd.f32 v3, v0;
	v1 =	vadd.f32 v49, v1  }
0x3a8: {  	v51 =	vshll.u32 v46, $0x10;
	v2 =	vand.u32 $0xFFFF0000, v44  }
0x3a9: {  	v52 =	vld [tilespmem:$0x74E0];
	v0 =	vadd.f32 v2, v0;
	v1 =	vadd.f32 v51, v1  }
0x3aa: {  	v53 =	vshll.u32 v48, $0x10;
	v4 =	vand.u32 $0xFFFF0000, v46  }
0x3ab: {  	v54 =	vld [tilespmem:$0x74F0];
	v0 =	vadd.f32 v4, v0;
	v1 =	vadd.f32 v53, v1  }
0x3ac: {  	v55 =	vshll.u32 v50, $0x10;
	v56 =	vand.u32 $0xFFFF0000, v48  }
0x3ad: {  	v0 =	vadd.f32 v56, v0;
	v1 =	vadd.f32 v55, v1  }
0x3ae: {  	v57 =	vshll.u32 v52, $0x10;
	v58 =	vand.u32 $0xFFFF0000, v50  }
0x3af: {  	v0 =	vadd.f32 v58, v0;
	v1 =	vadd.f32 v57, v1  }
0x3b0: {  	v59 =	vshll.u32 v54, $0x10;
	v3 =	vand.u32 $0xFFFF0000, v52  }
0x3b1: {  	v0 =	vadd.f32 v3, v0;
	v1 =	vadd.f32 v59, v1  }
0x3b2: {  	v2 =	vand.u32 $0xFFFF0000, v54  }
0x3b3: {  	v0 =	vadd.f32 v2, v0;
	(xrf2) =	vadd.scan.msk.f32 $0xffff, v1;
	_ =	sdelay $0x1  }
0x3b4: {  	(xrf2) =	vadd.scan.msk.f32 $0xffff, v0;
	_ =	sdelay $0x7  }
0x3b5: {  	v60, _, _ =	vpop (xrf2)  }
0x3b6: {  	(v2sf) =	vpush v60, $0xF  }
0x3b7: {  	v61, _, _ =	vpop (xrf2)  }
0x3b8: {  	(v2sf) =	vpush v61, $0xF;
	_ =	sdelay $0x8  }
0x3b9: {  	s5 =	sadd.s32 @!p0 $0x1930, s0;
	s6 =	simm.s32 @!p0 $0x7430  }
0x3ba: {  	[tilespmem:s6], [sflag:$0x10] =	stream.indirect.gather @!p0 [spmem:s2], $0x1, s5, s4, $0xb8;
	[tilespmem:$0x16A48] =	vst v63  }
0x3bb: {  	s0 =	sadd.s32 @!p0 $0x1998, s0;
	s6 =	simm.s32 @!p0 $0x7498  }
0x3bc: {  	[tilespmem:s6], [sflag:$0x10] =	stream.indirect.gather @!p0 [spmem:s2], $0x1, s0, s4, $0xb8;
	[tilespmem:$0x16A48] =	vst v63  }
0x3bd: {  	s7 =	spop (v2sf)  }
0x3be: {  	v62 =	vld [tilespmem:$0x16928];
	s6 =	smul.f32 $4.999999890e-03, s7  }
0x3bf: {  	s15 =	sadd.s32 $0x3400, s15;
	s7 =	spop (v2sf)  }
0x3c0: {  	p0 =	sne.s32 s15, $0x1A000;
	s4 =	smul.f32 $4.999999890e-03, s7;
	v63 =	vmov s6  }
.Ltmp0:
0x3c1: {  	v1 =	vnsel vm0, $0x0, v63;
	(pc) =	sbr.rel @p0 .LBB2_2-.Ltmp0, $3  }
0x3c2: {  	v1 =	vsel vm1, s4, v1  }
0x3c3: {  	v0 =	vadd.f32 v62, v1;
	_ =	sdelay $0x1  }
0x3c4: {  	[tilespmem:s14+$0xE] =	vst v0;
	s14 =	sadd.s32 $0x20, s14  }
0x3c5: {  	s12 =	sadd.s32 $0x1, s12  }
0x3c6: {  	p0 =	sne.s32 s12, s9  }
.Ltmp1:
0x3c7: {  	s0 =	simm.s32 $0x16938;
	(pc) =	sbr.rel @p0 .LBB2_1-.Ltmp1, $4  }
0x3c8: {  	[hbm4b:s8+s3] =	stream.linear.scatter [tilespmem:s0], [sflag:$0x11], $0x100, $0x38;
	[tilespmem:$0x16A48] =	vst v63  }
0x3c9: {  	_ =	swait.ge [sflag:s11], $0x100  }
0x3ca: {  	[sflag:s11] =	ssyncset.done $0x0  }
0x3cb: {  	[sflag:s11] =	ssyncadd.s32 $0xFFFFFF00  }
0x3cc: {  	_ =	sfence.sel $0x180000  }
0x3cd: {  	[bflag:$0x0] =	sbarrier.arrive $0xFFFF  }
0x3ce: {  	_ =	strace $0x90000047  }
0x3cf: {  	s0 =	stileid.u32;
	[bflag:$0x2] =	sbarrier.arrive $0xFFFF  }
0x3d0: {  	p0 =	sne.s32 s0, $0x0;
	s0 =	rddreg [dreg:$0x3]  }
0x3d1: {  	s0 =	sadd.s32 @!p0 $0x100000, s0  }
0x3d2: {  	[sflag:s0] =	ssyncadd.tile.s32 @!p0 $0x1;
	_ =	shalt  }
.Lfunc_end2:
_tile_overlayer_lowered:
.L_overlay_start_2:
0x3d3: {  	(tag) =	ssettag $0x2  }
0x3d4: {  	s0 =	rddreg [dreg:$0x0];
	s2 =	stileid.u32  }
0x3d5: {  	s1 =	rddreg [dreg:$0x1];
	p0 =	sne.s32 s2, $0x0  }
0x3d6: {  	s3 =	rddreg [dreg:$0x2];
	[bflag:$0x3] =	sbarrier.arrive $0xFFFF;
	s2 =	simm.s32 @!p0 $0x1C11  }
0x3d7: {  	[timem:s3], [sflag:s2] =	dma.local @!p0 [hbm:s0], s1  }
0x3d8: {  	s0 =	simm.s32 @!p0 $0x11  }
0x3d9: {  	_ =	swait.ge @!p0 [sflag:s0], s1  }
0x3da: {  	s1 =	ssub.s32 @!p0 $0x0, s1;
	[sflag:s0] =	ssyncset.done @!p0 $0x0  }
0x3db: {  	[sflag:s0] =	ssyncadd.s32 @!p0 s1  }
0x3dc: {  	[bflag:$0x3] =	sbarrier.arrive $0xFFFF  }
0x3dd: {  	_ =	shalt  }

</sc_bundles>
